<compile_context>
chip_gen: v7x
topology: tpu7x:2x2x1
jax: 0.10.2.dev20260603
libtpu: 0.0.44.dev20260713+nightly
codegen_flags: <defaults>
</compile_context>

<pallas_src>
import functools

import jax
import jax.numpy as jnp
from jax import lax
from jax.experimental import pallas as pl
from jax.experimental.pallas import tpu as pltpu, tpu_sc as plsc

NC = 2
NS = 16
NW = NC * NS
LANES = 16

B = 16384
A = 255
R = 8
NWORDS = 8
PSTRIDE = 17
RPW = B // NW
C = 64
NCHUNK = RPW // C
GROUPS = C // LANES

_mesh = plsc.VectorSubcoreMesh(
    core_axis_name="c", subcore_axis_name="s", num_cores=NC, num_subcores=NS
)


def _iota16():
    return lax.broadcasted_iota(jnp.int32, (LANES,), 0)


def _splat(v):
    return jnp.full((LANES,), v, jnp.int32)


def _bit32(sh):
    v = (1 << sh) & 0xFFFFFFFF
    return v - (1 << 32) if v >= (1 << 31) else v


def _pack_body(reach_ref, out_ref):
    r = reach_ref[...]
    words = []
    for w in range(NWORDS):
        blk = r[:, 32 * w:min(32 * w + 32, A)]
        sh = lax.broadcasted_iota(jnp.int32, blk.shape, 1)
        words.append(jnp.sum(blk << sh, axis=1, keepdims=True))
    out_ref[:, :NWORDS] = jnp.concatenate(words, axis=1)
    out_ref[:, NWORDS:] = jnp.zeros((A, PSTRIDE - NWORDS), jnp.int32)


_pack_table = pl.pallas_call(
    _pack_body,
    out_shape=jax.ShapeDtypeStruct((A, PSTRIDE), jnp.int32),
)


@functools.partial(
    pl.kernel,
    out_type=[
        jax.ShapeDtypeStruct((B,), jnp.int32),
        jax.ShapeDtypeStruct((B * R,), jnp.int32),
    ],
    mesh=_mesh,
    compiler_params=pltpu.CompilerParams(
        use_tc_tiling_on_sc=False, needs_layout_passes=False
    ),
    scratch_types=[
        pltpu.VMEM((C * A,), jnp.float32),
        pltpu.VMEM((RPW,), jnp.int32),
        pltpu.VMEM((RPW * R,), jnp.int32),
        pltpu.VMEM((LANES,), jnp.int32),
        pltpu.VMEM((A * PSTRIDE,), jnp.int32),
        pltpu.VMEM((RPW,), jnp.int32),
        pltpu.VMEM((RPW * R,), jnp.int32),
        pltpu.SemaphoreType.DMA,
    ],
)
def _routing_kernel(q_hbm, ig_hbm, warm_hbm, past_hbm, packed_hbm,
                    pred_hbm, mat_hbm,
                    q_buf, past_buf, ig_buf, warm_buf, packed_buf,
                    pred_buf, mat_buf, qs):
    wid = lax.axis_index("s") * NC + lax.axis_index("c")
    base = wid * RPW

    pltpu.sync_copy(past_hbm.at[pl.ds(base, RPW)], past_buf)
    pltpu.sync_copy(ig_hbm.at[pl.ds(base * R, RPW * R)], ig_buf)
    pltpu.sync_copy(warm_hbm, warm_buf)
    pltpu.sync_copy(packed_hbm, packed_buf)

    iota = _iota16()
    warm = warm_buf[...]
    ones_i = _splat(1)

    @pl.loop(0, NCHUNK)
    def _chunks(cc):
        pltpu.async_copy(
            q_hbm.at[pl.ds((base + cc * C) * A, C * A)], q_buf, qs
        ).wait()

        @pl.loop(0, GROUPS)
        def _groups(gg):
            row0 = gg * LANES
            rbase = (row0 + iota) * A
            pastv = past_buf[pl.ds(cc * C + row0, LANES)]
            pidx = pastv * PSTRIDE
            wvs = [plsc.load_gather(packed_buf, [pidx + _splat(w)])
                   for w in range(NWORDS)]

            bests = [jnp.full((LANES,), -3.0e38, jnp.float32)
                     for _ in range(4)]
            bestis = [_splat(0) for _ in range(4)]
            for a in range(A):
                k = a & 3
                gq = plsc.load_gather(q_buf, [rbase + _splat(a)])
                feas = (wvs[a >> 5] & _splat(_bit32(a & 31))) != _splat(0)
                take = feas & (gq > bests[k])
                bests[k] = jnp.where(take, gq, bests[k])
                bestis[k] = jnp.where(take, _splat(a), bestis[k])

            def merge(bv_a, bi_a, bv_b, bi_b):
                take = (bv_b > bv_a) | ((bv_b == bv_a) & (bi_b < bi_a))
                return (jnp.where(take, bv_b, bv_a),
                        jnp.where(take, bi_b, bi_a))

            b01 = merge(bests[0], bestis[0], bests[1], bestis[1])
            b23 = merge(bests[2], bestis[2], bests[3], bestis[3])
            _, besti = merge(b01[0], b01[1], b23[0], b23[1])

            rowg8 = (cc * C + row0 + iota) * R
            packed = _splat(0)
            for r in range(R):
                igv = plsc.load_gather(ig_buf, [rowg8 + _splat(r)])
                packed = packed | (igv << _splat(r))
            orv = (besti + ones_i) | packed
            pred_buf[pl.ds(cc * C + row0, LANES)] = orv - ones_i
            for r in range(R):
                bit = (orv >> _splat(r)) & ones_i
                outb = jnp.where(warm > 0, ones_i, bit)
                plsc.store_scatter(mat_buf, [rowg8 + _splat(r)], outb)

    pltpu.sync_copy(pred_buf, pred_hbm.at[pl.ds(base, RPW)])
    pltpu.sync_copy(mat_buf, mat_hbm.at[pl.ds(base * R, RPW * R)])


def kernel(q_table_predicted, input_ig_routing_matrix, is_warm_up_period,
           past_actions, action_space, reachability, action_space_reverse):
    del action_space, action_space_reverse
    packed1d = _pack_table(reachability.astype(jnp.int32)).reshape(A * PSTRIDE)
    warm_vec = jnp.broadcast_to(
        jnp.asarray(is_warm_up_period, jnp.int32), (LANES,)
    )
    pred, mat1d = _routing_kernel(
        q_table_predicted.reshape(B * A),
        input_ig_routing_matrix.astype(jnp.int32).reshape(B * R),
        warm_vec,
        past_actions.astype(jnp.int32),
        packed1d,
    )
    return pred, mat1d.reshape(B, R)

# --- scband reference (transcript-rebuilt; emitter-appended) ---
"""Pipeline reference for scband-cign-rl-routing-layer-31464930410747 (READ-ONLY COPY).

The authoritative reference and input builder live on the scoring server;
editing this copy changes nothing except your own understanding.
"""

import jax, jax.numpy as jnp
import numpy as np

B = 16384
R = 8
A = 2 ** R - 1  # 255 actions
INFEASIBLE_PENALTY = -1000000.0


def setup_inputs(seed: int = 0) -> dict:
    key = jax.random.key(seed)
    k1, k2, k3 = jax.random.split(key, 3)
    q_table_predicted = jax.random.normal(k1, (B, A), dtype=jnp.float32)
    input_ig_routing_matrix = jax.random.randint(k2, (B, R), 0, 2).astype(jnp.int32)
    past_actions = jax.random.randint(k3, (B,), 0, A).astype(jnp.int32)
    # actionSpaces[level]: action index a maps to binary route-subset bits of (a+1)
    bits = ((np.arange(1, A + 1)[:, None] >> np.arange(R)[None, :]) & 1).astype(np.int32)
    action_space = jnp.asarray(bits)
    # reachabilityMatrices[level]: random 0/1 feasibility, at least one feasible action per row
    rng = np.random.default_rng(0)
    reach = (rng.random((A, A)) < 0.5).astype(np.int32)
    reach[:, 0] = 1
    reachability = jnp.asarray(reach)
    # actionSpacesReverse[level]: powers of 2 so that sum(bits * 2^r) - 1 == action index
    action_space_reverse = jnp.asarray((2 ** np.arange(R)).astype(np.int32))
    return {
        "q_table_predicted": q_table_predicted,
        "input_ig_routing_matrix": input_ig_routing_matrix,
        "is_warm_up_period": 0,
        "past_actions": past_actions,
        "action_space": action_space,
        "reachability": reachability,
        "action_space_reverse": action_space_reverse,
    }


def reference(q_table_predicted, input_ig_routing_matrix, is_warm_up_period, past_actions,
              action_space, reachability, action_space_reverse):
    # tf.gather_nd(reachabilityMatrices[level], expand_dims(past_actions, -1)) -> row gather
    feasibility_matrix = jnp.take(reachability, past_actions, axis=0)  # [B, A]
    penalty_matrix = jnp.where(feasibility_matrix.astype(bool), 0.0, INFEASIBLE_PENALTY).astype(jnp.float32)
    q_table_with_penalties = penalty_matrix + q_table_predicted
    predicted_actions = jnp.argmax(q_table_with_penalties, axis=-1)  # [B]
    # tf.gather_nd(actionSpaces[level], expand_dims(predicted_actions, -1)) -> row gather
    secondary_routing_matrix = jnp.take(action_space, predicted_actions, axis=0)  # [B, R]
    secondary_routing_matrix_logical_or_ig = jnp.logical_or(
        secondary_routing_matrix.astype(bool), input_ig_routing_matrix.astype(bool)
    ).astype(jnp.int32)
    # useIgInActions=True branch
    basis_matrix = secondary_routing_matrix_logical_or_ig * action_space_reverse[None, :]
    predicted_actions = jnp.sum(basis_matrix, axis=-1) - 1
    secondary_routing_matrix_warm_up = jnp.ones_like(secondary_routing_matrix_logical_or_ig)
    secondary_routing_matrix_final = jnp.where(
        jnp.asarray(is_warm_up_period, dtype=jnp.int32) > 0,
        secondary_routing_matrix_warm_up,
        secondary_routing_matrix_logical_or_ig,
    )
    return predicted_actions, secondary_routing_matrix_final

if __name__ == "__main__":
    import jax
    _d = setup_inputs()
    print(jax.jit(kernel)(*tuple(_d.values())))

</pallas_src>

<mosaic_0001>
#map = affine_map<(d0, d1) -> (0)>
module attributes {stable_mosaic.version = 14 : i64} {
  func.func @_routing_kernel(%arg0: i32, %arg1: i32, %arg2: memref<4177920xf32, #tpu.memory_space<hbm>>, %arg3: memref<131072xi32, #tpu.memory_space<hbm>>, %arg4: memref<16xi32, #tpu.memory_space<hbm>>, %arg5: memref<16384xi32, #tpu.memory_space<hbm>>, %arg6: memref<4335xi32, #tpu.memory_space<hbm>>, %arg7: memref<16384xi32, #tpu.memory_space<hbm>>, %arg8: memref<131072xi32, #tpu.memory_space<hbm>>, %arg9: memref<16320xf32, #tpu.memory_space<vmem>>, %arg10: memref<512xi32, #tpu.memory_space<vmem>>, %arg11: memref<4096xi32, #tpu.memory_space<vmem>>, %arg12: memref<16xi32, #tpu.memory_space<vmem>>, %arg13: memref<4335xi32, #tpu.memory_space<vmem>>, %arg14: memref<512xi32, #tpu.memory_space<vmem>>, %arg15: memref<4096xi32, #tpu.memory_space<vmem>>, %arg16: memref<!tpu.dma_semaphore, #tpu.memory_space<semaphore_mem>>) attributes {dimension_semantics = [#tpu.dimension_semantics<core_parallel>, #tpu.dimension_semantics<subcore_parallel>], iteration_bounds = array<i64: 2, 16>, scalar_prefetch = 0 : i64, scratch_operands = 8 : i64, tpu.core_type = #tpu.core_type<sc_vector_subcore>, window_params = [{transform_indices = #map}, {transform_indices = #map}, {transform_indices = #map}, {transform_indices = #map}, {transform_indices = #map}, {transform_indices = #map}, {transform_indices = #map}]} {
    %mul3A = arith.constant 2 : i32
    %mul3A_0 = arith.muli %arg1, %mul3A : i32
    %add3A = arith.addi %mul3A_0, %arg0 : i32
    %mul3A_1 = arith.constant 512 : i32
    %mul3A_2 = arith.muli %add3A, %mul3A_1 : i32
    "tpu.region"() ({
      %run_scoped3A = tpu.sem_alloc : memref<!tpu.dma_semaphore, #tpu.memory_space<semaphore_mem>>
      %dma_start3A = tpu.memref_slice %arg5[%mul3A_2] : memref<16384xi32, #tpu.memory_space<hbm>> -> memref<512xi32, #tpu.memory_space<hbm>>
      %dma_start3A_13 = tpu.memref_slice %arg5[%mul3A_2] : memref<16384xi32, #tpu.memory_space<hbm>> -> memref<512xi32, #tpu.memory_space<hbm>>
      tpu.enqueue_dma source(%dma_start3A_13 : memref<512xi32, #tpu.memory_space<hbm>>) target(%arg10 : memref<512xi32, #tpu.memory_space<vmem>>) target_semaphore(%run_scoped3A : memref<!tpu.dma_semaphore, #tpu.memory_space<semaphore_mem>>)
      %dma_wait3A = tpu.memref_slice %arg5[%mul3A_2] : memref<16384xi32, #tpu.memory_space<hbm>> -> memref<512xi32, #tpu.memory_space<hbm>>
      %dma_wait3A_14 = tpu.memref_slice %arg5[%mul3A_2] : memref<16384xi32, #tpu.memory_space<hbm>> -> memref<512xi32, #tpu.memory_space<hbm>>
      tpu.wait_dma2 semaphore(%run_scoped3A : memref<!tpu.dma_semaphore, #tpu.memory_space<semaphore_mem>>) src(%dma_wait3A_14 : memref<512xi32, #tpu.memory_space<hbm>>) dst(%arg10 : memref<512xi32, #tpu.memory_space<vmem>>)
      tpu.yield
    }) : () -> ()
    %mul3A_3 = arith.constant 8 : i32
    %mul3A_4 = arith.muli %mul3A_2, %mul3A_3 : i32
    "tpu.region"() ({
      %run_scoped3A = tpu.sem_alloc : memref<!tpu.dma_semaphore, #tpu.memory_space<semaphore_mem>>
      %dma_start3A = tpu.memref_slice %arg3[%mul3A_4] : memref<131072xi32, #tpu.memory_space<hbm>> -> memref<4096xi32, #tpu.memory_space<hbm>>
      %dma_start3A_13 = tpu.memref_slice %arg3[%mul3A_4] : memref<131072xi32, #tpu.memory_space<hbm>> -> memref<4096xi32, #tpu.memory_space<hbm>>
      tpu.enqueue_dma source(%dma_start3A_13 : memref<4096xi32, #tpu.memory_space<hbm>>) target(%arg11 : memref<4096xi32, #tpu.memory_space<vmem>>) target_semaphore(%run_scoped3A : memref<!tpu.dma_semaphore, #tpu.memory_space<semaphore_mem>>)
      %dma_wait3A = tpu.memref_slice %arg3[%mul3A_4] : memref<131072xi32, #tpu.memory_space<hbm>> -> memref<4096xi32, #tpu.memory_space<hbm>>
      %dma_wait3A_14 = tpu.memref_slice %arg3[%mul3A_4] : memref<131072xi32, #tpu.memory_space<hbm>> -> memref<4096xi32, #tpu.memory_space<hbm>>
      tpu.wait_dma2 semaphore(%run_scoped3A : memref<!tpu.dma_semaphore, #tpu.memory_space<semaphore_mem>>) src(%dma_wait3A_14 : memref<4096xi32, #tpu.memory_space<hbm>>) dst(%arg11 : memref<4096xi32, #tpu.memory_space<vmem>>)
      tpu.yield
    }) : () -> ()
    "tpu.region"() ({
      %run_scoped3A = tpu.sem_alloc : memref<!tpu.dma_semaphore, #tpu.memory_space<semaphore_mem>>
      tpu.enqueue_dma source(%arg4 : memref<16xi32, #tpu.memory_space<hbm>>) target(%arg12 : memref<16xi32, #tpu.memory_space<vmem>>) target_semaphore(%run_scoped3A : memref<!tpu.dma_semaphore, #tpu.memory_space<semaphore_mem>>)
      tpu.wait_dma2 semaphore(%run_scoped3A : memref<!tpu.dma_semaphore, #tpu.memory_space<semaphore_mem>>) src(%arg4 : memref<16xi32, #tpu.memory_space<hbm>>) dst(%arg12 : memref<16xi32, #tpu.memory_space<vmem>>)
      tpu.yield
    }) : () -> ()
    "tpu.region"() ({
      %run_scoped3A = tpu.sem_alloc : memref<!tpu.dma_semaphore, #tpu.memory_space<semaphore_mem>>
      tpu.enqueue_dma source(%arg6 : memref<4335xi32, #tpu.memory_space<hbm>>) target(%arg13 : memref<4335xi32, #tpu.memory_space<vmem>>) target_semaphore(%run_scoped3A : memref<!tpu.dma_semaphore, #tpu.memory_space<semaphore_mem>>)
      tpu.wait_dma2 semaphore(%run_scoped3A : memref<!tpu.dma_semaphore, #tpu.memory_space<semaphore_mem>>) src(%arg6 : memref<4335xi32, #tpu.memory_space<hbm>>) dst(%arg13 : memref<4335xi32, #tpu.memory_space<vmem>>)
      tpu.yield
    }) : () -> ()
    %iota3A = tpu.iota {dimensions = array<i32: 0>} : vector<16xi32>
    %get3A = arith.constant 0 : index
    %get3A_5 = tpu.vector_load %arg12[%get3A] {strides = array<i32>} : memref<16xi32, #tpu.memory_space<vmem>>, vector<16xi32>,
    %broadcast_in_dim3A = arith.constant 1 : i32
    %broadcast_in_dim3A_6 = vector.broadcast %broadcast_in_dim3A : i32 to vector<16xi32>
    %scan3A = arith.constant 0 : i32
    %scan3A_7 = arith.constant 8 : i32
    %scan3A_8 = arith.addi %scan3A, %scan3A_7 : i32
    %scan3A_9 = arith.constant 1 : i32
    scf.for %scan3A_13 = %scan3A to %scan3A_8 step %scan3A_9  : i32 {
      %mul3A_14 = arith.constant 1 : i32
      %mul3A_15 = arith.muli %scan3A_13, %mul3A_14 : i32
      %add3A_16 = arith.constant 0 : i32
      %add3A_17 = arith.addi %add3A_16, %mul3A_15 : i32
      %mul3A_18 = arith.constant 64 : i32
      %mul3A_19 = arith.muli %add3A_17, %mul3A_18 : i32
      %add3A_20 = arith.addi %mul3A_2, %mul3A_19 : i32
      %mul3A_21 = arith.constant 255 : i32
      %mul3A_22 = arith.muli %add3A_20, %mul3A_21 : i32
      %dma_start3A = tpu.memref_slice %arg2[%mul3A_22] : memref<4177920xf32, #tpu.memory_space<hbm>> -> memref<16320xf32, #tpu.memory_space<hbm>>
      %dma_start3A_23 = tpu.memref_slice %arg2[%mul3A_22] : memref<4177920xf32, #tpu.memory_space<hbm>> -> memref<16320xf32, #tpu.memory_space<hbm>>
      tpu.enqueue_dma source(%dma_start3A_23 : memref<16320xf32, #tpu.memory_space<hbm>>) target(%arg9 : memref<16320xf32, #tpu.memory_space<vmem>>) target_semaphore(%arg16 : memref<!tpu.dma_semaphore, #tpu.memory_space<semaphore_mem>>)
      %dma_wait3A = tpu.memref_slice %arg2[%mul3A_22] : memref<4177920xf32, #tpu.memory_space<hbm>> -> memref<16320xf32, #tpu.memory_space<hbm>>
      %dma_wait3A_24 = tpu.memref_slice %arg2[%mul3A_22] : memref<4177920xf32, #tpu.memory_space<hbm>> -> memref<16320xf32, #tpu.memory_space<hbm>>
      tpu.wait_dma2 semaphore(%arg16 : memref<!tpu.dma_semaphore, #tpu.memory_space<semaphore_mem>>) src(%dma_wait3A_24 : memref<16320xf32, #tpu.memory_space<hbm>>) dst(%arg9 : memref<16320xf32, #tpu.memory_space<vmem>>)
      %scan3A_25 = arith.constant 0 : i32
      %scan3A_26 = arith.constant 4 : i32
      %scan3A_27 = arith.addi %scan3A_25, %scan3A_26 : i32
      %scan3A_28 = arith.constant 1 : i32
      scf.for %scan3A_30 = %scan3A_25 to %scan3A_27 step %scan3A_28  : i32 {
        %mul3A_31 = arith.constant 1 : i32
        %mul3A_32 = arith.muli %scan3A_30, %mul3A_31 : i32
        %add3A_33 = arith.constant 0 : i32
        %add3A_34 = arith.addi %add3A_33, %mul3A_32 : i32
        %mul3A_35 = arith.constant 16 : i32
        %mul3A_36 = arith.muli %add3A_34, %mul3A_35 : i32
        %add3A_37 = vector.broadcast %mul3A_36 : i32 to vector<16xi32>
        %add3A_38 = arith.addi %add3A_37, %iota3A : vector<16xi32>
        %mul3A_39 = arith.constant 255 : i32
        %mul3A_40 = vector.broadcast %mul3A_39 : i32 to vector<16xi32>
        %mul3A_41 = arith.muli %add3A_38, %mul3A_40 : vector<16xi32>
        %mul3A_42 = arith.constant 64 : i32
        %mul3A_43 = arith.muli %add3A_17, %mul3A_42 : i32
        %add3A_44 = arith.addi %mul3A_43, %mul3A_36 : i32
        %get3A_45 = arith.index_cast %add3A_44 : i32 to index
        %get3A_46 = tpu.vector_load %arg10[%get3A_45] {strides = array<i32>} : memref<512xi32, #tpu.memory_space<vmem>>, vector<16xi32>,
        %mul3A_47 = arith.constant 17 : i32
        %mul3A_48 = vector.broadcast %mul3A_47 : i32 to vector<16xi32>
        %mul3A_49 = arith.muli %get3A_46, %mul3A_48 : vector<16xi32>
        %broadcast_in_dim3A_50 = arith.constant 0 : i32
        %broadcast_in_dim3A_51 = vector.broadcast %broadcast_in_dim3A_50 : i32 to vector<16xi32>
        %add3A_52 = arith.addi %mul3A_49, %broadcast_in_dim3A_51 : vector<16xi32>
        %gather3A = tpu.vector_load_idx %arg13[%add3A_52] : memref<4335xi32, #tpu.memory_space<vmem>>[vector<16xi32>], vector<16xi32>,
        %broadcast_in_dim3A_53 = arith.constant 1 : i32
        %broadcast_in_dim3A_54 = vector.broadcast %broadcast_in_dim3A_53 : i32 to vector<16xi32>
        %add3A_55 = arith.addi %mul3A_49, %broadcast_in_dim3A_54 : vector<16xi32>
        %gather3A_56 = tpu.vector_load_idx %arg13[%add3A_55] : memref<4335xi32, #tpu.memory_space<vmem>>[vector<16xi32>], vector<16xi32>,
        %broadcast_in_dim3A_57 = arith.constant 2 : i32
        %broadcast_in_dim3A_58 = vector.broadcast %broadcast_in_dim3A_57 : i32 to vector<16xi32>
        %add3A_59 = arith.addi %mul3A_49, %broadcast_in_dim3A_58 : vector<16xi32>
        %gather3A_60 = tpu.vector_load_idx %arg13[%add3A_59] : memref<4335xi32, #tpu.memory_space<vmem>>[vector<16xi32>], vector<16xi32>,
        %broadcast_in_dim3A_61 = arith.constant 3 : i32
        %broadcast_in_dim3A_62 = vector.broadcast %broadcast_in_dim3A_61 : i32 to vector<16xi32>
        %add3A_63 = arith.addi %mul3A_49, %broadcast_in_dim3A_62 : vector<16xi32>
        %gather3A_64 = tpu.vector_load_idx %arg13[%add3A_63] : memref<4335xi32, #tpu.memory_space<vmem>>[vector<16xi32>], vector<16xi32>,
        %broadcast_in_dim3A_65 = arith.constant 4 : i32
        %broadcast_in_dim3A_66 = vector.broadcast %broadcast_in_dim3A_65 : i32 to vector<16xi32>
        %add3A_67 = arith.addi %mul3A_49, %broadcast_in_dim3A_66 : vector<16xi32>
        %gather3A_68 = tpu.vector_load_idx %arg13[%add3A_67] : memref<4335xi32, #tpu.memory_space<vmem>>[vector<16xi32>], vector<16xi32>,
        %broadcast_in_dim3A_69 = arith.constant 5 : i32
        %broadcast_in_dim3A_70 = vector.broadcast %broadcast_in_dim3A_69 : i32 to vector<16xi32>
        %add3A_71 = arith.addi %mul3A_49, %broadcast_in_dim3A_70 : vector<16xi32>
        %gather3A_72 = tpu.vector_load_idx %arg13[%add3A_71] : memref<4335xi32, #tpu.memory_space<vmem>>[vector<16xi32>], vector<16xi32>,
        %broadcast_in_dim3A_73 = arith.constant 6 : i32
        %broadcast_in_dim3A_74 = vector.broadcast %broadcast_in_dim3A_73 : i32 to vector<16xi32>
        %add3A_75 = arith.addi %mul3A_49, %broadcast_in_dim3A_74 : vector<16xi32>
        %gather3A_76 = tpu.vector_load_idx %arg13[%add3A_75] : memref<4335xi32, #tpu.memory_space<vmem>>[vector<16xi32>], vector<16xi32>,
        %broadcast_in_dim3A_77 = arith.constant 7 : i32
        %broadcast_in_dim3A_78 = vector.broadcast %broadcast_in_dim3A_77 : i32 to vector<16xi32>
        %add3A_79 = arith.addi %mul3A_49, %broadcast_in_dim3A_78 : vector<16xi32>
        %gather3A_80 = tpu.vector_load_idx %arg13[%add3A_79] : memref<4335xi32, #tpu.memory_space<vmem>>[vector<16xi32>], vector<16xi32>,
        %broadcast_in_dim3A_81 = arith.constant -3.000000e+38 : f32
        %broadcast_in_dim3A_82 = vector.broadcast %broadcast_in_dim3A_81 : f32 to vector<16xf32>
        %broadcast_in_dim3A_83 = arith.constant -3.000000e+38 : f32
        %broadcast_in_dim3A_84 = vector.broadcast %broadcast_in_dim3A_83 : f32 to vector<16xf32>
        %broadcast_in_dim3A_85 = arith.constant -3.000000e+38 : f32
        %broadcast_in_dim3A_86 = vector.broadcast %broadcast_in_dim3A_85 : f32 to vector<16xf32>
        %broadcast_in_dim3A_87 = arith.constant -3.000000e+38 : f32
        %broadcast_in_dim3A_88 = vector.broadcast %broadcast_in_dim3A_87 : f32 to vector<16xf32>
        %broadcast_in_dim3A_89 = arith.constant 0 : i32
        %broadcast_in_dim3A_90 = vector.broadcast %broadcast_in_dim3A_89 : i32 to vector<16xi32>
        %broadcast_in_dim3A_91 = arith.constant 0 : i32
        %broadcast_in_dim3A_92 = vector.broadcast %broadcast_in_dim3A_91 : i32 to vector<16xi32>
        %broadcast_in_dim3A_93 = arith.constant 0 : i32
        %broadcast_in_dim3A_94 = vector.broadcast %broadcast_in_dim3A_93 : i32 to vector<16xi32>
        %broadcast_in_dim3A_95 = arith.constant 0 : i32
        %broadcast_in_dim3A_96 = vector.broadcast %broadcast_in_dim3A_95 : i32 to vector<16xi32>
        %broadcast_in_dim3A_97 = arith.constant 0 : i32
        %broadcast_in_dim3A_98 = vector.broadcast %broadcast_in_dim3A_97 : i32 to vector<16xi32>
        %add3A_99 = arith.addi %mul3A_41, %broadcast_in_dim3A_98 : vector<16xi32>
        %gather3A_100 = tpu.vector_load_idx %arg9[%add3A_99] : memref<16320xf32, #tpu.memory_space<vmem>>[vector<16xi32>], vector<16xf32>,
        %broadcast_in_dim3A_101 = arith.constant 1 : i32
        %broadcast_in_dim3A_102 = vector.broadcast %broadcast_in_dim3A_101 : i32 to vector<16xi32>
        %and3A = arith.andi %gather3A, %broadcast_in_dim3A_102 : vector<16xi32>
        %broadcast_in_dim3A_103 = arith.constant 0 : i32
        %broadcast_in_dim3A_104 = vector.broadcast %broadcast_in_dim3A_103 : i32 to vector<16xi32>
        %ne3A = arith.cmpi ne, %and3A, %broadcast_in_dim3A_104 : vector<16xi32>
        %gt3A = arith.cmpf ogt, %gather3A_100, %broadcast_in_dim3A_82 : vector<16xf32>
        %and3A_105 = arith.andi %ne3A, %gt3A : vector<16xi1>
        %select_n3A = arith.select %and3A_105, %gather3A_100, %broadcast_in_dim3A_82 : vector<16xi1>, vector<16xf32>
        %broadcast_in_dim3A_106 = arith.constant 0 : i32
        %broadcast_in_dim3A_107 = vector.broadcast %broadcast_in_dim3A_106 : i32 to vector<16xi32>
        %select_n3A_108 = arith.select %and3A_105, %broadcast_in_dim3A_107, %broadcast_in_dim3A_90 : vector<16xi1>, vector<16xi32>
        %broadcast_in_dim3A_109 = arith.constant 1 : i32
        %broadcast_in_dim3A_110 = vector.broadcast %broadcast_in_dim3A_109 : i32 to vector<16xi32>
        %add3A_111 = arith.addi %mul3A_41, %broadcast_in_dim3A_110 : vector<16xi32>
        %gather3A_112 = tpu.vector_load_idx %arg9[%add3A_111] : memref<16320xf32, #tpu.memory_space<vmem>>[vector<16xi32>], vector<16xf32>,
        %broadcast_in_dim3A_113 = arith.constant 2 : i32
        %broadcast_in_dim3A_114 = vector.broadcast %broadcast_in_dim3A_113 : i32 to vector<16xi32>
        %and3A_115 = arith.andi %gather3A, %broadcast_in_dim3A_114 : vector<16xi32>
        %broadcast_in_dim3A_116 = arith.constant 0 : i32
        %broadcast_in_dim3A_117 = vector.broadcast %broadcast_in_dim3A_116 : i32 to vector<16xi32>
        %ne3A_118 = arith.cmpi ne, %and3A_115, %broadcast_in_dim3A_117 : vector<16xi32>
        %gt3A_119 = arith.cmpf ogt, %gather3A_112, %broadcast_in_dim3A_84 : vector<16xf32>
        %and3A_120 = arith.andi %ne3A_118, %gt3A_119 : vector<16xi1>
        %select_n3A_121 = arith.select %and3A_120, %gather3A_112, %broadcast_in_dim3A_84 : vector<16xi1>, vector<16xf32>
        %broadcast_in_dim3A_122 = arith.constant 1 : i32
        %broadcast_in_dim3A_123 = vector.broadcast %broadcast_in_dim3A_122 : i32 to vector<16xi32>
        %select_n3A_124 = arith.select %and3A_120, %broadcast_in_dim3A_123, %broadcast_in_dim3A_92 : vector<16xi1>, vector<16xi32>
        %broadcast_in_dim3A_125 = arith.constant 2 : i32
        %broadcast_in_dim3A_126 = vector.broadcast %broadcast_in_dim3A_125 : i32 to vector<16xi32>
        %add3A_127 = arith.addi %mul3A_41, %broadcast_in_dim3A_126 : vector<16xi32>
        %gather3A_128 = tpu.vector_load_idx %arg9[%add3A_127] : memref<16320xf32, #tpu.memory_space<vmem>>[vector<16xi32>], vector<16xf32>,
        %broadcast_in_dim3A_129 = arith.constant 4 : i32
        %broadcast_in_dim3A_130 = vector.broadcast %broadcast_in_dim3A_129 : i32 to vector<16xi32>
        %and3A_131 = arith.andi %gather3A, %broadcast_in_dim3A_130 : vector<16xi32>
        %broadcast_in_dim3A_132 = arith.constant 0 : i32
        %broadcast_in_dim3A_133 = vector.broadcast %broadcast_in_dim3A_132 : i32 to vector<16xi32>
        %ne3A_134 = arith.cmpi ne, %and3A_131, %broadcast_in_dim3A_133 : vector<16xi32>
        %gt3A_135 = arith.cmpf ogt, %gather3A_128, %broadcast_in_dim3A_86 : vector<16xf32>
        %and3A_136 = arith.andi %ne3A_134, %gt3A_135 : vector<16xi1>
        %select_n3A_137 = arith.select %and3A_136, %gather3A_128, %broadcast_in_dim3A_86 : vector<16xi1>, vector<16xf32>
        %broadcast_in_dim3A_138 = arith.constant 2 : i32
        %broadcast_in_dim3A_139 = vector.broadcast %broadcast_in_dim3A_138 : i32 to vector<16xi32>
        %select_n3A_140 = arith.select %and3A_136, %broadcast_in_dim3A_139, %broadcast_in_dim3A_94 : vector<16xi1>, vector<16xi32>
        %broadcast_in_dim3A_141 = arith.constant 3 : i32
        %broadcast_in_dim3A_142 = vector.broadcast %broadcast_in_dim3A_141 : i32 to vector<16xi32>
        %add3A_143 = arith.addi %mul3A_41, %broadcast_in_dim3A_142 : vector<16xi32>
        %gather3A_144 = tpu.vector_load_idx %arg9[%add3A_143] : memref<16320xf32, #tpu.memory_space<vmem>>[vector<16xi32>], vector<16xf32>,
        %broadcast_in_dim3A_145 = arith.constant 8 : i32
        %broadcast_in_dim3A_146 = vector.broadcast %broadcast_in_dim3A_145 : i32 to vector<16xi32>
        %and3A_147 = arith.andi %gather3A, %broadcast_in_dim3A_146 : vector<16xi32>
        %broadcast_in_dim3A_148 = arith.constant 0 : i32
        %broadcast_in_dim3A_149 = vector.broadcast %broadcast_in_dim3A_148 : i32 to vector<16xi32>
        %ne3A_150 = arith.cmpi ne, %and3A_147, %broadcast_in_dim3A_149 : vector<16xi32>
        %gt3A_151 = arith.cmpf ogt, %gather3A_144, %broadcast_in_dim3A_88 : vector<16xf32>
        %and3A_152 = arith.andi %ne3A_150, %gt3A_151 : vector<16xi1>
        %select_n3A_153 = arith.select %and3A_152, %gather3A_144, %broadcast_in_dim3A_88 : vector<16xi1>, vector<16xf32>
        %broadcast_in_dim3A_154 = arith.constant 3 : i32
        %broadcast_in_dim3A_155 = vector.broadcast %broadcast_in_dim3A_154 : i32 to vector<16xi32>
        %select_n3A_156 = arith.select %and3A_152, %broadcast_in_dim3A_155, %broadcast_in_dim3A_96 : vector<16xi1>, vector<16xi32>
        %broadcast_in_dim3A_157 = arith.constant 4 : i32
        %broadcast_in_dim3A_158 = vector.broadcast %broadcast_in_dim3A_157 : i32 to vector<16xi32>
        %add3A_159 = arith.addi %mul3A_41, %broadcast_in_dim3A_158 : vector<16xi32>
        %gather3A_160 = tpu.vector_load_idx %arg9[%add3A_159] : memref<16320xf32, #tpu.memory_space<vmem>>[vector<16xi32>], vector<16xf32>,
        %broadcast_in_dim3A_161 = arith.constant 16 : i32
        %broadcast_in_dim3A_162 = vector.broadcast %broadcast_in_dim3A_161 : i32 to vector<16xi32>
        %and3A_163 = arith.andi %gather3A, %broadcast_in_dim3A_162 : vector<16xi32>
        %broadcast_in_dim3A_164 = arith.constant 0 : i32
        %broadcast_in_dim3A_165 = vector.broadcast %broadcast_in_dim3A_164 : i32 to vector<16xi32>
        %ne3A_166 = arith.cmpi ne, %and3A_163, %broadcast_in_dim3A_165 : vector<16xi32>
        %gt3A_167 = arith.cmpf ogt, %gather3A_160, %select_n3A : vector<16xf32>
        %and3A_168 = arith.andi %ne3A_166, %gt3A_167 : vector<16xi1>
        %select_n3A_169 = arith.select %and3A_168, %gather3A_160, %select_n3A : vector<16xi1>, vector<16xf32>
        %broadcast_in_dim3A_170 = arith.constant 4 : i32
        %broadcast_in_dim3A_171 = vector.broadcast %broadcast_in_dim3A_170 : i32 to vector<16xi32>
        %select_n3A_172 = arith.select %and3A_168, %broadcast_in_dim3A_171, %select_n3A_108 : vector<16xi1>, vector<16xi32>
        %broadcast_in_dim3A_173 = arith.constant 5 : i32
        %broadcast_in_dim3A_174 = vector.broadcast %broadcast_in_dim3A_173 : i32 to vector<16xi32>
        %add3A_175 = arith.addi %mul3A_41, %broadcast_in_dim3A_174 : vector<16xi32>
        %gather3A_176 = tpu.vector_load_idx %arg9[%add3A_175] : memref<16320xf32, #tpu.memory_space<vmem>>[vector<16xi32>], vector<16xf32>,
        %broadcast_in_dim3A_177 = arith.constant 32 : i32
        %broadcast_in_dim3A_178 = vector.broadcast %broadcast_in_dim3A_177 : i32 to vector<16xi32>
        %and3A_179 = arith.andi %gather3A, %broadcast_in_dim3A_178 : vector<16xi32>
        %broadcast_in_dim3A_180 = arith.constant 0 : i32
        %broadcast_in_dim3A_181 = vector.broadcast %broadcast_in_dim3A_180 : i32 to vector<16xi32>
        %ne3A_182 = arith.cmpi ne, %and3A_179, %broadcast_in_dim3A_181 : vector<16xi32>
        %gt3A_183 = arith.cmpf ogt, %gather3A_176, %select_n3A_121 : vector<16xf32>
        %and3A_184 = arith.andi %ne3A_182, %gt3A_183 : vector<16xi1>
        %select_n3A_185 = arith.select %and3A_184, %gather3A_176, %select_n3A_121 : vector<16xi1>, vector<16xf32>
        %broadcast_in_dim3A_186 = arith.constant 5 : i32
        %broadcast_in_dim3A_187 = vector.broadcast %broadcast_in_dim3A_186 : i32 to vector<16xi32>
        %select_n3A_188 = arith.select %and3A_184, %broadcast_in_dim3A_187, %select_n3A_124 : vector<16xi1>, vector<16xi32>
        %broadcast_in_dim3A_189 = arith.constant 6 : i32
        %broadcast_in_dim3A_190 = vector.broadcast %broadcast_in_dim3A_189 : i32 to vector<16xi32>
        %add3A_191 = arith.addi %mul3A_41, %broadcast_in_dim3A_190 : vector<16xi32>
        %gather3A_192 = tpu.vector_load_idx %arg9[%add3A_191] : memref<16320xf32, #tpu.memory_space<vmem>>[vector<16xi32>], vector<16xf32>,
        %broadcast_in_dim3A_193 = arith.constant 64 : i32
        %broadcast_in_dim3A_194 = vector.broadcast %broadcast_in_dim3A_193 : i32 to vector<16xi32>
        %and3A_195 = arith.andi %gather3A, %broadcast_in_dim3A_194 : vector<16xi32>
        %broadcast_in_dim3A_196 = arith.constant 0 : i32
        %broadcast_in_dim3A_197 = vector.broadcast %broadcast_in_dim3A_196 : i32 to vector<16xi32>
        %ne3A_198 = arith.cmpi ne, %and3A_195, %broadcast_in_dim3A_197 : vector<16xi32>
        %gt3A_199 = arith.cmpf ogt, %gather3A_192, %select_n3A_137 : vector<16xf32>
        %and3A_200 = arith.andi %ne3A_198, %gt3A_199 : vector<16xi1>
        %select_n3A_201 = arith.select %and3A_200, %gather3A_192, %select_n3A_137 : vector<16xi1>, vector<16xf32>
        %broadcast_in_dim3A_202 = arith.constant 6 : i32
        %broadcast_in_dim3A_203 = vector.broadcast %broadcast_in_dim3A_202 : i32 to vector<16xi32>
        %select_n3A_204 = arith.select %and3A_200, %broadcast_in_dim3A_203, %select_n3A_140 : vector<16xi1>, vector<16xi32>
        %broadcast_in_dim3A_205 = arith.constant 7 : i32
        %broadcast_in_dim3A_206 = vector.broadcast %broadcast_in_dim3A_205 : i32 to vector<16xi32>
        %add3A_207 = arith.addi %mul3A_41, %broadcast_in_dim3A_206 : vector<16xi32>
        %gather3A_208 = tpu.vector_load_idx %arg9[%add3A_207] : memref<16320xf32, #tpu.memory_space<vmem>>[vector<16xi32>], vector<16xf32>,
        %broadcast_in_dim3A_209 = arith.constant 128 : i32
        %broadcast_in_dim3A_210 = vector.broadcast %broadcast_in_dim3A_209 : i32 to vector<16xi32>
        %and3A_211 = arith.andi %gather3A, %broadcast_in_dim3A_210 : vector<16xi32>
        %broadcast_in_dim3A_212 = arith.constant 0 : i32
        %broadcast_in_dim3A_213 = vector.broadcast %broadcast_in_dim3A_212 : i32 to vector<16xi32>
        %ne3A_214 = arith.cmpi ne, %and3A_211, %broadcast_in_dim3A_213 : vector<16xi32>
        %gt3A_215 = arith.cmpf ogt, %gather3A_208, %select_n3A_153 : vector<16xf32>
        %and3A_216 = arith.andi %ne3A_214, %gt3A_215 : vector<16xi1>
        %select_n3A_217 = arith.select %and3A_216, %gather3A_208, %select_n3A_153 : vector<16xi1>, vector<16xf32>
        %broadcast_in_dim3A_218 = arith.constant 7 : i32
        %broadcast_in_dim3A_219 = vector.broadcast %broadcast_in_dim3A_218 : i32 to vector<16xi32>
        %select_n3A_220 = arith.select %and3A_216, %broadcast_in_dim3A_219, %select_n3A_156 : vector<16xi1>, vector<16xi32>
        %broadcast_in_dim3A_221 = arith.constant 8 : i32
        %broadcast_in_dim3A_222 = vector.broadcast %broadcast_in_dim3A_221 : i32 to vector<16xi32>
        %add3A_223 = arith.addi %mul3A_41, %broadcast_in_dim3A_222 : vector<16xi32>
        %gather3A_224 = tpu.vector_load_idx %arg9[%add3A_223] : memref<16320xf32, #tpu.memory_space<vmem>>[vector<16xi32>], vector<16xf32>,
        %broadcast_in_dim3A_225 = arith.constant 256 : i32
        %broadcast_in_dim3A_226 = vector.broadcast %broadcast_in_dim3A_225 : i32 to vector<16xi32>
        %and3A_227 = arith.andi %gather3A, %broadcast_in_dim3A_226 : vector<16xi32>
        %broadcast_in_dim3A_228 = arith.constant 0 : i32
        %broadcast_in_dim3A_229 = vector.broadcast %broadcast_in_dim3A_228 : i32 to vector<16xi32>
        %ne3A_230 = arith.cmpi ne, %and3A_227, %broadcast_in_dim3A_229 : vector<16xi32>
        %gt3A_231 = arith.cmpf ogt, %gather3A_224, %select_n3A_169 : vector<16xf32>
        %and3A_232 = arith.andi %ne3A_230, %gt3A_231 : vector<16xi1>
        %select_n3A_233 = arith.select %and3A_232, %gather3A_224, %select_n3A_169 : vector<16xi1>, vector<16xf32>
        %broadcast_in_dim3A_234 = arith.constant 8 : i32
        %broadcast_in_dim3A_235 = vector.broadcast %broadcast_in_dim3A_234 : i32 to vector<16xi32>
        %select_n3A_236 = arith.select %and3A_232, %broadcast_in_dim3A_235, %select_n3A_172 : vector<16xi1>, vector<16xi32>
        %broadcast_in_dim3A_237 = arith.constant 9 : i32
        %broadcast_in_dim3A_238 = vector.broadcast %broadcast_in_dim3A_237 : i32 to vector<16xi32>
        %add3A_239 = arith.addi %mul3A_41, %broadcast_in_dim3A_238 : vector<16xi32>
        %gather3A_240 = tpu.vector_load_idx %arg9[%add3A_239] : memref<16320xf32, #tpu.memory_space<vmem>>[vector<16xi32>], vector<16xf32>,
        %broadcast_in_dim3A_241 = arith.constant 512 : i32
        %broadcast_in_dim3A_242 = vector.broadcast %broadcast_in_dim3A_241 : i32 to vector<16xi32>
        %and3A_243 = arith.andi %gather3A, %broadcast_in_dim3A_242 : vector<16xi32>
        %broadcast_in_dim3A_244 = arith.constant 0 : i32
        %broadcast_in_dim3A_245 = vector.broadcast %broadcast_in_dim3A_244 : i32 to vector<16xi32>
        %ne3A_246 = arith.cmpi ne, %and3A_243, %broadcast_in_dim3A_245 : vector<16xi32>
        %gt3A_247 = arith.cmpf ogt, %gather3A_240, %select_n3A_185 : vector<16xf32>
        %and3A_248 = arith.andi %ne3A_246, %gt3A_247 : vector<16xi1>
        %select_n3A_249 = arith.select %and3A_248, %gather3A_240, %select_n3A_185 : vector<16xi1>, vector<16xf32>
        %broadcast_in_dim3A_250 = arith.constant 9 : i32
        %broadcast_in_dim3A_251 = vector.broadcast %broadcast_in_dim3A_250 : i32 to vector<16xi32>
        %select_n3A_252 = arith.select %and3A_248, %broadcast_in_dim3A_251, %select_n3A_188 : vector<16xi1>, vector<16xi32>
        %broadcast_in_dim3A_253 = arith.constant 10 : i32
        %broadcast_in_dim3A_254 = vector.broadcast %broadcast_in_dim3A_253 : i32 to vector<16xi32>
        %add3A_255 = arith.addi %mul3A_41, %broadcast_in_dim3A_254 : vector<16xi32>
        %gather3A_256 = tpu.vector_load_idx %arg9[%add3A_255] : memref<16320xf32, #tpu.memory_space<vmem>>[vector<16xi32>], vector<16xf32>,
        %broadcast_in_dim3A_257 = arith.constant 1024 : i32
        %broadcast_in_dim3A_258 = vector.broadcast %broadcast_in_dim3A_257 : i32 to vector<16xi32>
        %and3A_259 = arith.andi %gather3A, %broadcast_in_dim3A_258 : vector<16xi32>
        %broadcast_in_dim3A_260 = arith.constant 0 : i32
        %broadcast_in_dim3A_261 = vector.broadcast %broadcast_in_dim3A_260 : i32 to vector<16xi32>
        %ne3A_262 = arith.cmpi ne, %and3A_259, %broadcast_in_dim3A_261 : vector<16xi32>
        %gt3A_263 = arith.cmpf ogt, %gather3A_256, %select_n3A_201 : vector<16xf32>
        %and3A_264 = arith.andi %ne3A_262, %gt3A_263 : vector<16xi1>
        %select_n3A_265 = arith.select %and3A_264, %gather3A_256, %select_n3A_201 : vector<16xi1>, vector<16xf32>
        %broadcast_in_dim3A_266 = arith.constant 10 : i32
        %broadcast_in_dim3A_267 = vector.broadcast %broadcast_in_dim3A_266 : i32 to vector<16xi32>
        %select_n3A_268 = arith.select %and3A_264, %broadcast_in_dim3A_267, %select_n3A_204 : vector<16xi1>, vector<16xi32>
        %broadcast_in_dim3A_269 = arith.constant 11 : i32
        %broadcast_in_dim3A_270 = vector.broadcast %broadcast_in_dim3A_269 : i32 to vector<16xi32>
        %add3A_271 = arith.addi %mul3A_41, %broadcast_in_dim3A_270 : vector<16xi32>
        %gather3A_272 = tpu.vector_load_idx %arg9[%add3A_271] : memref<16320xf32, #tpu.memory_space<vmem>>[vector<16xi32>], vector<16xf32>,
        %broadcast_in_dim3A_273 = arith.constant 2048 : i32
        %broadcast_in_dim3A_274 = vector.broadcast %broadcast_in_dim3A_273 : i32 to vector<16xi32>
        %and3A_275 = arith.andi %gather3A, %broadcast_in_dim3A_274 : vector<16xi32>
        %broadcast_in_dim3A_276 = arith.constant 0 : i32
        %broadcast_in_dim3A_277 = vector.broadcast %broadcast_in_dim3A_276 : i32 to vector<16xi32>
        %ne3A_278 = arith.cmpi ne, %and3A_275, %broadcast_in_dim3A_277 : vector<16xi32>
        %gt3A_279 = arith.cmpf ogt, %gather3A_272, %select_n3A_217 : vector<16xf32>
        %and3A_280 = arith.andi %ne3A_278, %gt3A_279 : vector<16xi1>
        %select_n3A_281 = arith.select %and3A_280, %gather3A_272, %select_n3A_217 : vector<16xi1>, vector<16xf32>
        %broadcast_in_dim3A_282 = arith.constant 11 : i32
        %broadcast_in_dim3A_283 = vector.broadcast %broadcast_in_dim3A_282 : i32 to vector<16xi32>
        %select_n3A_284 = arith.select %and3A_280, %broadcast_in_dim3A_283, %select_n3A_220 : vector<16xi1>, vector<16xi32>
        %broadcast_in_dim3A_285 = arith.constant 12 : i32
        %broadcast_in_dim3A_286 = vector.broadcast %broadcast_in_dim3A_285 : i32 to vector<16xi32>
        %add3A_287 = arith.addi %mul3A_41, %broadcast_in_dim3A_286 : vector<16xi32>
        %gather3A_288 = tpu.vector_load_idx %arg9[%add3A_287] : memref<16320xf32, #tpu.memory_space<vmem>>[vector<16xi32>], vector<16xf32>,
        %broadcast_in_dim3A_289 = arith.constant 4096 : i32
        %broadcast_in_dim3A_290 = vector.broadcast %broadcast_in_dim3A_289 : i32 to vector<16xi32>
        %and3A_291 = arith.andi %gather3A, %broadcast_in_dim3A_290 : vector<16xi32>
        %broadcast_in_dim3A_292 = arith.constant 0 : i32
        %broadcast_in_dim3A_293 = vector.broadcast %broadcast_in_dim3A_292 : i32 to vector<16xi32>
        %ne3A_294 = arith.cmpi ne, %and3A_291, %broadcast_in_dim3A_293 : vector<16xi32>
        %gt3A_295 = arith.cmpf ogt, %gather3A_288, %select_n3A_233 : vector<16xf32>
        %and3A_296 = arith.andi %ne3A_294, %gt3A_295 : vector<16xi1>
        %select_n3A_297 = arith.select %and3A_296, %gather3A_288, %select_n3A_233 : vector<16xi1>, vector<16xf32>
        %broadcast_in_dim3A_298 = arith.constant 12 : i32
        %broadcast_in_dim3A_299 = vector.broadcast %broadcast_in_dim3A_298 : i32 to vector<16xi32>
        %select_n3A_300 = arith.select %and3A_296, %broadcast_in_dim3A_299, %select_n3A_236 : vector<16xi1>, vector<16xi32>
        %broadcast_in_dim3A_301 = arith.constant 13 : i32
        %broadcast_in_dim3A_302 = vector.broadcast %broadcast_in_dim3A_301 : i32 to vector<16xi32>
        %add3A_303 = arith.addi %mul3A_41, %broadcast_in_dim3A_302 : vector<16xi32>
        %gather3A_304 = tpu.vector_load_idx %arg9[%add3A_303] : memref<16320xf32, #tpu.memory_space<vmem>>[vector<16xi32>], vector<16xf32>,
        %broadcast_in_dim3A_305 = arith.constant 8192 : i32
        %broadcast_in_dim3A_306 = vector.broadcast %broadcast_in_dim3A_305 : i32 to vector<16xi32>
        %and3A_307 = arith.andi %gather3A, %broadcast_in_dim3A_306 : vector<16xi32>
        %broadcast_in_dim3A_308 = arith.constant 0 : i32
        %broadcast_in_dim3A_309 = vector.broadcast %broadcast_in_dim3A_308 : i32 to vector<16xi32>
        %ne3A_310 = arith.cmpi ne, %and3A_307, %broadcast_in_dim3A_309 : vector<16xi32>
        %gt3A_311 = arith.cmpf ogt, %gather3A_304, %select_n3A_249 : vector<16xf32>
        %and3A_312 = arith.andi %ne3A_310, %gt3A_311 : vector<16xi1>
        %select_n3A_313 = arith.select %and3A_312, %gather3A_304, %select_n3A_249 : vector<16xi1>, vector<16xf32>
        %broadcast_in_dim3A_314 = arith.constant 13 : i32
        %broadcast_in_dim3A_315 = vector.broadcast %broadcast_in_dim3A_314 : i32 to vector<16xi32>
        %select_n3A_316 = arith.select %and3A_312, %broadcast_in_dim3A_315, %select_n3A_252 : vector<16xi1>, vector<16xi32>
        %broadcast_in_dim3A_317 = arith.constant 14 : i32
        %broadcast_in_dim3A_318 = vector.broadcast %broadcast_in_dim3A_317 : i32 to vector<16xi32>
        %add3A_319 = arith.addi %mul3A_41, %broadcast_in_dim3A_318 : vector<16xi32>
        %gather3A_320 = tpu.vector_load_idx %arg9[%add3A_319] : memref<16320xf32, #tpu.memory_space<vmem>>[vector<16xi32>], vector<16xf32>,
        %broadcast_in_dim3A_321 = arith.constant 16384 : i32
        %broadcast_in_dim3A_322 = vector.broadcast %broadcast_in_dim3A_321 : i32 to vector<16xi32>
        %and3A_323 = arith.andi %gather3A, %broadcast_in_dim3A_322 : vector<16xi32>
        %broadcast_in_dim3A_324 = arith.constant 0 : i32
        %broadcast_in_dim3A_325 = vector.broadcast %broadcast_in_dim3A_324 : i32 to vector<16xi32>
        %ne3A_326 = arith.cmpi ne, %and3A_323, %broadcast_in_dim3A_325 : vector<16xi32>
        %gt3A_327 = arith.cmpf ogt, %gather3A_320, %select_n3A_265 : vector<16xf32>
        %and3A_328 = arith.andi %ne3A_326, %gt3A_327 : vector<16xi1>
        %select_n3A_329 = arith.select %and3A_328, %gather3A_320, %select_n3A_265 : vector<16xi1>, vector<16xf32>
        %broadcast_in_dim3A_330 = arith.constant 14 : i32
        %broadcast_in_dim3A_331 = vector.broadcast %broadcast_in_dim3A_330 : i32 to vector<16xi32>
        %select_n3A_332 = arith.select %and3A_328, %broadcast_in_dim3A_331, %select_n3A_268 : vector<16xi1>, vector<16xi32>
        %broadcast_in_dim3A_333 = arith.constant 15 : i32
        %broadcast_in_dim3A_334 = vector.broadcast %broadcast_in_dim3A_333 : i32 to vector<16xi32>
        %add3A_335 = arith.addi %mul3A_41, %broadcast_in_dim3A_334 : vector<16xi32>
        %gather3A_336 = tpu.vector_load_idx %arg9[%add3A_335] : memref<16320xf32, #tpu.memory_space<vmem>>[vector<16xi32>], vector<16xf32>,
        %broadcast_in_dim3A_337 = arith.constant 32768 : i32
        %broadcast_in_dim3A_338 = vector.broadcast %broadcast_in_dim3A_337 : i32 to vector<16xi32>
        %and3A_339 = arith.andi %gather3A, %broadcast_in_dim3A_338 : vector<16xi32>
        %broadcast_in_dim3A_340 = arith.constant 0 : i32
        %broadcast_in_dim3A_341 = vector.broadcast %broadcast_in_dim3A_340 : i32 to vector<16xi32>
        %ne3A_342 = arith.cmpi ne, %and3A_339, %broadcast_in_dim3A_341 : vector<16xi32>
        %gt3A_343 = arith.cmpf ogt, %gather3A_336, %select_n3A_281 : vector<16xf32>
        %and3A_344 = arith.andi %ne3A_342, %gt3A_343 : vector<16xi1>
        %select_n3A_345 = arith.select %and3A_344, %gather3A_336, %select_n3A_281 : vector<16xi1>, vector<16xf32>
        %broadcast_in_dim3A_346 = arith.constant 15 : i32
        %broadcast_in_dim3A_347 = vector.broadcast %broadcast_in_dim3A_346 : i32 to vector<16xi32>
        %select_n3A_348 = arith.select %and3A_344, %broadcast_in_dim3A_347, %select_n3A_284 : vector<16xi1>, vector<16xi32>
        %broadcast_in_dim3A_349 = arith.constant 16 : i32
        %broadcast_in_dim3A_350 = vector.broadcast %broadcast_in_dim3A_349 : i32 to vector<16xi32>
        %add3A_351 = arith.addi %mul3A_41, %broadcast_in_dim3A_350 : vector<16xi32>
        %gather3A_352 = tpu.vector_load_idx %arg9[%add3A_351] : memref<16320xf32, #tpu.memory_space<vmem>>[vector<16xi32>], vector<16xf32>,
        %broadcast_in_dim3A_353 = arith.constant 65536 : i32
        %broadcast_in_dim3A_354 = vector.broadcast %broadcast_in_dim3A_353 : i32 to vector<16xi32>
        %and3A_355 = arith.andi %gather3A, %broadcast_in_dim3A_354 : vector<16xi32>
        %broadcast_in_dim3A_356 = arith.constant 0 : i32
        %broadcast_in_dim3A_357 = vector.broadcast %broadcast_in_dim3A_356 : i32 to vector<16xi32>
        %ne3A_358 = arith.cmpi ne, %and3A_355, %broadcast_in_dim3A_357 : vector<16xi32>
        %gt3A_359 = arith.cmpf ogt, %gather3A_352, %select_n3A_297 : vector<16xf32>
        %and3A_360 = arith.andi %ne3A_358, %gt3A_359 : vector<16xi1>
        %select_n3A_361 = arith.select %and3A_360, %gather3A_352, %select_n3A_297 : vector<16xi1>, vector<16xf32>
        %broadcast_in_dim3A_362 = arith.constant 16 : i32
        %broadcast_in_dim3A_363 = vector.broadcast %broadcast_in_dim3A_362 : i32 to vector<16xi32>
        %select_n3A_364 = arith.select %and3A_360, %broadcast_in_dim3A_363, %select_n3A_300 : vector<16xi1>, vector<16xi32>
        %broadcast_in_dim3A_365 = arith.constant 17 : i32
        %broadcast_in_dim3A_366 = vector.broadcast %broadcast_in_dim3A_365 : i32 to vector<16xi32>
        %add3A_367 = arith.addi %mul3A_41, %broadcast_in_dim3A_366 : vector<16xi32>
        %gather3A_368 = tpu.vector_load_idx %arg9[%add3A_367] : memref<16320xf32, #tpu.memory_space<vmem>>[vector<16xi32>], vector<16xf32>,
        %broadcast_in_dim3A_369 = arith.constant 131072 : i32
        %broadcast_in_dim3A_370 = vector.broadcast %broadcast_in_dim3A_369 : i32 to vector<16xi32>
        %and3A_371 = arith.andi %gather3A, %broadcast_in_dim3A_370 : vector<16xi32>
        %broadcast_in_dim3A_372 = arith.constant 0 : i32
        %broadcast_in_dim3A_373 = vector.broadcast %broadcast_in_dim3A_372 : i32 to vector<16xi32>
        %ne3A_374 = arith.cmpi ne, %and3A_371, %broadcast_in_dim3A_373 : vector<16xi32>
        %gt3A_375 = arith.cmpf ogt, %gather3A_368, %select_n3A_313 : vector<16xf32>
        %and3A_376 = arith.andi %ne3A_374, %gt3A_375 : vector<16xi1>
        %select_n3A_377 = arith.select %and3A_376, %gather3A_368, %select_n3A_313 : vector<16xi1>, vector<16xf32>
        %broadcast_in_dim3A_378 = arith.constant 17 : i32
        %broadcast_in_dim3A_379 = vector.broadcast %broadcast_in_dim3A_378 : i32 to vector<16xi32>
        %select_n3A_380 = arith.select %and3A_376, %broadcast_in_dim3A_379, %select_n3A_316 : vector<16xi1>, vector<16xi32>
        %broadcast_in_dim3A_381 = arith.constant 18 : i32
        %broadcast_in_dim3A_382 = vector.broadcast %broadcast_in_dim3A_381 : i32 to vector<16xi32>
        %add3A_383 = arith.addi %mul3A_41, %broadcast_in_dim3A_382 : vector<16xi32>
        %gather3A_384 = tpu.vector_load_idx %arg9[%add3A_383] : memref<16320xf32, #tpu.memory_space<vmem>>[vector<16xi32>], vector<16xf32>,
        %broadcast_in_dim3A_385 = arith.constant 262144 : i32
        %broadcast_in_dim3A_386 = vector.broadcast %broadcast_in_dim3A_385 : i32 to vector<16xi32>
        %and3A_387 = arith.andi %gather3A, %broadcast_in_dim3A_386 : vector<16xi32>
        %broadcast_in_dim3A_388 = arith.constant 0 : i32
        %broadcast_in_dim3A_389 = vector.broadcast %broadcast_in_dim3A_388 : i32 to vector<16xi32>
        %ne3A_390 = arith.cmpi ne, %and3A_387, %broadcast_in_dim3A_389 : vector<16xi32>
        %gt3A_391 = arith.cmpf ogt, %gather3A_384, %select_n3A_329 : vector<16xf32>
        %and3A_392 = arith.andi %ne3A_390, %gt3A_391 : vector<16xi1>
        %select_n3A_393 = arith.select %and3A_392, %gather3A_384, %select_n3A_329 : vector<16xi1>, vector<16xf32>
        %broadcast_in_dim3A_394 = arith.constant 18 : i32
        %broadcast_in_dim3A_395 = vector.broadcast %broadcast_in_dim3A_394 : i32 to vector<16xi32>
        %select_n3A_396 = arith.select %and3A_392, %broadcast_in_dim3A_395, %select_n3A_332 : vector<16xi1>, vector<16xi32>
        %broadcast_in_dim3A_397 = arith.constant 19 : i32
        %broadcast_in_dim3A_398 = vector.broadcast %broadcast_in_dim3A_397 : i32 to vector<16xi32>
        %add3A_399 = arith.addi %mul3A_41, %broadcast_in_dim3A_398 : vector<16xi32>
        %gather3A_400 = tpu.vector_load_idx %arg9[%add3A_399] : memref<16320xf32, #tpu.memory_space<vmem>>[vector<16xi32>], vector<16xf32>,
        %broadcast_in_dim3A_401 = arith.constant 524288 : i32
        %broadcast_in_dim3A_402 = vector.broadcast %broadcast_in_dim3A_401 : i32 to vector<16xi32>
        %and3A_403 = arith.andi %gather3A, %broadcast_in_dim3A_402 : vector<16xi32>
        %broadcast_in_dim3A_404 = arith.constant 0 : i32
        %broadcast_in_dim3A_405 = vector.broadcast %broadcast_in_dim3A_404 : i32 to vector<16xi32>
        %ne3A_406 = arith.cmpi ne, %and3A_403, %broadcast_in_dim3A_405 : vector<16xi32>
        %gt3A_407 = arith.cmpf ogt, %gather3A_400, %select_n3A_345 : vector<16xf32>
        %and3A_408 = arith.andi %ne3A_406, %gt3A_407 : vector<16xi1>
        %select_n3A_409 = arith.select %and3A_408, %gather3A_400, %select_n3A_345 : vector<16xi1>, vector<16xf32>
        %broadcast_in_dim3A_410 = arith.constant 19 : i32
        %broadcast_in_dim3A_411 = vector.broadcast %broadcast_in_dim3A_410 : i32 to vector<16xi32>
        %select_n3A_412 = arith.select %and3A_408, %broadcast_in_dim3A_411, %select_n3A_348 : vector<16xi1>, vector<16xi32>
        %broadcast_in_dim3A_413 = arith.constant 20 : i32
        %broadcast_in_dim3A_414 = vector.broadcast %broadcast_in_dim3A_413 : i32 to vector<16xi32>
        %add3A_415 = arith.addi %mul3A_41, %broadcast_in_dim3A_414 : vector<16xi32>
        %gather3A_416 = tpu.vector_load_idx %arg9[%add3A_415] : memref<16320xf32, #tpu.memory_space<vmem>>[vector<16xi32>], vector<16xf32>,
        %broadcast_in_dim3A_417 = arith.constant 1048576 : i32
        %broadcast_in_dim3A_418 = vector.broadcast %broadcast_in_dim3A_417 : i32 to vector<16xi32>
        %and3A_419 = arith.andi %gather3A, %broadcast_in_dim3A_418 : vector<16xi32>
        %broadcast_in_dim3A_420 = arith.constant 0 : i32
        %broadcast_in_dim3A_421 = vector.broadcast %broadcast_in_dim3A_420 : i32 to vector<16xi32>
        %ne3A_422 = arith.cmpi ne, %and3A_419, %broadcast_in_dim3A_421 : vector<16xi32>
        %gt3A_423 = arith.cmpf ogt, %gather3A_416, %select_n3A_361 : vector<16xf32>
        %and3A_424 = arith.andi %ne3A_422, %gt3A_423 : vector<16xi1>
        %select_n3A_425 = arith.select %and3A_424, %gather3A_416, %select_n3A_361 : vector<16xi1>, vector<16xf32>
        %broadcast_in_dim3A_426 = arith.constant 20 : i32
        %broadcast_in_dim3A_427 = vector.broadcast %broadcast_in_dim3A_426 : i32 to vector<16xi32>
        %select_n3A_428 = arith.select %and3A_424, %broadcast_in_dim3A_427, %select_n3A_364 : vector<16xi1>, vector<16xi32>
        %broadcast_in_dim3A_429 = arith.constant 21 : i32
        %broadcast_in_dim3A_430 = vector.broadcast %broadcast_in_dim3A_429 : i32 to vector<16xi32>
        %add3A_431 = arith.addi %mul3A_41, %broadcast_in_dim3A_430 : vector<16xi32>
        %gather3A_432 = tpu.vector_load_idx %arg9[%add3A_431] : memref<16320xf32, #tpu.memory_space<vmem>>[vector<16xi32>], vector<16xf32>,
        %broadcast_in_dim3A_433 = arith.constant 2097152 : i32
        %broadcast_in_dim3A_434 = vector.broadcast %broadcast_in_dim3A_433 : i32 to vector<16xi32>
        %and3A_435 = arith.andi %gather3A, %broadcast_in_dim3A_434 : vector<16xi32>
        %broadcast_in_dim3A_436 = arith.constant 0 : i32
        %broadcast_in_dim3A_437 = vector.broadcast %broadcast_in_dim3A_436 : i32 to vector<16xi32>
        %ne3A_438 = arith.cmpi ne, %and3A_435, %broadcast_in_dim3A_437 : vector<16xi32>
        %gt3A_439 = arith.cmpf ogt, %gather3A_432, %select_n3A_377 : vector<16xf32>
        %and3A_440 = arith.andi %ne3A_438, %gt3A_439 : vector<16xi1>
        %select_n3A_441 = arith.select %and3A_440, %gather3A_432, %select_n3A_377 : vector<16xi1>, vector<16xf32>
        %broadcast_in_dim3A_442 = arith.constant 21 : i32
        %broadcast_in_dim3A_443 = vector.broadcast %broadcast_in_dim3A_442 : i32 to vector<16xi32>
        %select_n3A_444 = arith.select %and3A_440, %broadcast_in_dim3A_443, %select_n3A_380 : vector<16xi1>, vector<16xi32>
        %broadcast_in_dim3A_445 = arith.constant 22 : i32
        %broadcast_in_dim3A_446 = vector.broadcast %broadcast_in_dim3A_445 : i32 to vector<16xi32>
        %add3A_447 = arith.addi %mul3A_41, %broadcast_in_dim3A_446 : vector<16xi32>
        %gather3A_448 = tpu.vector_load_idx %arg9[%add3A_447] : memref<16320xf32, #tpu.memory_space<vmem>>[vector<16xi32>], vector<16xf32>,
        %broadcast_in_dim3A_449 = arith.constant 4194304 : i32
        %broadcast_in_dim3A_450 = vector.broadcast %broadcast_in_dim3A_449 : i32 to vector<16xi32>
        %and3A_451 = arith.andi %gather3A, %broadcast_in_dim3A_450 : vector<16xi32>
        %broadcast_in_dim3A_452 = arith.constant 0 : i32
        %broadcast_in_dim3A_453 = vector.broadcast %broadcast_in_dim3A_452 : i32 to vector<16xi32>
        %ne3A_454 = arith.cmpi ne, %and3A_451, %broadcast_in_dim3A_453 : vector<16xi32>
        %gt3A_455 = arith.cmpf ogt, %gather3A_448, %select_n3A_393 : vector<16xf32>
        %and3A_456 = arith.andi %ne3A_454, %gt3A_455 : vector<16xi1>
        %select_n3A_457 = arith.select %and3A_456, %gather3A_448, %select_n3A_393 : vector<16xi1>, vector<16xf32>
        %broadcast_in_dim3A_458 = arith.constant 22 : i32
        %broadcast_in_dim3A_459 = vector.broadcast %broadcast_in_dim3A_458 : i32 to vector<16xi32>
        %select_n3A_460 = arith.select %and3A_456, %broadcast_in_dim3A_459, %select_n3A_396 : vector<16xi1>, vector<16xi32>
        %broadcast_in_dim3A_461 = arith.constant 23 : i32
        %broadcast_in_dim3A_462 = vector.broadcast %broadcast_in_dim3A_461 : i32 to vector<16xi32>
        %add3A_463 = arith.addi %mul3A_41, %broadcast_in_dim3A_462 : vector<16xi32>
        %gather3A_464 = tpu.vector_load_idx %arg9[%add3A_463] : memref<16320xf32, #tpu.memory_space<vmem>>[vector<16xi32>], vector<16xf32>,
        %broadcast_in_dim3A_465 = arith.constant 8388608 : i32
        %broadcast_in_dim3A_466 = vector.broadcast %broadcast_in_dim3A_465 : i32 to vector<16xi32>
        %and3A_467 = arith.andi %gather3A, %broadcast_in_dim3A_466 : vector<16xi32>
        %broadcast_in_dim3A_468 = arith.constant 0 : i32
        %broadcast_in_dim3A_469 = vector.broadcast %broadcast_in_dim3A_468 : i32 to vector<16xi32>
        %ne3A_470 = arith.cmpi ne, %and3A_467, %broadcast_in_dim3A_469 : vector<16xi32>
        %gt3A_471 = arith.cmpf ogt, %gather3A_464, %select_n3A_409 : vector<16xf32>
        %and3A_472 = arith.andi %ne3A_470, %gt3A_471 : vector<16xi1>
        %select_n3A_473 = arith.select %and3A_472, %gather3A_464, %select_n3A_409 : vector<16xi1>, vector<16xf32>
        %broadcast_in_dim3A_474 = arith.constant 23 : i32
        %broadcast_in_dim3A_475 = vector.broadcast %broadcast_in_dim3A_474 : i32 to vector<16xi32>
        %select_n3A_476 = arith.select %and3A_472, %broadcast_in_dim3A_475, %select_n3A_412 : vector<16xi1>, vector<16xi32>
        %broadcast_in_dim3A_477 = arith.constant 24 : i32
        %broadcast_in_dim3A_478 = vector.broadcast %broadcast_in_dim3A_477 : i32 to vector<16xi32>
        %add3A_479 = arith.addi %mul3A_41, %broadcast_in_dim3A_478 : vector<16xi32>
        %gather3A_480 = tpu.vector_load_idx %arg9[%add3A_479] : memref<16320xf32, #tpu.memory_space<vmem>>[vector<16xi32>], vector<16xf32>,
        %broadcast_in_dim3A_481 = arith.constant 16777216 : i32
        %broadcast_in_dim3A_482 = vector.broadcast %broadcast_in_dim3A_481 : i32 to vector<16xi32>
        %and3A_483 = arith.andi %gather3A, %broadcast_in_dim3A_482 : vector<16xi32>
        %broadcast_in_dim3A_484 = arith.constant 0 : i32
        %broadcast_in_dim3A_485 = vector.broadcast %broadcast_in_dim3A_484 : i32 to vector<16xi32>
        %ne3A_486 = arith.cmpi ne, %and3A_483, %broadcast_in_dim3A_485 : vector<16xi32>
        %gt3A_487 = arith.cmpf ogt, %gather3A_480, %select_n3A_425 : vector<16xf32>
        %and3A_488 = arith.andi %ne3A_486, %gt3A_487 : vector<16xi1>
        %select_n3A_489 = arith.select %and3A_488, %gather3A_480, %select_n3A_425 : vector<16xi1>, vector<16xf32>
        %broadcast_in_dim3A_490 = arith.constant 24 : i32
        %broadcast_in_dim3A_491 = vector.broadcast %broadcast_in_dim3A_490 : i32 to vector<16xi32>
        %select_n3A_492 = arith.select %and3A_488, %broadcast_in_dim3A_491, %select_n3A_428 : vector<16xi1>, vector<16xi32>
        %broadcast_in_dim3A_493 = arith.constant 25 : i32
        %broadcast_in_dim3A_494 = vector.broadcast %broadcast_in_dim3A_493 : i32 to vector<16xi32>
        %add3A_495 = arith.addi %mul3A_41, %broadcast_in_dim3A_494 : vector<16xi32>
        %gather3A_496 = tpu.vector_load_idx %arg9[%add3A_495] : memref<16320xf32, #tpu.memory_space<vmem>>[vector<16xi32>], vector<16xf32>,
        %broadcast_in_dim3A_497 = arith.constant 33554432 : i32
        %broadcast_in_dim3A_498 = vector.broadcast %broadcast_in_dim3A_497 : i32 to vector<16xi32>
        %and3A_499 = arith.andi %gather3A, %broadcast_in_dim3A_498 : vector<16xi32>
        %broadcast_in_dim3A_500 = arith.constant 0 : i32
        %broadcast_in_dim3A_501 = vector.broadcast %broadcast_in_dim3A_500 : i32 to vector<16xi32>
        %ne3A_502 = arith.cmpi ne, %and3A_499, %broadcast_in_dim3A_501 : vector<16xi32>
        %gt3A_503 = arith.cmpf ogt, %gather3A_496, %select_n3A_441 : vector<16xf32>
        %and3A_504 = arith.andi %ne3A_502, %gt3A_503 : vector<16xi1>
        %select_n3A_505 = arith.select %and3A_504, %gather3A_496, %select_n3A_441 : vector<16xi1>, vector<16xf32>
        %broadcast_in_dim3A_506 = arith.constant 25 : i32
        %broadcast_in_dim3A_507 = vector.broadcast %broadcast_in_dim3A_506 : i32 to vector<16xi32>
        %select_n3A_508 = arith.select %and3A_504, %broadcast_in_dim3A_507, %select_n3A_444 : vector<16xi1>, vector<16xi32>
        %broadcast_in_dim3A_509 = arith.constant 26 : i32
        %broadcast_in_dim3A_510 = vector.broadcast %broadcast_in_dim3A_509 : i32 to vector<16xi32>
        %add3A_511 = arith.addi %mul3A_41, %broadcast_in_dim3A_510 : vector<16xi32>
        %gather3A_512 = tpu.vector_load_idx %arg9[%add3A_511] : memref<16320xf32, #tpu.memory_space<vmem>>[vector<16xi32>], vector<16xf32>,
        %broadcast_in_dim3A_513 = arith.constant 67108864 : i32
        %broadcast_in_dim3A_514 = vector.broadcast %broadcast_in_dim3A_513 : i32 to vector<16xi32>
        %and3A_515 = arith.andi %gather3A, %broadcast_in_dim3A_514 : vector<16xi32>
        %broadcast_in_dim3A_516 = arith.constant 0 : i32
        %broadcast_in_dim3A_517 = vector.broadcast %broadcast_in_dim3A_516 : i32 to vector<16xi32>
        %ne3A_518 = arith.cmpi ne, %and3A_515, %broadcast_in_dim3A_517 : vector<16xi32>
        %gt3A_519 = arith.cmpf ogt, %gather3A_512, %select_n3A_457 : vector<16xf32>
        %and3A_520 = arith.andi %ne3A_518, %gt3A_519 : vector<16xi1>
        %select_n3A_521 = arith.select %and3A_520, %gather3A_512, %select_n3A_457 : vector<16xi1>, vector<16xf32>
        %broadcast_in_dim3A_522 = arith.constant 26 : i32
        %broadcast_in_dim3A_523 = vector.broadcast %broadcast_in_dim3A_522 : i32 to vector<16xi32>
        %select_n3A_524 = arith.select %and3A_520, %broadcast_in_dim3A_523, %select_n3A_460 : vector<16xi1>, vector<16xi32>
        %broadcast_in_dim3A_525 = arith.constant 27 : i32
        %broadcast_in_dim3A_526 = vector.broadcast %broadcast_in_dim3A_525 : i32 to vector<16xi32>
        %add3A_527 = arith.addi %mul3A_41, %broadcast_in_dim3A_526 : vector<16xi32>
        %gather3A_528 = tpu.vector_load_idx %arg9[%add3A_527] : memref<16320xf32, #tpu.memory_space<vmem>>[vector<16xi32>], vector<16xf32>,
        %broadcast_in_dim3A_529 = arith.constant 134217728 : i32
        %broadcast_in_dim3A_530 = vector.broadcast %broadcast_in_dim3A_529 : i32 to vector<16xi32>
        %and3A_531 = arith.andi %gather3A, %broadcast_in_dim3A_530 : vector<16xi32>
        %broadcast_in_dim3A_532 = arith.constant 0 : i32
        %broadcast_in_dim3A_533 = vector.broadcast %broadcast_in_dim3A_532 : i32 to vector<16xi32>
        %ne3A_534 = arith.cmpi ne, %and3A_531, %broadcast_in_dim3A_533 : vector<16xi32>
        %gt3A_535 = arith.cmpf ogt, %gather3A_528, %select_n3A_473 : vector<16xf32>
        %and3A_536 = arith.andi %ne3A_534, %gt3A_535 : vector<16xi1>
        %select_n3A_537 = arith.select %and3A_536, %gather3A_528, %select_n3A_473 : vector<16xi1>, vector<16xf32>
        %broadcast_in_dim3A_538 = arith.constant 27 : i32
        %broadcast_in_dim3A_539 = vector.broadcast %broadcast_in_dim3A_538 : i32 to vector<16xi32>
        %select_n3A_540 = arith.select %and3A_536, %broadcast_in_dim3A_539, %select_n3A_476 : vector<16xi1>, vector<16xi32>
        %broadcast_in_dim3A_541 = arith.constant 28 : i32
        %broadcast_in_dim3A_542 = vector.broadcast %broadcast_in_dim3A_541 : i32 to vector<16xi32>
        %add3A_543 = arith.addi %mul3A_41, %broadcast_in_dim3A_542 : vector<16xi32>
        %gather3A_544 = tpu.vector_load_idx %arg9[%add3A_543] : memref<16320xf32, #tpu.memory_space<vmem>>[vector<16xi32>], vector<16xf32>,
        %broadcast_in_dim3A_545 = arith.constant 268435456 : i32
        %broadcast_in_dim3A_546 = vector.broadcast %broadcast_in_dim3A_545 : i32 to vector<16xi32>
        %and3A_547 = arith.andi %gather3A, %broadcast_in_dim3A_546 : vector<16xi32>
        %broadcast_in_dim3A_548 = arith.constant 0 : i32
        %broadcast_in_dim3A_549 = vector.broadcast %broadcast_in_dim3A_548 : i32 to vector<16xi32>
        %ne3A_550 = arith.cmpi ne, %and3A_547, %broadcast_in_dim3A_549 : vector<16xi32>
        %gt3A_551 = arith.cmpf ogt, %gather3A_544, %select_n3A_489 : vector<16xf32>
        %and3A_552 = arith.andi %ne3A_550, %gt3A_551 : vector<16xi1>
        %select_n3A_553 = arith.select %and3A_552, %gather3A_544, %select_n3A_489 : vector<16xi1>, vector<16xf32>
        %broadcast_in_dim3A_554 = arith.constant 28 : i32
        %broadcast_in_dim3A_555 = vector.broadcast %broadcast_in_dim3A_554 : i32 to vector<16xi32>
        %select_n3A_556 = arith.select %and3A_552, %broadcast_in_dim3A_555, %select_n3A_492 : vector<16xi1>, vector<16xi32>
        %broadcast_in_dim3A_557 = arith.constant 29 : i32
        %broadcast_in_dim3A_558 = vector.broadcast %broadcast_in_dim3A_557 : i32 to vector<16xi32>
        %add3A_559 = arith.addi %mul3A_41, %broadcast_in_dim3A_558 : vector<16xi32>
        %gather3A_560 = tpu.vector_load_idx %arg9[%add3A_559] : memref<16320xf32, #tpu.memory_space<vmem>>[vector<16xi32>], vector<16xf32>,
        %broadcast_in_dim3A_561 = arith.constant 536870912 : i32
        %broadcast_in_dim3A_562 = vector.broadcast %broadcast_in_dim3A_561 : i32 to vector<16xi32>
        %and3A_563 = arith.andi %gather3A, %broadcast_in_dim3A_562 : vector<16xi32>
        %broadcast_in_dim3A_564 = arith.constant 0 : i32
        %broadcast_in_dim3A_565 = vector.broadcast %broadcast_in_dim3A_564 : i32 to vector<16xi32>
        %ne3A_566 = arith.cmpi ne, %and3A_563, %broadcast_in_dim3A_565 : vector<16xi32>
        %gt3A_567 = arith.cmpf ogt, %gather3A_560, %select_n3A_505 : vector<16xf32>
        %and3A_568 = arith.andi %ne3A_566, %gt3A_567 : vector<16xi1>
        %select_n3A_569 = arith.select %and3A_568, %gather3A_560, %select_n3A_505 : vector<16xi1>, vector<16xf32>
        %broadcast_in_dim3A_570 = arith.constant 29 : i32
        %broadcast_in_dim3A_571 = vector.broadcast %broadcast_in_dim3A_570 : i32 to vector<16xi32>
        %select_n3A_572 = arith.select %and3A_568, %broadcast_in_dim3A_571, %select_n3A_508 : vector<16xi1>, vector<16xi32>
        %broadcast_in_dim3A_573 = arith.constant 30 : i32
        %broadcast_in_dim3A_574 = vector.broadcast %broadcast_in_dim3A_573 : i32 to vector<16xi32>
        %add3A_575 = arith.addi %mul3A_41, %broadcast_in_dim3A_574 : vector<16xi32>
        %gather3A_576 = tpu.vector_load_idx %arg9[%add3A_575] : memref<16320xf32, #tpu.memory_space<vmem>>[vector<16xi32>], vector<16xf32>,
        %broadcast_in_dim3A_577 = arith.constant 1073741824 : i32
        %broadcast_in_dim3A_578 = vector.broadcast %broadcast_in_dim3A_577 : i32 to vector<16xi32>
        %and3A_579 = arith.andi %gather3A, %broadcast_in_dim3A_578 : vector<16xi32>
        %broadcast_in_dim3A_580 = arith.constant 0 : i32
        %broadcast_in_dim3A_581 = vector.broadcast %broadcast_in_dim3A_580 : i32 to vector<16xi32>
        %ne3A_582 = arith.cmpi ne, %and3A_579, %broadcast_in_dim3A_581 : vector<16xi32>
        %gt3A_583 = arith.cmpf ogt, %gather3A_576, %select_n3A_521 : vector<16xf32>
        %and3A_584 = arith.andi %ne3A_582, %gt3A_583 : vector<16xi1>
        %select_n3A_585 = arith.select %and3A_584, %gather3A_576, %select_n3A_521 : vector<16xi1>, vector<16xf32>
        %broadcast_in_dim3A_586 = arith.constant 30 : i32
        %broadcast_in_dim3A_587 = vector.broadcast %broadcast_in_dim3A_586 : i32 to vector<16xi32>
        %select_n3A_588 = arith.select %and3A_584, %broadcast_in_dim3A_587, %select_n3A_524 : vector<16xi1>, vector<16xi32>
        %broadcast_in_dim3A_589 = arith.constant 31 : i32
        %broadcast_in_dim3A_590 = vector.broadcast %broadcast_in_dim3A_589 : i32 to vector<16xi32>
        %add3A_591 = arith.addi %mul3A_41, %broadcast_in_dim3A_590 : vector<16xi32>
        %gather3A_592 = tpu.vector_load_idx %arg9[%add3A_591] : memref<16320xf32, #tpu.memory_space<vmem>>[vector<16xi32>], vector<16xf32>,
        %broadcast_in_dim3A_593 = arith.constant -2147483648 : i32
        %broadcast_in_dim3A_594 = vector.broadcast %broadcast_in_dim3A_593 : i32 to vector<16xi32>
        %and3A_595 = arith.andi %gather3A, %broadcast_in_dim3A_594 : vector<16xi32>
        %broadcast_in_dim3A_596 = arith.constant 0 : i32
        %broadcast_in_dim3A_597 = vector.broadcast %broadcast_in_dim3A_596 : i32 to vector<16xi32>
        %ne3A_598 = arith.cmpi ne, %and3A_595, %broadcast_in_dim3A_597 : vector<16xi32>
        %gt3A_599 = arith.cmpf ogt, %gather3A_592, %select_n3A_537 : vector<16xf32>
        %and3A_600 = arith.andi %ne3A_598, %gt3A_599 : vector<16xi1>
        %select_n3A_601 = arith.select %and3A_600, %gather3A_592, %select_n3A_537 : vector<16xi1>, vector<16xf32>
        %broadcast_in_dim3A_602 = arith.constant 31 : i32
        %broadcast_in_dim3A_603 = vector.broadcast %broadcast_in_dim3A_602 : i32 to vector<16xi32>
        %select_n3A_604 = arith.select %and3A_600, %broadcast_in_dim3A_603, %select_n3A_540 : vector<16xi1>, vector<16xi32>
        %broadcast_in_dim3A_605 = arith.constant 32 : i32
        %broadcast_in_dim3A_606 = vector.broadcast %broadcast_in_dim3A_605 : i32 to vector<16xi32>
        %add3A_607 = arith.addi %mul3A_41, %broadcast_in_dim3A_606 : vector<16xi32>
        %gather3A_608 = tpu.vector_load_idx %arg9[%add3A_607] : memref<16320xf32, #tpu.memory_space<vmem>>[vector<16xi32>], vector<16xf32>,
        %broadcast_in_dim3A_609 = arith.constant 1 : i32
        %broadcast_in_dim3A_610 = vector.broadcast %broadcast_in_dim3A_609 : i32 to vector<16xi32>
        %and3A_611 = arith.andi %gather3A_56, %broadcast_in_dim3A_610 : vector<16xi32>
        %broadcast_in_dim3A_612 = arith.constant 0 : i32
        %broadcast_in_dim3A_613 = vector.broadcast %broadcast_in_dim3A_612 : i32 to vector<16xi32>
        %ne3A_614 = arith.cmpi ne, %and3A_611, %broadcast_in_dim3A_613 : vector<16xi32>
        %gt3A_615 = arith.cmpf ogt, %gather3A_608, %select_n3A_553 : vector<16xf32>
        %and3A_616 = arith.andi %ne3A_614, %gt3A_615 : vector<16xi1>
        %select_n3A_617 = arith.select %and3A_616, %gather3A_608, %select_n3A_553 : vector<16xi1>, vector<16xf32>
        %broadcast_in_dim3A_618 = arith.constant 32 : i32
        %broadcast_in_dim3A_619 = vector.broadcast %broadcast_in_dim3A_618 : i32 to vector<16xi32>
        %select_n3A_620 = arith.select %and3A_616, %broadcast_in_dim3A_619, %select_n3A_556 : vector<16xi1>, vector<16xi32>
        %broadcast_in_dim3A_621 = arith.constant 33 : i32
        %broadcast_in_dim3A_622 = vector.broadcast %broadcast_in_dim3A_621 : i32 to vector<16xi32>
        %add3A_623 = arith.addi %mul3A_41, %broadcast_in_dim3A_622 : vector<16xi32>
        %gather3A_624 = tpu.vector_load_idx %arg9[%add3A_623] : memref<16320xf32, #tpu.memory_space<vmem>>[vector<16xi32>], vector<16xf32>,
        %broadcast_in_dim3A_625 = arith.constant 2 : i32
        %broadcast_in_dim3A_626 = vector.broadcast %broadcast_in_dim3A_625 : i32 to vector<16xi32>
        %and3A_627 = arith.andi %gather3A_56, %broadcast_in_dim3A_626 : vector<16xi32>
        %broadcast_in_dim3A_628 = arith.constant 0 : i32
        %broadcast_in_dim3A_629 = vector.broadcast %broadcast_in_dim3A_628 : i32 to vector<16xi32>
        %ne3A_630 = arith.cmpi ne, %and3A_627, %broadcast_in_dim3A_629 : vector<16xi32>
        %gt3A_631 = arith.cmpf ogt, %gather3A_624, %select_n3A_569 : vector<16xf32>
        %and3A_632 = arith.andi %ne3A_630, %gt3A_631 : vector<16xi1>
        %select_n3A_633 = arith.select %and3A_632, %gather3A_624, %select_n3A_569 : vector<16xi1>, vector<16xf32>
        %broadcast_in_dim3A_634 = arith.constant 33 : i32
        %broadcast_in_dim3A_635 = vector.broadcast %broadcast_in_dim3A_634 : i32 to vector<16xi32>
        %select_n3A_636 = arith.select %and3A_632, %broadcast_in_dim3A_635, %select_n3A_572 : vector<16xi1>, vector<16xi32>
        %broadcast_in_dim3A_637 = arith.constant 34 : i32
        %broadcast_in_dim3A_638 = vector.broadcast %broadcast_in_dim3A_637 : i32 to vector<16xi32>
        %add3A_639 = arith.addi %mul3A_41, %broadcast_in_dim3A_638 : vector<16xi32>
        %gather3A_640 = tpu.vector_load_idx %arg9[%add3A_639] : memref<16320xf32, #tpu.memory_space<vmem>>[vector<16xi32>], vector<16xf32>,
        %broadcast_in_dim3A_641 = arith.constant 4 : i32
        %broadcast_in_dim3A_642 = vector.broadcast %broadcast_in_dim3A_641 : i32 to vector<16xi32>
        %and3A_643 = arith.andi %gather3A_56, %broadcast_in_dim3A_642 : vector<16xi32>
        %broadcast_in_dim3A_644 = arith.constant 0 : i32
        %broadcast_in_dim3A_645 = vector.broadcast %broadcast_in_dim3A_644 : i32 to vector<16xi32>
        %ne3A_646 = arith.cmpi ne, %and3A_643, %broadcast_in_dim3A_645 : vector<16xi32>
        %gt3A_647 = arith.cmpf ogt, %gather3A_640, %select_n3A_585 : vector<16xf32>
        %and3A_648 = arith.andi %ne3A_646, %gt3A_647 : vector<16xi1>
        %select_n3A_649 = arith.select %and3A_648, %gather3A_640, %select_n3A_585 : vector<16xi1>, vector<16xf32>
        %broadcast_in_dim3A_650 = arith.constant 34 : i32
        %broadcast_in_dim3A_651 = vector.broadcast %broadcast_in_dim3A_650 : i32 to vector<16xi32>
        %select_n3A_652 = arith.select %and3A_648, %broadcast_in_dim3A_651, %select_n3A_588 : vector<16xi1>, vector<16xi32>
        %broadcast_in_dim3A_653 = arith.constant 35 : i32
        %broadcast_in_dim3A_654 = vector.broadcast %broadcast_in_dim3A_653 : i32 to vector<16xi32>
        %add3A_655 = arith.addi %mul3A_41, %broadcast_in_dim3A_654 : vector<16xi32>
        %gather3A_656 = tpu.vector_load_idx %arg9[%add3A_655] : memref<16320xf32, #tpu.memory_space<vmem>>[vector<16xi32>], vector<16xf32>,
        %broadcast_in_dim3A_657 = arith.constant 8 : i32
        %broadcast_in_dim3A_658 = vector.broadcast %broadcast_in_dim3A_657 : i32 to vector<16xi32>
        %and3A_659 = arith.andi %gather3A_56, %broadcast_in_dim3A_658 : vector<16xi32>
        %broadcast_in_dim3A_660 = arith.constant 0 : i32
        %broadcast_in_dim3A_661 = vector.broadcast %broadcast_in_dim3A_660 : i32 to vector<16xi32>
        %ne3A_662 = arith.cmpi ne, %and3A_659, %broadcast_in_dim3A_661 : vector<16xi32>
        %gt3A_663 = arith.cmpf ogt, %gather3A_656, %select_n3A_601 : vector<16xf32>
        %and3A_664 = arith.andi %ne3A_662, %gt3A_663 : vector<16xi1>
        %select_n3A_665 = arith.select %and3A_664, %gather3A_656, %select_n3A_601 : vector<16xi1>, vector<16xf32>
        %broadcast_in_dim3A_666 = arith.constant 35 : i32
        %broadcast_in_dim3A_667 = vector.broadcast %broadcast_in_dim3A_666 : i32 to vector<16xi32>
        %select_n3A_668 = arith.select %and3A_664, %broadcast_in_dim3A_667, %select_n3A_604 : vector<16xi1>, vector<16xi32>
        %broadcast_in_dim3A_669 = arith.constant 36 : i32
        %broadcast_in_dim3A_670 = vector.broadcast %broadcast_in_dim3A_669 : i32 to vector<16xi32>
        %add3A_671 = arith.addi %mul3A_41, %broadcast_in_dim3A_670 : vector<16xi32>
        %gather3A_672 = tpu.vector_load_idx %arg9[%add3A_671] : memref<16320xf32, #tpu.memory_space<vmem>>[vector<16xi32>], vector<16xf32>,
        %broadcast_in_dim3A_673 = arith.constant 16 : i32
        %broadcast_in_dim3A_674 = vector.broadcast %broadcast_in_dim3A_673 : i32 to vector<16xi32>
        %and3A_675 = arith.andi %gather3A_56, %broadcast_in_dim3A_674 : vector<16xi32>
        %broadcast_in_dim3A_676 = arith.constant 0 : i32
        %broadcast_in_dim3A_677 = vector.broadcast %broadcast_in_dim3A_676 : i32 to vector<16xi32>
        %ne3A_678 = arith.cmpi ne, %and3A_675, %broadcast_in_dim3A_677 : vector<16xi32>
        %gt3A_679 = arith.cmpf ogt, %gather3A_672, %select_n3A_617 : vector<16xf32>
        %and3A_680 = arith.andi %ne3A_678, %gt3A_679 : vector<16xi1>
        %select_n3A_681 = arith.select %and3A_680, %gather3A_672, %select_n3A_617 : vector<16xi1>, vector<16xf32>
        %broadcast_in_dim3A_682 = arith.constant 36 : i32
        %broadcast_in_dim3A_683 = vector.broadcast %broadcast_in_dim3A_682 : i32 to vector<16xi32>
        %select_n3A_684 = arith.select %and3A_680, %broadcast_in_dim3A_683, %select_n3A_620 : vector<16xi1>, vector<16xi32>
        %broadcast_in_dim3A_685 = arith.constant 37 : i32
        %broadcast_in_dim3A_686 = vector.broadcast %broadcast_in_dim3A_685 : i32 to vector<16xi32>
        %add3A_687 = arith.addi %mul3A_41, %broadcast_in_dim3A_686 : vector<16xi32>
        %gather3A_688 = tpu.vector_load_idx %arg9[%add3A_687] : memref<16320xf32, #tpu.memory_space<vmem>>[vector<16xi32>], vector<16xf32>,
        %broadcast_in_dim3A_689 = arith.constant 32 : i32
        %broadcast_in_dim3A_690 = vector.broadcast %broadcast_in_dim3A_689 : i32 to vector<16xi32>
        %and3A_691 = arith.andi %gather3A_56, %broadcast_in_dim3A_690 : vector<16xi32>
        %broadcast_in_dim3A_692 = arith.constant 0 : i32
        %broadcast_in_dim3A_693 = vector.broadcast %broadcast_in_dim3A_692 : i32 to vector<16xi32>
        %ne3A_694 = arith.cmpi ne, %and3A_691, %broadcast_in_dim3A_693 : vector<16xi32>
        %gt3A_695 = arith.cmpf ogt, %gather3A_688, %select_n3A_633 : vector<16xf32>
        %and3A_696 = arith.andi %ne3A_694, %gt3A_695 : vector<16xi1>
        %select_n3A_697 = arith.select %and3A_696, %gather3A_688, %select_n3A_633 : vector<16xi1>, vector<16xf32>
        %broadcast_in_dim3A_698 = arith.constant 37 : i32
        %broadcast_in_dim3A_699 = vector.broadcast %broadcast_in_dim3A_698 : i32 to vector<16xi32>
        %select_n3A_700 = arith.select %and3A_696, %broadcast_in_dim3A_699, %select_n3A_636 : vector<16xi1>, vector<16xi32>
        %broadcast_in_dim3A_701 = arith.constant 38 : i32
        %broadcast_in_dim3A_702 = vector.broadcast %broadcast_in_dim3A_701 : i32 to vector<16xi32>
        %add3A_703 = arith.addi %mul3A_41, %broadcast_in_dim3A_702 : vector<16xi32>
        %gather3A_704 = tpu.vector_load_idx %arg9[%add3A_703] : memref<16320xf32, #tpu.memory_space<vmem>>[vector<16xi32>], vector<16xf32>,
        %broadcast_in_dim3A_705 = arith.constant 64 : i32
        %broadcast_in_dim3A_706 = vector.broadcast %broadcast_in_dim3A_705 : i32 to vector<16xi32>
        %and3A_707 = arith.andi %gather3A_56, %broadcast_in_dim3A_706 : vector<16xi32>
        %broadcast_in_dim3A_708 = arith.constant 0 : i32
        %broadcast_in_dim3A_709 = vector.broadcast %broadcast_in_dim3A_708 : i32 to vector<16xi32>
        %ne3A_710 = arith.cmpi ne, %and3A_707, %broadcast_in_dim3A_709 : vector<16xi32>
        %gt3A_711 = arith.cmpf ogt, %gather3A_704, %select_n3A_649 : vector<16xf32>
        %and3A_712 = arith.andi %ne3A_710, %gt3A_711 : vector<16xi1>
        %select_n3A_713 = arith.select %and3A_712, %gather3A_704, %select_n3A_649 : vector<16xi1>, vector<16xf32>
        %broadcast_in_dim3A_714 = arith.constant 38 : i32
        %broadcast_in_dim3A_715 = vector.broadcast %broadcast_in_dim3A_714 : i32 to vector<16xi32>
        %select_n3A_716 = arith.select %and3A_712, %broadcast_in_dim3A_715, %select_n3A_652 : vector<16xi1>, vector<16xi32>
        %broadcast_in_dim3A_717 = arith.constant 39 : i32
        %broadcast_in_dim3A_718 = vector.broadcast %broadcast_in_dim3A_717 : i32 to vector<16xi32>
        %add3A_719 = arith.addi %mul3A_41, %broadcast_in_dim3A_718 : vector<16xi32>
        %gather3A_720 = tpu.vector_load_idx %arg9[%add3A_719] : memref<16320xf32, #tpu.memory_space<vmem>>[vector<16xi32>], vector<16xf32>,
        %broadcast_in_dim3A_721 = arith.constant 128 : i32
        %broadcast_in_dim3A_722 = vector.broadcast %broadcast_in_dim3A_721 : i32 to vector<16xi32>
        %and3A_723 = arith.andi %gather3A_56, %broadcast_in_dim3A_722 : vector<16xi32>
        %broadcast_in_dim3A_724 = arith.constant 0 : i32
        %broadcast_in_dim3A_725 = vector.broadcast %broadcast_in_dim3A_724 : i32 to vector<16xi32>
        %ne3A_726 = arith.cmpi ne, %and3A_723, %broadcast_in_dim3A_725 : vector<16xi32>
        %gt3A_727 = arith.cmpf ogt, %gather3A_720, %select_n3A_665 : vector<16xf32>
        %and3A_728 = arith.andi %ne3A_726, %gt3A_727 : vector<16xi1>
        %select_n3A_729 = arith.select %and3A_728, %gather3A_720, %select_n3A_665 : vector<16xi1>, vector<16xf32>
        %broadcast_in_dim3A_730 = arith.constant 39 : i32
        %broadcast_in_dim3A_731 = vector.broadcast %broadcast_in_dim3A_730 : i32 to vector<16xi32>
        %select_n3A_732 = arith.select %and3A_728, %broadcast_in_dim3A_731, %select_n3A_668 : vector<16xi1>, vector<16xi32>
        %broadcast_in_dim3A_733 = arith.constant 40 : i32
        %broadcast_in_dim3A_734 = vector.broadcast %broadcast_in_dim3A_733 : i32 to vector<16xi32>
        %add3A_735 = arith.addi %mul3A_41, %broadcast_in_dim3A_734 : vector<16xi32>
        %gather3A_736 = tpu.vector_load_idx %arg9[%add3A_735] : memref<16320xf32, #tpu.memory_space<vmem>>[vector<16xi32>], vector<16xf32>,
        %broadcast_in_dim3A_737 = arith.constant 256 : i32
        %broadcast_in_dim3A_738 = vector.broadcast %broadcast_in_dim3A_737 : i32 to vector<16xi32>
        %and3A_739 = arith.andi %gather3A_56, %broadcast_in_dim3A_738 : vector<16xi32>
        %broadcast_in_dim3A_740 = arith.constant 0 : i32
        %broadcast_in_dim3A_741 = vector.broadcast %broadcast_in_dim3A_740 : i32 to vector<16xi32>
        %ne3A_742 = arith.cmpi ne, %and3A_739, %broadcast_in_dim3A_741 : vector<16xi32>
        %gt3A_743 = arith.cmpf ogt, %gather3A_736, %select_n3A_681 : vector<16xf32>
        %and3A_744 = arith.andi %ne3A_742, %gt3A_743 : vector<16xi1>
        %select_n3A_745 = arith.select %and3A_744, %gather3A_736, %select_n3A_681 : vector<16xi1>, vector<16xf32>
        %broadcast_in_dim3A_746 = arith.constant 40 : i32
        %broadcast_in_dim3A_747 = vector.broadcast %broadcast_in_dim3A_746 : i32 to vector<16xi32>
        %select_n3A_748 = arith.select %and3A_744, %broadcast_in_dim3A_747, %select_n3A_684 : vector<16xi1>, vector<16xi32>
        %broadcast_in_dim3A_749 = arith.constant 41 : i32
        %broadcast_in_dim3A_750 = vector.broadcast %broadcast_in_dim3A_749 : i32 to vector<16xi32>
        %add3A_751 = arith.addi %mul3A_41, %broadcast_in_dim3A_750 : vector<16xi32>
        %gather3A_752 = tpu.vector_load_idx %arg9[%add3A_751] : memref<16320xf32, #tpu.memory_space<vmem>>[vector<16xi32>], vector<16xf32>,
        %broadcast_in_dim3A_753 = arith.constant 512 : i32
        %broadcast_in_dim3A_754 = vector.broadcast %broadcast_in_dim3A_753 : i32 to vector<16xi32>
        %and3A_755 = arith.andi %gather3A_56, %broadcast_in_dim3A_754 : vector<16xi32>
        %broadcast_in_dim3A_756 = arith.constant 0 : i32
        %broadcast_in_dim3A_757 = vector.broadcast %broadcast_in_dim3A_756 : i32 to vector<16xi32>
        %ne3A_758 = arith.cmpi ne, %and3A_755, %broadcast_in_dim3A_757 : vector<16xi32>
        %gt3A_759 = arith.cmpf ogt, %gather3A_752, %select_n3A_697 : vector<16xf32>
        %and3A_760 = arith.andi %ne3A_758, %gt3A_759 : vector<16xi1>
        %select_n3A_761 = arith.select %and3A_760, %gather3A_752, %select_n3A_697 : vector<16xi1>, vector<16xf32>
        %broadcast_in_dim3A_762 = arith.constant 41 : i32
        %broadcast_in_dim3A_763 = vector.broadcast %broadcast_in_dim3A_762 : i32 to vector<16xi32>
        %select_n3A_764 = arith.select %and3A_760, %broadcast_in_dim3A_763, %select_n3A_700 : vector<16xi1>, vector<16xi32>
        %broadcast_in_dim3A_765 = arith.constant 42 : i32
        %broadcast_in_dim3A_766 = vector.broadcast %broadcast_in_dim3A_765 : i32 to vector<16xi32>
        %add3A_767 = arith.addi %mul3A_41, %broadcast_in_dim3A_766 : vector<16xi32>
        %gather3A_768 = tpu.vector_load_idx %arg9[%add3A_767] : memref<16320xf32, #tpu.memory_space<vmem>>[vector<16xi32>], vector<16xf32>,
        %broadcast_in_dim3A_769 = arith.constant 1024 : i32
        %broadcast_in_dim3A_770 = vector.broadcast %broadcast_in_dim3A_769 : i32 to vector<16xi32>
        %and3A_771 = arith.andi %gather3A_56, %broadcast_in_dim3A_770 : vector<16xi32>
        %broadcast_in_dim3A_772 = arith.constant 0 : i32
        %broadcast_in_dim3A_773 = vector.broadcast %broadcast_in_dim3A_772 : i32 to vector<16xi32>
        %ne3A_774 = arith.cmpi ne, %and3A_771, %broadcast_in_dim3A_773 : vector<16xi32>
        %gt3A_775 = arith.cmpf ogt, %gather3A_768, %select_n3A_713 : vector<16xf32>
        %and3A_776 = arith.andi %ne3A_774, %gt3A_775 : vector<16xi1>
        %select_n3A_777 = arith.select %and3A_776, %gather3A_768, %select_n3A_713 : vector<16xi1>, vector<16xf32>
        %broadcast_in_dim3A_778 = arith.constant 42 : i32
        %broadcast_in_dim3A_779 = vector.broadcast %broadcast_in_dim3A_778 : i32 to vector<16xi32>
        %select_n3A_780 = arith.select %and3A_776, %broadcast_in_dim3A_779, %select_n3A_716 : vector<16xi1>, vector<16xi32>
        %broadcast_in_dim3A_781 = arith.constant 43 : i32
        %broadcast_in_dim3A_782 = vector.broadcast %broadcast_in_dim3A_781 : i32 to vector<16xi32>
        %add3A_783 = arith.addi %mul3A_41, %broadcast_in_dim3A_782 : vector<16xi32>
        %gather3A_784 = tpu.vector_load_idx %arg9[%add3A_783] : memref<16320xf32, #tpu.memory_space<vmem>>[vector<16xi32>], vector<16xf32>,
        %broadcast_in_dim3A_785 = arith.constant 2048 : i32
        %broadcast_in_dim3A_786 = vector.broadcast %broadcast_in_dim3A_785 : i32 to vector<16xi32>
        %and3A_787 = arith.andi %gather3A_56, %broadcast_in_dim3A_786 : vector<16xi32>
        %broadcast_in_dim3A_788 = arith.constant 0 : i32
        %broadcast_in_dim3A_789 = vector.broadcast %broadcast_in_dim3A_788 : i32 to vector<16xi32>
        %ne3A_790 = arith.cmpi ne, %and3A_787, %broadcast_in_dim3A_789 : vector<16xi32>
        %gt3A_791 = arith.cmpf ogt, %gather3A_784, %select_n3A_729 : vector<16xf32>
        %and3A_792 = arith.andi %ne3A_790, %gt3A_791 : vector<16xi1>
        %select_n3A_793 = arith.select %and3A_792, %gather3A_784, %select_n3A_729 : vector<16xi1>, vector<16xf32>
        %broadcast_in_dim3A_794 = arith.constant 43 : i32
        %broadcast_in_dim3A_795 = vector.broadcast %broadcast_in_dim3A_794 : i32 to vector<16xi32>
        %select_n3A_796 = arith.select %and3A_792, %broadcast_in_dim3A_795, %select_n3A_732 : vector<16xi1>, vector<16xi32>
        %broadcast_in_dim3A_797 = arith.constant 44 : i32
        %broadcast_in_dim3A_798 = vector.broadcast %broadcast_in_dim3A_797 : i32 to vector<16xi32>
        %add3A_799 = arith.addi %mul3A_41, %broadcast_in_dim3A_798 : vector<16xi32>
        %gather3A_800 = tpu.vector_load_idx %arg9[%add3A_799] : memref<16320xf32, #tpu.memory_space<vmem>>[vector<16xi32>], vector<16xf32>,
        %broadcast_in_dim3A_801 = arith.constant 4096 : i32
        %broadcast_in_dim3A_802 = vector.broadcast %broadcast_in_dim3A_801 : i32 to vector<16xi32>
        %and3A_803 = arith.andi %gather3A_56, %broadcast_in_dim3A_802 : vector<16xi32>
        %broadcast_in_dim3A_804 = arith.constant 0 : i32
        %broadcast_in_dim3A_805 = vector.broadcast %broadcast_in_dim3A_804 : i32 to vector<16xi32>
        %ne3A_806 = arith.cmpi ne, %and3A_803, %broadcast_in_dim3A_805 : vector<16xi32>
        %gt3A_807 = arith.cmpf ogt, %gather3A_800, %select_n3A_745 : vector<16xf32>
        %and3A_808 = arith.andi %ne3A_806, %gt3A_807 : vector<16xi1>
        %select_n3A_809 = arith.select %and3A_808, %gather3A_800, %select_n3A_745 : vector<16xi1>, vector<16xf32>
        %broadcast_in_dim3A_810 = arith.constant 44 : i32
        %broadcast_in_dim3A_811 = vector.broadcast %broadcast_in_dim3A_810 : i32 to vector<16xi32>
        %select_n3A_812 = arith.select %and3A_808, %broadcast_in_dim3A_811, %select_n3A_748 : vector<16xi1>, vector<16xi32>
        %broadcast_in_dim3A_813 = arith.constant 45 : i32
        %broadcast_in_dim3A_814 = vector.broadcast %broadcast_in_dim3A_813 : i32 to vector<16xi32>
        %add3A_815 = arith.addi %mul3A_41, %broadcast_in_dim3A_814 : vector<16xi32>
        %gather3A_816 = tpu.vector_load_idx %arg9[%add3A_815] : memref<16320xf32, #tpu.memory_space<vmem>>[vector<16xi32>], vector<16xf32>,
        %broadcast_in_dim3A_817 = arith.constant 8192 : i32
        %broadcast_in_dim3A_818 = vector.broadcast %broadcast_in_dim3A_817 : i32 to vector<16xi32>
        %and3A_819 = arith.andi %gather3A_56, %broadcast_in_dim3A_818 : vector<16xi32>
        %broadcast_in_dim3A_820 = arith.constant 0 : i32
        %broadcast_in_dim3A_821 = vector.broadcast %broadcast_in_dim3A_820 : i32 to vector<16xi32>
        %ne3A_822 = arith.cmpi ne, %and3A_819, %broadcast_in_dim3A_821 : vector<16xi32>
        %gt3A_823 = arith.cmpf ogt, %gather3A_816, %select_n3A_761 : vector<16xf32>
        %and3A_824 = arith.andi %ne3A_822, %gt3A_823 : vector<16xi1>
        %select_n3A_825 = arith.select %and3A_824, %gather3A_816, %select_n3A_761 : vector<16xi1>, vector<16xf32>
        %broadcast_in_dim3A_826 = arith.constant 45 : i32
        %broadcast_in_dim3A_827 = vector.broadcast %broadcast_in_dim3A_826 : i32 to vector<16xi32>
        %select_n3A_828 = arith.select %and3A_824, %broadcast_in_dim3A_827, %select_n3A_764 : vector<16xi1>, vector<16xi32>
        %broadcast_in_dim3A_829 = arith.constant 46 : i32
        %broadcast_in_dim3A_830 = vector.broadcast %broadcast_in_dim3A_829 : i32 to vector<16xi32>
        %add3A_831 = arith.addi %mul3A_41, %broadcast_in_dim3A_830 : vector<16xi32>
        %gather3A_832 = tpu.vector_load_idx %arg9[%add3A_831] : memref<16320xf32, #tpu.memory_space<vmem>>[vector<16xi32>], vector<16xf32>,
        %broadcast_in_dim3A_833 = arith.constant 16384 : i32
        %broadcast_in_dim3A_834 = vector.broadcast %broadcast_in_dim3A_833 : i32 to vector<16xi32>
        %and3A_835 = arith.andi %gather3A_56, %broadcast_in_dim3A_834 : vector<16xi32>
        %broadcast_in_dim3A_836 = arith.constant 0 : i32
        %broadcast_in_dim3A_837 = vector.broadcast %broadcast_in_dim3A_836 : i32 to vector<16xi32>
        %ne3A_838 = arith.cmpi ne, %and3A_835, %broadcast_in_dim3A_837 : vector<16xi32>
        %gt3A_839 = arith.cmpf ogt, %gather3A_832, %select_n3A_777 : vector<16xf32>
        %and3A_840 = arith.andi %ne3A_838, %gt3A_839 : vector<16xi1>
        %select_n3A_841 = arith.select %and3A_840, %gather3A_832, %select_n3A_777 : vector<16xi1>, vector<16xf32>
        %broadcast_in_dim3A_842 = arith.constant 46 : i32
        %broadcast_in_dim3A_843 = vector.broadcast %broadcast_in_dim3A_842 : i32 to vector<16xi32>
        %select_n3A_844 = arith.select %and3A_840, %broadcast_in_dim3A_843, %select_n3A_780 : vector<16xi1>, vector<16xi32>
        %broadcast_in_dim3A_845 = arith.constant 47 : i32
        %broadcast_in_dim3A_846 = vector.broadcast %broadcast_in_dim3A_845 : i32 to vector<16xi32>
        %add3A_847 = arith.addi %mul3A_41, %broadcast_in_dim3A_846 : vector<16xi32>
        %gather3A_848 = tpu.vector_load_idx %arg9[%add3A_847] : memref<16320xf32, #tpu.memory_space<vmem>>[vector<16xi32>], vector<16xf32>,
        %broadcast_in_dim3A_849 = arith.constant 32768 : i32
        %broadcast_in_dim3A_850 = vector.broadcast %broadcast_in_dim3A_849 : i32 to vector<16xi32>
        %and3A_851 = arith.andi %gather3A_56, %broadcast_in_dim3A_850 : vector<16xi32>
        %broadcast_in_dim3A_852 = arith.constant 0 : i32
        %broadcast_in_dim3A_853 = vector.broadcast %broadcast_in_dim3A_852 : i32 to vector<16xi32>
        %ne3A_854 = arith.cmpi ne, %and3A_851, %broadcast_in_dim3A_853 : vector<16xi32>
        %gt3A_855 = arith.cmpf ogt, %gather3A_848, %select_n3A_793 : vector<16xf32>
        %and3A_856 = arith.andi %ne3A_854, %gt3A_855 : vector<16xi1>
        %select_n3A_857 = arith.select %and3A_856, %gather3A_848, %select_n3A_793 : vector<16xi1>, vector<16xf32>
        %broadcast_in_dim3A_858 = arith.constant 47 : i32
        %broadcast_in_dim3A_859 = vector.broadcast %broadcast_in_dim3A_858 : i32 to vector<16xi32>
        %select_n3A_860 = arith.select %and3A_856, %broadcast_in_dim3A_859, %select_n3A_796 : vector<16xi1>, vector<16xi32>
        %broadcast_in_dim3A_861 = arith.constant 48 : i32
        %broadcast_in_dim3A_862 = vector.broadcast %broadcast_in_dim3A_861 : i32 to vector<16xi32>
        %add3A_863 = arith.addi %mul3A_41, %broadcast_in_dim3A_862 : vector<16xi32>
        %gather3A_864 = tpu.vector_load_idx %arg9[%add3A_863] : memref<16320xf32, #tpu.memory_space<vmem>>[vector<16xi32>], vector<16xf32>,
        %broadcast_in_dim3A_865 = arith.constant 65536 : i32
        %broadcast_in_dim3A_866 = vector.broadcast %broadcast_in_dim3A_865 : i32 to vector<16xi32>
        %and3A_867 = arith.andi %gather3A_56, %broadcast_in_dim3A_866 : vector<16xi32>
        %broadcast_in_dim3A_868 = arith.constant 0 : i32
        %broadcast_in_dim3A_869 = vector.broadcast %broadcast_in_dim3A_868 : i32 to vector<16xi32>
        %ne3A_870 = arith.cmpi ne, %and3A_867, %broadcast_in_dim3A_869 : vector<16xi32>
        %gt3A_871 = arith.cmpf ogt, %gather3A_864, %select_n3A_809 : vector<16xf32>
        %and3A_872 = arith.andi %ne3A_870, %gt3A_871 : vector<16xi1>
        %select_n3A_873 = arith.select %and3A_872, %gather3A_864, %select_n3A_809 : vector<16xi1>, vector<16xf32>
        %broadcast_in_dim3A_874 = arith.constant 48 : i32
        %broadcast_in_dim3A_875 = vector.broadcast %broadcast_in_dim3A_874 : i32 to vector<16xi32>
        %select_n3A_876 = arith.select %and3A_872, %broadcast_in_dim3A_875, %select_n3A_812 : vector<16xi1>, vector<16xi32>
        %broadcast_in_dim3A_877 = arith.constant 49 : i32
        %broadcast_in_dim3A_878 = vector.broadcast %broadcast_in_dim3A_877 : i32 to vector<16xi32>
        %add3A_879 = arith.addi %mul3A_41, %broadcast_in_dim3A_878 : vector<16xi32>
        %gather3A_880 = tpu.vector_load_idx %arg9[%add3A_879] : memref<16320xf32, #tpu.memory_space<vmem>>[vector<16xi32>], vector<16xf32>,
        %broadcast_in_dim3A_881 = arith.constant 131072 : i32
        %broadcast_in_dim3A_882 = vector.broadcast %broadcast_in_dim3A_881 : i32 to vector<16xi32>
        %and3A_883 = arith.andi %gather3A_56, %broadcast_in_dim3A_882 : vector<16xi32>
        %broadcast_in_dim3A_884 = arith.constant 0 : i32
        %broadcast_in_dim3A_885 = vector.broadcast %broadcast_in_dim3A_884 : i32 to vector<16xi32>
        %ne3A_886 = arith.cmpi ne, %and3A_883, %broadcast_in_dim3A_885 : vector<16xi32>
        %gt3A_887 = arith.cmpf ogt, %gather3A_880, %select_n3A_825 : vector<16xf32>
        %and3A_888 = arith.andi %ne3A_886, %gt3A_887 : vector<16xi1>
        %select_n3A_889 = arith.select %and3A_888, %gather3A_880, %select_n3A_825 : vector<16xi1>, vector<16xf32>
        %broadcast_in_dim3A_890 = arith.constant 49 : i32
        %broadcast_in_dim3A_891 = vector.broadcast %broadcast_in_dim3A_890 : i32 to vector<16xi32>
        %select_n3A_892 = arith.select %and3A_888, %broadcast_in_dim3A_891, %select_n3A_828 : vector<16xi1>, vector<16xi32>
        %broadcast_in_dim3A_893 = arith.constant 50 : i32
        %broadcast_in_dim3A_894 = vector.broadcast %broadcast_in_dim3A_893 : i32 to vector<16xi32>
        %add3A_895 = arith.addi %mul3A_41, %broadcast_in_dim3A_894 : vector<16xi32>
        %gather3A_896 = tpu.vector_load_idx %arg9[%add3A_895] : memref<16320xf32, #tpu.memory_space<vmem>>[vector<16xi32>], vector<16xf32>,
        %broadcast_in_dim3A_897 = arith.constant 262144 : i32
        %broadcast_in_dim3A_898 = vector.broadcast %broadcast_in_dim3A_897 : i32 to vector<16xi32>
        %and3A_899 = arith.andi %gather3A_56, %broadcast_in_dim3A_898 : vector<16xi32>
        %broadcast_in_dim3A_900 = arith.constant 0 : i32
        %broadcast_in_dim3A_901 = vector.broadcast %broadcast_in_dim3A_900 : i32 to vector<16xi32>
        %ne3A_902 = arith.cmpi ne, %and3A_899, %broadcast_in_dim3A_901 : vector<16xi32>
        %gt3A_903 = arith.cmpf ogt, %gather3A_896, %select_n3A_841 : vector<16xf32>
        %and3A_904 = arith.andi %ne3A_902, %gt3A_903 : vector<16xi1>
        %select_n3A_905 = arith.select %and3A_904, %gather3A_896, %select_n3A_841 : vector<16xi1>, vector<16xf32>
        %broadcast_in_dim3A_906 = arith.constant 50 : i32
        %broadcast_in_dim3A_907 = vector.broadcast %broadcast_in_dim3A_906 : i32 to vector<16xi32>
        %select_n3A_908 = arith.select %and3A_904, %broadcast_in_dim3A_907, %select_n3A_844 : vector<16xi1>, vector<16xi32>
        %broadcast_in_dim3A_909 = arith.constant 51 : i32
        %broadcast_in_dim3A_910 = vector.broadcast %broadcast_in_dim3A_909 : i32 to vector<16xi32>
        %add3A_911 = arith.addi %mul3A_41, %broadcast_in_dim3A_910 : vector<16xi32>
        %gather3A_912 = tpu.vector_load_idx %arg9[%add3A_911] : memref<16320xf32, #tpu.memory_space<vmem>>[vector<16xi32>], vector<16xf32>,
        %broadcast_in_dim3A_913 = arith.constant 524288 : i32
        %broadcast_in_dim3A_914 = vector.broadcast %broadcast_in_dim3A_913 : i32 to vector<16xi32>
        %and3A_915 = arith.andi %gather3A_56, %broadcast_in_dim3A_914 : vector<16xi32>
        %broadcast_in_dim3A_916 = arith.constant 0 : i32
        %broadcast_in_dim3A_917 = vector.broadcast %broadcast_in_dim3A_916 : i32 to vector<16xi32>
        %ne3A_918 = arith.cmpi ne, %and3A_915, %broadcast_in_dim3A_917 : vector<16xi32>
        %gt3A_919 = arith.cmpf ogt, %gather3A_912, %select_n3A_857 : vector<16xf32>
        %and3A_920 = arith.andi %ne3A_918, %gt3A_919 : vector<16xi1>
        %select_n3A_921 = arith.select %and3A_920, %gather3A_912, %select_n3A_857 : vector<16xi1>, vector<16xf32>
        %broadcast_in_dim3A_922 = arith.constant 51 : i32
        %broadcast_in_dim3A_923 = vector.broadcast %broadcast_in_dim3A_922 : i32 to vector<16xi32>
        %select_n3A_924 = arith.select %and3A_920, %broadcast_in_dim3A_923, %select_n3A_860 : vector<16xi1>, vector<16xi32>
        %broadcast_in_dim3A_925 = arith.constant 52 : i32
        %broadcast_in_dim3A_926 = vector.broadcast %broadcast_in_dim3A_925 : i32 to vector<16xi32>
        %add3A_927 = arith.addi %mul3A_41, %broadcast_in_dim3A_926 : vector<16xi32>
        %gather3A_928 = tpu.vector_load_idx %arg9[%add3A_927] : memref<16320xf32, #tpu.memory_space<vmem>>[vector<16xi32>], vector<16xf32>,
        %broadcast_in_dim3A_929 = arith.constant 1048576 : i32
        %broadcast_in_dim3A_930 = vector.broadcast %broadcast_in_dim3A_929 : i32 to vector<16xi32>
        %and3A_931 = arith.andi %gather3A_56, %broadcast_in_dim3A_930 : vector<16xi32>
        %broadcast_in_dim3A_932 = arith.constant 0 : i32
        %broadcast_in_dim3A_933 = vector.broadcast %broadcast_in_dim3A_932 : i32 to vector<16xi32>
        %ne3A_934 = arith.cmpi ne, %and3A_931, %broadcast_in_dim3A_933 : vector<16xi32>
        %gt3A_935 = arith.cmpf ogt, %gather3A_928, %select_n3A_873 : vector<16xf32>
        %and3A_936 = arith.andi %ne3A_934, %gt3A_935 : vector<16xi1>
        %select_n3A_937 = arith.select %and3A_936, %gather3A_928, %select_n3A_873 : vector<16xi1>, vector<16xf32>
        %broadcast_in_dim3A_938 = arith.constant 52 : i32
        %broadcast_in_dim3A_939 = vector.broadcast %broadcast_in_dim3A_938 : i32 to vector<16xi32>
        %select_n3A_940 = arith.select %and3A_936, %broadcast_in_dim3A_939, %select_n3A_876 : vector<16xi1>, vector<16xi32>
        %broadcast_in_dim3A_941 = arith.constant 53 : i32
        %broadcast_in_dim3A_942 = vector.broadcast %broadcast_in_dim3A_941 : i32 to vector<16xi32>
        %add3A_943 = arith.addi %mul3A_41, %broadcast_in_dim3A_942 : vector<16xi32>
        %gather3A_944 = tpu.vector_load_idx %arg9[%add3A_943] : memref<16320xf32, #tpu.memory_space<vmem>>[vector<16xi32>], vector<16xf32>,
        %broadcast_in_dim3A_945 = arith.constant 2097152 : i32
        %broadcast_in_dim3A_946 = vector.broadcast %broadcast_in_dim3A_945 : i32 to vector<16xi32>
        %and3A_947 = arith.andi %gather3A_56, %broadcast_in_dim3A_946 : vector<16xi32>
        %broadcast_in_dim3A_948 = arith.constant 0 : i32
        %broadcast_in_dim3A_949 = vector.broadcast %broadcast_in_dim3A_948 : i32 to vector<16xi32>
        %ne3A_950 = arith.cmpi ne, %and3A_947, %broadcast_in_dim3A_949 : vector<16xi32>
        %gt3A_951 = arith.cmpf ogt, %gather3A_944, %select_n3A_889 : vector<16xf32>
        %and3A_952 = arith.andi %ne3A_950, %gt3A_951 : vector<16xi1>
        %select_n3A_953 = arith.select %and3A_952, %gather3A_944, %select_n3A_889 : vector<16xi1>, vector<16xf32>
        %broadcast_in_dim3A_954 = arith.constant 53 : i32
        %broadcast_in_dim3A_955 = vector.broadcast %broadcast_in_dim3A_954 : i32 to vector<16xi32>
        %select_n3A_956 = arith.select %and3A_952, %broadcast_in_dim3A_955, %select_n3A_892 : vector<16xi1>, vector<16xi32>
        %broadcast_in_dim3A_957 = arith.constant 54 : i32
        %broadcast_in_dim3A_958 = vector.broadcast %broadcast_in_dim3A_957 : i32 to vector<16xi32>
        %add3A_959 = arith.addi %mul3A_41, %broadcast_in_dim3A_958 : vector<16xi32>
        %gather3A_960 = tpu.vector_load_idx %arg9[%add3A_959] : memref<16320xf32, #tpu.memory_space<vmem>>[vector<16xi32>], vector<16xf32>,
        %broadcast_in_dim3A_961 = arith.constant 4194304 : i32
        %broadcast_in_dim3A_962 = vector.broadcast %broadcast_in_dim3A_961 : i32 to vector<16xi32>
        %and3A_963 = arith.andi %gather3A_56, %broadcast_in_dim3A_962 : vector<16xi32>
        %broadcast_in_dim3A_964 = arith.constant 0 : i32
        %broadcast_in_dim3A_965 = vector.broadcast %broadcast_in_dim3A_964 : i32 to vector<16xi32>
        %ne3A_966 = arith.cmpi ne, %and3A_963, %broadcast_in_dim3A_965 : vector<16xi32>
        %gt3A_967 = arith.cmpf ogt, %gather3A_960, %select_n3A_905 : vector<16xf32>
        %and3A_968 = arith.andi %ne3A_966, %gt3A_967 : vector<16xi1>
        %select_n3A_969 = arith.select %and3A_968, %gather3A_960, %select_n3A_905 : vector<16xi1>, vector<16xf32>
        %broadcast_in_dim3A_970 = arith.constant 54 : i32
        %broadcast_in_dim3A_971 = vector.broadcast %broadcast_in_dim3A_970 : i32 to vector<16xi32>
        %select_n3A_972 = arith.select %and3A_968, %broadcast_in_dim3A_971, %select_n3A_908 : vector<16xi1>, vector<16xi32>
        %broadcast_in_dim3A_973 = arith.constant 55 : i32
        %broadcast_in_dim3A_974 = vector.broadcast %broadcast_in_dim3A_973 : i32 to vector<16xi32>
        %add3A_975 = arith.addi %mul3A_41, %broadcast_in_dim3A_974 : vector<16xi32>
        %gather3A_976 = tpu.vector_load_idx %arg9[%add3A_975] : memref<16320xf32, #tpu.memory_space<vmem>>[vector<16xi32>], vector<16xf32>,
        %broadcast_in_dim3A_977 = arith.constant 8388608 : i32
        %broadcast_in_dim3A_978 = vector.broadcast %broadcast_in_dim3A_977 : i32 to vector<16xi32>
        %and3A_979 = arith.andi %gather3A_56, %broadcast_in_dim3A_978 : vector<16xi32>
        %broadcast_in_dim3A_980 = arith.constant 0 : i32
        %broadcast_in_dim3A_981 = vector.broadcast %broadcast_in_dim3A_980 : i32 to vector<16xi32>
        %ne3A_982 = arith.cmpi ne, %and3A_979, %broadcast_in_dim3A_981 : vector<16xi32>
        %gt3A_983 = arith.cmpf ogt, %gather3A_976, %select_n3A_921 : vector<16xf32>
        %and3A_984 = arith.andi %ne3A_982, %gt3A_983 : vector<16xi1>
        %select_n3A_985 = arith.select %and3A_984, %gather3A_976, %select_n3A_921 : vector<16xi1>, vector<16xf32>
        %broadcast_in_dim3A_986 = arith.constant 55 : i32
        %broadcast_in_dim3A_987 = vector.broadcast %broadcast_in_dim3A_986 : i32 to vector<16xi32>
        %select_n3A_988 = arith.select %and3A_984, %broadcast_in_dim3A_987, %select_n3A_924 : vector<16xi1>, vector<16xi32>
        %broadcast_in_dim3A_989 = arith.constant 56 : i32
        %broadcast_in_dim3A_990 = vector.broadcast %broadcast_in_dim3A_989 : i32 to vector<16xi32>
        %add3A_991 = arith.addi %mul3A_41, %broadcast_in_dim3A_990 : vector<16xi32>
        %gather3A_992 = tpu.vector_load_idx %arg9[%add3A_991] : memref<16320xf32, #tpu.memory_space<vmem>>[vector<16xi32>], vector<16xf32>,
        %broadcast_in_dim3A_993 = arith.constant 16777216 : i32
        %broadcast_in_dim3A_994 = vector.broadcast %broadcast_in_dim3A_993 : i32 to vector<16xi32>
        %and3A_995 = arith.andi %gather3A_56, %broadcast_in_dim3A_994 : vector<16xi32>
        %broadcast_in_dim3A_996 = arith.constant 0 : i32
        %broadcast_in_dim3A_997 = vector.broadcast %broadcast_in_dim3A_996 : i32 to vector<16xi32>
        %ne3A_998 = arith.cmpi ne, %and3A_995, %broadcast_in_dim3A_997 : vector<16xi32>
        %gt3A_999 = arith.cmpf ogt, %gather3A_992, %select_n3A_937 : vector<16xf32>
        %and3A_1000 = arith.andi %ne3A_998, %gt3A_999 : vector<16xi1>
        %select_n3A_1001 = arith.select %and3A_1000, %gather3A_992, %select_n3A_937 : vector<16xi1>, vector<16xf32>
        %broadcast_in_dim3A_1002 = arith.constant 56 : i32
        %broadcast_in_dim3A_1003 = vector.broadcast %broadcast_in_dim3A_1002 : i32 to vector<16xi32>
        %select_n3A_1004 = arith.select %and3A_1000, %broadcast_in_dim3A_1003, %select_n3A_940 : vector<16xi1>, vector<16xi32>
        %broadcast_in_dim3A_1005 = arith.constant 57 : i32
        %broadcast_in_dim3A_1006 = vector.broadcast %broadcast_in_dim3A_1005 : i32 to vector<16xi32>
        %add3A_1007 = arith.addi %mul3A_41, %broadcast_in_dim3A_1006 : vector<16xi32>
        %gather3A_1008 = tpu.vector_load_idx %arg9[%add3A_1007] : memref<16320xf32, #tpu.memory_space<vmem>>[vector<16xi32>], vector<16xf32>,
        %broadcast_in_dim3A_1009 = arith.constant 33554432 : i32
        %broadcast_in_dim3A_1010 = vector.broadcast %broadcast_in_dim3A_1009 : i32 to vector<16xi32>
        %and3A_1011 = arith.andi %gather3A_56, %broadcast_in_dim3A_1010 : vector<16xi32>
        %broadcast_in_dim3A_1012 = arith.constant 0 : i32
        %broadcast_in_dim3A_1013 = vector.broadcast %broadcast_in_dim3A_1012 : i32 to vector<16xi32>
        %ne3A_1014 = arith.cmpi ne, %and3A_1011, %broadcast_in_dim3A_1013 : vector<16xi32>
        %gt3A_1015 = arith.cmpf ogt, %gather3A_1008, %select_n3A_953 : vector<16xf32>
        %and3A_1016 = arith.andi %ne3A_1014, %gt3A_1015 : vector<16xi1>
        %select_n3A_1017 = arith.select %and3A_1016, %gather3A_1008, %select_n3A_953 : vector<16xi1>, vector<16xf32>
        %broadcast_in_dim3A_1018 = arith.constant 57 : i32
        %broadcast_in_dim3A_1019 = vector.broadcast %broadcast_in_dim3A_1018 : i32 to vector<16xi32>
        %select_n3A_1020 = arith.select %and3A_1016, %broadcast_in_dim3A_1019, %select_n3A_956 : vector<16xi1>, vector<16xi32>
        %broadcast_in_dim3A_1021 = arith.constant 58 : i32
        %broadcast_in_dim3A_1022 = vector.broadcast %broadcast_in_dim3A_1021 : i32 to vector<16xi32>
        %add3A_1023 = arith.addi %mul3A_41, %broadcast_in_dim3A_1022 : vector<16xi32>
        %gather3A_1024 = tpu.vector_load_idx %arg9[%add3A_1023] : memref<16320xf32, #tpu.memory_space<vmem>>[vector<16xi32>], vector<16xf32>,
        %broadcast_in_dim3A_1025 = arith.constant 67108864 : i32
        %broadcast_in_dim3A_1026 = vector.broadcast %broadcast_in_dim3A_1025 : i32 to vector<16xi32>
        %and3A_1027 = arith.andi %gather3A_56, %broadcast_in_dim3A_1026 : vector<16xi32>
        %broadcast_in_dim3A_1028 = arith.constant 0 : i32
        %broadcast_in_dim3A_1029 = vector.broadcast %broadcast_in_dim3A_1028 : i32 to vector<16xi32>
        %ne3A_1030 = arith.cmpi ne, %and3A_1027, %broadcast_in_dim3A_1029 : vector<16xi32>
        %gt3A_1031 = arith.cmpf ogt, %gather3A_1024, %select_n3A_969 : vector<16xf32>
        %and3A_1032 = arith.andi %ne3A_1030, %gt3A_1031 : vector<16xi1>
        %select_n3A_1033 = arith.select %and3A_1032, %gather3A_1024, %select_n3A_969 : vector<16xi1>, vector<16xf32>
        %broadcast_in_dim3A_1034 = arith.constant 58 : i32
        %broadcast_in_dim3A_1035 = vector.broadcast %broadcast_in_dim3A_1034 : i32 to vector<16xi32>
        %select_n3A_1036 = arith.select %and3A_1032, %broadcast_in_dim3A_1035, %select_n3A_972 : vector<16xi1>, vector<16xi32>
        %broadcast_in_dim3A_1037 = arith.constant 59 : i32
        %broadcast_in_dim3A_1038 = vector.broadcast %broadcast_in_dim3A_1037 : i32 to vector<16xi32>
        %add3A_1039 = arith.addi %mul3A_41, %broadcast_in_dim3A_1038 : vector<16xi32>
        %gather3A_1040 = tpu.vector_load_idx %arg9[%add3A_1039] : memref<16320xf32, #tpu.memory_space<vmem>>[vector<16xi32>], vector<16xf32>,
        %broadcast_in_dim3A_1041 = arith.constant 134217728 : i32
        %broadcast_in_dim3A_1042 = vector.broadcast %broadcast_in_dim3A_1041 : i32 to vector<16xi32>
        %and3A_1043 = arith.andi %gather3A_56, %broadcast_in_dim3A_1042 : vector<16xi32>
        %broadcast_in_dim3A_1044 = arith.constant 0 : i32
        %broadcast_in_dim3A_1045 = vector.broadcast %broadcast_in_dim3A_1044 : i32 to vector<16xi32>
        %ne3A_1046 = arith.cmpi ne, %and3A_1043, %broadcast_in_dim3A_1045 : vector<16xi32>
        %gt3A_1047 = arith.cmpf ogt, %gather3A_1040, %select_n3A_985 : vector<16xf32>
        %and3A_1048 = arith.andi %ne3A_1046, %gt3A_1047 : vector<16xi1>
        %select_n3A_1049 = arith.select %and3A_1048, %gather3A_1040, %select_n3A_985 : vector<16xi1>, vector<16xf32>
        %broadcast_in_dim3A_1050 = arith.constant 59 : i32
        %broadcast_in_dim3A_1051 = vector.broadcast %broadcast_in_dim3A_1050 : i32 to vector<16xi32>
        %select_n3A_1052 = arith.select %and3A_1048, %broadcast_in_dim3A_1051, %select_n3A_988 : vector<16xi1>, vector<16xi32>
        %broadcast_in_dim3A_1053 = arith.constant 60 : i32
        %broadcast_in_dim3A_1054 = vector.broadcast %broadcast_in_dim3A_1053 : i32 to vector<16xi32>
        %add3A_1055 = arith.addi %mul3A_41, %broadcast_in_dim3A_1054 : vector<16xi32>
        %gather3A_1056 = tpu.vector_load_idx %arg9[%add3A_1055] : memref<16320xf32, #tpu.memory_space<vmem>>[vector<16xi32>], vector<16xf32>,
        %broadcast_in_dim3A_1057 = arith.constant 268435456 : i32
        %broadcast_in_dim3A_1058 = vector.broadcast %broadcast_in_dim3A_1057 : i32 to vector<16xi32>
        %and3A_1059 = arith.andi %gather3A_56, %broadcast_in_dim3A_1058 : vector<16xi32>
        %broadcast_in_dim3A_1060 = arith.constant 0 : i32
        %broadcast_in_dim3A_1061 = vector.broadcast %broadcast_in_dim3A_1060 : i32 to vector<16xi32>
        %ne3A_1062 = arith.cmpi ne, %and3A_1059, %broadcast_in_dim3A_1061 : vector<16xi32>
        %gt3A_1063 = arith.cmpf ogt, %gather3A_1056, %select_n3A_1001 : vector<16xf32>
        %and3A_1064 = arith.andi %ne3A_1062, %gt3A_1063 : vector<16xi1>
        %select_n3A_1065 = arith.select %and3A_1064, %gather3A_1056, %select_n3A_1001 : vector<16xi1>, vector<16xf32>
        %broadcast_in_dim3A_1066 = arith.constant 60 : i32
        %broadcast_in_dim3A_1067 = vector.broadcast %broadcast_in_dim3A_1066 : i32 to vector<16xi32>
        %select_n3A_1068 = arith.select %and3A_1064, %broadcast_in_dim3A_1067, %select_n3A_1004 : vector<16xi1>, vector<16xi32>
        %broadcast_in_dim3A_1069 = arith.constant 61 : i32
        %broadcast_in_dim3A_1070 = vector.broadcast %broadcast_in_dim3A_1069 : i32 to vector<16xi32>
        %add3A_1071 = arith.addi %mul3A_41, %broadcast_in_dim3A_1070 : vector<16xi32>
        %gather3A_1072 = tpu.vector_load_idx %arg9[%add3A_1071] : memref<16320xf32, #tpu.memory_space<vmem>>[vector<16xi32>], vector<16xf32>,
        %broadcast_in_dim3A_1073 = arith.constant 536870912 : i32
        %broadcast_in_dim3A_1074 = vector.broadcast %broadcast_in_dim3A_1073 : i32 to vector<16xi32>
        %and3A_1075 = arith.andi %gather3A_56, %broadcast_in_dim3A_1074 : vector<16xi32>
        %broadcast_in_dim3A_1076 = arith.constant 0 : i32
        %broadcast_in_dim3A_1077 = vector.broadcast %broadcast_in_dim3A_1076 : i32 to vector<16xi32>
        %ne3A_1078 = arith.cmpi ne, %and3A_1075, %broadcast_in_dim3A_1077 : vector<16xi32>
        %gt3A_1079 = arith.cmpf ogt, %gather3A_1072, %select_n3A_1017 : vector<16xf32>
        %and3A_1080 = arith.andi %ne3A_1078, %gt3A_1079 : vector<16xi1>
        %select_n3A_1081 = arith.select %and3A_1080, %gather3A_1072, %select_n3A_1017 : vector<16xi1>, vector<16xf32>
        %broadcast_in_dim3A_1082 = arith.constant 61 : i32
        %broadcast_in_dim3A_1083 = vector.broadcast %broadcast_in_dim3A_1082 : i32 to vector<16xi32>
        %select_n3A_1084 = arith.select %and3A_1080, %broadcast_in_dim3A_1083, %select_n3A_1020 : vector<16xi1>, vector<16xi32>
        %broadcast_in_dim3A_1085 = arith.constant 62 : i32
        %broadcast_in_dim3A_1086 = vector.broadcast %broadcast_in_dim3A_1085 : i32 to vector<16xi32>
        %add3A_1087 = arith.addi %mul3A_41, %broadcast_in_dim3A_1086 : vector<16xi32>
        %gather3A_1088 = tpu.vector_load_idx %arg9[%add3A_1087] : memref<16320xf32, #tpu.memory_space<vmem>>[vector<16xi32>], vector<16xf32>,
        %broadcast_in_dim3A_1089 = arith.constant 1073741824 : i32
        %broadcast_in_dim3A_1090 = vector.broadcast %broadcast_in_dim3A_1089 : i32 to vector<16xi32>
        %and3A_1091 = arith.andi %gather3A_56, %broadcast_in_dim3A_1090 : vector<16xi32>
        %broadcast_in_dim3A_1092 = arith.constant 0 : i32
        %broadcast_in_dim3A_1093 = vector.broadcast %broadcast_in_dim3A_1092 : i32 to vector<16xi32>
        %ne3A_1094 = arith.cmpi ne, %and3A_1091, %broadcast_in_dim3A_1093 : vector<16xi32>
        %gt3A_1095 = arith.cmpf ogt, %gather3A_1088, %select_n3A_1033 : vector<16xf32>
        %and3A_1096 = arith.andi %ne3A_1094, %gt3A_1095 : vector<16xi1>
        %select_n3A_1097 = arith.select %and3A_1096, %gather3A_1088, %select_n3A_1033 : vector<16xi1>, vector<16xf32>
        %broadcast_in_dim3A_1098 = arith.constant 62 : i32
        %broadcast_in_dim3A_1099 = vector.broadcast %broadcast_in_dim3A_1098 : i32 to vector<16xi32>
        %select_n3A_1100 = arith.select %and3A_1096, %broadcast_in_dim3A_1099, %select_n3A_1036 : vector<16xi1>, vector<16xi32>
        %broadcast_in_dim3A_1101 = arith.constant 63 : i32
        %broadcast_in_dim3A_1102 = vector.broadcast %broadcast_in_dim3A_1101 : i32 to vector<16xi32>
        %add3A_1103 = arith.addi %mul3A_41, %broadcast_in_dim3A_1102 : vector<16xi32>
        %gather3A_1104 = tpu.vector_load_idx %arg9[%add3A_1103] : memref<16320xf32, #tpu.memory_space<vmem>>[vector<16xi32>], vector<16xf32>,
        %broadcast_in_dim3A_1105 = arith.constant -2147483648 : i32
        %broadcast_in_dim3A_1106 = vector.broadcast %broadcast_in_dim3A_1105 : i32 to vector<16xi32>
        %and3A_1107 = arith.andi %gather3A_56, %broadcast_in_dim3A_1106 : vector<16xi32>
        %broadcast_in_dim3A_1108 = arith.constant 0 : i32
        %broadcast_in_dim3A_1109 = vector.broadcast %broadcast_in_dim3A_1108 : i32 to vector<16xi32>
        %ne3A_1110 = arith.cmpi ne, %and3A_1107, %broadcast_in_dim3A_1109 : vector<16xi32>
        %gt3A_1111 = arith.cmpf ogt, %gather3A_1104, %select_n3A_1049 : vector<16xf32>
        %and3A_1112 = arith.andi %ne3A_1110, %gt3A_1111 : vector<16xi1>
        %select_n3A_1113 = arith.select %and3A_1112, %gather3A_1104, %select_n3A_1049 : vector<16xi1>, vector<16xf32>
        %broadcast_in_dim3A_1114 = arith.constant 63 : i32
        %broadcast_in_dim3A_1115 = vector.broadcast %broadcast_in_dim3A_1114 : i32 to vector<16xi32>
        %select_n3A_1116 = arith.select %and3A_1112, %broadcast_in_dim3A_1115, %select_n3A_1052 : vector<16xi1>, vector<16xi32>
        %broadcast_in_dim3A_1117 = arith.constant 64 : i32
        %broadcast_in_dim3A_1118 = vector.broadcast %broadcast_in_dim3A_1117 : i32 to vector<16xi32>
        %add3A_1119 = arith.addi %mul3A_41, %broadcast_in_dim3A_1118 : vector<16xi32>
        %gather3A_1120 = tpu.vector_load_idx %arg9[%add3A_1119] : memref<16320xf32, #tpu.memory_space<vmem>>[vector<16xi32>], vector<16xf32>,
        %broadcast_in_dim3A_1121 = arith.constant 1 : i32
        %broadcast_in_dim3A_1122 = vector.broadcast %broadcast_in_dim3A_1121 : i32 to vector<16xi32>
        %and3A_1123 = arith.andi %gather3A_60, %broadcast_in_dim3A_1122 : vector<16xi32>
        %broadcast_in_dim3A_1124 = arith.constant 0 : i32
        %broadcast_in_dim3A_1125 = vector.broadcast %broadcast_in_dim3A_1124 : i32 to vector<16xi32>
        %ne3A_1126 = arith.cmpi ne, %and3A_1123, %broadcast_in_dim3A_1125 : vector<16xi32>
        %gt3A_1127 = arith.cmpf ogt, %gather3A_1120, %select_n3A_1065 : vector<16xf32>
        %and3A_1128 = arith.andi %ne3A_1126, %gt3A_1127 : vector<16xi1>
        %select_n3A_1129 = arith.select %and3A_1128, %gather3A_1120, %select_n3A_1065 : vector<16xi1>, vector<16xf32>
        %broadcast_in_dim3A_1130 = arith.constant 64 : i32
        %broadcast_in_dim3A_1131 = vector.broadcast %broadcast_in_dim3A_1130 : i32 to vector<16xi32>
        %select_n3A_1132 = arith.select %and3A_1128, %broadcast_in_dim3A_1131, %select_n3A_1068 : vector<16xi1>, vector<16xi32>
        %broadcast_in_dim3A_1133 = arith.constant 65 : i32
        %broadcast_in_dim3A_1134 = vector.broadcast %broadcast_in_dim3A_1133 : i32 to vector<16xi32>
        %add3A_1135 = arith.addi %mul3A_41, %broadcast_in_dim3A_1134 : vector<16xi32>
        %gather3A_1136 = tpu.vector_load_idx %arg9[%add3A_1135] : memref<16320xf32, #tpu.memory_space<vmem>>[vector<16xi32>], vector<16xf32>,
        %broadcast_in_dim3A_1137 = arith.constant 2 : i32
        %broadcast_in_dim3A_1138 = vector.broadcast %broadcast_in_dim3A_1137 : i32 to vector<16xi32>
        %and3A_1139 = arith.andi %gather3A_60, %broadcast_in_dim3A_1138 : vector<16xi32>
        %broadcast_in_dim3A_1140 = arith.constant 0 : i32
        %broadcast_in_dim3A_1141 = vector.broadcast %broadcast_in_dim3A_1140 : i32 to vector<16xi32>
        %ne3A_1142 = arith.cmpi ne, %and3A_1139, %broadcast_in_dim3A_1141 : vector<16xi32>
        %gt3A_1143 = arith.cmpf ogt, %gather3A_1136, %select_n3A_1081 : vector<16xf32>
        %and3A_1144 = arith.andi %ne3A_1142, %gt3A_1143 : vector<16xi1>
        %select_n3A_1145 = arith.select %and3A_1144, %gather3A_1136, %select_n3A_1081 : vector<16xi1>, vector<16xf32>
        %broadcast_in_dim3A_1146 = arith.constant 65 : i32
        %broadcast_in_dim3A_1147 = vector.broadcast %broadcast_in_dim3A_1146 : i32 to vector<16xi32>
        %select_n3A_1148 = arith.select %and3A_1144, %broadcast_in_dim3A_1147, %select_n3A_1084 : vector<16xi1>, vector<16xi32>
        %broadcast_in_dim3A_1149 = arith.constant 66 : i32
        %broadcast_in_dim3A_1150 = vector.broadcast %broadcast_in_dim3A_1149 : i32 to vector<16xi32>
        %add3A_1151 = arith.addi %mul3A_41, %broadcast_in_dim3A_1150 : vector<16xi32>
        %gather3A_1152 = tpu.vector_load_idx %arg9[%add3A_1151] : memref<16320xf32, #tpu.memory_space<vmem>>[vector<16xi32>], vector<16xf32>,
        %broadcast_in_dim3A_1153 = arith.constant 4 : i32
        %broadcast_in_dim3A_1154 = vector.broadcast %broadcast_in_dim3A_1153 : i32 to vector<16xi32>
        %and3A_1155 = arith.andi %gather3A_60, %broadcast_in_dim3A_1154 : vector<16xi32>
        %broadcast_in_dim3A_1156 = arith.constant 0 : i32
        %broadcast_in_dim3A_1157 = vector.broadcast %broadcast_in_dim3A_1156 : i32 to vector<16xi32>
        %ne3A_1158 = arith.cmpi ne, %and3A_1155, %broadcast_in_dim3A_1157 : vector<16xi32>
        %gt3A_1159 = arith.cmpf ogt, %gather3A_1152, %select_n3A_1097 : vector<16xf32>
        %and3A_1160 = arith.andi %ne3A_1158, %gt3A_1159 : vector<16xi1>
        %select_n3A_1161 = arith.select %and3A_1160, %gather3A_1152, %select_n3A_1097 : vector<16xi1>, vector<16xf32>
        %broadcast_in_dim3A_1162 = arith.constant 66 : i32
        %broadcast_in_dim3A_1163 = vector.broadcast %broadcast_in_dim3A_1162 : i32 to vector<16xi32>
        %select_n3A_1164 = arith.select %and3A_1160, %broadcast_in_dim3A_1163, %select_n3A_1100 : vector<16xi1>, vector<16xi32>
        %broadcast_in_dim3A_1165 = arith.constant 67 : i32
        %broadcast_in_dim3A_1166 = vector.broadcast %broadcast_in_dim3A_1165 : i32 to vector<16xi32>
        %add3A_1167 = arith.addi %mul3A_41, %broadcast_in_dim3A_1166 : vector<16xi32>
        %gather3A_1168 = tpu.vector_load_idx %arg9[%add3A_1167] : memref<16320xf32, #tpu.memory_space<vmem>>[vector<16xi32>], vector<16xf32>,
        %broadcast_in_dim3A_1169 = arith.constant 8 : i32
        %broadcast_in_dim3A_1170 = vector.broadcast %broadcast_in_dim3A_1169 : i32 to vector<16xi32>
        %and3A_1171 = arith.andi %gather3A_60, %broadcast_in_dim3A_1170 : vector<16xi32>
        %broadcast_in_dim3A_1172 = arith.constant 0 : i32
        %broadcast_in_dim3A_1173 = vector.broadcast %broadcast_in_dim3A_1172 : i32 to vector<16xi32>
        %ne3A_1174 = arith.cmpi ne, %and3A_1171, %broadcast_in_dim3A_1173 : vector<16xi32>
        %gt3A_1175 = arith.cmpf ogt, %gather3A_1168, %select_n3A_1113 : vector<16xf32>
        %and3A_1176 = arith.andi %ne3A_1174, %gt3A_1175 : vector<16xi1>
        %select_n3A_1177 = arith.select %and3A_1176, %gather3A_1168, %select_n3A_1113 : vector<16xi1>, vector<16xf32>
        %broadcast_in_dim3A_1178 = arith.constant 67 : i32
        %broadcast_in_dim3A_1179 = vector.broadcast %broadcast_in_dim3A_1178 : i32 to vector<16xi32>
        %select_n3A_1180 = arith.select %and3A_1176, %broadcast_in_dim3A_1179, %select_n3A_1116 : vector<16xi1>, vector<16xi32>
        %broadcast_in_dim3A_1181 = arith.constant 68 : i32
        %broadcast_in_dim3A_1182 = vector.broadcast %broadcast_in_dim3A_1181 : i32 to vector<16xi32>
        %add3A_1183 = arith.addi %mul3A_41, %broadcast_in_dim3A_1182 : vector<16xi32>
        %gather3A_1184 = tpu.vector_load_idx %arg9[%add3A_1183] : memref<16320xf32, #tpu.memory_space<vmem>>[vector<16xi32>], vector<16xf32>,
        %broadcast_in_dim3A_1185 = arith.constant 16 : i32
        %broadcast_in_dim3A_1186 = vector.broadcast %broadcast_in_dim3A_1185 : i32 to vector<16xi32>
        %and3A_1187 = arith.andi %gather3A_60, %broadcast_in_dim3A_1186 : vector<16xi32>
        %broadcast_in_dim3A_1188 = arith.constant 0 : i32
        %broadcast_in_dim3A_1189 = vector.broadcast %broadcast_in_dim3A_1188 : i32 to vector<16xi32>
        %ne3A_1190 = arith.cmpi ne, %and3A_1187, %broadcast_in_dim3A_1189 : vector<16xi32>
        %gt3A_1191 = arith.cmpf ogt, %gather3A_1184, %select_n3A_1129 : vector<16xf32>
        %and3A_1192 = arith.andi %ne3A_1190, %gt3A_1191 : vector<16xi1>
        %select_n3A_1193 = arith.select %and3A_1192, %gather3A_1184, %select_n3A_1129 : vector<16xi1>, vector<16xf32>
        %broadcast_in_dim3A_1194 = arith.constant 68 : i32
        %broadcast_in_dim3A_1195 = vector.broadcast %broadcast_in_dim3A_1194 : i32 to vector<16xi32>
        %select_n3A_1196 = arith.select %and3A_1192, %broadcast_in_dim3A_1195, %select_n3A_1132 : vector<16xi1>, vector<16xi32>
        %broadcast_in_dim3A_1197 = arith.constant 69 : i32
        %broadcast_in_dim3A_1198 = vector.broadcast %broadcast_in_dim3A_1197 : i32 to vector<16xi32>
        %add3A_1199 = arith.addi %mul3A_41, %broadcast_in_dim3A_1198 : vector<16xi32>
        %gather3A_1200 = tpu.vector_load_idx %arg9[%add3A_1199] : memref<16320xf32, #tpu.memory_space<vmem>>[vector<16xi32>], vector<16xf32>,
        %broadcast_in_dim3A_1201 = arith.constant 32 : i32
        %broadcast_in_dim3A_1202 = vector.broadcast %broadcast_in_dim3A_1201 : i32 to vector<16xi32>
        %and3A_1203 = arith.andi %gather3A_60, %broadcast_in_dim3A_1202 : vector<16xi32>
        %broadcast_in_dim3A_1204 = arith.constant 0 : i32
        %broadcast_in_dim3A_1205 = vector.broadcast %broadcast_in_dim3A_1204 : i32 to vector<16xi32>
        %ne3A_1206 = arith.cmpi ne, %and3A_1203, %broadcast_in_dim3A_1205 : vector<16xi32>
        %gt3A_1207 = arith.cmpf ogt, %gather3A_1200, %select_n3A_1145 : vector<16xf32>
        %and3A_1208 = arith.andi %ne3A_1206, %gt3A_1207 : vector<16xi1>
        %select_n3A_1209 = arith.select %and3A_1208, %gather3A_1200, %select_n3A_1145 : vector<16xi1>, vector<16xf32>
        %broadcast_in_dim3A_1210 = arith.constant 69 : i32
        %broadcast_in_dim3A_1211 = vector.broadcast %broadcast_in_dim3A_1210 : i32 to vector<16xi32>
        %select_n3A_1212 = arith.select %and3A_1208, %broadcast_in_dim3A_1211, %select_n3A_1148 : vector<16xi1>, vector<16xi32>
        %broadcast_in_dim3A_1213 = arith.constant 70 : i32
        %broadcast_in_dim3A_1214 = vector.broadcast %broadcast_in_dim3A_1213 : i32 to vector<16xi32>
        %add3A_1215 = arith.addi %mul3A_41, %broadcast_in_dim3A_1214 : vector<16xi32>
        %gather3A_1216 = tpu.vector_load_idx %arg9[%add3A_1215] : memref<16320xf32, #tpu.memory_space<vmem>>[vector<16xi32>], vector<16xf32>,
        %broadcast_in_dim3A_1217 = arith.constant 64 : i32
        %broadcast_in_dim3A_1218 = vector.broadcast %broadcast_in_dim3A_1217 : i32 to vector<16xi32>
        %and3A_1219 = arith.andi %gather3A_60, %broadcast_in_dim3A_1218 : vector<16xi32>
        %broadcast_in_dim3A_1220 = arith.constant 0 : i32
        %broadcast_in_dim3A_1221 = vector.broadcast %broadcast_in_dim3A_1220 : i32 to vector<16xi32>
        %ne3A_1222 = arith.cmpi ne, %and3A_1219, %broadcast_in_dim3A_1221 : vector<16xi32>
        %gt3A_1223 = arith.cmpf ogt, %gather3A_1216, %select_n3A_1161 : vector<16xf32>
        %and3A_1224 = arith.andi %ne3A_1222, %gt3A_1223 : vector<16xi1>
        %select_n3A_1225 = arith.select %and3A_1224, %gather3A_1216, %select_n3A_1161 : vector<16xi1>, vector<16xf32>
        %broadcast_in_dim3A_1226 = arith.constant 70 : i32
        %broadcast_in_dim3A_1227 = vector.broadcast %broadcast_in_dim3A_1226 : i32 to vector<16xi32>
        %select_n3A_1228 = arith.select %and3A_1224, %broadcast_in_dim3A_1227, %select_n3A_1164 : vector<16xi1>, vector<16xi32>
        %broadcast_in_dim3A_1229 = arith.constant 71 : i32
        %broadcast_in_dim3A_1230 = vector.broadcast %broadcast_in_dim3A_1229 : i32 to vector<16xi32>
        %add3A_1231 = arith.addi %mul3A_41, %broadcast_in_dim3A_1230 : vector<16xi32>
        %gather3A_1232 = tpu.vector_load_idx %arg9[%add3A_1231] : memref<16320xf32, #tpu.memory_space<vmem>>[vector<16xi32>], vector<16xf32>,
        %broadcast_in_dim3A_1233 = arith.constant 128 : i32
        %broadcast_in_dim3A_1234 = vector.broadcast %broadcast_in_dim3A_1233 : i32 to vector<16xi32>
        %and3A_1235 = arith.andi %gather3A_60, %broadcast_in_dim3A_1234 : vector<16xi32>
        %broadcast_in_dim3A_1236 = arith.constant 0 : i32
        %broadcast_in_dim3A_1237 = vector.broadcast %broadcast_in_dim3A_1236 : i32 to vector<16xi32>
        %ne3A_1238 = arith.cmpi ne, %and3A_1235, %broadcast_in_dim3A_1237 : vector<16xi32>
        %gt3A_1239 = arith.cmpf ogt, %gather3A_1232, %select_n3A_1177 : vector<16xf32>
        %and3A_1240 = arith.andi %ne3A_1238, %gt3A_1239 : vector<16xi1>
        %select_n3A_1241 = arith.select %and3A_1240, %gather3A_1232, %select_n3A_1177 : vector<16xi1>, vector<16xf32>
        %broadcast_in_dim3A_1242 = arith.constant 71 : i32
        %broadcast_in_dim3A_1243 = vector.broadcast %broadcast_in_dim3A_1242 : i32 to vector<16xi32>
        %select_n3A_1244 = arith.select %and3A_1240, %broadcast_in_dim3A_1243, %select_n3A_1180 : vector<16xi1>, vector<16xi32>
        %broadcast_in_dim3A_1245 = arith.constant 72 : i32
        %broadcast_in_dim3A_1246 = vector.broadcast %broadcast_in_dim3A_1245 : i32 to vector<16xi32>
        %add3A_1247 = arith.addi %mul3A_41, %broadcast_in_dim3A_1246 : vector<16xi32>
        %gather3A_1248 = tpu.vector_load_idx %arg9[%add3A_1247] : memref<16320xf32, #tpu.memory_space<vmem>>[vector<16xi32>], vector<16xf32>,
        %broadcast_in_dim3A_1249 = arith.constant 256 : i32
        %broadcast_in_dim3A_1250 = vector.broadcast %broadcast_in_dim3A_1249 : i32 to vector<16xi32>
        %and3A_1251 = arith.andi %gather3A_60, %broadcast_in_dim3A_1250 : vector<16xi32>
        %broadcast_in_dim3A_1252 = arith.constant 0 : i32
        %broadcast_in_dim3A_1253 = vector.broadcast %broadcast_in_dim3A_1252 : i32 to vector<16xi32>
        %ne3A_1254 = arith.cmpi ne, %and3A_1251, %broadcast_in_dim3A_1253 : vector<16xi32>
        %gt3A_1255 = arith.cmpf ogt, %gather3A_1248, %select_n3A_1193 : vector<16xf32>
        %and3A_1256 = arith.andi %ne3A_1254, %gt3A_1255 : vector<16xi1>
        %select_n3A_1257 = arith.select %and3A_1256, %gather3A_1248, %select_n3A_1193 : vector<16xi1>, vector<16xf32>
        %broadcast_in_dim3A_1258 = arith.constant 72 : i32
        %broadcast_in_dim3A_1259 = vector.broadcast %broadcast_in_dim3A_1258 : i32 to vector<16xi32>
        %select_n3A_1260 = arith.select %and3A_1256, %broadcast_in_dim3A_1259, %select_n3A_1196 : vector<16xi1>, vector<16xi32>
        %broadcast_in_dim3A_1261 = arith.constant 73 : i32
        %broadcast_in_dim3A_1262 = vector.broadcast %broadcast_in_dim3A_1261 : i32 to vector<16xi32>
        %add3A_1263 = arith.addi %mul3A_41, %broadcast_in_dim3A_1262 : vector<16xi32>
        %gather3A_1264 = tpu.vector_load_idx %arg9[%add3A_1263] : memref<16320xf32, #tpu.memory_space<vmem>>[vector<16xi32>], vector<16xf32>,
        %broadcast_in_dim3A_1265 = arith.constant 512 : i32
        %broadcast_in_dim3A_1266 = vector.broadcast %broadcast_in_dim3A_1265 : i32 to vector<16xi32>
        %and3A_1267 = arith.andi %gather3A_60, %broadcast_in_dim3A_1266 : vector<16xi32>
        %broadcast_in_dim3A_1268 = arith.constant 0 : i32
        %broadcast_in_dim3A_1269 = vector.broadcast %broadcast_in_dim3A_1268 : i32 to vector<16xi32>
        %ne3A_1270 = arith.cmpi ne, %and3A_1267, %broadcast_in_dim3A_1269 : vector<16xi32>
        %gt3A_1271 = arith.cmpf ogt, %gather3A_1264, %select_n3A_1209 : vector<16xf32>
        %and3A_1272 = arith.andi %ne3A_1270, %gt3A_1271 : vector<16xi1>
        %select_n3A_1273 = arith.select %and3A_1272, %gather3A_1264, %select_n3A_1209 : vector<16xi1>, vector<16xf32>
        %broadcast_in_dim3A_1274 = arith.constant 73 : i32
        %broadcast_in_dim3A_1275 = vector.broadcast %broadcast_in_dim3A_1274 : i32 to vector<16xi32>
        %select_n3A_1276 = arith.select %and3A_1272, %broadcast_in_dim3A_1275, %select_n3A_1212 : vector<16xi1>, vector<16xi32>
        %broadcast_in_dim3A_1277 = arith.constant 74 : i32
        %broadcast_in_dim3A_1278 = vector.broadcast %broadcast_in_dim3A_1277 : i32 to vector<16xi32>
        %add3A_1279 = arith.addi %mul3A_41, %broadcast_in_dim3A_1278 : vector<16xi32>
        %gather3A_1280 = tpu.vector_load_idx %arg9[%add3A_1279] : memref<16320xf32, #tpu.memory_space<vmem>>[vector<16xi32>], vector<16xf32>,
        %broadcast_in_dim3A_1281 = arith.constant 1024 : i32
        %broadcast_in_dim3A_1282 = vector.broadcast %broadcast_in_dim3A_1281 : i32 to vector<16xi32>
        %and3A_1283 = arith.andi %gather3A_60, %broadcast_in_dim3A_1282 : vector<16xi32>
        %broadcast_in_dim3A_1284 = arith.constant 0 : i32
        %broadcast_in_dim3A_1285 = vector.broadcast %broadcast_in_dim3A_1284 : i32 to vector<16xi32>
        %ne3A_1286 = arith.cmpi ne, %and3A_1283, %broadcast_in_dim3A_1285 : vector<16xi32>
        %gt3A_1287 = arith.cmpf ogt, %gather3A_1280, %select_n3A_1225 : vector<16xf32>
        %and3A_1288 = arith.andi %ne3A_1286, %gt3A_1287 : vector<16xi1>
        %select_n3A_1289 = arith.select %and3A_1288, %gather3A_1280, %select_n3A_1225 : vector<16xi1>, vector<16xf32>
        %broadcast_in_dim3A_1290 = arith.constant 74 : i32
        %broadcast_in_dim3A_1291 = vector.broadcast %broadcast_in_dim3A_1290 : i32 to vector<16xi32>
        %select_n3A_1292 = arith.select %and3A_1288, %broadcast_in_dim3A_1291, %select_n3A_1228 : vector<16xi1>, vector<16xi32>
        %broadcast_in_dim3A_1293 = arith.constant 75 : i32
        %broadcast_in_dim3A_1294 = vector.broadcast %broadcast_in_dim3A_1293 : i32 to vector<16xi32>
        %add3A_1295 = arith.addi %mul3A_41, %broadcast_in_dim3A_1294 : vector<16xi32>
        %gather3A_1296 = tpu.vector_load_idx %arg9[%add3A_1295] : memref<16320xf32, #tpu.memory_space<vmem>>[vector<16xi32>], vector<16xf32>,
        %broadcast_in_dim3A_1297 = arith.constant 2048 : i32
        %broadcast_in_dim3A_1298 = vector.broadcast %broadcast_in_dim3A_1297 : i32 to vector<16xi32>
        %and3A_1299 = arith.andi %gather3A_60, %broadcast_in_dim3A_1298 : vector<16xi32>
        %broadcast_in_dim3A_1300 = arith.constant 0 : i32
        %broadcast_in_dim3A_1301 = vector.broadcast %broadcast_in_dim3A_1300 : i32 to vector<16xi32>
        %ne3A_1302 = arith.cmpi ne, %and3A_1299, %broadcast_in_dim3A_1301 : vector<16xi32>
        %gt3A_1303 = arith.cmpf ogt, %gather3A_1296, %select_n3A_1241 : vector<16xf32>
        %and3A_1304 = arith.andi %ne3A_1302, %gt3A_1303 : vector<16xi1>
        %select_n3A_1305 = arith.select %and3A_1304, %gather3A_1296, %select_n3A_1241 : vector<16xi1>, vector<16xf32>
        %broadcast_in_dim3A_1306 = arith.constant 75 : i32
        %broadcast_in_dim3A_1307 = vector.broadcast %broadcast_in_dim3A_1306 : i32 to vector<16xi32>
        %select_n3A_1308 = arith.select %and3A_1304, %broadcast_in_dim3A_1307, %select_n3A_1244 : vector<16xi1>, vector<16xi32>
        %broadcast_in_dim3A_1309 = arith.constant 76 : i32
        %broadcast_in_dim3A_1310 = vector.broadcast %broadcast_in_dim3A_1309 : i32 to vector<16xi32>
        %add3A_1311 = arith.addi %mul3A_41, %broadcast_in_dim3A_1310 : vector<16xi32>
        %gather3A_1312 = tpu.vector_load_idx %arg9[%add3A_1311] : memref<16320xf32, #tpu.memory_space<vmem>>[vector<16xi32>], vector<16xf32>,
        %broadcast_in_dim3A_1313 = arith.constant 4096 : i32
        %broadcast_in_dim3A_1314 = vector.broadcast %broadcast_in_dim3A_1313 : i32 to vector<16xi32>
        %and3A_1315 = arith.andi %gather3A_60, %broadcast_in_dim3A_1314 : vector<16xi32>
        %broadcast_in_dim3A_1316 = arith.constant 0 : i32
        %broadcast_in_dim3A_1317 = vector.broadcast %broadcast_in_dim3A_1316 : i32 to vector<16xi32>
        %ne3A_1318 = arith.cmpi ne, %and3A_1315, %broadcast_in_dim3A_1317 : vector<16xi32>
        %gt3A_1319 = arith.cmpf ogt, %gather3A_1312, %select_n3A_1257 : vector<16xf32>
        %and3A_1320 = arith.andi %ne3A_1318, %gt3A_1319 : vector<16xi1>
        %select_n3A_1321 = arith.select %and3A_1320, %gather3A_1312, %select_n3A_1257 : vector<16xi1>, vector<16xf32>
        %broadcast_in_dim3A_1322 = arith.constant 76 : i32
        %broadcast_in_dim3A_1323 = vector.broadcast %broadcast_in_dim3A_1322 : i32 to vector<16xi32>
        %select_n3A_1324 = arith.select %and3A_1320, %broadcast_in_dim3A_1323, %select_n3A_1260 : vector<16xi1>, vector<16xi32>
        %broadcast_in_dim3A_1325 = arith.constant 77 : i32
        %broadcast_in_dim3A_1326 = vector.broadcast %broadcast_in_dim3A_1325 : i32 to vector<16xi32>
        %add3A_1327 = arith.addi %mul3A_41, %broadcast_in_dim3A_1326 : vector<16xi32>
        %gather3A_1328 = tpu.vector_load_idx %arg9[%add3A_1327] : memref<16320xf32, #tpu.memory_space<vmem>>[vector<16xi32>], vector<16xf32>,
        %broadcast_in_dim3A_1329 = arith.constant 8192 : i32
        %broadcast_in_dim3A_1330 = vector.broadcast %broadcast_in_dim3A_1329 : i32 to vector<16xi32>
        %and3A_1331 = arith.andi %gather3A_60, %broadcast_in_dim3A_1330 : vector<16xi32>
        %broadcast_in_dim3A_1332 = arith.constant 0 : i32
        %broadcast_in_dim3A_1333 = vector.broadcast %broadcast_in_dim3A_1332 : i32 to vector<16xi32>
        %ne3A_1334 = arith.cmpi ne, %and3A_1331, %broadcast_in_dim3A_1333 : vector<16xi32>
        %gt3A_1335 = arith.cmpf ogt, %gather3A_1328, %select_n3A_1273 : vector<16xf32>
        %and3A_1336 = arith.andi %ne3A_1334, %gt3A_1335 : vector<16xi1>
        %select_n3A_1337 = arith.select %and3A_1336, %gather3A_1328, %select_n3A_1273 : vector<16xi1>, vector<16xf32>
        %broadcast_in_dim3A_1338 = arith.constant 77 : i32
        %broadcast_in_dim3A_1339 = vector.broadcast %broadcast_in_dim3A_1338 : i32 to vector<16xi32>
        %select_n3A_1340 = arith.select %and3A_1336, %broadcast_in_dim3A_1339, %select_n3A_1276 : vector<16xi1>, vector<16xi32>
        %broadcast_in_dim3A_1341 = arith.constant 78 : i32
        %broadcast_in_dim3A_1342 = vector.broadcast %broadcast_in_dim3A_1341 : i32 to vector<16xi32>
        %add3A_1343 = arith.addi %mul3A_41, %broadcast_in_dim3A_1342 : vector<16xi32>
        %gather3A_1344 = tpu.vector_load_idx %arg9[%add3A_1343] : memref<16320xf32, #tpu.memory_space<vmem>>[vector<16xi32>], vector<16xf32>,
        %broadcast_in_dim3A_1345 = arith.constant 16384 : i32
        %broadcast_in_dim3A_1346 = vector.broadcast %broadcast_in_dim3A_1345 : i32 to vector<16xi32>
        %and3A_1347 = arith.andi %gather3A_60, %broadcast_in_dim3A_1346 : vector<16xi32>
        %broadcast_in_dim3A_1348 = arith.constant 0 : i32
        %broadcast_in_dim3A_1349 = vector.broadcast %broadcast_in_dim3A_1348 : i32 to vector<16xi32>
        %ne3A_1350 = arith.cmpi ne, %and3A_1347, %broadcast_in_dim3A_1349 : vector<16xi32>
        %gt3A_1351 = arith.cmpf ogt, %gather3A_1344, %select_n3A_1289 : vector<16xf32>
        %and3A_1352 = arith.andi %ne3A_1350, %gt3A_1351 : vector<16xi1>
        %select_n3A_1353 = arith.select %and3A_1352, %gather3A_1344, %select_n3A_1289 : vector<16xi1>, vector<16xf32>
        %broadcast_in_dim3A_1354 = arith.constant 78 : i32
        %broadcast_in_dim3A_1355 = vector.broadcast %broadcast_in_dim3A_1354 : i32 to vector<16xi32>
        %select_n3A_1356 = arith.select %and3A_1352, %broadcast_in_dim3A_1355, %select_n3A_1292 : vector<16xi1>, vector<16xi32>
        %broadcast_in_dim3A_1357 = arith.constant 79 : i32
        %broadcast_in_dim3A_1358 = vector.broadcast %broadcast_in_dim3A_1357 : i32 to vector<16xi32>
        %add3A_1359 = arith.addi %mul3A_41, %broadcast_in_dim3A_1358 : vector<16xi32>
        %gather3A_1360 = tpu.vector_load_idx %arg9[%add3A_1359] : memref<16320xf32, #tpu.memory_space<vmem>>[vector<16xi32>], vector<16xf32>,
        %broadcast_in_dim3A_1361 = arith.constant 32768 : i32
        %broadcast_in_dim3A_1362 = vector.broadcast %broadcast_in_dim3A_1361 : i32 to vector<16xi32>
        %and3A_1363 = arith.andi %gather3A_60, %broadcast_in_dim3A_1362 : vector<16xi32>
        %broadcast_in_dim3A_1364 = arith.constant 0 : i32
        %broadcast_in_dim3A_1365 = vector.broadcast %broadcast_in_dim3A_1364 : i32 to vector<16xi32>
        %ne3A_1366 = arith.cmpi ne, %and3A_1363, %broadcast_in_dim3A_1365 : vector<16xi32>
        %gt3A_1367 = arith.cmpf ogt, %gather3A_1360, %select_n3A_1305 : vector<16xf32>
        %and3A_1368 = arith.andi %ne3A_1366, %gt3A_1367 : vector<16xi1>
        %select_n3A_1369 = arith.select %and3A_1368, %gather3A_1360, %select_n3A_1305 : vector<16xi1>, vector<16xf32>
        %broadcast_in_dim3A_1370 = arith.constant 79 : i32
        %broadcast_in_dim3A_1371 = vector.broadcast %broadcast_in_dim3A_1370 : i32 to vector<16xi32>
        %select_n3A_1372 = arith.select %and3A_1368, %broadcast_in_dim3A_1371, %select_n3A_1308 : vector<16xi1>, vector<16xi32>
        %broadcast_in_dim3A_1373 = arith.constant 80 : i32
        %broadcast_in_dim3A_1374 = vector.broadcast %broadcast_in_dim3A_1373 : i32 to vector<16xi32>
        %add3A_1375 = arith.addi %mul3A_41, %broadcast_in_dim3A_1374 : vector<16xi32>
        %gather3A_1376 = tpu.vector_load_idx %arg9[%add3A_1375] : memref<16320xf32, #tpu.memory_space<vmem>>[vector<16xi32>], vector<16xf32>,
        %broadcast_in_dim3A_1377 = arith.constant 65536 : i32
        %broadcast_in_dim3A_1378 = vector.broadcast %broadcast_in_dim3A_1377 : i32 to vector<16xi32>
        %and3A_1379 = arith.andi %gather3A_60, %broadcast_in_dim3A_1378 : vector<16xi32>
        %broadcast_in_dim3A_1380 = arith.constant 0 : i32
        %broadcast_in_dim3A_1381 = vector.broadcast %broadcast_in_dim3A_1380 : i32 to vector<16xi32>
        %ne3A_1382 = arith.cmpi ne, %and3A_1379, %broadcast_in_dim3A_1381 : vector<16xi32>
        %gt3A_1383 = arith.cmpf ogt, %gather3A_1376, %select_n3A_1321 : vector<16xf32>
        %and3A_1384 = arith.andi %ne3A_1382, %gt3A_1383 : vector<16xi1>
        %select_n3A_1385 = arith.select %and3A_1384, %gather3A_1376, %select_n3A_1321 : vector<16xi1>, vector<16xf32>
        %broadcast_in_dim3A_1386 = arith.constant 80 : i32
        %broadcast_in_dim3A_1387 = vector.broadcast %broadcast_in_dim3A_1386 : i32 to vector<16xi32>
        %select_n3A_1388 = arith.select %and3A_1384, %broadcast_in_dim3A_1387, %select_n3A_1324 : vector<16xi1>, vector<16xi32>
        %broadcast_in_dim3A_1389 = arith.constant 81 : i32
        %broadcast_in_dim3A_1390 = vector.broadcast %broadcast_in_dim3A_1389 : i32 to vector<16xi32>
        %add3A_1391 = arith.addi %mul3A_41, %broadcast_in_dim3A_1390 : vector<16xi32>
        %gather3A_1392 = tpu.vector_load_idx %arg9[%add3A_1391] : memref<16320xf32, #tpu.memory_space<vmem>>[vector<16xi32>], vector<16xf32>,
        %broadcast_in_dim3A_1393 = arith.constant 131072 : i32
        %broadcast_in_dim3A_1394 = vector.broadcast %broadcast_in_dim3A_1393 : i32 to vector<16xi32>
        %and3A_1395 = arith.andi %gather3A_60, %broadcast_in_dim3A_1394 : vector<16xi32>
        %broadcast_in_dim3A_1396 = arith.constant 0 : i32
        %broadcast_in_dim3A_1397 = vector.broadcast %broadcast_in_dim3A_1396 : i32 to vector<16xi32>
        %ne3A_1398 = arith.cmpi ne, %and3A_1395, %broadcast_in_dim3A_1397 : vector<16xi32>
        %gt3A_1399 = arith.cmpf ogt, %gather3A_1392, %select_n3A_1337 : vector<16xf32>
        %and3A_1400 = arith.andi %ne3A_1398, %gt3A_1399 : vector<16xi1>
        %select_n3A_1401 = arith.select %and3A_1400, %gather3A_1392, %select_n3A_1337 : vector<16xi1>, vector<16xf32>
        %broadcast_in_dim3A_1402 = arith.constant 81 : i32
        %broadcast_in_dim3A_1403 = vector.broadcast %broadcast_in_dim3A_1402 : i32 to vector<16xi32>
        %select_n3A_1404 = arith.select %and3A_1400, %broadcast_in_dim3A_1403, %select_n3A_1340 : vector<16xi1>, vector<16xi32>
        %broadcast_in_dim3A_1405 = arith.constant 82 : i32
        %broadcast_in_dim3A_1406 = vector.broadcast %broadcast_in_dim3A_1405 : i32 to vector<16xi32>
        %add3A_1407 = arith.addi %mul3A_41, %broadcast_in_dim3A_1406 : vector<16xi32>
        %gather3A_1408 = tpu.vector_load_idx %arg9[%add3A_1407] : memref<16320xf32, #tpu.memory_space<vmem>>[vector<16xi32>], vector<16xf32>,
        %broadcast_in_dim3A_1409 = arith.constant 262144 : i32
        %broadcast_in_dim3A_1410 = vector.broadcast %broadcast_in_dim3A_1409 : i32 to vector<16xi32>
        %and3A_1411 = arith.andi %gather3A_60, %broadcast_in_dim3A_1410 : vector<16xi32>
        %broadcast_in_dim3A_1412 = arith.constant 0 : i32
        %broadcast_in_dim3A_1413 = vector.broadcast %broadcast_in_dim3A_1412 : i32 to vector<16xi32>
        %ne3A_1414 = arith.cmpi ne, %and3A_1411, %broadcast_in_dim3A_1413 : vector<16xi32>
        %gt3A_1415 = arith.cmpf ogt, %gather3A_1408, %select_n3A_1353 : vector<16xf32>
        %and3A_1416 = arith.andi %ne3A_1414, %gt3A_1415 : vector<16xi1>
        %select_n3A_1417 = arith.select %and3A_1416, %gather3A_1408, %select_n3A_1353 : vector<16xi1>, vector<16xf32>
        %broadcast_in_dim3A_1418 = arith.constant 82 : i32
        %broadcast_in_dim3A_1419 = vector.broadcast %broadcast_in_dim3A_1418 : i32 to vector<16xi32>
        %select_n3A_1420 = arith.select %and3A_1416, %broadcast_in_dim3A_1419, %select_n3A_1356 : vector<16xi1>, vector<16xi32>
        %broadcast_in_dim3A_1421 = arith.constant 83 : i32
        %broadcast_in_dim3A_1422 = vector.broadcast %broadcast_in_dim3A_1421 : i32 to vector<16xi32>
        %add3A_1423 = arith.addi %mul3A_41, %broadcast_in_dim3A_1422 : vector<16xi32>
        %gather3A_1424 = tpu.vector_load_idx %arg9[%add3A_1423] : memref<16320xf32, #tpu.memory_space<vmem>>[vector<16xi32>], vector<16xf32>,
        %broadcast_in_dim3A_1425 = arith.constant 524288 : i32
        %broadcast_in_dim3A_1426 = vector.broadcast %broadcast_in_dim3A_1425 : i32 to vector<16xi32>
        %and3A_1427 = arith.andi %gather3A_60, %broadcast_in_dim3A_1426 : vector<16xi32>
        %broadcast_in_dim3A_1428 = arith.constant 0 : i32
        %broadcast_in_dim3A_1429 = vector.broadcast %broadcast_in_dim3A_1428 : i32 to vector<16xi32>
        %ne3A_1430 = arith.cmpi ne, %and3A_1427, %broadcast_in_dim3A_1429 : vector<16xi32>
        %gt3A_1431 = arith.cmpf ogt, %gather3A_1424, %select_n3A_1369 : vector<16xf32>
        %and3A_1432 = arith.andi %ne3A_1430, %gt3A_1431 : vector<16xi1>
        %select_n3A_1433 = arith.select %and3A_1432, %gather3A_1424, %select_n3A_1369 : vector<16xi1>, vector<16xf32>
        %broadcast_in_dim3A_1434 = arith.constant 83 : i32
        %broadcast_in_dim3A_1435 = vector.broadcast %broadcast_in_dim3A_1434 : i32 to vector<16xi32>
        %select_n3A_1436 = arith.select %and3A_1432, %broadcast_in_dim3A_1435, %select_n3A_1372 : vector<16xi1>, vector<16xi32>
        %broadcast_in_dim3A_1437 = arith.constant 84 : i32
        %broadcast_in_dim3A_1438 = vector.broadcast %broadcast_in_dim3A_1437 : i32 to vector<16xi32>
        %add3A_1439 = arith.addi %mul3A_41, %broadcast_in_dim3A_1438 : vector<16xi32>
        %gather3A_1440 = tpu.vector_load_idx %arg9[%add3A_1439] : memref<16320xf32, #tpu.memory_space<vmem>>[vector<16xi32>], vector<16xf32>,
        %broadcast_in_dim3A_1441 = arith.constant 1048576 : i32
        %broadcast_in_dim3A_1442 = vector.broadcast %broadcast_in_dim3A_1441 : i32 to vector<16xi32>
        %and3A_1443 = arith.andi %gather3A_60, %broadcast_in_dim3A_1442 : vector<16xi32>
        %broadcast_in_dim3A_1444 = arith.constant 0 : i32
        %broadcast_in_dim3A_1445 = vector.broadcast %broadcast_in_dim3A_1444 : i32 to vector<16xi32>
        %ne3A_1446 = arith.cmpi ne, %and3A_1443, %broadcast_in_dim3A_1445 : vector<16xi32>
        %gt3A_1447 = arith.cmpf ogt, %gather3A_1440, %select_n3A_1385 : vector<16xf32>
        %and3A_1448 = arith.andi %ne3A_1446, %gt3A_1447 : vector<16xi1>
        %select_n3A_1449 = arith.select %and3A_1448, %gather3A_1440, %select_n3A_1385 : vector<16xi1>, vector<16xf32>
        %broadcast_in_dim3A_1450 = arith.constant 84 : i32
        %broadcast_in_dim3A_1451 = vector.broadcast %broadcast_in_dim3A_1450 : i32 to vector<16xi32>
        %select_n3A_1452 = arith.select %and3A_1448, %broadcast_in_dim3A_1451, %select_n3A_1388 : vector<16xi1>, vector<16xi32>
        %broadcast_in_dim3A_1453 = arith.constant 85 : i32
        %broadcast_in_dim3A_1454 = vector.broadcast %broadcast_in_dim3A_1453 : i32 to vector<16xi32>
        %add3A_1455 = arith.addi %mul3A_41, %broadcast_in_dim3A_1454 : vector<16xi32>
        %gather3A_1456 = tpu.vector_load_idx %arg9[%add3A_1455] : memref<16320xf32, #tpu.memory_space<vmem>>[vector<16xi32>], vector<16xf32>,
        %broadcast_in_dim3A_1457 = arith.constant 2097152 : i32
        %broadcast_in_dim3A_1458 = vector.broadcast %broadcast_in_dim3A_1457 : i32 to vector<16xi32>
        %and3A_1459 = arith.andi %gather3A_60, %broadcast_in_dim3A_1458 : vector<16xi32>
        %broadcast_in_dim3A_1460 = arith.constant 0 : i32
        %broadcast_in_dim3A_1461 = vector.broadcast %broadcast_in_dim3A_1460 : i32 to vector<16xi32>
        %ne3A_1462 = arith.cmpi ne, %and3A_1459, %broadcast_in_dim3A_1461 : vector<16xi32>
        %gt3A_1463 = arith.cmpf ogt, %gather3A_1456, %select_n3A_1401 : vector<16xf32>
        %and3A_1464 = arith.andi %ne3A_1462, %gt3A_1463 : vector<16xi1>
        %select_n3A_1465 = arith.select %and3A_1464, %gather3A_1456, %select_n3A_1401 : vector<16xi1>, vector<16xf32>
        %broadcast_in_dim3A_1466 = arith.constant 85 : i32
        %broadcast_in_dim3A_1467 = vector.broadcast %broadcast_in_dim3A_1466 : i32 to vector<16xi32>
        %select_n3A_1468 = arith.select %and3A_1464, %broadcast_in_dim3A_1467, %select_n3A_1404 : vector<16xi1>, vector<16xi32>
        %broadcast_in_dim3A_1469 = arith.constant 86 : i32
        %broadcast_in_dim3A_1470 = vector.broadcast %broadcast_in_dim3A_1469 : i32 to vector<16xi32>
        %add3A_1471 = arith.addi %mul3A_41, %broadcast_in_dim3A_1470 : vector<16xi32>
        %gather3A_1472 = tpu.vector_load_idx %arg9[%add3A_1471] : memref<16320xf32, #tpu.memory_space<vmem>>[vector<16xi32>], vector<16xf32>,
        %broadcast_in_dim3A_1473 = arith.constant 4194304 : i32
        %broadcast_in_dim3A_1474 = vector.broadcast %broadcast_in_dim3A_1473 : i32 to vector<16xi32>
        %and3A_1475 = arith.andi %gather3A_60, %broadcast_in_dim3A_1474 : vector<16xi32>
        %broadcast_in_dim3A_1476 = arith.constant 0 : i32
        %broadcast_in_dim3A_1477 = vector.broadcast %broadcast_in_dim3A_1476 : i32 to vector<16xi32>
        %ne3A_1478 = arith.cmpi ne, %and3A_1475, %broadcast_in_dim3A_1477 : vector<16xi32>
        %gt3A_1479 = arith.cmpf ogt, %gather3A_1472, %select_n3A_1417 : vector<16xf32>
        %and3A_1480 = arith.andi %ne3A_1478, %gt3A_1479 : vector<16xi1>
        %select_n3A_1481 = arith.select %and3A_1480, %gather3A_1472, %select_n3A_1417 : vector<16xi1>, vector<16xf32>
        %broadcast_in_dim3A_1482 = arith.constant 86 : i32
        %broadcast_in_dim3A_1483 = vector.broadcast %broadcast_in_dim3A_1482 : i32 to vector<16xi32>
        %select_n3A_1484 = arith.select %and3A_1480, %broadcast_in_dim3A_1483, %select_n3A_1420 : vector<16xi1>, vector<16xi32>
        %broadcast_in_dim3A_1485 = arith.constant 87 : i32
        %broadcast_in_dim3A_1486 = vector.broadcast %broadcast_in_dim3A_1485 : i32 to vector<16xi32>
        %add3A_1487 = arith.addi %mul3A_41, %broadcast_in_dim3A_1486 : vector<16xi32>
        %gather3A_1488 = tpu.vector_load_idx %arg9[%add3A_1487] : memref<16320xf32, #tpu.memory_space<vmem>>[vector<16xi32>], vector<16xf32>,
        %broadcast_in_dim3A_1489 = arith.constant 8388608 : i32
        %broadcast_in_dim3A_1490 = vector.broadcast %broadcast_in_dim3A_1489 : i32 to vector<16xi32>
        %and3A_1491 = arith.andi %gather3A_60, %broadcast_in_dim3A_1490 : vector<16xi32>
        %broadcast_in_dim3A_1492 = arith.constant 0 : i32
        %broadcast_in_dim3A_1493 = vector.broadcast %broadcast_in_dim3A_1492 : i32 to vector<16xi32>
        %ne3A_1494 = arith.cmpi ne, %and3A_1491, %broadcast_in_dim3A_1493 : vector<16xi32>
        %gt3A_1495 = arith.cmpf ogt, %gather3A_1488, %select_n3A_1433 : vector<16xf32>
        %and3A_1496 = arith.andi %ne3A_1494, %gt3A_1495 : vector<16xi1>
        %select_n3A_1497 = arith.select %and3A_1496, %gather3A_1488, %select_n3A_1433 : vector<16xi1>, vector<16xf32>
        %broadcast_in_dim3A_1498 = arith.constant 87 : i32
        %broadcast_in_dim3A_1499 = vector.broadcast %broadcast_in_dim3A_1498 : i32 to vector<16xi32>
        %select_n3A_1500 = arith.select %and3A_1496, %broadcast_in_dim3A_1499, %select_n3A_1436 : vector<16xi1>, vector<16xi32>
        %broadcast_in_dim3A_1501 = arith.constant 88 : i32
        %broadcast_in_dim3A_1502 = vector.broadcast %broadcast_in_dim3A_1501 : i32 to vector<16xi32>
        %add3A_1503 = arith.addi %mul3A_41, %broadcast_in_dim3A_1502 : vector<16xi32>
        %gather3A_1504 = tpu.vector_load_idx %arg9[%add3A_1503] : memref<16320xf32, #tpu.memory_space<vmem>>[vector<16xi32>], vector<16xf32>,
        %broadcast_in_dim3A_1505 = arith.constant 16777216 : i32
        %broadcast_in_dim3A_1506 = vector.broadcast %broadcast_in_dim3A_1505 : i32 to vector<16xi32>
        %and3A_1507 = arith.andi %gather3A_60, %broadcast_in_dim3A_1506 : vector<16xi32>
        %broadcast_in_dim3A_1508 = arith.constant 0 : i32
        %broadcast_in_dim3A_1509 = vector.broadcast %broadcast_in_dim3A_1508 : i32 to vector<16xi32>
        %ne3A_1510 = arith.cmpi ne, %and3A_1507, %broadcast_in_dim3A_1509 : vector<16xi32>
        %gt3A_1511 = arith.cmpf ogt, %gather3A_1504, %select_n3A_1449 : vector<16xf32>
        %and3A_1512 = arith.andi %ne3A_1510, %gt3A_1511 : vector<16xi1>
        %select_n3A_1513 = arith.select %and3A_1512, %gather3A_1504, %select_n3A_1449 : vector<16xi1>, vector<16xf32>
        %broadcast_in_dim3A_1514 = arith.constant 88 : i32
        %broadcast_in_dim3A_1515 = vector.broadcast %broadcast_in_dim3A_1514 : i32 to vector<16xi32>
        %select_n3A_1516 = arith.select %and3A_1512, %broadcast_in_dim3A_1515, %select_n3A_1452 : vector<16xi1>, vector<16xi32>
        %broadcast_in_dim3A_1517 = arith.constant 89 : i32
        %broadcast_in_dim3A_1518 = vector.broadcast %broadcast_in_dim3A_1517 : i32 to vector<16xi32>
        %add3A_1519 = arith.addi %mul3A_41, %broadcast_in_dim3A_1518 : vector<16xi32>
        %gather3A_1520 = tpu.vector_load_idx %arg9[%add3A_1519] : memref<16320xf32, #tpu.memory_space<vmem>>[vector<16xi32>], vector<16xf32>,
        %broadcast_in_dim3A_1521 = arith.constant 33554432 : i32
        %broadcast_in_dim3A_1522 = vector.broadcast %broadcast_in_dim3A_1521 : i32 to vector<16xi32>
        %and3A_1523 = arith.andi %gather3A_60, %broadcast_in_dim3A_1522 : vector<16xi32>
        %broadcast_in_dim3A_1524 = arith.constant 0 : i32
        %broadcast_in_dim3A_1525 = vector.broadcast %broadcast_in_dim3A_1524 : i32 to vector<16xi32>
        %ne3A_1526 = arith.cmpi ne, %and3A_1523, %broadcast_in_dim3A_1525 : vector<16xi32>
        %gt3A_1527 = arith.cmpf ogt, %gather3A_1520, %select_n3A_1465 : vector<16xf32>
        %and3A_1528 = arith.andi %ne3A_1526, %gt3A_1527 : vector<16xi1>
        %select_n3A_1529 = arith.select %and3A_1528, %gather3A_1520, %select_n3A_1465 : vector<16xi1>, vector<16xf32>
        %broadcast_in_dim3A_1530 = arith.constant 89 : i32
        %broadcast_in_dim3A_1531 = vector.broadcast %broadcast_in_dim3A_1530 : i32 to vector<16xi32>
        %select_n3A_1532 = arith.select %and3A_1528, %broadcast_in_dim3A_1531, %select_n3A_1468 : vector<16xi1>, vector<16xi32>
        %broadcast_in_dim3A_1533 = arith.constant 90 : i32
        %broadcast_in_dim3A_1534 = vector.broadcast %broadcast_in_dim3A_1533 : i32 to vector<16xi32>
        %add3A_1535 = arith.addi %mul3A_41, %broadcast_in_dim3A_1534 : vector<16xi32>
        %gather3A_1536 = tpu.vector_load_idx %arg9[%add3A_1535] : memref<16320xf32, #tpu.memory_space<vmem>>[vector<16xi32>], vector<16xf32>,
        %broadcast_in_dim3A_1537 = arith.constant 67108864 : i32
        %broadcast_in_dim3A_1538 = vector.broadcast %broadcast_in_dim3A_1537 : i32 to vector<16xi32>
        %and3A_1539 = arith.andi %gather3A_60, %broadcast_in_dim3A_1538 : vector<16xi32>
        %broadcast_in_dim3A_1540 = arith.constant 0 : i32
        %broadcast_in_dim3A_1541 = vector.broadcast %broadcast_in_dim3A_1540 : i32 to vector<16xi32>
        %ne3A_1542 = arith.cmpi ne, %and3A_1539, %broadcast_in_dim3A_1541 : vector<16xi32>
        %gt3A_1543 = arith.cmpf ogt, %gather3A_1536, %select_n3A_1481 : vector<16xf32>
        %and3A_1544 = arith.andi %ne3A_1542, %gt3A_1543 : vector<16xi1>
        %select_n3A_1545 = arith.select %and3A_1544, %gather3A_1536, %select_n3A_1481 : vector<16xi1>, vector<16xf32>
        %broadcast_in_dim3A_1546 = arith.constant 90 : i32
        %broadcast_in_dim3A_1547 = vector.broadcast %broadcast_in_dim3A_1546 : i32 to vector<16xi32>
        %select_n3A_1548 = arith.select %and3A_1544, %broadcast_in_dim3A_1547, %select_n3A_1484 : vector<16xi1>, vector<16xi32>
        %broadcast_in_dim3A_1549 = arith.constant 91 : i32
        %broadcast_in_dim3A_1550 = vector.broadcast %broadcast_in_dim3A_1549 : i32 to vector<16xi32>
        %add3A_1551 = arith.addi %mul3A_41, %broadcast_in_dim3A_1550 : vector<16xi32>
        %gather3A_1552 = tpu.vector_load_idx %arg9[%add3A_1551] : memref<16320xf32, #tpu.memory_space<vmem>>[vector<16xi32>], vector<16xf32>,
        %broadcast_in_dim3A_1553 = arith.constant 134217728 : i32
        %broadcast_in_dim3A_1554 = vector.broadcast %broadcast_in_dim3A_1553 : i32 to vector<16xi32>
        %and3A_1555 = arith.andi %gather3A_60, %broadcast_in_dim3A_1554 : vector<16xi32>
        %broadcast_in_dim3A_1556 = arith.constant 0 : i32
        %broadcast_in_dim3A_1557 = vector.broadcast %broadcast_in_dim3A_1556 : i32 to vector<16xi32>
        %ne3A_1558 = arith.cmpi ne, %and3A_1555, %broadcast_in_dim3A_1557 : vector<16xi32>
        %gt3A_1559 = arith.cmpf ogt, %gather3A_1552, %select_n3A_1497 : vector<16xf32>
        %and3A_1560 = arith.andi %ne3A_1558, %gt3A_1559 : vector<16xi1>
        %select_n3A_1561 = arith.select %and3A_1560, %gather3A_1552, %select_n3A_1497 : vector<16xi1>, vector<16xf32>
        %broadcast_in_dim3A_1562 = arith.constant 91 : i32
        %broadcast_in_dim3A_1563 = vector.broadcast %broadcast_in_dim3A_1562 : i32 to vector<16xi32>
        %select_n3A_1564 = arith.select %and3A_1560, %broadcast_in_dim3A_1563, %select_n3A_1500 : vector<16xi1>, vector<16xi32>
        %broadcast_in_dim3A_1565 = arith.constant 92 : i32
        %broadcast_in_dim3A_1566 = vector.broadcast %broadcast_in_dim3A_1565 : i32 to vector<16xi32>
        %add3A_1567 = arith.addi %mul3A_41, %broadcast_in_dim3A_1566 : vector<16xi32>
        %gather3A_1568 = tpu.vector_load_idx %arg9[%add3A_1567] : memref<16320xf32, #tpu.memory_space<vmem>>[vector<16xi32>], vector<16xf32>,
        %broadcast_in_dim3A_1569 = arith.constant 268435456 : i32
        %broadcast_in_dim3A_1570 = vector.broadcast %broadcast_in_dim3A_1569 : i32 to vector<16xi32>
        %and3A_1571 = arith.andi %gather3A_60, %broadcast_in_dim3A_1570 : vector<16xi32>
        %broadcast_in_dim3A_1572 = arith.constant 0 : i32
        %broadcast_in_dim3A_1573 = vector.broadcast %broadcast_in_dim3A_1572 : i32 to vector<16xi32>
        %ne3A_1574 = arith.cmpi ne, %and3A_1571, %broadcast_in_dim3A_1573 : vector<16xi32>
        %gt3A_1575 = arith.cmpf ogt, %gather3A_1568, %select_n3A_1513 : vector<16xf32>
        %and3A_1576 = arith.andi %ne3A_1574, %gt3A_1575 : vector<16xi1>
        %select_n3A_1577 = arith.select %and3A_1576, %gather3A_1568, %select_n3A_1513 : vector<16xi1>, vector<16xf32>
        %broadcast_in_dim3A_1578 = arith.constant 92 : i32
        %broadcast_in_dim3A_1579 = vector.broadcast %broadcast_in_dim3A_1578 : i32 to vector<16xi32>
        %select_n3A_1580 = arith.select %and3A_1576, %broadcast_in_dim3A_1579, %select_n3A_1516 : vector<16xi1>, vector<16xi32>
        %broadcast_in_dim3A_1581 = arith.constant 93 : i32
        %broadcast_in_dim3A_1582 = vector.broadcast %broadcast_in_dim3A_1581 : i32 to vector<16xi32>
        %add3A_1583 = arith.addi %mul3A_41, %broadcast_in_dim3A_1582 : vector<16xi32>
        %gather3A_1584 = tpu.vector_load_idx %arg9[%add3A_1583] : memref<16320xf32, #tpu.memory_space<vmem>>[vector<16xi32>], vector<16xf32>,
        %broadcast_in_dim3A_1585 = arith.constant 536870912 : i32
        %broadcast_in_dim3A_1586 = vector.broadcast %broadcast_in_dim3A_1585 : i32 to vector<16xi32>
        %and3A_1587 = arith.andi %gather3A_60, %broadcast_in_dim3A_1586 : vector<16xi32>
        %broadcast_in_dim3A_1588 = arith.constant 0 : i32
        %broadcast_in_dim3A_1589 = vector.broadcast %broadcast_in_dim3A_1588 : i32 to vector<16xi32>
        %ne3A_1590 = arith.cmpi ne, %and3A_1587, %broadcast_in_dim3A_1589 : vector<16xi32>
        %gt3A_1591 = arith.cmpf ogt, %gather3A_1584, %select_n3A_1529 : vector<16xf32>
        %and3A_1592 = arith.andi %ne3A_1590, %gt3A_1591 : vector<16xi1>
        %select_n3A_1593 = arith.select %and3A_1592, %gather3A_1584, %select_n3A_1529 : vector<16xi1>, vector<16xf32>
        %broadcast_in_dim3A_1594 = arith.constant 93 : i32
        %broadcast_in_dim3A_1595 = vector.broadcast %broadcast_in_dim3A_1594 : i32 to vector<16xi32>
        %select_n3A_1596 = arith.select %and3A_1592, %broadcast_in_dim3A_1595, %select_n3A_1532 : vector<16xi1>, vector<16xi32>
        %broadcast_in_dim3A_1597 = arith.constant 94 : i32
        %broadcast_in_dim3A_1598 = vector.broadcast %broadcast_in_dim3A_1597 : i32 to vector<16xi32>
        %add3A_1599 = arith.addi %mul3A_41, %broadcast_in_dim3A_1598 : vector<16xi32>
        %gather3A_1600 = tpu.vector_load_idx %arg9[%add3A_1599] : memref<16320xf32, #tpu.memory_space<vmem>>[vector<16xi32>], vector<16xf32>,
        %broadcast_in_dim3A_1601 = arith.constant 1073741824 : i32
        %broadcast_in_dim3A_1602 = vector.broadcast %broadcast_in_dim3A_1601 : i32 to vector<16xi32>
        %and3A_1603 = arith.andi %gather3A_60, %broadcast_in_dim3A_1602 : vector<16xi32>
        %broadcast_in_dim3A_1604 = arith.constant 0 : i32
        %broadcast_in_dim3A_1605 = vector.broadcast %broadcast_in_dim3A_1604 : i32 to vector<16xi32>
        %ne3A_1606 = arith.cmpi ne, %and3A_1603, %broadcast_in_dim3A_1605 : vector<16xi32>
        %gt3A_1607 = arith.cmpf ogt, %gather3A_1600, %select_n3A_1545 : vector<16xf32>
        %and3A_1608 = arith.andi %ne3A_1606, %gt3A_1607 : vector<16xi1>
        %select_n3A_1609 = arith.select %and3A_1608, %gather3A_1600, %select_n3A_1545 : vector<16xi1>, vector<16xf32>
        %broadcast_in_dim3A_1610 = arith.constant 94 : i32
        %broadcast_in_dim3A_1611 = vector.broadcast %broadcast_in_dim3A_1610 : i32 to vector<16xi32>
        %select_n3A_1612 = arith.select %and3A_1608, %broadcast_in_dim3A_1611, %select_n3A_1548 : vector<16xi1>, vector<16xi32>
        %broadcast_in_dim3A_1613 = arith.constant 95 : i32
        %broadcast_in_dim3A_1614 = vector.broadcast %broadcast_in_dim3A_1613 : i32 to vector<16xi32>
        %add3A_1615 = arith.addi %mul3A_41, %broadcast_in_dim3A_1614 : vector<16xi32>
        %gather3A_1616 = tpu.vector_load_idx %arg9[%add3A_1615] : memref<16320xf32, #tpu.memory_space<vmem>>[vector<16xi32>], vector<16xf32>,
        %broadcast_in_dim3A_1617 = arith.constant -2147483648 : i32
        %broadcast_in_dim3A_1618 = vector.broadcast %broadcast_in_dim3A_1617 : i32 to vector<16xi32>
        %and3A_1619 = arith.andi %gather3A_60, %broadcast_in_dim3A_1618 : vector<16xi32>
        %broadcast_in_dim3A_1620 = arith.constant 0 : i32
        %broadcast_in_dim3A_1621 = vector.broadcast %broadcast_in_dim3A_1620 : i32 to vector<16xi32>
        %ne3A_1622 = arith.cmpi ne, %and3A_1619, %broadcast_in_dim3A_1621 : vector<16xi32>
        %gt3A_1623 = arith.cmpf ogt, %gather3A_1616, %select_n3A_1561 : vector<16xf32>
        %and3A_1624 = arith.andi %ne3A_1622, %gt3A_1623 : vector<16xi1>
        %select_n3A_1625 = arith.select %and3A_1624, %gather3A_1616, %select_n3A_1561 : vector<16xi1>, vector<16xf32>
        %broadcast_in_dim3A_1626 = arith.constant 95 : i32
        %broadcast_in_dim3A_1627 = vector.broadcast %broadcast_in_dim3A_1626 : i32 to vector<16xi32>
        %select_n3A_1628 = arith.select %and3A_1624, %broadcast_in_dim3A_1627, %select_n3A_1564 : vector<16xi1>, vector<16xi32>
        %broadcast_in_dim3A_1629 = arith.constant 96 : i32
        %broadcast_in_dim3A_1630 = vector.broadcast %broadcast_in_dim3A_1629 : i32 to vector<16xi32>
        %add3A_1631 = arith.addi %mul3A_41, %broadcast_in_dim3A_1630 : vector<16xi32>
        %gather3A_1632 = tpu.vector_load_idx %arg9[%add3A_1631] : memref<16320xf32, #tpu.memory_space<vmem>>[vector<16xi32>], vector<16xf32>,
        %broadcast_in_dim3A_1633 = arith.constant 1 : i32
        %broadcast_in_dim3A_1634 = vector.broadcast %broadcast_in_dim3A_1633 : i32 to vector<16xi32>
        %and3A_1635 = arith.andi %gather3A_64, %broadcast_in_dim3A_1634 : vector<16xi32>
        %broadcast_in_dim3A_1636 = arith.constant 0 : i32
        %broadcast_in_dim3A_1637 = vector.broadcast %broadcast_in_dim3A_1636 : i32 to vector<16xi32>
        %ne3A_1638 = arith.cmpi ne, %and3A_1635, %broadcast_in_dim3A_1637 : vector<16xi32>
        %gt3A_1639 = arith.cmpf ogt, %gather3A_1632, %select_n3A_1577 : vector<16xf32>
        %and3A_1640 = arith.andi %ne3A_1638, %gt3A_1639 : vector<16xi1>
        %select_n3A_1641 = arith.select %and3A_1640, %gather3A_1632, %select_n3A_1577 : vector<16xi1>, vector<16xf32>
        %broadcast_in_dim3A_1642 = arith.constant 96 : i32
        %broadcast_in_dim3A_1643 = vector.broadcast %broadcast_in_dim3A_1642 : i32 to vector<16xi32>
        %select_n3A_1644 = arith.select %and3A_1640, %broadcast_in_dim3A_1643, %select_n3A_1580 : vector<16xi1>, vector<16xi32>
        %broadcast_in_dim3A_1645 = arith.constant 97 : i32
        %broadcast_in_dim3A_1646 = vector.broadcast %broadcast_in_dim3A_1645 : i32 to vector<16xi32>
        %add3A_1647 = arith.addi %mul3A_41, %broadcast_in_dim3A_1646 : vector<16xi32>
        %gather3A_1648 = tpu.vector_load_idx %arg9[%add3A_1647] : memref<16320xf32, #tpu.memory_space<vmem>>[vector<16xi32>], vector<16xf32>,
        %broadcast_in_dim3A_1649 = arith.constant 2 : i32
        %broadcast_in_dim3A_1650 = vector.broadcast %broadcast_in_dim3A_1649 : i32 to vector<16xi32>
        %and3A_1651 = arith.andi %gather3A_64, %broadcast_in_dim3A_1650 : vector<16xi32>
        %broadcast_in_dim3A_1652 = arith.constant 0 : i32
        %broadcast_in_dim3A_1653 = vector.broadcast %broadcast_in_dim3A_1652 : i32 to vector<16xi32>
        %ne3A_1654 = arith.cmpi ne, %and3A_1651, %broadcast_in_dim3A_1653 : vector<16xi32>
        %gt3A_1655 = arith.cmpf ogt, %gather3A_1648, %select_n3A_1593 : vector<16xf32>
        %and3A_1656 = arith.andi %ne3A_1654, %gt3A_1655 : vector<16xi1>
        %select_n3A_1657 = arith.select %and3A_1656, %gather3A_1648, %select_n3A_1593 : vector<16xi1>, vector<16xf32>
        %broadcast_in_dim3A_1658 = arith.constant 97 : i32
        %broadcast_in_dim3A_1659 = vector.broadcast %broadcast_in_dim3A_1658 : i32 to vector<16xi32>
        %select_n3A_1660 = arith.select %and3A_1656, %broadcast_in_dim3A_1659, %select_n3A_1596 : vector<16xi1>, vector<16xi32>
        %broadcast_in_dim3A_1661 = arith.constant 98 : i32
        %broadcast_in_dim3A_1662 = vector.broadcast %broadcast_in_dim3A_1661 : i32 to vector<16xi32>
        %add3A_1663 = arith.addi %mul3A_41, %broadcast_in_dim3A_1662 : vector<16xi32>
        %gather3A_1664 = tpu.vector_load_idx %arg9[%add3A_1663] : memref<16320xf32, #tpu.memory_space<vmem>>[vector<16xi32>], vector<16xf32>,
        %broadcast_in_dim3A_1665 = arith.constant 4 : i32
        %broadcast_in_dim3A_1666 = vector.broadcast %broadcast_in_dim3A_1665 : i32 to vector<16xi32>
        %and3A_1667 = arith.andi %gather3A_64, %broadcast_in_dim3A_1666 : vector<16xi32>
        %broadcast_in_dim3A_1668 = arith.constant 0 : i32
        %broadcast_in_dim3A_1669 = vector.broadcast %broadcast_in_dim3A_1668 : i32 to vector<16xi32>
        %ne3A_1670 = arith.cmpi ne, %and3A_1667, %broadcast_in_dim3A_1669 : vector<16xi32>
        %gt3A_1671 = arith.cmpf ogt, %gather3A_1664, %select_n3A_1609 : vector<16xf32>
        %and3A_1672 = arith.andi %ne3A_1670, %gt3A_1671 : vector<16xi1>
        %select_n3A_1673 = arith.select %and3A_1672, %gather3A_1664, %select_n3A_1609 : vector<16xi1>, vector<16xf32>
        %broadcast_in_dim3A_1674 = arith.constant 98 : i32
        %broadcast_in_dim3A_1675 = vector.broadcast %broadcast_in_dim3A_1674 : i32 to vector<16xi32>
        %select_n3A_1676 = arith.select %and3A_1672, %broadcast_in_dim3A_1675, %select_n3A_1612 : vector<16xi1>, vector<16xi32>
        %broadcast_in_dim3A_1677 = arith.constant 99 : i32
        %broadcast_in_dim3A_1678 = vector.broadcast %broadcast_in_dim3A_1677 : i32 to vector<16xi32>
        %add3A_1679 = arith.addi %mul3A_41, %broadcast_in_dim3A_1678 : vector<16xi32>
        %gather3A_1680 = tpu.vector_load_idx %arg9[%add3A_1679] : memref<16320xf32, #tpu.memory_space<vmem>>[vector<16xi32>], vector<16xf32>,
        %broadcast_in_dim3A_1681 = arith.constant 8 : i32
        %broadcast_in_dim3A_1682 = vector.broadcast %broadcast_in_dim3A_1681 : i32 to vector<16xi32>
        %and3A_1683 = arith.andi %gather3A_64, %broadcast_in_dim3A_1682 : vector<16xi32>
        %broadcast_in_dim3A_1684 = arith.constant 0 : i32
        %broadcast_in_dim3A_1685 = vector.broadcast %broadcast_in_dim3A_1684 : i32 to vector<16xi32>
        %ne3A_1686 = arith.cmpi ne, %and3A_1683, %broadcast_in_dim3A_1685 : vector<16xi32>
        %gt3A_1687 = arith.cmpf ogt, %gather3A_1680, %select_n3A_1625 : vector<16xf32>
        %and3A_1688 = arith.andi %ne3A_1686, %gt3A_1687 : vector<16xi1>
        %select_n3A_1689 = arith.select %and3A_1688, %gather3A_1680, %select_n3A_1625 : vector<16xi1>, vector<16xf32>
        %broadcast_in_dim3A_1690 = arith.constant 99 : i32
        %broadcast_in_dim3A_1691 = vector.broadcast %broadcast_in_dim3A_1690 : i32 to vector<16xi32>
        %select_n3A_1692 = arith.select %and3A_1688, %broadcast_in_dim3A_1691, %select_n3A_1628 : vector<16xi1>, vector<16xi32>
        %broadcast_in_dim3A_1693 = arith.constant 100 : i32
        %broadcast_in_dim3A_1694 = vector.broadcast %broadcast_in_dim3A_1693 : i32 to vector<16xi32>
        %add3A_1695 = arith.addi %mul3A_41, %broadcast_in_dim3A_1694 : vector<16xi32>
        %gather3A_1696 = tpu.vector_load_idx %arg9[%add3A_1695] : memref<16320xf32, #tpu.memory_space<vmem>>[vector<16xi32>], vector<16xf32>,
        %broadcast_in_dim3A_1697 = arith.constant 16 : i32
        %broadcast_in_dim3A_1698 = vector.broadcast %broadcast_in_dim3A_1697 : i32 to vector<16xi32>
        %and3A_1699 = arith.andi %gather3A_64, %broadcast_in_dim3A_1698 : vector<16xi32>
        %broadcast_in_dim3A_1700 = arith.constant 0 : i32
        %broadcast_in_dim3A_1701 = vector.broadcast %broadcast_in_dim3A_1700 : i32 to vector<16xi32>
        %ne3A_1702 = arith.cmpi ne, %and3A_1699, %broadcast_in_dim3A_1701 : vector<16xi32>
        %gt3A_1703 = arith.cmpf ogt, %gather3A_1696, %select_n3A_1641 : vector<16xf32>
        %and3A_1704 = arith.andi %ne3A_1702, %gt3A_1703 : vector<16xi1>
        %select_n3A_1705 = arith.select %and3A_1704, %gather3A_1696, %select_n3A_1641 : vector<16xi1>, vector<16xf32>
        %broadcast_in_dim3A_1706 = arith.constant 100 : i32
        %broadcast_in_dim3A_1707 = vector.broadcast %broadcast_in_dim3A_1706 : i32 to vector<16xi32>
        %select_n3A_1708 = arith.select %and3A_1704, %broadcast_in_dim3A_1707, %select_n3A_1644 : vector<16xi1>, vector<16xi32>
        %broadcast_in_dim3A_1709 = arith.constant 101 : i32
        %broadcast_in_dim3A_1710 = vector.broadcast %broadcast_in_dim3A_1709 : i32 to vector<16xi32>
        %add3A_1711 = arith.addi %mul3A_41, %broadcast_in_dim3A_1710 : vector<16xi32>
        %gather3A_1712 = tpu.vector_load_idx %arg9[%add3A_1711] : memref<16320xf32, #tpu.memory_space<vmem>>[vector<16xi32>], vector<16xf32>,
        %broadcast_in_dim3A_1713 = arith.constant 32 : i32
        %broadcast_in_dim3A_1714 = vector.broadcast %broadcast_in_dim3A_1713 : i32 to vector<16xi32>
        %and3A_1715 = arith.andi %gather3A_64, %broadcast_in_dim3A_1714 : vector<16xi32>
        %broadcast_in_dim3A_1716 = arith.constant 0 : i32
        %broadcast_in_dim3A_1717 = vector.broadcast %broadcast_in_dim3A_1716 : i32 to vector<16xi32>
        %ne3A_1718 = arith.cmpi ne, %and3A_1715, %broadcast_in_dim3A_1717 : vector<16xi32>
        %gt3A_1719 = arith.cmpf ogt, %gather3A_1712, %select_n3A_1657 : vector<16xf32>
        %and3A_1720 = arith.andi %ne3A_1718, %gt3A_1719 : vector<16xi1>
        %select_n3A_1721 = arith.select %and3A_1720, %gather3A_1712, %select_n3A_1657 : vector<16xi1>, vector<16xf32>
        %broadcast_in_dim3A_1722 = arith.constant 101 : i32
        %broadcast_in_dim3A_1723 = vector.broadcast %broadcast_in_dim3A_1722 : i32 to vector<16xi32>
        %select_n3A_1724 = arith.select %and3A_1720, %broadcast_in_dim3A_1723, %select_n3A_1660 : vector<16xi1>, vector<16xi32>
        %broadcast_in_dim3A_1725 = arith.constant 102 : i32
        %broadcast_in_dim3A_1726 = vector.broadcast %broadcast_in_dim3A_1725 : i32 to vector<16xi32>
        %add3A_1727 = arith.addi %mul3A_41, %broadcast_in_dim3A_1726 : vector<16xi32>
        %gather3A_1728 = tpu.vector_load_idx %arg9[%add3A_1727] : memref<16320xf32, #tpu.memory_space<vmem>>[vector<16xi32>], vector<16xf32>,
        %broadcast_in_dim3A_1729 = arith.constant 64 : i32
        %broadcast_in_dim3A_1730 = vector.broadcast %broadcast_in_dim3A_1729 : i32 to vector<16xi32>
        %and3A_1731 = arith.andi %gather3A_64, %broadcast_in_dim3A_1730 : vector<16xi32>
        %broadcast_in_dim3A_1732 = arith.constant 0 : i32
        %broadcast_in_dim3A_1733 = vector.broadcast %broadcast_in_dim3A_1732 : i32 to vector<16xi32>
        %ne3A_1734 = arith.cmpi ne, %and3A_1731, %broadcast_in_dim3A_1733 : vector<16xi32>
        %gt3A_1735 = arith.cmpf ogt, %gather3A_1728, %select_n3A_1673 : vector<16xf32>
        %and3A_1736 = arith.andi %ne3A_1734, %gt3A_1735 : vector<16xi1>
        %select_n3A_1737 = arith.select %and3A_1736, %gather3A_1728, %select_n3A_1673 : vector<16xi1>, vector<16xf32>
        %broadcast_in_dim3A_1738 = arith.constant 102 : i32
        %broadcast_in_dim3A_1739 = vector.broadcast %broadcast_in_dim3A_1738 : i32 to vector<16xi32>
        %select_n3A_1740 = arith.select %and3A_1736, %broadcast_in_dim3A_1739, %select_n3A_1676 : vector<16xi1>, vector<16xi32>
        %broadcast_in_dim3A_1741 = arith.constant 103 : i32
        %broadcast_in_dim3A_1742 = vector.broadcast %broadcast_in_dim3A_1741 : i32 to vector<16xi32>
        %add3A_1743 = arith.addi %mul3A_41, %broadcast_in_dim3A_1742 : vector<16xi32>
        %gather3A_1744 = tpu.vector_load_idx %arg9[%add3A_1743] : memref<16320xf32, #tpu.memory_space<vmem>>[vector<16xi32>], vector<16xf32>,
        %broadcast_in_dim3A_1745 = arith.constant 128 : i32
        %broadcast_in_dim3A_1746 = vector.broadcast %broadcast_in_dim3A_1745 : i32 to vector<16xi32>
        %and3A_1747 = arith.andi %gather3A_64, %broadcast_in_dim3A_1746 : vector<16xi32>
        %broadcast_in_dim3A_1748 = arith.constant 0 : i32
        %broadcast_in_dim3A_1749 = vector.broadcast %broadcast_in_dim3A_1748 : i32 to vector<16xi32>
        %ne3A_1750 = arith.cmpi ne, %and3A_1747, %broadcast_in_dim3A_1749 : vector<16xi32>
        %gt3A_1751 = arith.cmpf ogt, %gather3A_1744, %select_n3A_1689 : vector<16xf32>
        %and3A_1752 = arith.andi %ne3A_1750, %gt3A_1751 : vector<16xi1>
        %select_n3A_1753 = arith.select %and3A_1752, %gather3A_1744, %select_n3A_1689 : vector<16xi1>, vector<16xf32>
        %broadcast_in_dim3A_1754 = arith.constant 103 : i32
        %broadcast_in_dim3A_1755 = vector.broadcast %broadcast_in_dim3A_1754 : i32 to vector<16xi32>
        %select_n3A_1756 = arith.select %and3A_1752, %broadcast_in_dim3A_1755, %select_n3A_1692 : vector<16xi1>, vector<16xi32>
        %broadcast_in_dim3A_1757 = arith.constant 104 : i32
        %broadcast_in_dim3A_1758 = vector.broadcast %broadcast_in_dim3A_1757 : i32 to vector<16xi32>
        %add3A_1759 = arith.addi %mul3A_41, %broadcast_in_dim3A_1758 : vector<16xi32>
        %gather3A_1760 = tpu.vector_load_idx %arg9[%add3A_1759] : memref<16320xf32, #tpu.memory_space<vmem>>[vector<16xi32>], vector<16xf32>,
        %broadcast_in_dim3A_1761 = arith.constant 256 : i32
        %broadcast_in_dim3A_1762 = vector.broadcast %broadcast_in_dim3A_1761 : i32 to vector<16xi32>
        %and3A_1763 = arith.andi %gather3A_64, %broadcast_in_dim3A_1762 : vector<16xi32>
        %broadcast_in_dim3A_1764 = arith.constant 0 : i32
        %broadcast_in_dim3A_1765 = vector.broadcast %broadcast_in_dim3A_1764 : i32 to vector<16xi32>
        %ne3A_1766 = arith.cmpi ne, %and3A_1763, %broadcast_in_dim3A_1765 : vector<16xi32>
        %gt3A_1767 = arith.cmpf ogt, %gather3A_1760, %select_n3A_1705 : vector<16xf32>
        %and3A_1768 = arith.andi %ne3A_1766, %gt3A_1767 : vector<16xi1>
        %select_n3A_1769 = arith.select %and3A_1768, %gather3A_1760, %select_n3A_1705 : vector<16xi1>, vector<16xf32>
        %broadcast_in_dim3A_1770 = arith.constant 104 : i32
        %broadcast_in_dim3A_1771 = vector.broadcast %broadcast_in_dim3A_1770 : i32 to vector<16xi32>
        %select_n3A_1772 = arith.select %and3A_1768, %broadcast_in_dim3A_1771, %select_n3A_1708 : vector<16xi1>, vector<16xi32>
        %broadcast_in_dim3A_1773 = arith.constant 105 : i32
        %broadcast_in_dim3A_1774 = vector.broadcast %broadcast_in_dim3A_1773 : i32 to vector<16xi32>
        %add3A_1775 = arith.addi %mul3A_41, %broadcast_in_dim3A_1774 : vector<16xi32>
        %gather3A_1776 = tpu.vector_load_idx %arg9[%add3A_1775] : memref<16320xf32, #tpu.memory_space<vmem>>[vector<16xi32>], vector<16xf32>,
        %broadcast_in_dim3A_1777 = arith.constant 512 : i32
        %broadcast_in_dim3A_1778 = vector.broadcast %broadcast_in_dim3A_1777 : i32 to vector<16xi32>
        %and3A_1779 = arith.andi %gather3A_64, %broadcast_in_dim3A_1778 : vector<16xi32>
        %broadcast_in_dim3A_1780 = arith.constant 0 : i32
        %broadcast_in_dim3A_1781 = vector.broadcast %broadcast_in_dim3A_1780 : i32 to vector<16xi32>
        %ne3A_1782 = arith.cmpi ne, %and3A_1779, %broadcast_in_dim3A_1781 : vector<16xi32>
        %gt3A_1783 = arith.cmpf ogt, %gather3A_1776, %select_n3A_1721 : vector<16xf32>
        %and3A_1784 = arith.andi %ne3A_1782, %gt3A_1783 : vector<16xi1>
        %select_n3A_1785 = arith.select %and3A_1784, %gather3A_1776, %select_n3A_1721 : vector<16xi1>, vector<16xf32>
        %broadcast_in_dim3A_1786 = arith.constant 105 : i32
        %broadcast_in_dim3A_1787 = vector.broadcast %broadcast_in_dim3A_1786 : i32 to vector<16xi32>
        %select_n3A_1788 = arith.select %and3A_1784, %broadcast_in_dim3A_1787, %select_n3A_1724 : vector<16xi1>, vector<16xi32>
        %broadcast_in_dim3A_1789 = arith.constant 106 : i32
        %broadcast_in_dim3A_1790 = vector.broadcast %broadcast_in_dim3A_1789 : i32 to vector<16xi32>
        %add3A_1791 = arith.addi %mul3A_41, %broadcast_in_dim3A_1790 : vector<16xi32>
        %gather3A_1792 = tpu.vector_load_idx %arg9[%add3A_1791] : memref<16320xf32, #tpu.memory_space<vmem>>[vector<16xi32>], vector<16xf32>,
        %broadcast_in_dim3A_1793 = arith.constant 1024 : i32
        %broadcast_in_dim3A_1794 = vector.broadcast %broadcast_in_dim3A_1793 : i32 to vector<16xi32>
        %and3A_1795 = arith.andi %gather3A_64, %broadcast_in_dim3A_1794 : vector<16xi32>
        %broadcast_in_dim3A_1796 = arith.constant 0 : i32
        %broadcast_in_dim3A_1797 = vector.broadcast %broadcast_in_dim3A_1796 : i32 to vector<16xi32>
        %ne3A_1798 = arith.cmpi ne, %and3A_1795, %broadcast_in_dim3A_1797 : vector<16xi32>
        %gt3A_1799 = arith.cmpf ogt, %gather3A_1792, %select_n3A_1737 : vector<16xf32>
        %and3A_1800 = arith.andi %ne3A_1798, %gt3A_1799 : vector<16xi1>
        %select_n3A_1801 = arith.select %and3A_1800, %gather3A_1792, %select_n3A_1737 : vector<16xi1>, vector<16xf32>
        %broadcast_in_dim3A_1802 = arith.constant 106 : i32
        %broadcast_in_dim3A_1803 = vector.broadcast %broadcast_in_dim3A_1802 : i32 to vector<16xi32>
        %select_n3A_1804 = arith.select %and3A_1800, %broadcast_in_dim3A_1803, %select_n3A_1740 : vector<16xi1>, vector<16xi32>
        %broadcast_in_dim3A_1805 = arith.constant 107 : i32
        %broadcast_in_dim3A_1806 = vector.broadcast %broadcast_in_dim3A_1805 : i32 to vector<16xi32>
        %add3A_1807 = arith.addi %mul3A_41, %broadcast_in_dim3A_1806 : vector<16xi32>
        %gather3A_1808 = tpu.vector_load_idx %arg9[%add3A_1807] : memref<16320xf32, #tpu.memory_space<vmem>>[vector<16xi32>], vector<16xf32>,
        %broadcast_in_dim3A_1809 = arith.constant 2048 : i32
        %broadcast_in_dim3A_1810 = vector.broadcast %broadcast_in_dim3A_1809 : i32 to vector<16xi32>
        %and3A_1811 = arith.andi %gather3A_64, %broadcast_in_dim3A_1810 : vector<16xi32>
        %broadcast_in_dim3A_1812 = arith.constant 0 : i32
        %broadcast_in_dim3A_1813 = vector.broadcast %broadcast_in_dim3A_1812 : i32 to vector<16xi32>
        %ne3A_1814 = arith.cmpi ne, %and3A_1811, %broadcast_in_dim3A_1813 : vector<16xi32>
        %gt3A_1815 = arith.cmpf ogt, %gather3A_1808, %select_n3A_1753 : vector<16xf32>
        %and3A_1816 = arith.andi %ne3A_1814, %gt3A_1815 : vector<16xi1>
        %select_n3A_1817 = arith.select %and3A_1816, %gather3A_1808, %select_n3A_1753 : vector<16xi1>, vector<16xf32>
        %broadcast_in_dim3A_1818 = arith.constant 107 : i32
        %broadcast_in_dim3A_1819 = vector.broadcast %broadcast_in_dim3A_1818 : i32 to vector<16xi32>
        %select_n3A_1820 = arith.select %and3A_1816, %broadcast_in_dim3A_1819, %select_n3A_1756 : vector<16xi1>, vector<16xi32>
        %broadcast_in_dim3A_1821 = arith.constant 108 : i32
        %broadcast_in_dim3A_1822 = vector.broadcast %broadcast_in_dim3A_1821 : i32 to vector<16xi32>
        %add3A_1823 = arith.addi %mul3A_41, %broadcast_in_dim3A_1822 : vector<16xi32>
        %gather3A_1824 = tpu.vector_load_idx %arg9[%add3A_1823] : memref<16320xf32, #tpu.memory_space<vmem>>[vector<16xi32>], vector<16xf32>,
        %broadcast_in_dim3A_1825 = arith.constant 4096 : i32
        %broadcast_in_dim3A_1826 = vector.broadcast %broadcast_in_dim3A_1825 : i32 to vector<16xi32>
        %and3A_1827 = arith.andi %gather3A_64, %broadcast_in_dim3A_1826 : vector<16xi32>
        %broadcast_in_dim3A_1828 = arith.constant 0 : i32
        %broadcast_in_dim3A_1829 = vector.broadcast %broadcast_in_dim3A_1828 : i32 to vector<16xi32>
        %ne3A_1830 = arith.cmpi ne, %and3A_1827, %broadcast_in_dim3A_1829 : vector<16xi32>
        %gt3A_1831 = arith.cmpf ogt, %gather3A_1824, %select_n3A_1769 : vector<16xf32>
        %and3A_1832 = arith.andi %ne3A_1830, %gt3A_1831 : vector<16xi1>
        %select_n3A_1833 = arith.select %and3A_1832, %gather3A_1824, %select_n3A_1769 : vector<16xi1>, vector<16xf32>
        %broadcast_in_dim3A_1834 = arith.constant 108 : i32
        %broadcast_in_dim3A_1835 = vector.broadcast %broadcast_in_dim3A_1834 : i32 to vector<16xi32>
        %select_n3A_1836 = arith.select %and3A_1832, %broadcast_in_dim3A_1835, %select_n3A_1772 : vector<16xi1>, vector<16xi32>
        %broadcast_in_dim3A_1837 = arith.constant 109 : i32
        %broadcast_in_dim3A_1838 = vector.broadcast %broadcast_in_dim3A_1837 : i32 to vector<16xi32>
        %add3A_1839 = arith.addi %mul3A_41, %broadcast_in_dim3A_1838 : vector<16xi32>
        %gather3A_1840 = tpu.vector_load_idx %arg9[%add3A_1839] : memref<16320xf32, #tpu.memory_space<vmem>>[vector<16xi32>], vector<16xf32>,
        %broadcast_in_dim3A_1841 = arith.constant 8192 : i32
        %broadcast_in_dim3A_1842 = vector.broadcast %broadcast_in_dim3A_1841 : i32 to vector<16xi32>
        %and3A_1843 = arith.andi %gather3A_64, %broadcast_in_dim3A_1842 : vector<16xi32>
        %broadcast_in_dim3A_1844 = arith.constant 0 : i32
        %broadcast_in_dim3A_1845 = vector.broadcast %broadcast_in_dim3A_1844 : i32 to vector<16xi32>
        %ne3A_1846 = arith.cmpi ne, %and3A_1843, %broadcast_in_dim3A_1845 : vector<16xi32>
        %gt3A_1847 = arith.cmpf ogt, %gather3A_1840, %select_n3A_1785 : vector<16xf32>
        %and3A_1848 = arith.andi %ne3A_1846, %gt3A_1847 : vector<16xi1>
        %select_n3A_1849 = arith.select %and3A_1848, %gather3A_1840, %select_n3A_1785 : vector<16xi1>, vector<16xf32>
        %broadcast_in_dim3A_1850 = arith.constant 109 : i32
        %broadcast_in_dim3A_1851 = vector.broadcast %broadcast_in_dim3A_1850 : i32 to vector<16xi32>
        %select_n3A_1852 = arith.select %and3A_1848, %broadcast_in_dim3A_1851, %select_n3A_1788 : vector<16xi1>, vector<16xi32>
        %broadcast_in_dim3A_1853 = arith.constant 110 : i32
        %broadcast_in_dim3A_1854 = vector.broadcast %broadcast_in_dim3A_1853 : i32 to vector<16xi32>
        %add3A_1855 = arith.addi %mul3A_41, %broadcast_in_dim3A_1854 : vector<16xi32>
        %gather3A_1856 = tpu.vector_load_idx %arg9[%add3A_1855] : memref<16320xf32, #tpu.memory_space<vmem>>[vector<16xi32>], vector<16xf32>,
        %broadcast_in_dim3A_1857 = arith.constant 16384 : i32
        %broadcast_in_dim3A_1858 = vector.broadcast %broadcast_in_dim3A_1857 : i32 to vector<16xi32>
        %and3A_1859 = arith.andi %gather3A_64, %broadcast_in_dim3A_1858 : vector<16xi32>
        %broadcast_in_dim3A_1860 = arith.constant 0 : i32
        %broadcast_in_dim3A_1861 = vector.broadcast %broadcast_in_dim3A_1860 : i32 to vector<16xi32>
        %ne3A_1862 = arith.cmpi ne, %and3A_1859, %broadcast_in_dim3A_1861 : vector<16xi32>
        %gt3A_1863 = arith.cmpf ogt, %gather3A_1856, %select_n3A_1801 : vector<16xf32>
        %and3A_1864 = arith.andi %ne3A_1862, %gt3A_1863 : vector<16xi1>
        %select_n3A_1865 = arith.select %and3A_1864, %gather3A_1856, %select_n3A_1801 : vector<16xi1>, vector<16xf32>
        %broadcast_in_dim3A_1866 = arith.constant 110 : i32
        %broadcast_in_dim3A_1867 = vector.broadcast %broadcast_in_dim3A_1866 : i32 to vector<16xi32>
        %select_n3A_1868 = arith.select %and3A_1864, %broadcast_in_dim3A_1867, %select_n3A_1804 : vector<16xi1>, vector<16xi32>
        %broadcast_in_dim3A_1869 = arith.constant 111 : i32
        %broadcast_in_dim3A_1870 = vector.broadcast %broadcast_in_dim3A_1869 : i32 to vector<16xi32>
        %add3A_1871 = arith.addi %mul3A_41, %broadcast_in_dim3A_1870 : vector<16xi32>
        %gather3A_1872 = tpu.vector_load_idx %arg9[%add3A_1871] : memref<16320xf32, #tpu.memory_space<vmem>>[vector<16xi32>], vector<16xf32>,
        %broadcast_in_dim3A_1873 = arith.constant 32768 : i32
        %broadcast_in_dim3A_1874 = vector.broadcast %broadcast_in_dim3A_1873 : i32 to vector<16xi32>
        %and3A_1875 = arith.andi %gather3A_64, %broadcast_in_dim3A_1874 : vector<16xi32>
        %broadcast_in_dim3A_1876 = arith.constant 0 : i32
        %broadcast_in_dim3A_1877 = vector.broadcast %broadcast_in_dim3A_1876 : i32 to vector<16xi32>
        %ne3A_1878 = arith.cmpi ne, %and3A_1875, %broadcast_in_dim3A_1877 : vector<16xi32>
        %gt3A_1879 = arith.cmpf ogt, %gather3A_1872, %select_n3A_1817 : vector<16xf32>
        %and3A_1880 = arith.andi %ne3A_1878, %gt3A_1879 : vector<16xi1>
        %select_n3A_1881 = arith.select %and3A_1880, %gather3A_1872, %select_n3A_1817 : vector<16xi1>, vector<16xf32>
        %broadcast_in_dim3A_1882 = arith.constant 111 : i32
        %broadcast_in_dim3A_1883 = vector.broadcast %broadcast_in_dim3A_1882 : i32 to vector<16xi32>
        %select_n3A_1884 = arith.select %and3A_1880, %broadcast_in_dim3A_1883, %select_n3A_1820 : vector<16xi1>, vector<16xi32>
        %broadcast_in_dim3A_1885 = arith.constant 112 : i32
        %broadcast_in_dim3A_1886 = vector.broadcast %broadcast_in_dim3A_1885 : i32 to vector<16xi32>
        %add3A_1887 = arith.addi %mul3A_41, %broadcast_in_dim3A_1886 : vector<16xi32>
        %gather3A_1888 = tpu.vector_load_idx %arg9[%add3A_1887] : memref<16320xf32, #tpu.memory_space<vmem>>[vector<16xi32>], vector<16xf32>,
        %broadcast_in_dim3A_1889 = arith.constant 65536 : i32
        %broadcast_in_dim3A_1890 = vector.broadcast %broadcast_in_dim3A_1889 : i32 to vector<16xi32>
        %and3A_1891 = arith.andi %gather3A_64, %broadcast_in_dim3A_1890 : vector<16xi32>
        %broadcast_in_dim3A_1892 = arith.constant 0 : i32
        %broadcast_in_dim3A_1893 = vector.broadcast %broadcast_in_dim3A_1892 : i32 to vector<16xi32>
        %ne3A_1894 = arith.cmpi ne, %and3A_1891, %broadcast_in_dim3A_1893 : vector<16xi32>
        %gt3A_1895 = arith.cmpf ogt, %gather3A_1888, %select_n3A_1833 : vector<16xf32>
        %and3A_1896 = arith.andi %ne3A_1894, %gt3A_1895 : vector<16xi1>
        %select_n3A_1897 = arith.select %and3A_1896, %gather3A_1888, %select_n3A_1833 : vector<16xi1>, vector<16xf32>
        %broadcast_in_dim3A_1898 = arith.constant 112 : i32
        %broadcast_in_dim3A_1899 = vector.broadcast %broadcast_in_dim3A_1898 : i32 to vector<16xi32>
        %select_n3A_1900 = arith.select %and3A_1896, %broadcast_in_dim3A_1899, %select_n3A_1836 : vector<16xi1>, vector<16xi32>
        %broadcast_in_dim3A_1901 = arith.constant 113 : i32
        %broadcast_in_dim3A_1902 = vector.broadcast %broadcast_in_dim3A_1901 : i32 to vector<16xi32>
        %add3A_1903 = arith.addi %mul3A_41, %broadcast_in_dim3A_1902 : vector<16xi32>
        %gather3A_1904 = tpu.vector_load_idx %arg9[%add3A_1903] : memref<16320xf32, #tpu.memory_space<vmem>>[vector<16xi32>], vector<16xf32>,
        %broadcast_in_dim3A_1905 = arith.constant 131072 : i32
        %broadcast_in_dim3A_1906 = vector.broadcast %broadcast_in_dim3A_1905 : i32 to vector<16xi32>
        %and3A_1907 = arith.andi %gather3A_64, %broadcast_in_dim3A_1906 : vector<16xi32>
        %broadcast_in_dim3A_1908 = arith.constant 0 : i32
        %broadcast_in_dim3A_1909 = vector.broadcast %broadcast_in_dim3A_1908 : i32 to vector<16xi32>
        %ne3A_1910 = arith.cmpi ne, %and3A_1907, %broadcast_in_dim3A_1909 : vector<16xi32>
        %gt3A_1911 = arith.cmpf ogt, %gather3A_1904, %select_n3A_1849 : vector<16xf32>
        %and3A_1912 = arith.andi %ne3A_1910, %gt3A_1911 : vector<16xi1>
        %select_n3A_1913 = arith.select %and3A_1912, %gather3A_1904, %select_n3A_1849 : vector<16xi1>, vector<16xf32>
        %broadcast_in_dim3A_1914 = arith.constant 113 : i32
        %broadcast_in_dim3A_1915 = vector.broadcast %broadcast_in_dim3A_1914 : i32 to vector<16xi32>
        %select_n3A_1916 = arith.select %and3A_1912, %broadcast_in_dim3A_1915, %select_n3A_1852 : vector<16xi1>, vector<16xi32>
        %broadcast_in_dim3A_1917 = arith.constant 114 : i32
        %broadcast_in_dim3A_1918 = vector.broadcast %broadcast_in_dim3A_1917 : i32 to vector<16xi32>
        %add3A_1919 = arith.addi %mul3A_41, %broadcast_in_dim3A_1918 : vector<16xi32>
        %gather3A_1920 = tpu.vector_load_idx %arg9[%add3A_1919] : memref<16320xf32, #tpu.memory_space<vmem>>[vector<16xi32>], vector<16xf32>,
        %broadcast_in_dim3A_1921 = arith.constant 262144 : i32
        %broadcast_in_dim3A_1922 = vector.broadcast %broadcast_in_dim3A_1921 : i32 to vector<16xi32>
        %and3A_1923 = arith.andi %gather3A_64, %broadcast_in_dim3A_1922 : vector<16xi32>
        %broadcast_in_dim3A_1924 = arith.constant 0 : i32
        %broadcast_in_dim3A_1925 = vector.broadcast %broadcast_in_dim3A_1924 : i32 to vector<16xi32>
        %ne3A_1926 = arith.cmpi ne, %and3A_1923, %broadcast_in_dim3A_1925 : vector<16xi32>
        %gt3A_1927 = arith.cmpf ogt, %gather3A_1920, %select_n3A_1865 : vector<16xf32>
        %and3A_1928 = arith.andi %ne3A_1926, %gt3A_1927 : vector<16xi1>
        %select_n3A_1929 = arith.select %and3A_1928, %gather3A_1920, %select_n3A_1865 : vector<16xi1>, vector<16xf32>
        %broadcast_in_dim3A_1930 = arith.constant 114 : i32
        %broadcast_in_dim3A_1931 = vector.broadcast %broadcast_in_dim3A_1930 : i32 to vector<16xi32>
        %select_n3A_1932 = arith.select %and3A_1928, %broadcast_in_dim3A_1931, %select_n3A_1868 : vector<16xi1>, vector<16xi32>
        %broadcast_in_dim3A_1933 = arith.constant 115 : i32
        %broadcast_in_dim3A_1934 = vector.broadcast %broadcast_in_dim3A_1933 : i32 to vector<16xi32>
        %add3A_1935 = arith.addi %mul3A_41, %broadcast_in_dim3A_1934 : vector<16xi32>
        %gather3A_1936 = tpu.vector_load_idx %arg9[%add3A_1935] : memref<16320xf32, #tpu.memory_space<vmem>>[vector<16xi32>], vector<16xf32>,
        %broadcast_in_dim3A_1937 = arith.constant 524288 : i32
        %broadcast_in_dim3A_1938 = vector.broadcast %broadcast_in_dim3A_1937 : i32 to vector<16xi32>
        %and3A_1939 = arith.andi %gather3A_64, %broadcast_in_dim3A_1938 : vector<16xi32>
        %broadcast_in_dim3A_1940 = arith.constant 0 : i32
        %broadcast_in_dim3A_1941 = vector.broadcast %broadcast_in_dim3A_1940 : i32 to vector<16xi32>
        %ne3A_1942 = arith.cmpi ne, %and3A_1939, %broadcast_in_dim3A_1941 : vector<16xi32>
        %gt3A_1943 = arith.cmpf ogt, %gather3A_1936, %select_n3A_1881 : vector<16xf32>
        %and3A_1944 = arith.andi %ne3A_1942, %gt3A_1943 : vector<16xi1>
        %select_n3A_1945 = arith.select %and3A_1944, %gather3A_1936, %select_n3A_1881 : vector<16xi1>, vector<16xf32>
        %broadcast_in_dim3A_1946 = arith.constant 115 : i32
        %broadcast_in_dim3A_1947 = vector.broadcast %broadcast_in_dim3A_1946 : i32 to vector<16xi32>
        %select_n3A_1948 = arith.select %and3A_1944, %broadcast_in_dim3A_1947, %select_n3A_1884 : vector<16xi1>, vector<16xi32>
        %broadcast_in_dim3A_1949 = arith.constant 116 : i32
        %broadcast_in_dim3A_1950 = vector.broadcast %broadcast_in_dim3A_1949 : i32 to vector<16xi32>
        %add3A_1951 = arith.addi %mul3A_41, %broadcast_in_dim3A_1950 : vector<16xi32>
        %gather3A_1952 = tpu.vector_load_idx %arg9[%add3A_1951] : memref<16320xf32, #tpu.memory_space<vmem>>[vector<16xi32>], vector<16xf32>,
        %broadcast_in_dim3A_1953 = arith.constant 1048576 : i32
        %broadcast_in_dim3A_1954 = vector.broadcast %broadcast_in_dim3A_1953 : i32 to vector<16xi32>
        %and3A_1955 = arith.andi %gather3A_64, %broadcast_in_dim3A_1954 : vector<16xi32>
        %broadcast_in_dim3A_1956 = arith.constant 0 : i32
        %broadcast_in_dim3A_1957 = vector.broadcast %broadcast_in_dim3A_1956 : i32 to vector<16xi32>
        %ne3A_1958 = arith.cmpi ne, %and3A_1955, %broadcast_in_dim3A_1957 : vector<16xi32>
        %gt3A_1959 = arith.cmpf ogt, %gather3A_1952, %select_n3A_1897 : vector<16xf32>
        %and3A_1960 = arith.andi %ne3A_1958, %gt3A_1959 : vector<16xi1>
        %select_n3A_1961 = arith.select %and3A_1960, %gather3A_1952, %select_n3A_1897 : vector<16xi1>, vector<16xf32>
        %broadcast_in_dim3A_1962 = arith.constant 116 : i32
        %broadcast_in_dim3A_1963 = vector.broadcast %broadcast_in_dim3A_1962 : i32 to vector<16xi32>
        %select_n3A_1964 = arith.select %and3A_1960, %broadcast_in_dim3A_1963, %select_n3A_1900 : vector<16xi1>, vector<16xi32>
        %broadcast_in_dim3A_1965 = arith.constant 117 : i32
        %broadcast_in_dim3A_1966 = vector.broadcast %broadcast_in_dim3A_1965 : i32 to vector<16xi32>
        %add3A_1967 = arith.addi %mul3A_41, %broadcast_in_dim3A_1966 : vector<16xi32>
        %gather3A_1968 = tpu.vector_load_idx %arg9[%add3A_1967] : memref<16320xf32, #tpu.memory_space<vmem>>[vector<16xi32>], vector<16xf32>,
        %broadcast_in_dim3A_1969 = arith.constant 2097152 : i32
        %broadcast_in_dim3A_1970 = vector.broadcast %broadcast_in_dim3A_1969 : i32 to vector<16xi32>
        %and3A_1971 = arith.andi %gather3A_64, %broadcast_in_dim3A_1970 : vector<16xi32>
        %broadcast_in_dim3A_1972 = arith.constant 0 : i32
        %broadcast_in_dim3A_1973 = vector.broadcast %broadcast_in_dim3A_1972 : i32 to vector<16xi32>
        %ne3A_1974 = arith.cmpi ne, %and3A_1971, %broadcast_in_dim3A_1973 : vector<16xi32>
        %gt3A_1975 = arith.cmpf ogt, %gather3A_1968, %select_n3A_1913 : vector<16xf32>
        %and3A_1976 = arith.andi %ne3A_1974, %gt3A_1975 : vector<16xi1>
        %select_n3A_1977 = arith.select %and3A_1976, %gather3A_1968, %select_n3A_1913 : vector<16xi1>, vector<16xf32>
        %broadcast_in_dim3A_1978 = arith.constant 117 : i32
        %broadcast_in_dim3A_1979 = vector.broadcast %broadcast_in_dim3A_1978 : i32 to vector<16xi32>
        %select_n3A_1980 = arith.select %and3A_1976, %broadcast_in_dim3A_1979, %select_n3A_1916 : vector<16xi1>, vector<16xi32>
        %broadcast_in_dim3A_1981 = arith.constant 118 : i32
        %broadcast_in_dim3A_1982 = vector.broadcast %broadcast_in_dim3A_1981 : i32 to vector<16xi32>
        %add3A_1983 = arith.addi %mul3A_41, %broadcast_in_dim3A_1982 : vector<16xi32>
        %gather3A_1984 = tpu.vector_load_idx %arg9[%add3A_1983] : memref<16320xf32, #tpu.memory_space<vmem>>[vector<16xi32>], vector<16xf32>,
        %broadcast_in_dim3A_1985 = arith.constant 4194304 : i32
        %broadcast_in_dim3A_1986 = vector.broadcast %broadcast_in_dim3A_1985 : i32 to vector<16xi32>
        %and3A_1987 = arith.andi %gather3A_64, %broadcast_in_dim3A_1986 : vector<16xi32>
        %broadcast_in_dim3A_1988 = arith.constant 0 : i32
        %broadcast_in_dim3A_1989 = vector.broadcast %broadcast_in_dim3A_1988 : i32 to vector<16xi32>
        %ne3A_1990 = arith.cmpi ne, %and3A_1987, %broadcast_in_dim3A_1989 : vector<16xi32>
        %gt3A_1991 = arith.cmpf ogt, %gather3A_1984, %select_n3A_1929 : vector<16xf32>
        %and3A_1992 = arith.andi %ne3A_1990, %gt3A_1991 : vector<16xi1>
        %select_n3A_1993 = arith.select %and3A_1992, %gather3A_1984, %select_n3A_1929 : vector<16xi1>, vector<16xf32>
        %broadcast_in_dim3A_1994 = arith.constant 118 : i32
        %broadcast_in_dim3A_1995 = vector.broadcast %broadcast_in_dim3A_1994 : i32 to vector<16xi32>
        %select_n3A_1996 = arith.select %and3A_1992, %broadcast_in_dim3A_1995, %select_n3A_1932 : vector<16xi1>, vector<16xi32>
        %broadcast_in_dim3A_1997 = arith.constant 119 : i32
        %broadcast_in_dim3A_1998 = vector.broadcast %broadcast_in_dim3A_1997 : i32 to vector<16xi32>
        %add3A_1999 = arith.addi %mul3A_41, %broadcast_in_dim3A_1998 : vector<16xi32>
        %gather3A_2000 = tpu.vector_load_idx %arg9[%add3A_1999] : memref<16320xf32, #tpu.memory_space<vmem>>[vector<16xi32>], vector<16xf32>,
        %broadcast_in_dim3A_2001 = arith.constant 8388608 : i32
        %broadcast_in_dim3A_2002 = vector.broadcast %broadcast_in_dim3A_2001 : i32 to vector<16xi32>
        %and3A_2003 = arith.andi %gather3A_64, %broadcast_in_dim3A_2002 : vector<16xi32>
        %broadcast_in_dim3A_2004 = arith.constant 0 : i32
        %broadcast_in_dim3A_2005 = vector.broadcast %broadcast_in_dim3A_2004 : i32 to vector<16xi32>
        %ne3A_2006 = arith.cmpi ne, %and3A_2003, %broadcast_in_dim3A_2005 : vector<16xi32>
        %gt3A_2007 = arith.cmpf ogt, %gather3A_2000, %select_n3A_1945 : vector<16xf32>
        %and3A_2008 = arith.andi %ne3A_2006, %gt3A_2007 : vector<16xi1>
        %select_n3A_2009 = arith.select %and3A_2008, %gather3A_2000, %select_n3A_1945 : vector<16xi1>, vector<16xf32>
        %broadcast_in_dim3A_2010 = arith.constant 119 : i32
        %broadcast_in_dim3A_2011 = vector.broadcast %broadcast_in_dim3A_2010 : i32 to vector<16xi32>
        %select_n3A_2012 = arith.select %and3A_2008, %broadcast_in_dim3A_2011, %select_n3A_1948 : vector<16xi1>, vector<16xi32>
        %broadcast_in_dim3A_2013 = arith.constant 120 : i32
        %broadcast_in_dim3A_2014 = vector.broadcast %broadcast_in_dim3A_2013 : i32 to vector<16xi32>
        %add3A_2015 = arith.addi %mul3A_41, %broadcast_in_dim3A_2014 : vector<16xi32>
        %gather3A_2016 = tpu.vector_load_idx %arg9[%add3A_2015] : memref<16320xf32, #tpu.memory_space<vmem>>[vector<16xi32>], vector<16xf32>,
        %broadcast_in_dim3A_2017 = arith.constant 16777216 : i32
        %broadcast_in_dim3A_2018 = vector.broadcast %broadcast_in_dim3A_2017 : i32 to vector<16xi32>
        %and3A_2019 = arith.andi %gather3A_64, %broadcast_in_dim3A_2018 : vector<16xi32>
        %broadcast_in_dim3A_2020 = arith.constant 0 : i32
        %broadcast_in_dim3A_2021 = vector.broadcast %broadcast_in_dim3A_2020 : i32 to vector<16xi32>
        %ne3A_2022 = arith.cmpi ne, %and3A_2019, %broadcast_in_dim3A_2021 : vector<16xi32>
        %gt3A_2023 = arith.cmpf ogt, %gather3A_2016, %select_n3A_1961 : vector<16xf32>
        %and3A_2024 = arith.andi %ne3A_2022, %gt3A_2023 : vector<16xi1>
        %select_n3A_2025 = arith.select %and3A_2024, %gather3A_2016, %select_n3A_1961 : vector<16xi1>, vector<16xf32>
        %broadcast_in_dim3A_2026 = arith.constant 120 : i32
        %broadcast_in_dim3A_2027 = vector.broadcast %broadcast_in_dim3A_2026 : i32 to vector<16xi32>
        %select_n3A_2028 = arith.select %and3A_2024, %broadcast_in_dim3A_2027, %select_n3A_1964 : vector<16xi1>, vector<16xi32>
        %broadcast_in_dim3A_2029 = arith.constant 121 : i32
        %broadcast_in_dim3A_2030 = vector.broadcast %broadcast_in_dim3A_2029 : i32 to vector<16xi32>
        %add3A_2031 = arith.addi %mul3A_41, %broadcast_in_dim3A_2030 : vector<16xi32>
        %gather3A_2032 = tpu.vector_load_idx %arg9[%add3A_2031] : memref<16320xf32, #tpu.memory_space<vmem>>[vector<16xi32>], vector<16xf32>,
        %broadcast_in_dim3A_2033 = arith.constant 33554432 : i32
        %broadcast_in_dim3A_2034 = vector.broadcast %broadcast_in_dim3A_2033 : i32 to vector<16xi32>
        %and3A_2035 = arith.andi %gather3A_64, %broadcast_in_dim3A_2034 : vector<16xi32>
        %broadcast_in_dim3A_2036 = arith.constant 0 : i32
        %broadcast_in_dim3A_2037 = vector.broadcast %broadcast_in_dim3A_2036 : i32 to vector<16xi32>
        %ne3A_2038 = arith.cmpi ne, %and3A_2035, %broadcast_in_dim3A_2037 : vector<16xi32>
        %gt3A_2039 = arith.cmpf ogt, %gather3A_2032, %select_n3A_1977 : vector<16xf32>
        %and3A_2040 = arith.andi %ne3A_2038, %gt3A_2039 : vector<16xi1>
        %select_n3A_2041 = arith.select %and3A_2040, %gather3A_2032, %select_n3A_1977 : vector<16xi1>, vector<16xf32>
        %broadcast_in_dim3A_2042 = arith.constant 121 : i32
        %broadcast_in_dim3A_2043 = vector.broadcast %broadcast_in_dim3A_2042 : i32 to vector<16xi32>
        %select_n3A_2044 = arith.select %and3A_2040, %broadcast_in_dim3A_2043, %select_n3A_1980 : vector<16xi1>, vector<16xi32>
        %broadcast_in_dim3A_2045 = arith.constant 122 : i32
        %broadcast_in_dim3A_2046 = vector.broadcast %broadcast_in_dim3A_2045 : i32 to vector<16xi32>
        %add3A_2047 = arith.addi %mul3A_41, %broadcast_in_dim3A_2046 : vector<16xi32>
        %gather3A_2048 = tpu.vector_load_idx %arg9[%add3A_2047] : memref<16320xf32, #tpu.memory_space<vmem>>[vector<16xi32>], vector<16xf32>,
        %broadcast_in_dim3A_2049 = arith.constant 67108864 : i32
        %broadcast_in_dim3A_2050 = vector.broadcast %broadcast_in_dim3A_2049 : i32 to vector<16xi32>
        %and3A_2051 = arith.andi %gather3A_64, %broadcast_in_dim3A_2050 : vector<16xi32>
        %broadcast_in_dim3A_2052 = arith.constant 0 : i32
        %broadcast_in_dim3A_2053 = vector.broadcast %broadcast_in_dim3A_2052 : i32 to vector<16xi32>
        %ne3A_2054 = arith.cmpi ne, %and3A_2051, %broadcast_in_dim3A_2053 : vector<16xi32>
        %gt3A_2055 = arith.cmpf ogt, %gather3A_2048, %select_n3A_1993 : vector<16xf32>
        %and3A_2056 = arith.andi %ne3A_2054, %gt3A_2055 : vector<16xi1>
        %select_n3A_2057 = arith.select %and3A_2056, %gather3A_2048, %select_n3A_1993 : vector<16xi1>, vector<16xf32>
        %broadcast_in_dim3A_2058 = arith.constant 122 : i32
        %broadcast_in_dim3A_2059 = vector.broadcast %broadcast_in_dim3A_2058 : i32 to vector<16xi32>
        %select_n3A_2060 = arith.select %and3A_2056, %broadcast_in_dim3A_2059, %select_n3A_1996 : vector<16xi1>, vector<16xi32>
        %broadcast_in_dim3A_2061 = arith.constant 123 : i32
        %broadcast_in_dim3A_2062 = vector.broadcast %broadcast_in_dim3A_2061 : i32 to vector<16xi32>
        %add3A_2063 = arith.addi %mul3A_41, %broadcast_in_dim3A_2062 : vector<16xi32>
        %gather3A_2064 = tpu.vector_load_idx %arg9[%add3A_2063] : memref<16320xf32, #tpu.memory_space<vmem>>[vector<16xi32>], vector<16xf32>,
        %broadcast_in_dim3A_2065 = arith.constant 134217728 : i32
        %broadcast_in_dim3A_2066 = vector.broadcast %broadcast_in_dim3A_2065 : i32 to vector<16xi32>
        %and3A_2067 = arith.andi %gather3A_64, %broadcast_in_dim3A_2066 : vector<16xi32>
        %broadcast_in_dim3A_2068 = arith.constant 0 : i32
        %broadcast_in_dim3A_2069 = vector.broadcast %broadcast_in_dim3A_2068 : i32 to vector<16xi32>
        %ne3A_2070 = arith.cmpi ne, %and3A_2067, %broadcast_in_dim3A_2069 : vector<16xi32>
        %gt3A_2071 = arith.cmpf ogt, %gather3A_2064, %select_n3A_2009 : vector<16xf32>
        %and3A_2072 = arith.andi %ne3A_2070, %gt3A_2071 : vector<16xi1>
        %select_n3A_2073 = arith.select %and3A_2072, %gather3A_2064, %select_n3A_2009 : vector<16xi1>, vector<16xf32>
        %broadcast_in_dim3A_2074 = arith.constant 123 : i32
        %broadcast_in_dim3A_2075 = vector.broadcast %broadcast_in_dim3A_2074 : i32 to vector<16xi32>
        %select_n3A_2076 = arith.select %and3A_2072, %broadcast_in_dim3A_2075, %select_n3A_2012 : vector<16xi1>, vector<16xi32>
        %broadcast_in_dim3A_2077 = arith.constant 124 : i32
        %broadcast_in_dim3A_2078 = vector.broadcast %broadcast_in_dim3A_2077 : i32 to vector<16xi32>
        %add3A_2079 = arith.addi %mul3A_41, %broadcast_in_dim3A_2078 : vector<16xi32>
        %gather3A_2080 = tpu.vector_load_idx %arg9[%add3A_2079] : memref<16320xf32, #tpu.memory_space<vmem>>[vector<16xi32>], vector<16xf32>,
        %broadcast_in_dim3A_2081 = arith.constant 268435456 : i32
        %broadcast_in_dim3A_2082 = vector.broadcast %broadcast_in_dim3A_2081 : i32 to vector<16xi32>
        %and3A_2083 = arith.andi %gather3A_64, %broadcast_in_dim3A_2082 : vector<16xi32>
        %broadcast_in_dim3A_2084 = arith.constant 0 : i32
        %broadcast_in_dim3A_2085 = vector.broadcast %broadcast_in_dim3A_2084 : i32 to vector<16xi32>
        %ne3A_2086 = arith.cmpi ne, %and3A_2083, %broadcast_in_dim3A_2085 : vector<16xi32>
        %gt3A_2087 = arith.cmpf ogt, %gather3A_2080, %select_n3A_2025 : vector<16xf32>
        %and3A_2088 = arith.andi %ne3A_2086, %gt3A_2087 : vector<16xi1>
        %select_n3A_2089 = arith.select %and3A_2088, %gather3A_2080, %select_n3A_2025 : vector<16xi1>, vector<16xf32>
        %broadcast_in_dim3A_2090 = arith.constant 124 : i32
        %broadcast_in_dim3A_2091 = vector.broadcast %broadcast_in_dim3A_2090 : i32 to vector<16xi32>
        %select_n3A_2092 = arith.select %and3A_2088, %broadcast_in_dim3A_2091, %select_n3A_2028 : vector<16xi1>, vector<16xi32>
        %broadcast_in_dim3A_2093 = arith.constant 125 : i32
        %broadcast_in_dim3A_2094 = vector.broadcast %broadcast_in_dim3A_2093 : i32 to vector<16xi32>
        %add3A_2095 = arith.addi %mul3A_41, %broadcast_in_dim3A_2094 : vector<16xi32>
        %gather3A_2096 = tpu.vector_load_idx %arg9[%add3A_2095] : memref<16320xf32, #tpu.memory_space<vmem>>[vector<16xi32>], vector<16xf32>,
        %broadcast_in_dim3A_2097 = arith.constant 536870912 : i32
        %broadcast_in_dim3A_2098 = vector.broadcast %broadcast_in_dim3A_2097 : i32 to vector<16xi32>
        %and3A_2099 = arith.andi %gather3A_64, %broadcast_in_dim3A_2098 : vector<16xi32>
        %broadcast_in_dim3A_2100 = arith.constant 0 : i32
        %broadcast_in_dim3A_2101 = vector.broadcast %broadcast_in_dim3A_2100 : i32 to vector<16xi32>
        %ne3A_2102 = arith.cmpi ne, %and3A_2099, %broadcast_in_dim3A_2101 : vector<16xi32>
        %gt3A_2103 = arith.cmpf ogt, %gather3A_2096, %select_n3A_2041 : vector<16xf32>
        %and3A_2104 = arith.andi %ne3A_2102, %gt3A_2103 : vector<16xi1>
        %select_n3A_2105 = arith.select %and3A_2104, %gather3A_2096, %select_n3A_2041 : vector<16xi1>, vector<16xf32>
        %broadcast_in_dim3A_2106 = arith.constant 125 : i32
        %broadcast_in_dim3A_2107 = vector.broadcast %broadcast_in_dim3A_2106 : i32 to vector<16xi32>
        %select_n3A_2108 = arith.select %and3A_2104, %broadcast_in_dim3A_2107, %select_n3A_2044 : vector<16xi1>, vector<16xi32>
        %broadcast_in_dim3A_2109 = arith.constant 126 : i32
        %broadcast_in_dim3A_2110 = vector.broadcast %broadcast_in_dim3A_2109 : i32 to vector<16xi32>
        %add3A_2111 = arith.addi %mul3A_41, %broadcast_in_dim3A_2110 : vector<16xi32>
        %gather3A_2112 = tpu.vector_load_idx %arg9[%add3A_2111] : memref<16320xf32, #tpu.memory_space<vmem>>[vector<16xi32>], vector<16xf32>,
        %broadcast_in_dim3A_2113 = arith.constant 1073741824 : i32
        %broadcast_in_dim3A_2114 = vector.broadcast %broadcast_in_dim3A_2113 : i32 to vector<16xi32>
        %and3A_2115 = arith.andi %gather3A_64, %broadcast_in_dim3A_2114 : vector<16xi32>
        %broadcast_in_dim3A_2116 = arith.constant 0 : i32
        %broadcast_in_dim3A_2117 = vector.broadcast %broadcast_in_dim3A_2116 : i32 to vector<16xi32>
        %ne3A_2118 = arith.cmpi ne, %and3A_2115, %broadcast_in_dim3A_2117 : vector<16xi32>
        %gt3A_2119 = arith.cmpf ogt, %gather3A_2112, %select_n3A_2057 : vector<16xf32>
        %and3A_2120 = arith.andi %ne3A_2118, %gt3A_2119 : vector<16xi1>
        %select_n3A_2121 = arith.select %and3A_2120, %gather3A_2112, %select_n3A_2057 : vector<16xi1>, vector<16xf32>
        %broadcast_in_dim3A_2122 = arith.constant 126 : i32
        %broadcast_in_dim3A_2123 = vector.broadcast %broadcast_in_dim3A_2122 : i32 to vector<16xi32>
        %select_n3A_2124 = arith.select %and3A_2120, %broadcast_in_dim3A_2123, %select_n3A_2060 : vector<16xi1>, vector<16xi32>
        %broadcast_in_dim3A_2125 = arith.constant 127 : i32
        %broadcast_in_dim3A_2126 = vector.broadcast %broadcast_in_dim3A_2125 : i32 to vector<16xi32>
        %add3A_2127 = arith.addi %mul3A_41, %broadcast_in_dim3A_2126 : vector<16xi32>
        %gather3A_2128 = tpu.vector_load_idx %arg9[%add3A_2127] : memref<16320xf32, #tpu.memory_space<vmem>>[vector<16xi32>], vector<16xf32>,
        %broadcast_in_dim3A_2129 = arith.constant -2147483648 : i32
        %broadcast_in_dim3A_2130 = vector.broadcast %broadcast_in_dim3A_2129 : i32 to vector<16xi32>
        %and3A_2131 = arith.andi %gather3A_64, %broadcast_in_dim3A_2130 : vector<16xi32>
        %broadcast_in_dim3A_2132 = arith.constant 0 : i32
        %broadcast_in_dim3A_2133 = vector.broadcast %broadcast_in_dim3A_2132 : i32 to vector<16xi32>
        %ne3A_2134 = arith.cmpi ne, %and3A_2131, %broadcast_in_dim3A_2133 : vector<16xi32>
        %gt3A_2135 = arith.cmpf ogt, %gather3A_2128, %select_n3A_2073 : vector<16xf32>
        %and3A_2136 = arith.andi %ne3A_2134, %gt3A_2135 : vector<16xi1>
        %select_n3A_2137 = arith.select %and3A_2136, %gather3A_2128, %select_n3A_2073 : vector<16xi1>, vector<16xf32>
        %broadcast_in_dim3A_2138 = arith.constant 127 : i32
        %broadcast_in_dim3A_2139 = vector.broadcast %broadcast_in_dim3A_2138 : i32 to vector<16xi32>
        %select_n3A_2140 = arith.select %and3A_2136, %broadcast_in_dim3A_2139, %select_n3A_2076 : vector<16xi1>, vector<16xi32>
        %broadcast_in_dim3A_2141 = arith.constant 128 : i32
        %broadcast_in_dim3A_2142 = vector.broadcast %broadcast_in_dim3A_2141 : i32 to vector<16xi32>
        %add3A_2143 = arith.addi %mul3A_41, %broadcast_in_dim3A_2142 : vector<16xi32>
        %gather3A_2144 = tpu.vector_load_idx %arg9[%add3A_2143] : memref<16320xf32, #tpu.memory_space<vmem>>[vector<16xi32>], vector<16xf32>,
        %broadcast_in_dim3A_2145 = arith.constant 1 : i32
        %broadcast_in_dim3A_2146 = vector.broadcast %broadcast_in_dim3A_2145 : i32 to vector<16xi32>
        %and3A_2147 = arith.andi %gather3A_68, %broadcast_in_dim3A_2146 : vector<16xi32>
        %broadcast_in_dim3A_2148 = arith.constant 0 : i32
        %broadcast_in_dim3A_2149 = vector.broadcast %broadcast_in_dim3A_2148 : i32 to vector<16xi32>
        %ne3A_2150 = arith.cmpi ne, %and3A_2147, %broadcast_in_dim3A_2149 : vector<16xi32>
        %gt3A_2151 = arith.cmpf ogt, %gather3A_2144, %select_n3A_2089 : vector<16xf32>
        %and3A_2152 = arith.andi %ne3A_2150, %gt3A_2151 : vector<16xi1>
        %select_n3A_2153 = arith.select %and3A_2152, %gather3A_2144, %select_n3A_2089 : vector<16xi1>, vector<16xf32>
        %broadcast_in_dim3A_2154 = arith.constant 128 : i32
        %broadcast_in_dim3A_2155 = vector.broadcast %broadcast_in_dim3A_2154 : i32 to vector<16xi32>
        %select_n3A_2156 = arith.select %and3A_2152, %broadcast_in_dim3A_2155, %select_n3A_2092 : vector<16xi1>, vector<16xi32>
        %broadcast_in_dim3A_2157 = arith.constant 129 : i32
        %broadcast_in_dim3A_2158 = vector.broadcast %broadcast_in_dim3A_2157 : i32 to vector<16xi32>
        %add3A_2159 = arith.addi %mul3A_41, %broadcast_in_dim3A_2158 : vector<16xi32>
        %gather3A_2160 = tpu.vector_load_idx %arg9[%add3A_2159] : memref<16320xf32, #tpu.memory_space<vmem>>[vector<16xi32>], vector<16xf32>,
        %broadcast_in_dim3A_2161 = arith.constant 2 : i32
        %broadcast_in_dim3A_2162 = vector.broadcast %broadcast_in_dim3A_2161 : i32 to vector<16xi32>
        %and3A_2163 = arith.andi %gather3A_68, %broadcast_in_dim3A_2162 : vector<16xi32>
        %broadcast_in_dim3A_2164 = arith.constant 0 : i32
        %broadcast_in_dim3A_2165 = vector.broadcast %broadcast_in_dim3A_2164 : i32 to vector<16xi32>
        %ne3A_2166 = arith.cmpi ne, %and3A_2163, %broadcast_in_dim3A_2165 : vector<16xi32>
        %gt3A_2167 = arith.cmpf ogt, %gather3A_2160, %select_n3A_2105 : vector<16xf32>
        %and3A_2168 = arith.andi %ne3A_2166, %gt3A_2167 : vector<16xi1>
        %select_n3A_2169 = arith.select %and3A_2168, %gather3A_2160, %select_n3A_2105 : vector<16xi1>, vector<16xf32>
        %broadcast_in_dim3A_2170 = arith.constant 129 : i32
        %broadcast_in_dim3A_2171 = vector.broadcast %broadcast_in_dim3A_2170 : i32 to vector<16xi32>
        %select_n3A_2172 = arith.select %and3A_2168, %broadcast_in_dim3A_2171, %select_n3A_2108 : vector<16xi1>, vector<16xi32>
        %broadcast_in_dim3A_2173 = arith.constant 130 : i32
        %broadcast_in_dim3A_2174 = vector.broadcast %broadcast_in_dim3A_2173 : i32 to vector<16xi32>
        %add3A_2175 = arith.addi %mul3A_41, %broadcast_in_dim3A_2174 : vector<16xi32>
        %gather3A_2176 = tpu.vector_load_idx %arg9[%add3A_2175] : memref<16320xf32, #tpu.memory_space<vmem>>[vector<16xi32>], vector<16xf32>,
        %broadcast_in_dim3A_2177 = arith.constant 4 : i32
        %broadcast_in_dim3A_2178 = vector.broadcast %broadcast_in_dim3A_2177 : i32 to vector<16xi32>
        %and3A_2179 = arith.andi %gather3A_68, %broadcast_in_dim3A_2178 : vector<16xi32>
        %broadcast_in_dim3A_2180 = arith.constant 0 : i32
        %broadcast_in_dim3A_2181 = vector.broadcast %broadcast_in_dim3A_2180 : i32 to vector<16xi32>
        %ne3A_2182 = arith.cmpi ne, %and3A_2179, %broadcast_in_dim3A_2181 : vector<16xi32>
        %gt3A_2183 = arith.cmpf ogt, %gather3A_2176, %select_n3A_2121 : vector<16xf32>
        %and3A_2184 = arith.andi %ne3A_2182, %gt3A_2183 : vector<16xi1>
        %select_n3A_2185 = arith.select %and3A_2184, %gather3A_2176, %select_n3A_2121 : vector<16xi1>, vector<16xf32>
        %broadcast_in_dim3A_2186 = arith.constant 130 : i32
        %broadcast_in_dim3A_2187 = vector.broadcast %broadcast_in_dim3A_2186 : i32 to vector<16xi32>
        %select_n3A_2188 = arith.select %and3A_2184, %broadcast_in_dim3A_2187, %select_n3A_2124 : vector<16xi1>, vector<16xi32>
        %broadcast_in_dim3A_2189 = arith.constant 131 : i32
        %broadcast_in_dim3A_2190 = vector.broadcast %broadcast_in_dim3A_2189 : i32 to vector<16xi32>
        %add3A_2191 = arith.addi %mul3A_41, %broadcast_in_dim3A_2190 : vector<16xi32>
        %gather3A_2192 = tpu.vector_load_idx %arg9[%add3A_2191] : memref<16320xf32, #tpu.memory_space<vmem>>[vector<16xi32>], vector<16xf32>,
        %broadcast_in_dim3A_2193 = arith.constant 8 : i32
        %broadcast_in_dim3A_2194 = vector.broadcast %broadcast_in_dim3A_2193 : i32 to vector<16xi32>
        %and3A_2195 = arith.andi %gather3A_68, %broadcast_in_dim3A_2194 : vector<16xi32>
        %broadcast_in_dim3A_2196 = arith.constant 0 : i32
        %broadcast_in_dim3A_2197 = vector.broadcast %broadcast_in_dim3A_2196 : i32 to vector<16xi32>
        %ne3A_2198 = arith.cmpi ne, %and3A_2195, %broadcast_in_dim3A_2197 : vector<16xi32>
        %gt3A_2199 = arith.cmpf ogt, %gather3A_2192, %select_n3A_2137 : vector<16xf32>
        %and3A_2200 = arith.andi %ne3A_2198, %gt3A_2199 : vector<16xi1>
        %select_n3A_2201 = arith.select %and3A_2200, %gather3A_2192, %select_n3A_2137 : vector<16xi1>, vector<16xf32>
        %broadcast_in_dim3A_2202 = arith.constant 131 : i32
        %broadcast_in_dim3A_2203 = vector.broadcast %broadcast_in_dim3A_2202 : i32 to vector<16xi32>
        %select_n3A_2204 = arith.select %and3A_2200, %broadcast_in_dim3A_2203, %select_n3A_2140 : vector<16xi1>, vector<16xi32>
        %broadcast_in_dim3A_2205 = arith.constant 132 : i32
        %broadcast_in_dim3A_2206 = vector.broadcast %broadcast_in_dim3A_2205 : i32 to vector<16xi32>
        %add3A_2207 = arith.addi %mul3A_41, %broadcast_in_dim3A_2206 : vector<16xi32>
        %gather3A_2208 = tpu.vector_load_idx %arg9[%add3A_2207] : memref<16320xf32, #tpu.memory_space<vmem>>[vector<16xi32>], vector<16xf32>,
        %broadcast_in_dim3A_2209 = arith.constant 16 : i32
        %broadcast_in_dim3A_2210 = vector.broadcast %broadcast_in_dim3A_2209 : i32 to vector<16xi32>
        %and3A_2211 = arith.andi %gather3A_68, %broadcast_in_dim3A_2210 : vector<16xi32>
        %broadcast_in_dim3A_2212 = arith.constant 0 : i32
        %broadcast_in_dim3A_2213 = vector.broadcast %broadcast_in_dim3A_2212 : i32 to vector<16xi32>
        %ne3A_2214 = arith.cmpi ne, %and3A_2211, %broadcast_in_dim3A_2213 : vector<16xi32>
        %gt3A_2215 = arith.cmpf ogt, %gather3A_2208, %select_n3A_2153 : vector<16xf32>
        %and3A_2216 = arith.andi %ne3A_2214, %gt3A_2215 : vector<16xi1>
        %select_n3A_2217 = arith.select %and3A_2216, %gather3A_2208, %select_n3A_2153 : vector<16xi1>, vector<16xf32>
        %broadcast_in_dim3A_2218 = arith.constant 132 : i32
        %broadcast_in_dim3A_2219 = vector.broadcast %broadcast_in_dim3A_2218 : i32 to vector<16xi32>
        %select_n3A_2220 = arith.select %and3A_2216, %broadcast_in_dim3A_2219, %select_n3A_2156 : vector<16xi1>, vector<16xi32>
        %broadcast_in_dim3A_2221 = arith.constant 133 : i32
        %broadcast_in_dim3A_2222 = vector.broadcast %broadcast_in_dim3A_2221 : i32 to vector<16xi32>
        %add3A_2223 = arith.addi %mul3A_41, %broadcast_in_dim3A_2222 : vector<16xi32>
        %gather3A_2224 = tpu.vector_load_idx %arg9[%add3A_2223] : memref<16320xf32, #tpu.memory_space<vmem>>[vector<16xi32>], vector<16xf32>,
        %broadcast_in_dim3A_2225 = arith.constant 32 : i32
        %broadcast_in_dim3A_2226 = vector.broadcast %broadcast_in_dim3A_2225 : i32 to vector<16xi32>
        %and3A_2227 = arith.andi %gather3A_68, %broadcast_in_dim3A_2226 : vector<16xi32>
        %broadcast_in_dim3A_2228 = arith.constant 0 : i32
        %broadcast_in_dim3A_2229 = vector.broadcast %broadcast_in_dim3A_2228 : i32 to vector<16xi32>
        %ne3A_2230 = arith.cmpi ne, %and3A_2227, %broadcast_in_dim3A_2229 : vector<16xi32>
        %gt3A_2231 = arith.cmpf ogt, %gather3A_2224, %select_n3A_2169 : vector<16xf32>
        %and3A_2232 = arith.andi %ne3A_2230, %gt3A_2231 : vector<16xi1>
        %select_n3A_2233 = arith.select %and3A_2232, %gather3A_2224, %select_n3A_2169 : vector<16xi1>, vector<16xf32>
        %broadcast_in_dim3A_2234 = arith.constant 133 : i32
        %broadcast_in_dim3A_2235 = vector.broadcast %broadcast_in_dim3A_2234 : i32 to vector<16xi32>
        %select_n3A_2236 = arith.select %and3A_2232, %broadcast_in_dim3A_2235, %select_n3A_2172 : vector<16xi1>, vector<16xi32>
        %broadcast_in_dim3A_2237 = arith.constant 134 : i32
        %broadcast_in_dim3A_2238 = vector.broadcast %broadcast_in_dim3A_2237 : i32 to vector<16xi32>
        %add3A_2239 = arith.addi %mul3A_41, %broadcast_in_dim3A_2238 : vector<16xi32>
        %gather3A_2240 = tpu.vector_load_idx %arg9[%add3A_2239] : memref<16320xf32, #tpu.memory_space<vmem>>[vector<16xi32>], vector<16xf32>,
        %broadcast_in_dim3A_2241 = arith.constant 64 : i32
        %broadcast_in_dim3A_2242 = vector.broadcast %broadcast_in_dim3A_2241 : i32 to vector<16xi32>
        %and3A_2243 = arith.andi %gather3A_68, %broadcast_in_dim3A_2242 : vector<16xi32>
        %broadcast_in_dim3A_2244 = arith.constant 0 : i32
        %broadcast_in_dim3A_2245 = vector.broadcast %broadcast_in_dim3A_2244 : i32 to vector<16xi32>
        %ne3A_2246 = arith.cmpi ne, %and3A_2243, %broadcast_in_dim3A_2245 : vector<16xi32>
        %gt3A_2247 = arith.cmpf ogt, %gather3A_2240, %select_n3A_2185 : vector<16xf32>
        %and3A_2248 = arith.andi %ne3A_2246, %gt3A_2247 : vector<16xi1>
        %select_n3A_2249 = arith.select %and3A_2248, %gather3A_2240, %select_n3A_2185 : vector<16xi1>, vector<16xf32>
        %broadcast_in_dim3A_2250 = arith.constant 134 : i32
        %broadcast_in_dim3A_2251 = vector.broadcast %broadcast_in_dim3A_2250 : i32 to vector<16xi32>
        %select_n3A_2252 = arith.select %and3A_2248, %broadcast_in_dim3A_2251, %select_n3A_2188 : vector<16xi1>, vector<16xi32>
        %broadcast_in_dim3A_2253 = arith.constant 135 : i32
        %broadcast_in_dim3A_2254 = vector.broadcast %broadcast_in_dim3A_2253 : i32 to vector<16xi32>
        %add3A_2255 = arith.addi %mul3A_41, %broadcast_in_dim3A_2254 : vector<16xi32>
        %gather3A_2256 = tpu.vector_load_idx %arg9[%add3A_2255] : memref<16320xf32, #tpu.memory_space<vmem>>[vector<16xi32>], vector<16xf32>,
        %broadcast_in_dim3A_2257 = arith.constant 128 : i32
        %broadcast_in_dim3A_2258 = vector.broadcast %broadcast_in_dim3A_2257 : i32 to vector<16xi32>
        %and3A_2259 = arith.andi %gather3A_68, %broadcast_in_dim3A_2258 : vector<16xi32>
        %broadcast_in_dim3A_2260 = arith.constant 0 : i32
        %broadcast_in_dim3A_2261 = vector.broadcast %broadcast_in_dim3A_2260 : i32 to vector<16xi32>
        %ne3A_2262 = arith.cmpi ne, %and3A_2259, %broadcast_in_dim3A_2261 : vector<16xi32>
        %gt3A_2263 = arith.cmpf ogt, %gather3A_2256, %select_n3A_2201 : vector<16xf32>
        %and3A_2264 = arith.andi %ne3A_2262, %gt3A_2263 : vector<16xi1>
        %select_n3A_2265 = arith.select %and3A_2264, %gather3A_2256, %select_n3A_2201 : vector<16xi1>, vector<16xf32>
        %broadcast_in_dim3A_2266 = arith.constant 135 : i32
        %broadcast_in_dim3A_2267 = vector.broadcast %broadcast_in_dim3A_2266 : i32 to vector<16xi32>
        %select_n3A_2268 = arith.select %and3A_2264, %broadcast_in_dim3A_2267, %select_n3A_2204 : vector<16xi1>, vector<16xi32>
        %broadcast_in_dim3A_2269 = arith.constant 136 : i32
        %broadcast_in_dim3A_2270 = vector.broadcast %broadcast_in_dim3A_2269 : i32 to vector<16xi32>
        %add3A_2271 = arith.addi %mul3A_41, %broadcast_in_dim3A_2270 : vector<16xi32>
        %gather3A_2272 = tpu.vector_load_idx %arg9[%add3A_2271] : memref<16320xf32, #tpu.memory_space<vmem>>[vector<16xi32>], vector<16xf32>,
        %broadcast_in_dim3A_2273 = arith.constant 256 : i32
        %broadcast_in_dim3A_2274 = vector.broadcast %broadcast_in_dim3A_2273 : i32 to vector<16xi32>
        %and3A_2275 = arith.andi %gather3A_68, %broadcast_in_dim3A_2274 : vector<16xi32>
        %broadcast_in_dim3A_2276 = arith.constant 0 : i32
        %broadcast_in_dim3A_2277 = vector.broadcast %broadcast_in_dim3A_2276 : i32 to vector<16xi32>
        %ne3A_2278 = arith.cmpi ne, %and3A_2275, %broadcast_in_dim3A_2277 : vector<16xi32>
        %gt3A_2279 = arith.cmpf ogt, %gather3A_2272, %select_n3A_2217 : vector<16xf32>
        %and3A_2280 = arith.andi %ne3A_2278, %gt3A_2279 : vector<16xi1>
        %select_n3A_2281 = arith.select %and3A_2280, %gather3A_2272, %select_n3A_2217 : vector<16xi1>, vector<16xf32>
        %broadcast_in_dim3A_2282 = arith.constant 136 : i32
        %broadcast_in_dim3A_2283 = vector.broadcast %broadcast_in_dim3A_2282 : i32 to vector<16xi32>
        %select_n3A_2284 = arith.select %and3A_2280, %broadcast_in_dim3A_2283, %select_n3A_2220 : vector<16xi1>, vector<16xi32>
        %broadcast_in_dim3A_2285 = arith.constant 137 : i32
        %broadcast_in_dim3A_2286 = vector.broadcast %broadcast_in_dim3A_2285 : i32 to vector<16xi32>
        %add3A_2287 = arith.addi %mul3A_41, %broadcast_in_dim3A_2286 : vector<16xi32>
        %gather3A_2288 = tpu.vector_load_idx %arg9[%add3A_2287] : memref<16320xf32, #tpu.memory_space<vmem>>[vector<16xi32>], vector<16xf32>,
        %broadcast_in_dim3A_2289 = arith.constant 512 : i32
        %broadcast_in_dim3A_2290 = vector.broadcast %broadcast_in_dim3A_2289 : i32 to vector<16xi32>
        %and3A_2291 = arith.andi %gather3A_68, %broadcast_in_dim3A_2290 : vector<16xi32>
        %broadcast_in_dim3A_2292 = arith.constant 0 : i32
        %broadcast_in_dim3A_2293 = vector.broadcast %broadcast_in_dim3A_2292 : i32 to vector<16xi32>
        %ne3A_2294 = arith.cmpi ne, %and3A_2291, %broadcast_in_dim3A_2293 : vector<16xi32>
        %gt3A_2295 = arith.cmpf ogt, %gather3A_2288, %select_n3A_2233 : vector<16xf32>
        %and3A_2296 = arith.andi %ne3A_2294, %gt3A_2295 : vector<16xi1>
        %select_n3A_2297 = arith.select %and3A_2296, %gather3A_2288, %select_n3A_2233 : vector<16xi1>, vector<16xf32>
        %broadcast_in_dim3A_2298 = arith.constant 137 : i32
        %broadcast_in_dim3A_2299 = vector.broadcast %broadcast_in_dim3A_2298 : i32 to vector<16xi32>
        %select_n3A_2300 = arith.select %and3A_2296, %broadcast_in_dim3A_2299, %select_n3A_2236 : vector<16xi1>, vector<16xi32>
        %broadcast_in_dim3A_2301 = arith.constant 138 : i32
        %broadcast_in_dim3A_2302 = vector.broadcast %broadcast_in_dim3A_2301 : i32 to vector<16xi32>
        %add3A_2303 = arith.addi %mul3A_41, %broadcast_in_dim3A_2302 : vector<16xi32>
        %gather3A_2304 = tpu.vector_load_idx %arg9[%add3A_2303] : memref<16320xf32, #tpu.memory_space<vmem>>[vector<16xi32>], vector<16xf32>,
        %broadcast_in_dim3A_2305 = arith.constant 1024 : i32
        %broadcast_in_dim3A_2306 = vector.broadcast %broadcast_in_dim3A_2305 : i32 to vector<16xi32>
        %and3A_2307 = arith.andi %gather3A_68, %broadcast_in_dim3A_2306 : vector<16xi32>
        %broadcast_in_dim3A_2308 = arith.constant 0 : i32
        %broadcast_in_dim3A_2309 = vector.broadcast %broadcast_in_dim3A_2308 : i32 to vector<16xi32>
        %ne3A_2310 = arith.cmpi ne, %and3A_2307, %broadcast_in_dim3A_2309 : vector<16xi32>
        %gt3A_2311 = arith.cmpf ogt, %gather3A_2304, %select_n3A_2249 : vector<16xf32>
        %and3A_2312 = arith.andi %ne3A_2310, %gt3A_2311 : vector<16xi1>
        %select_n3A_2313 = arith.select %and3A_2312, %gather3A_2304, %select_n3A_2249 : vector<16xi1>, vector<16xf32>
        %broadcast_in_dim3A_2314 = arith.constant 138 : i32
        %broadcast_in_dim3A_2315 = vector.broadcast %broadcast_in_dim3A_2314 : i32 to vector<16xi32>
        %select_n3A_2316 = arith.select %and3A_2312, %broadcast_in_dim3A_2315, %select_n3A_2252 : vector<16xi1>, vector<16xi32>
        %broadcast_in_dim3A_2317 = arith.constant 139 : i32
        %broadcast_in_dim3A_2318 = vector.broadcast %broadcast_in_dim3A_2317 : i32 to vector<16xi32>
        %add3A_2319 = arith.addi %mul3A_41, %broadcast_in_dim3A_2318 : vector<16xi32>
        %gather3A_2320 = tpu.vector_load_idx %arg9[%add3A_2319] : memref<16320xf32, #tpu.memory_space<vmem>>[vector<16xi32>], vector<16xf32>,
        %broadcast_in_dim3A_2321 = arith.constant 2048 : i32
        %broadcast_in_dim3A_2322 = vector.broadcast %broadcast_in_dim3A_2321 : i32 to vector<16xi32>
        %and3A_2323 = arith.andi %gather3A_68, %broadcast_in_dim3A_2322 : vector<16xi32>
        %broadcast_in_dim3A_2324 = arith.constant 0 : i32
        %broadcast_in_dim3A_2325 = vector.broadcast %broadcast_in_dim3A_2324 : i32 to vector<16xi32>
        %ne3A_2326 = arith.cmpi ne, %and3A_2323, %broadcast_in_dim3A_2325 : vector<16xi32>
        %gt3A_2327 = arith.cmpf ogt, %gather3A_2320, %select_n3A_2265 : vector<16xf32>
        %and3A_2328 = arith.andi %ne3A_2326, %gt3A_2327 : vector<16xi1>
        %select_n3A_2329 = arith.select %and3A_2328, %gather3A_2320, %select_n3A_2265 : vector<16xi1>, vector<16xf32>
        %broadcast_in_dim3A_2330 = arith.constant 139 : i32
        %broadcast_in_dim3A_2331 = vector.broadcast %broadcast_in_dim3A_2330 : i32 to vector<16xi32>
        %select_n3A_2332 = arith.select %and3A_2328, %broadcast_in_dim3A_2331, %select_n3A_2268 : vector<16xi1>, vector<16xi32>
        %broadcast_in_dim3A_2333 = arith.constant 140 : i32
        %broadcast_in_dim3A_2334 = vector.broadcast %broadcast_in_dim3A_2333 : i32 to vector<16xi32>
        %add3A_2335 = arith.addi %mul3A_41, %broadcast_in_dim3A_2334 : vector<16xi32>
        %gather3A_2336 = tpu.vector_load_idx %arg9[%add3A_2335] : memref<16320xf32, #tpu.memory_space<vmem>>[vector<16xi32>], vector<16xf32>,
        %broadcast_in_dim3A_2337 = arith.constant 4096 : i32
        %broadcast_in_dim3A_2338 = vector.broadcast %broadcast_in_dim3A_2337 : i32 to vector<16xi32>
        %and3A_2339 = arith.andi %gather3A_68, %broadcast_in_dim3A_2338 : vector<16xi32>
        %broadcast_in_dim3A_2340 = arith.constant 0 : i32
        %broadcast_in_dim3A_2341 = vector.broadcast %broadcast_in_dim3A_2340 : i32 to vector<16xi32>
        %ne3A_2342 = arith.cmpi ne, %and3A_2339, %broadcast_in_dim3A_2341 : vector<16xi32>
        %gt3A_2343 = arith.cmpf ogt, %gather3A_2336, %select_n3A_2281 : vector<16xf32>
        %and3A_2344 = arith.andi %ne3A_2342, %gt3A_2343 : vector<16xi1>
        %select_n3A_2345 = arith.select %and3A_2344, %gather3A_2336, %select_n3A_2281 : vector<16xi1>, vector<16xf32>
        %broadcast_in_dim3A_2346 = arith.constant 140 : i32
        %broadcast_in_dim3A_2347 = vector.broadcast %broadcast_in_dim3A_2346 : i32 to vector<16xi32>
        %select_n3A_2348 = arith.select %and3A_2344, %broadcast_in_dim3A_2347, %select_n3A_2284 : vector<16xi1>, vector<16xi32>
        %broadcast_in_dim3A_2349 = arith.constant 141 : i32
        %broadcast_in_dim3A_2350 = vector.broadcast %broadcast_in_dim3A_2349 : i32 to vector<16xi32>
        %add3A_2351 = arith.addi %mul3A_41, %broadcast_in_dim3A_2350 : vector<16xi32>
        %gather3A_2352 = tpu.vector_load_idx %arg9[%add3A_2351] : memref<16320xf32, #tpu.memory_space<vmem>>[vector<16xi32>], vector<16xf32>,
        %broadcast_in_dim3A_2353 = arith.constant 8192 : i32
        %broadcast_in_dim3A_2354 = vector.broadcast %broadcast_in_dim3A_2353 : i32 to vector<16xi32>
        %and3A_2355 = arith.andi %gather3A_68, %broadcast_in_dim3A_2354 : vector<16xi32>
        %broadcast_in_dim3A_2356 = arith.constant 0 : i32
        %broadcast_in_dim3A_2357 = vector.broadcast %broadcast_in_dim3A_2356 : i32 to vector<16xi32>
        %ne3A_2358 = arith.cmpi ne, %and3A_2355, %broadcast_in_dim3A_2357 : vector<16xi32>
        %gt3A_2359 = arith.cmpf ogt, %gather3A_2352, %select_n3A_2297 : vector<16xf32>
        %and3A_2360 = arith.andi %ne3A_2358, %gt3A_2359 : vector<16xi1>
        %select_n3A_2361 = arith.select %and3A_2360, %gather3A_2352, %select_n3A_2297 : vector<16xi1>, vector<16xf32>
        %broadcast_in_dim3A_2362 = arith.constant 141 : i32
        %broadcast_in_dim3A_2363 = vector.broadcast %broadcast_in_dim3A_2362 : i32 to vector<16xi32>
        %select_n3A_2364 = arith.select %and3A_2360, %broadcast_in_dim3A_2363, %select_n3A_2300 : vector<16xi1>, vector<16xi32>
        %broadcast_in_dim3A_2365 = arith.constant 142 : i32
        %broadcast_in_dim3A_2366 = vector.broadcast %broadcast_in_dim3A_2365 : i32 to vector<16xi32>
        %add3A_2367 = arith.addi %mul3A_41, %broadcast_in_dim3A_2366 : vector<16xi32>
        %gather3A_2368 = tpu.vector_load_idx %arg9[%add3A_2367] : memref<16320xf32, #tpu.memory_space<vmem>>[vector<16xi32>], vector<16xf32>,
        %broadcast_in_dim3A_2369 = arith.constant 16384 : i32
        %broadcast_in_dim3A_2370 = vector.broadcast %broadcast_in_dim3A_2369 : i32 to vector<16xi32>
        %and3A_2371 = arith.andi %gather3A_68, %broadcast_in_dim3A_2370 : vector<16xi32>
        %broadcast_in_dim3A_2372 = arith.constant 0 : i32
        %broadcast_in_dim3A_2373 = vector.broadcast %broadcast_in_dim3A_2372 : i32 to vector<16xi32>
        %ne3A_2374 = arith.cmpi ne, %and3A_2371, %broadcast_in_dim3A_2373 : vector<16xi32>
        %gt3A_2375 = arith.cmpf ogt, %gather3A_2368, %select_n3A_2313 : vector<16xf32>
        %and3A_2376 = arith.andi %ne3A_2374, %gt3A_2375 : vector<16xi1>
        %select_n3A_2377 = arith.select %and3A_2376, %gather3A_2368, %select_n3A_2313 : vector<16xi1>, vector<16xf32>
        %broadcast_in_dim3A_2378 = arith.constant 142 : i32
        %broadcast_in_dim3A_2379 = vector.broadcast %broadcast_in_dim3A_2378 : i32 to vector<16xi32>
        %select_n3A_2380 = arith.select %and3A_2376, %broadcast_in_dim3A_2379, %select_n3A_2316 : vector<16xi1>, vector<16xi32>
        %broadcast_in_dim3A_2381 = arith.constant 143 : i32
        %broadcast_in_dim3A_2382 = vector.broadcast %broadcast_in_dim3A_2381 : i32 to vector<16xi32>
        %add3A_2383 = arith.addi %mul3A_41, %broadcast_in_dim3A_2382 : vector<16xi32>
        %gather3A_2384 = tpu.vector_load_idx %arg9[%add3A_2383] : memref<16320xf32, #tpu.memory_space<vmem>>[vector<16xi32>], vector<16xf32>,
        %broadcast_in_dim3A_2385 = arith.constant 32768 : i32
        %broadcast_in_dim3A_2386 = vector.broadcast %broadcast_in_dim3A_2385 : i32 to vector<16xi32>
        %and3A_2387 = arith.andi %gather3A_68, %broadcast_in_dim3A_2386 : vector<16xi32>
        %broadcast_in_dim3A_2388 = arith.constant 0 : i32
        %broadcast_in_dim3A_2389 = vector.broadcast %broadcast_in_dim3A_2388 : i32 to vector<16xi32>
        %ne3A_2390 = arith.cmpi ne, %and3A_2387, %broadcast_in_dim3A_2389 : vector<16xi32>
        %gt3A_2391 = arith.cmpf ogt, %gather3A_2384, %select_n3A_2329 : vector<16xf32>
        %and3A_2392 = arith.andi %ne3A_2390, %gt3A_2391 : vector<16xi1>
        %select_n3A_2393 = arith.select %and3A_2392, %gather3A_2384, %select_n3A_2329 : vector<16xi1>, vector<16xf32>
        %broadcast_in_dim3A_2394 = arith.constant 143 : i32
        %broadcast_in_dim3A_2395 = vector.broadcast %broadcast_in_dim3A_2394 : i32 to vector<16xi32>
        %select_n3A_2396 = arith.select %and3A_2392, %broadcast_in_dim3A_2395, %select_n3A_2332 : vector<16xi1>, vector<16xi32>
        %broadcast_in_dim3A_2397 = arith.constant 144 : i32
        %broadcast_in_dim3A_2398 = vector.broadcast %broadcast_in_dim3A_2397 : i32 to vector<16xi32>
        %add3A_2399 = arith.addi %mul3A_41, %broadcast_in_dim3A_2398 : vector<16xi32>
        %gather3A_2400 = tpu.vector_load_idx %arg9[%add3A_2399] : memref<16320xf32, #tpu.memory_space<vmem>>[vector<16xi32>], vector<16xf32>,
        %broadcast_in_dim3A_2401 = arith.constant 65536 : i32
        %broadcast_in_dim3A_2402 = vector.broadcast %broadcast_in_dim3A_2401 : i32 to vector<16xi32>
        %and3A_2403 = arith.andi %gather3A_68, %broadcast_in_dim3A_2402 : vector<16xi32>
        %broadcast_in_dim3A_2404 = arith.constant 0 : i32
        %broadcast_in_dim3A_2405 = vector.broadcast %broadcast_in_dim3A_2404 : i32 to vector<16xi32>
        %ne3A_2406 = arith.cmpi ne, %and3A_2403, %broadcast_in_dim3A_2405 : vector<16xi32>
        %gt3A_2407 = arith.cmpf ogt, %gather3A_2400, %select_n3A_2345 : vector<16xf32>
        %and3A_2408 = arith.andi %ne3A_2406, %gt3A_2407 : vector<16xi1>
        %select_n3A_2409 = arith.select %and3A_2408, %gather3A_2400, %select_n3A_2345 : vector<16xi1>, vector<16xf32>
        %broadcast_in_dim3A_2410 = arith.constant 144 : i32
        %broadcast_in_dim3A_2411 = vector.broadcast %broadcast_in_dim3A_2410 : i32 to vector<16xi32>
        %select_n3A_2412 = arith.select %and3A_2408, %broadcast_in_dim3A_2411, %select_n3A_2348 : vector<16xi1>, vector<16xi32>
        %broadcast_in_dim3A_2413 = arith.constant 145 : i32
        %broadcast_in_dim3A_2414 = vector.broadcast %broadcast_in_dim3A_2413 : i32 to vector<16xi32>
        %add3A_2415 = arith.addi %mul3A_41, %broadcast_in_dim3A_2414 : vector<16xi32>
        %gather3A_2416 = tpu.vector_load_idx %arg9[%add3A_2415] : memref<16320xf32, #tpu.memory_space<vmem>>[vector<16xi32>], vector<16xf32>,
        %broadcast_in_dim3A_2417 = arith.constant 131072 : i32
        %broadcast_in_dim3A_2418 = vector.broadcast %broadcast_in_dim3A_2417 : i32 to vector<16xi32>
        %and3A_2419 = arith.andi %gather3A_68, %broadcast_in_dim3A_2418 : vector<16xi32>
        %broadcast_in_dim3A_2420 = arith.constant 0 : i32
        %broadcast_in_dim3A_2421 = vector.broadcast %broadcast_in_dim3A_2420 : i32 to vector<16xi32>
        %ne3A_2422 = arith.cmpi ne, %and3A_2419, %broadcast_in_dim3A_2421 : vector<16xi32>
        %gt3A_2423 = arith.cmpf ogt, %gather3A_2416, %select_n3A_2361 : vector<16xf32>
        %and3A_2424 = arith.andi %ne3A_2422, %gt3A_2423 : vector<16xi1>
        %select_n3A_2425 = arith.select %and3A_2424, %gather3A_2416, %select_n3A_2361 : vector<16xi1>, vector<16xf32>
        %broadcast_in_dim3A_2426 = arith.constant 145 : i32
        %broadcast_in_dim3A_2427 = vector.broadcast %broadcast_in_dim3A_2426 : i32 to vector<16xi32>
        %select_n3A_2428 = arith.select %and3A_2424, %broadcast_in_dim3A_2427, %select_n3A_2364 : vector<16xi1>, vector<16xi32>
        %broadcast_in_dim3A_2429 = arith.constant 146 : i32
        %broadcast_in_dim3A_2430 = vector.broadcast %broadcast_in_dim3A_2429 : i32 to vector<16xi32>
        %add3A_2431 = arith.addi %mul3A_41, %broadcast_in_dim3A_2430 : vector<16xi32>
        %gather3A_2432 = tpu.vector_load_idx %arg9[%add3A_2431] : memref<16320xf32, #tpu.memory_space<vmem>>[vector<16xi32>], vector<16xf32>,
        %broadcast_in_dim3A_2433 = arith.constant 262144 : i32
        %broadcast_in_dim3A_2434 = vector.broadcast %broadcast_in_dim3A_2433 : i32 to vector<16xi32>
        %and3A_2435 = arith.andi %gather3A_68, %broadcast_in_dim3A_2434 : vector<16xi32>
        %broadcast_in_dim3A_2436 = arith.constant 0 : i32
        %broadcast_in_dim3A_2437 = vector.broadcast %broadcast_in_dim3A_2436 : i32 to vector<16xi32>
        %ne3A_2438 = arith.cmpi ne, %and3A_2435, %broadcast_in_dim3A_2437 : vector<16xi32>
        %gt3A_2439 = arith.cmpf ogt, %gather3A_2432, %select_n3A_2377 : vector<16xf32>
        %and3A_2440 = arith.andi %ne3A_2438, %gt3A_2439 : vector<16xi1>
        %select_n3A_2441 = arith.select %and3A_2440, %gather3A_2432, %select_n3A_2377 : vector<16xi1>, vector<16xf32>
        %broadcast_in_dim3A_2442 = arith.constant 146 : i32
        %broadcast_in_dim3A_2443 = vector.broadcast %broadcast_in_dim3A_2442 : i32 to vector<16xi32>
        %select_n3A_2444 = arith.select %and3A_2440, %broadcast_in_dim3A_2443, %select_n3A_2380 : vector<16xi1>, vector<16xi32>
        %broadcast_in_dim3A_2445 = arith.constant 147 : i32
        %broadcast_in_dim3A_2446 = vector.broadcast %broadcast_in_dim3A_2445 : i32 to vector<16xi32>
        %add3A_2447 = arith.addi %mul3A_41, %broadcast_in_dim3A_2446 : vector<16xi32>
        %gather3A_2448 = tpu.vector_load_idx %arg9[%add3A_2447] : memref<16320xf32, #tpu.memory_space<vmem>>[vector<16xi32>], vector<16xf32>,
        %broadcast_in_dim3A_2449 = arith.constant 524288 : i32
        %broadcast_in_dim3A_2450 = vector.broadcast %broadcast_in_dim3A_2449 : i32 to vector<16xi32>
        %and3A_2451 = arith.andi %gather3A_68, %broadcast_in_dim3A_2450 : vector<16xi32>
        %broadcast_in_dim3A_2452 = arith.constant 0 : i32
        %broadcast_in_dim3A_2453 = vector.broadcast %broadcast_in_dim3A_2452 : i32 to vector<16xi32>
        %ne3A_2454 = arith.cmpi ne, %and3A_2451, %broadcast_in_dim3A_2453 : vector<16xi32>
        %gt3A_2455 = arith.cmpf ogt, %gather3A_2448, %select_n3A_2393 : vector<16xf32>
        %and3A_2456 = arith.andi %ne3A_2454, %gt3A_2455 : vector<16xi1>
        %select_n3A_2457 = arith.select %and3A_2456, %gather3A_2448, %select_n3A_2393 : vector<16xi1>, vector<16xf32>
        %broadcast_in_dim3A_2458 = arith.constant 147 : i32
        %broadcast_in_dim3A_2459 = vector.broadcast %broadcast_in_dim3A_2458 : i32 to vector<16xi32>
        %select_n3A_2460 = arith.select %and3A_2456, %broadcast_in_dim3A_2459, %select_n3A_2396 : vector<16xi1>, vector<16xi32>
        %broadcast_in_dim3A_2461 = arith.constant 148 : i32
        %broadcast_in_dim3A_2462 = vector.broadcast %broadcast_in_dim3A_2461 : i32 to vector<16xi32>
        %add3A_2463 = arith.addi %mul3A_41, %broadcast_in_dim3A_2462 : vector<16xi32>
        %gather3A_2464 = tpu.vector_load_idx %arg9[%add3A_2463] : memref<16320xf32, #tpu.memory_space<vmem>>[vector<16xi32>], vector<16xf32>,
        %broadcast_in_dim3A_2465 = arith.constant 1048576 : i32
        %broadcast_in_dim3A_2466 = vector.broadcast %broadcast_in_dim3A_2465 : i32 to vector<16xi32>
        %and3A_2467 = arith.andi %gather3A_68, %broadcast_in_dim3A_2466 : vector<16xi32>
        %broadcast_in_dim3A_2468 = arith.constant 0 : i32
        %broadcast_in_dim3A_2469 = vector.broadcast %broadcast_in_dim3A_2468 : i32 to vector<16xi32>
        %ne3A_2470 = arith.cmpi ne, %and3A_2467, %broadcast_in_dim3A_2469 : vector<16xi32>
        %gt3A_2471 = arith.cmpf ogt, %gather3A_2464, %select_n3A_2409 : vector<16xf32>
        %and3A_2472 = arith.andi %ne3A_2470, %gt3A_2471 : vector<16xi1>
        %select_n3A_2473 = arith.select %and3A_2472, %gather3A_2464, %select_n3A_2409 : vector<16xi1>, vector<16xf32>
        %broadcast_in_dim3A_2474 = arith.constant 148 : i32
        %broadcast_in_dim3A_2475 = vector.broadcast %broadcast_in_dim3A_2474 : i32 to vector<16xi32>
        %select_n3A_2476 = arith.select %and3A_2472, %broadcast_in_dim3A_2475, %select_n3A_2412 : vector<16xi1>, vector<16xi32>
        %broadcast_in_dim3A_2477 = arith.constant 149 : i32
        %broadcast_in_dim3A_2478 = vector.broadcast %broadcast_in_dim3A_2477 : i32 to vector<16xi32>
        %add3A_2479 = arith.addi %mul3A_41, %broadcast_in_dim3A_2478 : vector<16xi32>
        %gather3A_2480 = tpu.vector_load_idx %arg9[%add3A_2479] : memref<16320xf32, #tpu.memory_space<vmem>>[vector<16xi32>], vector<16xf32>,
        %broadcast_in_dim3A_2481 = arith.constant 2097152 : i32
        %broadcast_in_dim3A_2482 = vector.broadcast %broadcast_in_dim3A_2481 : i32 to vector<16xi32>
        %and3A_2483 = arith.andi %gather3A_68, %broadcast_in_dim3A_2482 : vector<16xi32>
        %broadcast_in_dim3A_2484 = arith.constant 0 : i32
        %broadcast_in_dim3A_2485 = vector.broadcast %broadcast_in_dim3A_2484 : i32 to vector<16xi32>
        %ne3A_2486 = arith.cmpi ne, %and3A_2483, %broadcast_in_dim3A_2485 : vector<16xi32>
        %gt3A_2487 = arith.cmpf ogt, %gather3A_2480, %select_n3A_2425 : vector<16xf32>
        %and3A_2488 = arith.andi %ne3A_2486, %gt3A_2487 : vector<16xi1>
        %select_n3A_2489 = arith.select %and3A_2488, %gather3A_2480, %select_n3A_2425 : vector<16xi1>, vector<16xf32>
        %broadcast_in_dim3A_2490 = arith.constant 149 : i32
        %broadcast_in_dim3A_2491 = vector.broadcast %broadcast_in_dim3A_2490 : i32 to vector<16xi32>
        %select_n3A_2492 = arith.select %and3A_2488, %broadcast_in_dim3A_2491, %select_n3A_2428 : vector<16xi1>, vector<16xi32>
        %broadcast_in_dim3A_2493 = arith.constant 150 : i32
        %broadcast_in_dim3A_2494 = vector.broadcast %broadcast_in_dim3A_2493 : i32 to vector<16xi32>
        %add3A_2495 = arith.addi %mul3A_41, %broadcast_in_dim3A_2494 : vector<16xi32>
        %gather3A_2496 = tpu.vector_load_idx %arg9[%add3A_2495] : memref<16320xf32, #tpu.memory_space<vmem>>[vector<16xi32>], vector<16xf32>,
        %broadcast_in_dim3A_2497 = arith.constant 4194304 : i32
        %broadcast_in_dim3A_2498 = vector.broadcast %broadcast_in_dim3A_2497 : i32 to vector<16xi32>
        %and3A_2499 = arith.andi %gather3A_68, %broadcast_in_dim3A_2498 : vector<16xi32>
        %broadcast_in_dim3A_2500 = arith.constant 0 : i32
        %broadcast_in_dim3A_2501 = vector.broadcast %broadcast_in_dim3A_2500 : i32 to vector<16xi32>
        %ne3A_2502 = arith.cmpi ne, %and3A_2499, %broadcast_in_dim3A_2501 : vector<16xi32>
        %gt3A_2503 = arith.cmpf ogt, %gather3A_2496, %select_n3A_2441 : vector<16xf32>
        %and3A_2504 = arith.andi %ne3A_2502, %gt3A_2503 : vector<16xi1>
        %select_n3A_2505 = arith.select %and3A_2504, %gather3A_2496, %select_n3A_2441 : vector<16xi1>, vector<16xf32>
        %broadcast_in_dim3A_2506 = arith.constant 150 : i32
        %broadcast_in_dim3A_2507 = vector.broadcast %broadcast_in_dim3A_2506 : i32 to vector<16xi32>
        %select_n3A_2508 = arith.select %and3A_2504, %broadcast_in_dim3A_2507, %select_n3A_2444 : vector<16xi1>, vector<16xi32>
        %broadcast_in_dim3A_2509 = arith.constant 151 : i32
        %broadcast_in_dim3A_2510 = vector.broadcast %broadcast_in_dim3A_2509 : i32 to vector<16xi32>
        %add3A_2511 = arith.addi %mul3A_41, %broadcast_in_dim3A_2510 : vector<16xi32>
        %gather3A_2512 = tpu.vector_load_idx %arg9[%add3A_2511] : memref<16320xf32, #tpu.memory_space<vmem>>[vector<16xi32>], vector<16xf32>,
        %broadcast_in_dim3A_2513 = arith.constant 8388608 : i32
        %broadcast_in_dim3A_2514 = vector.broadcast %broadcast_in_dim3A_2513 : i32 to vector<16xi32>
        %and3A_2515 = arith.andi %gather3A_68, %broadcast_in_dim3A_2514 : vector<16xi32>
        %broadcast_in_dim3A_2516 = arith.constant 0 : i32
        %broadcast_in_dim3A_2517 = vector.broadcast %broadcast_in_dim3A_2516 : i32 to vector<16xi32>
        %ne3A_2518 = arith.cmpi ne, %and3A_2515, %broadcast_in_dim3A_2517 : vector<16xi32>
        %gt3A_2519 = arith.cmpf ogt, %gather3A_2512, %select_n3A_2457 : vector<16xf32>
        %and3A_2520 = arith.andi %ne3A_2518, %gt3A_2519 : vector<16xi1>
        %select_n3A_2521 = arith.select %and3A_2520, %gather3A_2512, %select_n3A_2457 : vector<16xi1>, vector<16xf32>
        %broadcast_in_dim3A_2522 = arith.constant 151 : i32
        %broadcast_in_dim3A_2523 = vector.broadcast %broadcast_in_dim3A_2522 : i32 to vector<16xi32>
        %select_n3A_2524 = arith.select %and3A_2520, %broadcast_in_dim3A_2523, %select_n3A_2460 : vector<16xi1>, vector<16xi32>
        %broadcast_in_dim3A_2525 = arith.constant 152 : i32
        %broadcast_in_dim3A_2526 = vector.broadcast %broadcast_in_dim3A_2525 : i32 to vector<16xi32>
        %add3A_2527 = arith.addi %mul3A_41, %broadcast_in_dim3A_2526 : vector<16xi32>
        %gather3A_2528 = tpu.vector_load_idx %arg9[%add3A_2527] : memref<16320xf32, #tpu.memory_space<vmem>>[vector<16xi32>], vector<16xf32>,
        %broadcast_in_dim3A_2529 = arith.constant 16777216 : i32
        %broadcast_in_dim3A_2530 = vector.broadcast %broadcast_in_dim3A_2529 : i32 to vector<16xi32>
        %and3A_2531 = arith.andi %gather3A_68, %broadcast_in_dim3A_2530 : vector<16xi32>
        %broadcast_in_dim3A_2532 = arith.constant 0 : i32
        %broadcast_in_dim3A_2533 = vector.broadcast %broadcast_in_dim3A_2532 : i32 to vector<16xi32>
        %ne3A_2534 = arith.cmpi ne, %and3A_2531, %broadcast_in_dim3A_2533 : vector<16xi32>
        %gt3A_2535 = arith.cmpf ogt, %gather3A_2528, %select_n3A_2473 : vector<16xf32>
        %and3A_2536 = arith.andi %ne3A_2534, %gt3A_2535 : vector<16xi1>
        %select_n3A_2537 = arith.select %and3A_2536, %gather3A_2528, %select_n3A_2473 : vector<16xi1>, vector<16xf32>
        %broadcast_in_dim3A_2538 = arith.constant 152 : i32
        %broadcast_in_dim3A_2539 = vector.broadcast %broadcast_in_dim3A_2538 : i32 to vector<16xi32>
        %select_n3A_2540 = arith.select %and3A_2536, %broadcast_in_dim3A_2539, %select_n3A_2476 : vector<16xi1>, vector<16xi32>
        %broadcast_in_dim3A_2541 = arith.constant 153 : i32
        %broadcast_in_dim3A_2542 = vector.broadcast %broadcast_in_dim3A_2541 : i32 to vector<16xi32>
        %add3A_2543 = arith.addi %mul3A_41, %broadcast_in_dim3A_2542 : vector<16xi32>
        %gather3A_2544 = tpu.vector_load_idx %arg9[%add3A_2543] : memref<16320xf32, #tpu.memory_space<vmem>>[vector<16xi32>], vector<16xf32>,
        %broadcast_in_dim3A_2545 = arith.constant 33554432 : i32
        %broadcast_in_dim3A_2546 = vector.broadcast %broadcast_in_dim3A_2545 : i32 to vector<16xi32>
        %and3A_2547 = arith.andi %gather3A_68, %broadcast_in_dim3A_2546 : vector<16xi32>
        %broadcast_in_dim3A_2548 = arith.constant 0 : i32
        %broadcast_in_dim3A_2549 = vector.broadcast %broadcast_in_dim3A_2548 : i32 to vector<16xi32>
        %ne3A_2550 = arith.cmpi ne, %and3A_2547, %broadcast_in_dim3A_2549 : vector<16xi32>
        %gt3A_2551 = arith.cmpf ogt, %gather3A_2544, %select_n3A_2489 : vector<16xf32>
        %and3A_2552 = arith.andi %ne3A_2550, %gt3A_2551 : vector<16xi1>
        %select_n3A_2553 = arith.select %and3A_2552, %gather3A_2544, %select_n3A_2489 : vector<16xi1>, vector<16xf32>
        %broadcast_in_dim3A_2554 = arith.constant 153 : i32
        %broadcast_in_dim3A_2555 = vector.broadcast %broadcast_in_dim3A_2554 : i32 to vector<16xi32>
        %select_n3A_2556 = arith.select %and3A_2552, %broadcast_in_dim3A_2555, %select_n3A_2492 : vector<16xi1>, vector<16xi32>
        %broadcast_in_dim3A_2557 = arith.constant 154 : i32
        %broadcast_in_dim3A_2558 = vector.broadcast %broadcast_in_dim3A_2557 : i32 to vector<16xi32>
        %add3A_2559 = arith.addi %mul3A_41, %broadcast_in_dim3A_2558 : vector<16xi32>
        %gather3A_2560 = tpu.vector_load_idx %arg9[%add3A_2559] : memref<16320xf32, #tpu.memory_space<vmem>>[vector<16xi32>], vector<16xf32>,
        %broadcast_in_dim3A_2561 = arith.constant 67108864 : i32
        %broadcast_in_dim3A_2562 = vector.broadcast %broadcast_in_dim3A_2561 : i32 to vector<16xi32>
        %and3A_2563 = arith.andi %gather3A_68, %broadcast_in_dim3A_2562 : vector<16xi32>
        %broadcast_in_dim3A_2564 = arith.constant 0 : i32
        %broadcast_in_dim3A_2565 = vector.broadcast %broadcast_in_dim3A_2564 : i32 to vector<16xi32>
        %ne3A_2566 = arith.cmpi ne, %and3A_2563, %broadcast_in_dim3A_2565 : vector<16xi32>
        %gt3A_2567 = arith.cmpf ogt, %gather3A_2560, %select_n3A_2505 : vector<16xf32>
        %and3A_2568 = arith.andi %ne3A_2566, %gt3A_2567 : vector<16xi1>
        %select_n3A_2569 = arith.select %and3A_2568, %gather3A_2560, %select_n3A_2505 : vector<16xi1>, vector<16xf32>
        %broadcast_in_dim3A_2570 = arith.constant 154 : i32
        %broadcast_in_dim3A_2571 = vector.broadcast %broadcast_in_dim3A_2570 : i32 to vector<16xi32>
        %select_n3A_2572 = arith.select %and3A_2568, %broadcast_in_dim3A_2571, %select_n3A_2508 : vector<16xi1>, vector<16xi32>
        %broadcast_in_dim3A_2573 = arith.constant 155 : i32
        %broadcast_in_dim3A_2574 = vector.broadcast %broadcast_in_dim3A_2573 : i32 to vector<16xi32>
        %add3A_2575 = arith.addi %mul3A_41, %broadcast_in_dim3A_2574 : vector<16xi32>
        %gather3A_2576 = tpu.vector_load_idx %arg9[%add3A_2575] : memref<16320xf32, #tpu.memory_space<vmem>>[vector<16xi32>], vector<16xf32>,
        %broadcast_in_dim3A_2577 = arith.constant 134217728 : i32
        %broadcast_in_dim3A_2578 = vector.broadcast %broadcast_in_dim3A_2577 : i32 to vector<16xi32>
        %and3A_2579 = arith.andi %gather3A_68, %broadcast_in_dim3A_2578 : vector<16xi32>
        %broadcast_in_dim3A_2580 = arith.constant 0 : i32
        %broadcast_in_dim3A_2581 = vector.broadcast %broadcast_in_dim3A_2580 : i32 to vector<16xi32>
        %ne3A_2582 = arith.cmpi ne, %and3A_2579, %broadcast_in_dim3A_2581 : vector<16xi32>
        %gt3A_2583 = arith.cmpf ogt, %gather3A_2576, %select_n3A_2521 : vector<16xf32>
        %and3A_2584 = arith.andi %ne3A_2582, %gt3A_2583 : vector<16xi1>
        %select_n3A_2585 = arith.select %and3A_2584, %gather3A_2576, %select_n3A_2521 : vector<16xi1>, vector<16xf32>
        %broadcast_in_dim3A_2586 = arith.constant 155 : i32
        %broadcast_in_dim3A_2587 = vector.broadcast %broadcast_in_dim3A_2586 : i32 to vector<16xi32>
        %select_n3A_2588 = arith.select %and3A_2584, %broadcast_in_dim3A_2587, %select_n3A_2524 : vector<16xi1>, vector<16xi32>
        %broadcast_in_dim3A_2589 = arith.constant 156 : i32
        %broadcast_in_dim3A_2590 = vector.broadcast %broadcast_in_dim3A_2589 : i32 to vector<16xi32>
        %add3A_2591 = arith.addi %mul3A_41, %broadcast_in_dim3A_2590 : vector<16xi32>
        %gather3A_2592 = tpu.vector_load_idx %arg9[%add3A_2591] : memref<16320xf32, #tpu.memory_space<vmem>>[vector<16xi32>], vector<16xf32>,
        %broadcast_in_dim3A_2593 = arith.constant 268435456 : i32
        %broadcast_in_dim3A_2594 = vector.broadcast %broadcast_in_dim3A_2593 : i32 to vector<16xi32>
        %and3A_2595 = arith.andi %gather3A_68, %broadcast_in_dim3A_2594 : vector<16xi32>
        %broadcast_in_dim3A_2596 = arith.constant 0 : i32
        %broadcast_in_dim3A_2597 = vector.broadcast %broadcast_in_dim3A_2596 : i32 to vector<16xi32>
        %ne3A_2598 = arith.cmpi ne, %and3A_2595, %broadcast_in_dim3A_2597 : vector<16xi32>
        %gt3A_2599 = arith.cmpf ogt, %gather3A_2592, %select_n3A_2537 : vector<16xf32>
        %and3A_2600 = arith.andi %ne3A_2598, %gt3A_2599 : vector<16xi1>
        %select_n3A_2601 = arith.select %and3A_2600, %gather3A_2592, %select_n3A_2537 : vector<16xi1>, vector<16xf32>
        %broadcast_in_dim3A_2602 = arith.constant 156 : i32
        %broadcast_in_dim3A_2603 = vector.broadcast %broadcast_in_dim3A_2602 : i32 to vector<16xi32>
        %select_n3A_2604 = arith.select %and3A_2600, %broadcast_in_dim3A_2603, %select_n3A_2540 : vector<16xi1>, vector<16xi32>
        %broadcast_in_dim3A_2605 = arith.constant 157 : i32
        %broadcast_in_dim3A_2606 = vector.broadcast %broadcast_in_dim3A_2605 : i32 to vector<16xi32>
        %add3A_2607 = arith.addi %mul3A_41, %broadcast_in_dim3A_2606 : vector<16xi32>
        %gather3A_2608 = tpu.vector_load_idx %arg9[%add3A_2607] : memref<16320xf32, #tpu.memory_space<vmem>>[vector<16xi32>], vector<16xf32>,
        %broadcast_in_dim3A_2609 = arith.constant 536870912 : i32
        %broadcast_in_dim3A_2610 = vector.broadcast %broadcast_in_dim3A_2609 : i32 to vector<16xi32>
        %and3A_2611 = arith.andi %gather3A_68, %broadcast_in_dim3A_2610 : vector<16xi32>
        %broadcast_in_dim3A_2612 = arith.constant 0 : i32
        %broadcast_in_dim3A_2613 = vector.broadcast %broadcast_in_dim3A_2612 : i32 to vector<16xi32>
        %ne3A_2614 = arith.cmpi ne, %and3A_2611, %broadcast_in_dim3A_2613 : vector<16xi32>
        %gt3A_2615 = arith.cmpf ogt, %gather3A_2608, %select_n3A_2553 : vector<16xf32>
        %and3A_2616 = arith.andi %ne3A_2614, %gt3A_2615 : vector<16xi1>
        %select_n3A_2617 = arith.select %and3A_2616, %gather3A_2608, %select_n3A_2553 : vector<16xi1>, vector<16xf32>
        %broadcast_in_dim3A_2618 = arith.constant 157 : i32
        %broadcast_in_dim3A_2619 = vector.broadcast %broadcast_in_dim3A_2618 : i32 to vector<16xi32>
        %select_n3A_2620 = arith.select %and3A_2616, %broadcast_in_dim3A_2619, %select_n3A_2556 : vector<16xi1>, vector<16xi32>
        %broadcast_in_dim3A_2621 = arith.constant 158 : i32
        %broadcast_in_dim3A_2622 = vector.broadcast %broadcast_in_dim3A_2621 : i32 to vector<16xi32>
        %add3A_2623 = arith.addi %mul3A_41, %broadcast_in_dim3A_2622 : vector<16xi32>
        %gather3A_2624 = tpu.vector_load_idx %arg9[%add3A_2623] : memref<16320xf32, #tpu.memory_space<vmem>>[vector<16xi32>], vector<16xf32>,
        %broadcast_in_dim3A_2625 = arith.constant 1073741824 : i32
        %broadcast_in_dim3A_2626 = vector.broadcast %broadcast_in_dim3A_2625 : i32 to vector<16xi32>
        %and3A_2627 = arith.andi %gather3A_68, %broadcast_in_dim3A_2626 : vector<16xi32>
        %broadcast_in_dim3A_2628 = arith.constant 0 : i32
        %broadcast_in_dim3A_2629 = vector.broadcast %broadcast_in_dim3A_2628 : i32 to vector<16xi32>
        %ne3A_2630 = arith.cmpi ne, %and3A_2627, %broadcast_in_dim3A_2629 : vector<16xi32>
        %gt3A_2631 = arith.cmpf ogt, %gather3A_2624, %select_n3A_2569 : vector<16xf32>
        %and3A_2632 = arith.andi %ne3A_2630, %gt3A_2631 : vector<16xi1>
        %select_n3A_2633 = arith.select %and3A_2632, %gather3A_2624, %select_n3A_2569 : vector<16xi1>, vector<16xf32>
        %broadcast_in_dim3A_2634 = arith.constant 158 : i32
        %broadcast_in_dim3A_2635 = vector.broadcast %broadcast_in_dim3A_2634 : i32 to vector<16xi32>
        %select_n3A_2636 = arith.select %and3A_2632, %broadcast_in_dim3A_2635, %select_n3A_2572 : vector<16xi1>, vector<16xi32>
        %broadcast_in_dim3A_2637 = arith.constant 159 : i32
        %broadcast_in_dim3A_2638 = vector.broadcast %broadcast_in_dim3A_2637 : i32 to vector<16xi32>
        %add3A_2639 = arith.addi %mul3A_41, %broadcast_in_dim3A_2638 : vector<16xi32>
        %gather3A_2640 = tpu.vector_load_idx %arg9[%add3A_2639] : memref<16320xf32, #tpu.memory_space<vmem>>[vector<16xi32>], vector<16xf32>,
        %broadcast_in_dim3A_2641 = arith.constant -2147483648 : i32
        %broadcast_in_dim3A_2642 = vector.broadcast %broadcast_in_dim3A_2641 : i32 to vector<16xi32>
        %and3A_2643 = arith.andi %gather3A_68, %broadcast_in_dim3A_2642 : vector<16xi32>
        %broadcast_in_dim3A_2644 = arith.constant 0 : i32
        %broadcast_in_dim3A_2645 = vector.broadcast %broadcast_in_dim3A_2644 : i32 to vector<16xi32>
        %ne3A_2646 = arith.cmpi ne, %and3A_2643, %broadcast_in_dim3A_2645 : vector<16xi32>
        %gt3A_2647 = arith.cmpf ogt, %gather3A_2640, %select_n3A_2585 : vector<16xf32>
        %and3A_2648 = arith.andi %ne3A_2646, %gt3A_2647 : vector<16xi1>
        %select_n3A_2649 = arith.select %and3A_2648, %gather3A_2640, %select_n3A_2585 : vector<16xi1>, vector<16xf32>
        %broadcast_in_dim3A_2650 = arith.constant 159 : i32
        %broadcast_in_dim3A_2651 = vector.broadcast %broadcast_in_dim3A_2650 : i32 to vector<16xi32>
        %select_n3A_2652 = arith.select %and3A_2648, %broadcast_in_dim3A_2651, %select_n3A_2588 : vector<16xi1>, vector<16xi32>
        %broadcast_in_dim3A_2653 = arith.constant 160 : i32
        %broadcast_in_dim3A_2654 = vector.broadcast %broadcast_in_dim3A_2653 : i32 to vector<16xi32>
        %add3A_2655 = arith.addi %mul3A_41, %broadcast_in_dim3A_2654 : vector<16xi32>
        %gather3A_2656 = tpu.vector_load_idx %arg9[%add3A_2655] : memref<16320xf32, #tpu.memory_space<vmem>>[vector<16xi32>], vector<16xf32>,
        %broadcast_in_dim3A_2657 = arith.constant 1 : i32
        %broadcast_in_dim3A_2658 = vector.broadcast %broadcast_in_dim3A_2657 : i32 to vector<16xi32>
        %and3A_2659 = arith.andi %gather3A_72, %broadcast_in_dim3A_2658 : vector<16xi32>
        %broadcast_in_dim3A_2660 = arith.constant 0 : i32
        %broadcast_in_dim3A_2661 = vector.broadcast %broadcast_in_dim3A_2660 : i32 to vector<16xi32>
        %ne3A_2662 = arith.cmpi ne, %and3A_2659, %broadcast_in_dim3A_2661 : vector<16xi32>
        %gt3A_2663 = arith.cmpf ogt, %gather3A_2656, %select_n3A_2601 : vector<16xf32>
        %and3A_2664 = arith.andi %ne3A_2662, %gt3A_2663 : vector<16xi1>
        %select_n3A_2665 = arith.select %and3A_2664, %gather3A_2656, %select_n3A_2601 : vector<16xi1>, vector<16xf32>
        %broadcast_in_dim3A_2666 = arith.constant 160 : i32
        %broadcast_in_dim3A_2667 = vector.broadcast %broadcast_in_dim3A_2666 : i32 to vector<16xi32>
        %select_n3A_2668 = arith.select %and3A_2664, %broadcast_in_dim3A_2667, %select_n3A_2604 : vector<16xi1>, vector<16xi32>
        %broadcast_in_dim3A_2669 = arith.constant 161 : i32
        %broadcast_in_dim3A_2670 = vector.broadcast %broadcast_in_dim3A_2669 : i32 to vector<16xi32>
        %add3A_2671 = arith.addi %mul3A_41, %broadcast_in_dim3A_2670 : vector<16xi32>
        %gather3A_2672 = tpu.vector_load_idx %arg9[%add3A_2671] : memref<16320xf32, #tpu.memory_space<vmem>>[vector<16xi32>], vector<16xf32>,
        %broadcast_in_dim3A_2673 = arith.constant 2 : i32
        %broadcast_in_dim3A_2674 = vector.broadcast %broadcast_in_dim3A_2673 : i32 to vector<16xi32>
        %and3A_2675 = arith.andi %gather3A_72, %broadcast_in_dim3A_2674 : vector<16xi32>
        %broadcast_in_dim3A_2676 = arith.constant 0 : i32
        %broadcast_in_dim3A_2677 = vector.broadcast %broadcast_in_dim3A_2676 : i32 to vector<16xi32>
        %ne3A_2678 = arith.cmpi ne, %and3A_2675, %broadcast_in_dim3A_2677 : vector<16xi32>
        %gt3A_2679 = arith.cmpf ogt, %gather3A_2672, %select_n3A_2617 : vector<16xf32>
        %and3A_2680 = arith.andi %ne3A_2678, %gt3A_2679 : vector<16xi1>
        %select_n3A_2681 = arith.select %and3A_2680, %gather3A_2672, %select_n3A_2617 : vector<16xi1>, vector<16xf32>
        %broadcast_in_dim3A_2682 = arith.constant 161 : i32
        %broadcast_in_dim3A_2683 = vector.broadcast %broadcast_in_dim3A_2682 : i32 to vector<16xi32>
        %select_n3A_2684 = arith.select %and3A_2680, %broadcast_in_dim3A_2683, %select_n3A_2620 : vector<16xi1>, vector<16xi32>
        %broadcast_in_dim3A_2685 = arith.constant 162 : i32
        %broadcast_in_dim3A_2686 = vector.broadcast %broadcast_in_dim3A_2685 : i32 to vector<16xi32>
        %add3A_2687 = arith.addi %mul3A_41, %broadcast_in_dim3A_2686 : vector<16xi32>
        %gather3A_2688 = tpu.vector_load_idx %arg9[%add3A_2687] : memref<16320xf32, #tpu.memory_space<vmem>>[vector<16xi32>], vector<16xf32>,
        %broadcast_in_dim3A_2689 = arith.constant 4 : i32
        %broadcast_in_dim3A_2690 = vector.broadcast %broadcast_in_dim3A_2689 : i32 to vector<16xi32>
        %and3A_2691 = arith.andi %gather3A_72, %broadcast_in_dim3A_2690 : vector<16xi32>
        %broadcast_in_dim3A_2692 = arith.constant 0 : i32
        %broadcast_in_dim3A_2693 = vector.broadcast %broadcast_in_dim3A_2692 : i32 to vector<16xi32>
        %ne3A_2694 = arith.cmpi ne, %and3A_2691, %broadcast_in_dim3A_2693 : vector<16xi32>
        %gt3A_2695 = arith.cmpf ogt, %gather3A_2688, %select_n3A_2633 : vector<16xf32>
        %and3A_2696 = arith.andi %ne3A_2694, %gt3A_2695 : vector<16xi1>
        %select_n3A_2697 = arith.select %and3A_2696, %gather3A_2688, %select_n3A_2633 : vector<16xi1>, vector<16xf32>
        %broadcast_in_dim3A_2698 = arith.constant 162 : i32
        %broadcast_in_dim3A_2699 = vector.broadcast %broadcast_in_dim3A_2698 : i32 to vector<16xi32>
        %select_n3A_2700 = arith.select %and3A_2696, %broadcast_in_dim3A_2699, %select_n3A_2636 : vector<16xi1>, vector<16xi32>
        %broadcast_in_dim3A_2701 = arith.constant 163 : i32
        %broadcast_in_dim3A_2702 = vector.broadcast %broadcast_in_dim3A_2701 : i32 to vector<16xi32>
        %add3A_2703 = arith.addi %mul3A_41, %broadcast_in_dim3A_2702 : vector<16xi32>
        %gather3A_2704 = tpu.vector_load_idx %arg9[%add3A_2703] : memref<16320xf32, #tpu.memory_space<vmem>>[vector<16xi32>], vector<16xf32>,
        %broadcast_in_dim3A_2705 = arith.constant 8 : i32
        %broadcast_in_dim3A_2706 = vector.broadcast %broadcast_in_dim3A_2705 : i32 to vector<16xi32>
        %and3A_2707 = arith.andi %gather3A_72, %broadcast_in_dim3A_2706 : vector<16xi32>
        %broadcast_in_dim3A_2708 = arith.constant 0 : i32
        %broadcast_in_dim3A_2709 = vector.broadcast %broadcast_in_dim3A_2708 : i32 to vector<16xi32>
        %ne3A_2710 = arith.cmpi ne, %and3A_2707, %broadcast_in_dim3A_2709 : vector<16xi32>
        %gt3A_2711 = arith.cmpf ogt, %gather3A_2704, %select_n3A_2649 : vector<16xf32>
        %and3A_2712 = arith.andi %ne3A_2710, %gt3A_2711 : vector<16xi1>
        %select_n3A_2713 = arith.select %and3A_2712, %gather3A_2704, %select_n3A_2649 : vector<16xi1>, vector<16xf32>
        %broadcast_in_dim3A_2714 = arith.constant 163 : i32
        %broadcast_in_dim3A_2715 = vector.broadcast %broadcast_in_dim3A_2714 : i32 to vector<16xi32>
        %select_n3A_2716 = arith.select %and3A_2712, %broadcast_in_dim3A_2715, %select_n3A_2652 : vector<16xi1>, vector<16xi32>
        %broadcast_in_dim3A_2717 = arith.constant 164 : i32
        %broadcast_in_dim3A_2718 = vector.broadcast %broadcast_in_dim3A_2717 : i32 to vector<16xi32>
        %add3A_2719 = arith.addi %mul3A_41, %broadcast_in_dim3A_2718 : vector<16xi32>
        %gather3A_2720 = tpu.vector_load_idx %arg9[%add3A_2719] : memref<16320xf32, #tpu.memory_space<vmem>>[vector<16xi32>], vector<16xf32>,
        %broadcast_in_dim3A_2721 = arith.constant 16 : i32
        %broadcast_in_dim3A_2722 = vector.broadcast %broadcast_in_dim3A_2721 : i32 to vector<16xi32>
        %and3A_2723 = arith.andi %gather3A_72, %broadcast_in_dim3A_2722 : vector<16xi32>
        %broadcast_in_dim3A_2724 = arith.constant 0 : i32
        %broadcast_in_dim3A_2725 = vector.broadcast %broadcast_in_dim3A_2724 : i32 to vector<16xi32>
        %ne3A_2726 = arith.cmpi ne, %and3A_2723, %broadcast_in_dim3A_2725 : vector<16xi32>
        %gt3A_2727 = arith.cmpf ogt, %gather3A_2720, %select_n3A_2665 : vector<16xf32>
        %and3A_2728 = arith.andi %ne3A_2726, %gt3A_2727 : vector<16xi1>
        %select_n3A_2729 = arith.select %and3A_2728, %gather3A_2720, %select_n3A_2665 : vector<16xi1>, vector<16xf32>
        %broadcast_in_dim3A_2730 = arith.constant 164 : i32
        %broadcast_in_dim3A_2731 = vector.broadcast %broadcast_in_dim3A_2730 : i32 to vector<16xi32>
        %select_n3A_2732 = arith.select %and3A_2728, %broadcast_in_dim3A_2731, %select_n3A_2668 : vector<16xi1>, vector<16xi32>
        %broadcast_in_dim3A_2733 = arith.constant 165 : i32
        %broadcast_in_dim3A_2734 = vector.broadcast %broadcast_in_dim3A_2733 : i32 to vector<16xi32>
        %add3A_2735 = arith.addi %mul3A_41, %broadcast_in_dim3A_2734 : vector<16xi32>
        %gather3A_2736 = tpu.vector_load_idx %arg9[%add3A_2735] : memref<16320xf32, #tpu.memory_space<vmem>>[vector<16xi32>], vector<16xf32>,
        %broadcast_in_dim3A_2737 = arith.constant 32 : i32
        %broadcast_in_dim3A_2738 = vector.broadcast %broadcast_in_dim3A_2737 : i32 to vector<16xi32>
        %and3A_2739 = arith.andi %gather3A_72, %broadcast_in_dim3A_2738 : vector<16xi32>
        %broadcast_in_dim3A_2740 = arith.constant 0 : i32
        %broadcast_in_dim3A_2741 = vector.broadcast %broadcast_in_dim3A_2740 : i32 to vector<16xi32>
        %ne3A_2742 = arith.cmpi ne, %and3A_2739, %broadcast_in_dim3A_2741 : vector<16xi32>
        %gt3A_2743 = arith.cmpf ogt, %gather3A_2736, %select_n3A_2681 : vector<16xf32>
        %and3A_2744 = arith.andi %ne3A_2742, %gt3A_2743 : vector<16xi1>
        %select_n3A_2745 = arith.select %and3A_2744, %gather3A_2736, %select_n3A_2681 : vector<16xi1>, vector<16xf32>
        %broadcast_in_dim3A_2746 = arith.constant 165 : i32
        %broadcast_in_dim3A_2747 = vector.broadcast %broadcast_in_dim3A_2746 : i32 to vector<16xi32>
        %select_n3A_2748 = arith.select %and3A_2744, %broadcast_in_dim3A_2747, %select_n3A_2684 : vector<16xi1>, vector<16xi32>
        %broadcast_in_dim3A_2749 = arith.constant 166 : i32
        %broadcast_in_dim3A_2750 = vector.broadcast %broadcast_in_dim3A_2749 : i32 to vector<16xi32>
        %add3A_2751 = arith.addi %mul3A_41, %broadcast_in_dim3A_2750 : vector<16xi32>
        %gather3A_2752 = tpu.vector_load_idx %arg9[%add3A_2751] : memref<16320xf32, #tpu.memory_space<vmem>>[vector<16xi32>], vector<16xf32>,
        %broadcast_in_dim3A_2753 = arith.constant 64 : i32
        %broadcast_in_dim3A_2754 = vector.broadcast %broadcast_in_dim3A_2753 : i32 to vector<16xi32>
        %and3A_2755 = arith.andi %gather3A_72, %broadcast_in_dim3A_2754 : vector<16xi32>
        %broadcast_in_dim3A_2756 = arith.constant 0 : i32
        %broadcast_in_dim3A_2757 = vector.broadcast %broadcast_in_dim3A_2756 : i32 to vector<16xi32>
        %ne3A_2758 = arith.cmpi ne, %and3A_2755, %broadcast_in_dim3A_2757 : vector<16xi32>
        %gt3A_2759 = arith.cmpf ogt, %gather3A_2752, %select_n3A_2697 : vector<16xf32>
        %and3A_2760 = arith.andi %ne3A_2758, %gt3A_2759 : vector<16xi1>
        %select_n3A_2761 = arith.select %and3A_2760, %gather3A_2752, %select_n3A_2697 : vector<16xi1>, vector<16xf32>
        %broadcast_in_dim3A_2762 = arith.constant 166 : i32
        %broadcast_in_dim3A_2763 = vector.broadcast %broadcast_in_dim3A_2762 : i32 to vector<16xi32>
        %select_n3A_2764 = arith.select %and3A_2760, %broadcast_in_dim3A_2763, %select_n3A_2700 : vector<16xi1>, vector<16xi32>
        %broadcast_in_dim3A_2765 = arith.constant 167 : i32
        %broadcast_in_dim3A_2766 = vector.broadcast %broadcast_in_dim3A_2765 : i32 to vector<16xi32>
        %add3A_2767 = arith.addi %mul3A_41, %broadcast_in_dim3A_2766 : vector<16xi32>
        %gather3A_2768 = tpu.vector_load_idx %arg9[%add3A_2767] : memref<16320xf32, #tpu.memory_space<vmem>>[vector<16xi32>], vector<16xf32>,
        %broadcast_in_dim3A_2769 = arith.constant 128 : i32
        %broadcast_in_dim3A_2770 = vector.broadcast %broadcast_in_dim3A_2769 : i32 to vector<16xi32>
        %and3A_2771 = arith.andi %gather3A_72, %broadcast_in_dim3A_2770 : vector<16xi32>
        %broadcast_in_dim3A_2772 = arith.constant 0 : i32
        %broadcast_in_dim3A_2773 = vector.broadcast %broadcast_in_dim3A_2772 : i32 to vector<16xi32>
        %ne3A_2774 = arith.cmpi ne, %and3A_2771, %broadcast_in_dim3A_2773 : vector<16xi32>
        %gt3A_2775 = arith.cmpf ogt, %gather3A_2768, %select_n3A_2713 : vector<16xf32>
        %and3A_2776 = arith.andi %ne3A_2774, %gt3A_2775 : vector<16xi1>
        %select_n3A_2777 = arith.select %and3A_2776, %gather3A_2768, %select_n3A_2713 : vector<16xi1>, vector<16xf32>
        %broadcast_in_dim3A_2778 = arith.constant 167 : i32
        %broadcast_in_dim3A_2779 = vector.broadcast %broadcast_in_dim3A_2778 : i32 to vector<16xi32>
        %select_n3A_2780 = arith.select %and3A_2776, %broadcast_in_dim3A_2779, %select_n3A_2716 : vector<16xi1>, vector<16xi32>
        %broadcast_in_dim3A_2781 = arith.constant 168 : i32
        %broadcast_in_dim3A_2782 = vector.broadcast %broadcast_in_dim3A_2781 : i32 to vector<16xi32>
        %add3A_2783 = arith.addi %mul3A_41, %broadcast_in_dim3A_2782 : vector<16xi32>
        %gather3A_2784 = tpu.vector_load_idx %arg9[%add3A_2783] : memref<16320xf32, #tpu.memory_space<vmem>>[vector<16xi32>], vector<16xf32>,
        %broadcast_in_dim3A_2785 = arith.constant 256 : i32
        %broadcast_in_dim3A_2786 = vector.broadcast %broadcast_in_dim3A_2785 : i32 to vector<16xi32>
        %and3A_2787 = arith.andi %gather3A_72, %broadcast_in_dim3A_2786 : vector<16xi32>
        %broadcast_in_dim3A_2788 = arith.constant 0 : i32
        %broadcast_in_dim3A_2789 = vector.broadcast %broadcast_in_dim3A_2788 : i32 to vector<16xi32>
        %ne3A_2790 = arith.cmpi ne, %and3A_2787, %broadcast_in_dim3A_2789 : vector<16xi32>
        %gt3A_2791 = arith.cmpf ogt, %gather3A_2784, %select_n3A_2729 : vector<16xf32>
        %and3A_2792 = arith.andi %ne3A_2790, %gt3A_2791 : vector<16xi1>
        %select_n3A_2793 = arith.select %and3A_2792, %gather3A_2784, %select_n3A_2729 : vector<16xi1>, vector<16xf32>
        %broadcast_in_dim3A_2794 = arith.constant 168 : i32
        %broadcast_in_dim3A_2795 = vector.broadcast %broadcast_in_dim3A_2794 : i32 to vector<16xi32>
        %select_n3A_2796 = arith.select %and3A_2792, %broadcast_in_dim3A_2795, %select_n3A_2732 : vector<16xi1>, vector<16xi32>
        %broadcast_in_dim3A_2797 = arith.constant 169 : i32
        %broadcast_in_dim3A_2798 = vector.broadcast %broadcast_in_dim3A_2797 : i32 to vector<16xi32>
        %add3A_2799 = arith.addi %mul3A_41, %broadcast_in_dim3A_2798 : vector<16xi32>
        %gather3A_2800 = tpu.vector_load_idx %arg9[%add3A_2799] : memref<16320xf32, #tpu.memory_space<vmem>>[vector<16xi32>], vector<16xf32>,
        %broadcast_in_dim3A_2801 = arith.constant 512 : i32
        %broadcast_in_dim3A_2802 = vector.broadcast %broadcast_in_dim3A_2801 : i32 to vector<16xi32>
        %and3A_2803 = arith.andi %gather3A_72, %broadcast_in_dim3A_2802 : vector<16xi32>
        %broadcast_in_dim3A_2804 = arith.constant 0 : i32
        %broadcast_in_dim3A_2805 = vector.broadcast %broadcast_in_dim3A_2804 : i32 to vector<16xi32>
        %ne3A_2806 = arith.cmpi ne, %and3A_2803, %broadcast_in_dim3A_2805 : vector<16xi32>
        %gt3A_2807 = arith.cmpf ogt, %gather3A_2800, %select_n3A_2745 : vector<16xf32>
        %and3A_2808 = arith.andi %ne3A_2806, %gt3A_2807 : vector<16xi1>
        %select_n3A_2809 = arith.select %and3A_2808, %gather3A_2800, %select_n3A_2745 : vector<16xi1>, vector<16xf32>
        %broadcast_in_dim3A_2810 = arith.constant 169 : i32
        %broadcast_in_dim3A_2811 = vector.broadcast %broadcast_in_dim3A_2810 : i32 to vector<16xi32>
        %select_n3A_2812 = arith.select %and3A_2808, %broadcast_in_dim3A_2811, %select_n3A_2748 : vector<16xi1>, vector<16xi32>
        %broadcast_in_dim3A_2813 = arith.constant 170 : i32
        %broadcast_in_dim3A_2814 = vector.broadcast %broadcast_in_dim3A_2813 : i32 to vector<16xi32>
        %add3A_2815 = arith.addi %mul3A_41, %broadcast_in_dim3A_2814 : vector<16xi32>
        %gather3A_2816 = tpu.vector_load_idx %arg9[%add3A_2815] : memref<16320xf32, #tpu.memory_space<vmem>>[vector<16xi32>], vector<16xf32>,
        %broadcast_in_dim3A_2817 = arith.constant 1024 : i32
        %broadcast_in_dim3A_2818 = vector.broadcast %broadcast_in_dim3A_2817 : i32 to vector<16xi32>
        %and3A_2819 = arith.andi %gather3A_72, %broadcast_in_dim3A_2818 : vector<16xi32>
        %broadcast_in_dim3A_2820 = arith.constant 0 : i32
        %broadcast_in_dim3A_2821 = vector.broadcast %broadcast_in_dim3A_2820 : i32 to vector<16xi32>
        %ne3A_2822 = arith.cmpi ne, %and3A_2819, %broadcast_in_dim3A_2821 : vector<16xi32>
        %gt3A_2823 = arith.cmpf ogt, %gather3A_2816, %select_n3A_2761 : vector<16xf32>
        %and3A_2824 = arith.andi %ne3A_2822, %gt3A_2823 : vector<16xi1>
        %select_n3A_2825 = arith.select %and3A_2824, %gather3A_2816, %select_n3A_2761 : vector<16xi1>, vector<16xf32>
        %broadcast_in_dim3A_2826 = arith.constant 170 : i32
        %broadcast_in_dim3A_2827 = vector.broadcast %broadcast_in_dim3A_2826 : i32 to vector<16xi32>
        %select_n3A_2828 = arith.select %and3A_2824, %broadcast_in_dim3A_2827, %select_n3A_2764 : vector<16xi1>, vector<16xi32>
        %broadcast_in_dim3A_2829 = arith.constant 171 : i32
        %broadcast_in_dim3A_2830 = vector.broadcast %broadcast_in_dim3A_2829 : i32 to vector<16xi32>
        %add3A_2831 = arith.addi %mul3A_41, %broadcast_in_dim3A_2830 : vector<16xi32>
        %gather3A_2832 = tpu.vector_load_idx %arg9[%add3A_2831] : memref<16320xf32, #tpu.memory_space<vmem>>[vector<16xi32>], vector<16xf32>,
        %broadcast_in_dim3A_2833 = arith.constant 2048 : i32
        %broadcast_in_dim3A_2834 = vector.broadcast %broadcast_in_dim3A_2833 : i32 to vector<16xi32>
        %and3A_2835 = arith.andi %gather3A_72, %broadcast_in_dim3A_2834 : vector<16xi32>
        %broadcast_in_dim3A_2836 = arith.constant 0 : i32
        %broadcast_in_dim3A_2837 = vector.broadcast %broadcast_in_dim3A_2836 : i32 to vector<16xi32>
        %ne3A_2838 = arith.cmpi ne, %and3A_2835, %broadcast_in_dim3A_2837 : vector<16xi32>
        %gt3A_2839 = arith.cmpf ogt, %gather3A_2832, %select_n3A_2777 : vector<16xf32>
        %and3A_2840 = arith.andi %ne3A_2838, %gt3A_2839 : vector<16xi1>
        %select_n3A_2841 = arith.select %and3A_2840, %gather3A_2832, %select_n3A_2777 : vector<16xi1>, vector<16xf32>
        %broadcast_in_dim3A_2842 = arith.constant 171 : i32
        %broadcast_in_dim3A_2843 = vector.broadcast %broadcast_in_dim3A_2842 : i32 to vector<16xi32>
        %select_n3A_2844 = arith.select %and3A_2840, %broadcast_in_dim3A_2843, %select_n3A_2780 : vector<16xi1>, vector<16xi32>
        %broadcast_in_dim3A_2845 = arith.constant 172 : i32
        %broadcast_in_dim3A_2846 = vector.broadcast %broadcast_in_dim3A_2845 : i32 to vector<16xi32>
        %add3A_2847 = arith.addi %mul3A_41, %broadcast_in_dim3A_2846 : vector<16xi32>
        %gather3A_2848 = tpu.vector_load_idx %arg9[%add3A_2847] : memref<16320xf32, #tpu.memory_space<vmem>>[vector<16xi32>], vector<16xf32>,
        %broadcast_in_dim3A_2849 = arith.constant 4096 : i32
        %broadcast_in_dim3A_2850 = vector.broadcast %broadcast_in_dim3A_2849 : i32 to vector<16xi32>
        %and3A_2851 = arith.andi %gather3A_72, %broadcast_in_dim3A_2850 : vector<16xi32>
        %broadcast_in_dim3A_2852 = arith.constant 0 : i32
        %broadcast_in_dim3A_2853 = vector.broadcast %broadcast_in_dim3A_2852 : i32 to vector<16xi32>
        %ne3A_2854 = arith.cmpi ne, %and3A_2851, %broadcast_in_dim3A_2853 : vector<16xi32>
        %gt3A_2855 = arith.cmpf ogt, %gather3A_2848, %select_n3A_2793 : vector<16xf32>
        %and3A_2856 = arith.andi %ne3A_2854, %gt3A_2855 : vector<16xi1>
        %select_n3A_2857 = arith.select %and3A_2856, %gather3A_2848, %select_n3A_2793 : vector<16xi1>, vector<16xf32>
        %broadcast_in_dim3A_2858 = arith.constant 172 : i32
        %broadcast_in_dim3A_2859 = vector.broadcast %broadcast_in_dim3A_2858 : i32 to vector<16xi32>
        %select_n3A_2860 = arith.select %and3A_2856, %broadcast_in_dim3A_2859, %select_n3A_2796 : vector<16xi1>, vector<16xi32>
        %broadcast_in_dim3A_2861 = arith.constant 173 : i32
        %broadcast_in_dim3A_2862 = vector.broadcast %broadcast_in_dim3A_2861 : i32 to vector<16xi32>
        %add3A_2863 = arith.addi %mul3A_41, %broadcast_in_dim3A_2862 : vector<16xi32>
        %gather3A_2864 = tpu.vector_load_idx %arg9[%add3A_2863] : memref<16320xf32, #tpu.memory_space<vmem>>[vector<16xi32>], vector<16xf32>,
        %broadcast_in_dim3A_2865 = arith.constant 8192 : i32
        %broadcast_in_dim3A_2866 = vector.broadcast %broadcast_in_dim3A_2865 : i32 to vector<16xi32>
        %and3A_2867 = arith.andi %gather3A_72, %broadcast_in_dim3A_2866 : vector<16xi32>
        %broadcast_in_dim3A_2868 = arith.constant 0 : i32
        %broadcast_in_dim3A_2869 = vector.broadcast %broadcast_in_dim3A_2868 : i32 to vector<16xi32>
        %ne3A_2870 = arith.cmpi ne, %and3A_2867, %broadcast_in_dim3A_2869 : vector<16xi32>
        %gt3A_2871 = arith.cmpf ogt, %gather3A_2864, %select_n3A_2809 : vector<16xf32>
        %and3A_2872 = arith.andi %ne3A_2870, %gt3A_2871 : vector<16xi1>
        %select_n3A_2873 = arith.select %and3A_2872, %gather3A_2864, %select_n3A_2809 : vector<16xi1>, vector<16xf32>
        %broadcast_in_dim3A_2874 = arith.constant 173 : i32
        %broadcast_in_dim3A_2875 = vector.broadcast %broadcast_in_dim3A_2874 : i32 to vector<16xi32>
        %select_n3A_2876 = arith.select %and3A_2872, %broadcast_in_dim3A_2875, %select_n3A_2812 : vector<16xi1>, vector<16xi32>
        %broadcast_in_dim3A_2877 = arith.constant 174 : i32
        %broadcast_in_dim3A_2878 = vector.broadcast %broadcast_in_dim3A_2877 : i32 to vector<16xi32>
        %add3A_2879 = arith.addi %mul3A_41, %broadcast_in_dim3A_2878 : vector<16xi32>
        %gather3A_2880 = tpu.vector_load_idx %arg9[%add3A_2879] : memref<16320xf32, #tpu.memory_space<vmem>>[vector<16xi32>], vector<16xf32>,
        %broadcast_in_dim3A_2881 = arith.constant 16384 : i32
        %broadcast_in_dim3A_2882 = vector.broadcast %broadcast_in_dim3A_2881 : i32 to vector<16xi32>
        %and3A_2883 = arith.andi %gather3A_72, %broadcast_in_dim3A_2882 : vector<16xi32>
        %broadcast_in_dim3A_2884 = arith.constant 0 : i32
        %broadcast_in_dim3A_2885 = vector.broadcast %broadcast_in_dim3A_2884 : i32 to vector<16xi32>
        %ne3A_2886 = arith.cmpi ne, %and3A_2883, %broadcast_in_dim3A_2885 : vector<16xi32>
        %gt3A_2887 = arith.cmpf ogt, %gather3A_2880, %select_n3A_2825 : vector<16xf32>
        %and3A_2888 = arith.andi %ne3A_2886, %gt3A_2887 : vector<16xi1>
        %select_n3A_2889 = arith.select %and3A_2888, %gather3A_2880, %select_n3A_2825 : vector<16xi1>, vector<16xf32>
        %broadcast_in_dim3A_2890 = arith.constant 174 : i32
        %broadcast_in_dim3A_2891 = vector.broadcast %broadcast_in_dim3A_2890 : i32 to vector<16xi32>
        %select_n3A_2892 = arith.select %and3A_2888, %broadcast_in_dim3A_2891, %select_n3A_2828 : vector<16xi1>, vector<16xi32>
        %broadcast_in_dim3A_2893 = arith.constant 175 : i32
        %broadcast_in_dim3A_2894 = vector.broadcast %broadcast_in_dim3A_2893 : i32 to vector<16xi32>
        %add3A_2895 = arith.addi %mul3A_41, %broadcast_in_dim3A_2894 : vector<16xi32>
        %gather3A_2896 = tpu.vector_load_idx %arg9[%add3A_2895] : memref<16320xf32, #tpu.memory_space<vmem>>[vector<16xi32>], vector<16xf32>,
        %broadcast_in_dim3A_2897 = arith.constant 32768 : i32
        %broadcast_in_dim3A_2898 = vector.broadcast %broadcast_in_dim3A_2897 : i32 to vector<16xi32>
        %and3A_2899 = arith.andi %gather3A_72, %broadcast_in_dim3A_2898 : vector<16xi32>
        %broadcast_in_dim3A_2900 = arith.constant 0 : i32
        %broadcast_in_dim3A_2901 = vector.broadcast %broadcast_in_dim3A_2900 : i32 to vector<16xi32>
        %ne3A_2902 = arith.cmpi ne, %and3A_2899, %broadcast_in_dim3A_2901 : vector<16xi32>
        %gt3A_2903 = arith.cmpf ogt, %gather3A_2896, %select_n3A_2841 : vector<16xf32>
        %and3A_2904 = arith.andi %ne3A_2902, %gt3A_2903 : vector<16xi1>
        %select_n3A_2905 = arith.select %and3A_2904, %gather3A_2896, %select_n3A_2841 : vector<16xi1>, vector<16xf32>
        %broadcast_in_dim3A_2906 = arith.constant 175 : i32
        %broadcast_in_dim3A_2907 = vector.broadcast %broadcast_in_dim3A_2906 : i32 to vector<16xi32>
        %select_n3A_2908 = arith.select %and3A_2904, %broadcast_in_dim3A_2907, %select_n3A_2844 : vector<16xi1>, vector<16xi32>
        %broadcast_in_dim3A_2909 = arith.constant 176 : i32
        %broadcast_in_dim3A_2910 = vector.broadcast %broadcast_in_dim3A_2909 : i32 to vector<16xi32>
        %add3A_2911 = arith.addi %mul3A_41, %broadcast_in_dim3A_2910 : vector<16xi32>
        %gather3A_2912 = tpu.vector_load_idx %arg9[%add3A_2911] : memref<16320xf32, #tpu.memory_space<vmem>>[vector<16xi32>], vector<16xf32>,
        %broadcast_in_dim3A_2913 = arith.constant 65536 : i32
        %broadcast_in_dim3A_2914 = vector.broadcast %broadcast_in_dim3A_2913 : i32 to vector<16xi32>
        %and3A_2915 = arith.andi %gather3A_72, %broadcast_in_dim3A_2914 : vector<16xi32>
        %broadcast_in_dim3A_2916 = arith.constant 0 : i32
        %broadcast_in_dim3A_2917 = vector.broadcast %broadcast_in_dim3A_2916 : i32 to vector<16xi32>
        %ne3A_2918 = arith.cmpi ne, %and3A_2915, %broadcast_in_dim3A_2917 : vector<16xi32>
        %gt3A_2919 = arith.cmpf ogt, %gather3A_2912, %select_n3A_2857 : vector<16xf32>
        %and3A_2920 = arith.andi %ne3A_2918, %gt3A_2919 : vector<16xi1>
        %select_n3A_2921 = arith.select %and3A_2920, %gather3A_2912, %select_n3A_2857 : vector<16xi1>, vector<16xf32>
        %broadcast_in_dim3A_2922 = arith.constant 176 : i32
        %broadcast_in_dim3A_2923 = vector.broadcast %broadcast_in_dim3A_2922 : i32 to vector<16xi32>
        %select_n3A_2924 = arith.select %and3A_2920, %broadcast_in_dim3A_2923, %select_n3A_2860 : vector<16xi1>, vector<16xi32>
        %broadcast_in_dim3A_2925 = arith.constant 177 : i32
        %broadcast_in_dim3A_2926 = vector.broadcast %broadcast_in_dim3A_2925 : i32 to vector<16xi32>
        %add3A_2927 = arith.addi %mul3A_41, %broadcast_in_dim3A_2926 : vector<16xi32>
        %gather3A_2928 = tpu.vector_load_idx %arg9[%add3A_2927] : memref<16320xf32, #tpu.memory_space<vmem>>[vector<16xi32>], vector<16xf32>,
        %broadcast_in_dim3A_2929 = arith.constant 131072 : i32
        %broadcast_in_dim3A_2930 = vector.broadcast %broadcast_in_dim3A_2929 : i32 to vector<16xi32>
        %and3A_2931 = arith.andi %gather3A_72, %broadcast_in_dim3A_2930 : vector<16xi32>
        %broadcast_in_dim3A_2932 = arith.constant 0 : i32
        %broadcast_in_dim3A_2933 = vector.broadcast %broadcast_in_dim3A_2932 : i32 to vector<16xi32>
        %ne3A_2934 = arith.cmpi ne, %and3A_2931, %broadcast_in_dim3A_2933 : vector<16xi32>
        %gt3A_2935 = arith.cmpf ogt, %gather3A_2928, %select_n3A_2873 : vector<16xf32>
        %and3A_2936 = arith.andi %ne3A_2934, %gt3A_2935 : vector<16xi1>
        %select_n3A_2937 = arith.select %and3A_2936, %gather3A_2928, %select_n3A_2873 : vector<16xi1>, vector<16xf32>
        %broadcast_in_dim3A_2938 = arith.constant 177 : i32
        %broadcast_in_dim3A_2939 = vector.broadcast %broadcast_in_dim3A_2938 : i32 to vector<16xi32>
        %select_n3A_2940 = arith.select %and3A_2936, %broadcast_in_dim3A_2939, %select_n3A_2876 : vector<16xi1>, vector<16xi32>
        %broadcast_in_dim3A_2941 = arith.constant 178 : i32
        %broadcast_in_dim3A_2942 = vector.broadcast %broadcast_in_dim3A_2941 : i32 to vector<16xi32>
        %add3A_2943 = arith.addi %mul3A_41, %broadcast_in_dim3A_2942 : vector<16xi32>
        %gather3A_2944 = tpu.vector_load_idx %arg9[%add3A_2943] : memref<16320xf32, #tpu.memory_space<vmem>>[vector<16xi32>], vector<16xf32>,
        %broadcast_in_dim3A_2945 = arith.constant 262144 : i32
        %broadcast_in_dim3A_2946 = vector.broadcast %broadcast_in_dim3A_2945 : i32 to vector<16xi32>
        %and3A_2947 = arith.andi %gather3A_72, %broadcast_in_dim3A_2946 : vector<16xi32>
        %broadcast_in_dim3A_2948 = arith.constant 0 : i32
        %broadcast_in_dim3A_2949 = vector.broadcast %broadcast_in_dim3A_2948 : i32 to vector<16xi32>
        %ne3A_2950 = arith.cmpi ne, %and3A_2947, %broadcast_in_dim3A_2949 : vector<16xi32>
        %gt3A_2951 = arith.cmpf ogt, %gather3A_2944, %select_n3A_2889 : vector<16xf32>
        %and3A_2952 = arith.andi %ne3A_2950, %gt3A_2951 : vector<16xi1>
        %select_n3A_2953 = arith.select %and3A_2952, %gather3A_2944, %select_n3A_2889 : vector<16xi1>, vector<16xf32>
        %broadcast_in_dim3A_2954 = arith.constant 178 : i32
        %broadcast_in_dim3A_2955 = vector.broadcast %broadcast_in_dim3A_2954 : i32 to vector<16xi32>
        %select_n3A_2956 = arith.select %and3A_2952, %broadcast_in_dim3A_2955, %select_n3A_2892 : vector<16xi1>, vector<16xi32>
        %broadcast_in_dim3A_2957 = arith.constant 179 : i32
        %broadcast_in_dim3A_2958 = vector.broadcast %broadcast_in_dim3A_2957 : i32 to vector<16xi32>
        %add3A_2959 = arith.addi %mul3A_41, %broadcast_in_dim3A_2958 : vector<16xi32>
        %gather3A_2960 = tpu.vector_load_idx %arg9[%add3A_2959] : memref<16320xf32, #tpu.memory_space<vmem>>[vector<16xi32>], vector<16xf32>,
        %broadcast_in_dim3A_2961 = arith.constant 524288 : i32
        %broadcast_in_dim3A_2962 = vector.broadcast %broadcast_in_dim3A_2961 : i32 to vector<16xi32>
        %and3A_2963 = arith.andi %gather3A_72, %broadcast_in_dim3A_2962 : vector<16xi32>
        %broadcast_in_dim3A_2964 = arith.constant 0 : i32
        %broadcast_in_dim3A_2965 = vector.broadcast %broadcast_in_dim3A_2964 : i32 to vector<16xi32>
        %ne3A_2966 = arith.cmpi ne, %and3A_2963, %broadcast_in_dim3A_2965 : vector<16xi32>
        %gt3A_2967 = arith.cmpf ogt, %gather3A_2960, %select_n3A_2905 : vector<16xf32>
        %and3A_2968 = arith.andi %ne3A_2966, %gt3A_2967 : vector<16xi1>
        %select_n3A_2969 = arith.select %and3A_2968, %gather3A_2960, %select_n3A_2905 : vector<16xi1>, vector<16xf32>
        %broadcast_in_dim3A_2970 = arith.constant 179 : i32
        %broadcast_in_dim3A_2971 = vector.broadcast %broadcast_in_dim3A_2970 : i32 to vector<16xi32>
        %select_n3A_2972 = arith.select %and3A_2968, %broadcast_in_dim3A_2971, %select_n3A_2908 : vector<16xi1>, vector<16xi32>
        %broadcast_in_dim3A_2973 = arith.constant 180 : i32
        %broadcast_in_dim3A_2974 = vector.broadcast %broadcast_in_dim3A_2973 : i32 to vector<16xi32>
        %add3A_2975 = arith.addi %mul3A_41, %broadcast_in_dim3A_2974 : vector<16xi32>
        %gather3A_2976 = tpu.vector_load_idx %arg9[%add3A_2975] : memref<16320xf32, #tpu.memory_space<vmem>>[vector<16xi32>], vector<16xf32>,
        %broadcast_in_dim3A_2977 = arith.constant 1048576 : i32
        %broadcast_in_dim3A_2978 = vector.broadcast %broadcast_in_dim3A_2977 : i32 to vector<16xi32>
        %and3A_2979 = arith.andi %gather3A_72, %broadcast_in_dim3A_2978 : vector<16xi32>
        %broadcast_in_dim3A_2980 = arith.constant 0 : i32
        %broadcast_in_dim3A_2981 = vector.broadcast %broadcast_in_dim3A_2980 : i32 to vector<16xi32>
        %ne3A_2982 = arith.cmpi ne, %and3A_2979, %broadcast_in_dim3A_2981 : vector<16xi32>
        %gt3A_2983 = arith.cmpf ogt, %gather3A_2976, %select_n3A_2921 : vector<16xf32>
        %and3A_2984 = arith.andi %ne3A_2982, %gt3A_2983 : vector<16xi1>
        %select_n3A_2985 = arith.select %and3A_2984, %gather3A_2976, %select_n3A_2921 : vector<16xi1>, vector<16xf32>
        %broadcast_in_dim3A_2986 = arith.constant 180 : i32
        %broadcast_in_dim3A_2987 = vector.broadcast %broadcast_in_dim3A_2986 : i32 to vector<16xi32>
        %select_n3A_2988 = arith.select %and3A_2984, %broadcast_in_dim3A_2987, %select_n3A_2924 : vector<16xi1>, vector<16xi32>
        %broadcast_in_dim3A_2989 = arith.constant 181 : i32
        %broadcast_in_dim3A_2990 = vector.broadcast %broadcast_in_dim3A_2989 : i32 to vector<16xi32>
        %add3A_2991 = arith.addi %mul3A_41, %broadcast_in_dim3A_2990 : vector<16xi32>
        %gather3A_2992 = tpu.vector_load_idx %arg9[%add3A_2991] : memref<16320xf32, #tpu.memory_space<vmem>>[vector<16xi32>], vector<16xf32>,
        %broadcast_in_dim3A_2993 = arith.constant 2097152 : i32
        %broadcast_in_dim3A_2994 = vector.broadcast %broadcast_in_dim3A_2993 : i32 to vector<16xi32>
        %and3A_2995 = arith.andi %gather3A_72, %broadcast_in_dim3A_2994 : vector<16xi32>
        %broadcast_in_dim3A_2996 = arith.constant 0 : i32
        %broadcast_in_dim3A_2997 = vector.broadcast %broadcast_in_dim3A_2996 : i32 to vector<16xi32>
        %ne3A_2998 = arith.cmpi ne, %and3A_2995, %broadcast_in_dim3A_2997 : vector<16xi32>
        %gt3A_2999 = arith.cmpf ogt, %gather3A_2992, %select_n3A_2937 : vector<16xf32>
        %and3A_3000 = arith.andi %ne3A_2998, %gt3A_2999 : vector<16xi1>
        %select_n3A_3001 = arith.select %and3A_3000, %gather3A_2992, %select_n3A_2937 : vector<16xi1>, vector<16xf32>
        %broadcast_in_dim3A_3002 = arith.constant 181 : i32
        %broadcast_in_dim3A_3003 = vector.broadcast %broadcast_in_dim3A_3002 : i32 to vector<16xi32>
        %select_n3A_3004 = arith.select %and3A_3000, %broadcast_in_dim3A_3003, %select_n3A_2940 : vector<16xi1>, vector<16xi32>
        %broadcast_in_dim3A_3005 = arith.constant 182 : i32
        %broadcast_in_dim3A_3006 = vector.broadcast %broadcast_in_dim3A_3005 : i32 to vector<16xi32>
        %add3A_3007 = arith.addi %mul3A_41, %broadcast_in_dim3A_3006 : vector<16xi32>
        %gather3A_3008 = tpu.vector_load_idx %arg9[%add3A_3007] : memref<16320xf32, #tpu.memory_space<vmem>>[vector<16xi32>], vector<16xf32>,
        %broadcast_in_dim3A_3009 = arith.constant 4194304 : i32
        %broadcast_in_dim3A_3010 = vector.broadcast %broadcast_in_dim3A_3009 : i32 to vector<16xi32>
        %and3A_3011 = arith.andi %gather3A_72, %broadcast_in_dim3A_3010 : vector<16xi32>
        %broadcast_in_dim3A_3012 = arith.constant 0 : i32
        %broadcast_in_dim3A_3013 = vector.broadcast %broadcast_in_dim3A_3012 : i32 to vector<16xi32>
        %ne3A_3014 = arith.cmpi ne, %and3A_3011, %broadcast_in_dim3A_3013 : vector<16xi32>
        %gt3A_3015 = arith.cmpf ogt, %gather3A_3008, %select_n3A_2953 : vector<16xf32>
        %and3A_3016 = arith.andi %ne3A_3014, %gt3A_3015 : vector<16xi1>
        %select_n3A_3017 = arith.select %and3A_3016, %gather3A_3008, %select_n3A_2953 : vector<16xi1>, vector<16xf32>
        %broadcast_in_dim3A_3018 = arith.constant 182 : i32
        %broadcast_in_dim3A_3019 = vector.broadcast %broadcast_in_dim3A_3018 : i32 to vector<16xi32>
        %select_n3A_3020 = arith.select %and3A_3016, %broadcast_in_dim3A_3019, %select_n3A_2956 : vector<16xi1>, vector<16xi32>
        %broadcast_in_dim3A_3021 = arith.constant 183 : i32
        %broadcast_in_dim3A_3022 = vector.broadcast %broadcast_in_dim3A_3021 : i32 to vector<16xi32>
        %add3A_3023 = arith.addi %mul3A_41, %broadcast_in_dim3A_3022 : vector<16xi32>
        %gather3A_3024 = tpu.vector_load_idx %arg9[%add3A_3023] : memref<16320xf32, #tpu.memory_space<vmem>>[vector<16xi32>], vector<16xf32>,
        %broadcast_in_dim3A_3025 = arith.constant 8388608 : i32
        %broadcast_in_dim3A_3026 = vector.broadcast %broadcast_in_dim3A_3025 : i32 to vector<16xi32>
        %and3A_3027 = arith.andi %gather3A_72, %broadcast_in_dim3A_3026 : vector<16xi32>
        %broadcast_in_dim3A_3028 = arith.constant 0 : i32
        %broadcast_in_dim3A_3029 = vector.broadcast %broadcast_in_dim3A_3028 : i32 to vector<16xi32>
        %ne3A_3030 = arith.cmpi ne, %and3A_3027, %broadcast_in_dim3A_3029 : vector<16xi32>
        %gt3A_3031 = arith.cmpf ogt, %gather3A_3024, %select_n3A_2969 : vector<16xf32>
        %and3A_3032 = arith.andi %ne3A_3030, %gt3A_3031 : vector<16xi1>
        %select_n3A_3033 = arith.select %and3A_3032, %gather3A_3024, %select_n3A_2969 : vector<16xi1>, vector<16xf32>
        %broadcast_in_dim3A_3034 = arith.constant 183 : i32
        %broadcast_in_dim3A_3035 = vector.broadcast %broadcast_in_dim3A_3034 : i32 to vector<16xi32>
        %select_n3A_3036 = arith.select %and3A_3032, %broadcast_in_dim3A_3035, %select_n3A_2972 : vector<16xi1>, vector<16xi32>
        %broadcast_in_dim3A_3037 = arith.constant 184 : i32
        %broadcast_in_dim3A_3038 = vector.broadcast %broadcast_in_dim3A_3037 : i32 to vector<16xi32>
        %add3A_3039 = arith.addi %mul3A_41, %broadcast_in_dim3A_3038 : vector<16xi32>
        %gather3A_3040 = tpu.vector_load_idx %arg9[%add3A_3039] : memref<16320xf32, #tpu.memory_space<vmem>>[vector<16xi32>], vector<16xf32>,
        %broadcast_in_dim3A_3041 = arith.constant 16777216 : i32
        %broadcast_in_dim3A_3042 = vector.broadcast %broadcast_in_dim3A_3041 : i32 to vector<16xi32>
        %and3A_3043 = arith.andi %gather3A_72, %broadcast_in_dim3A_3042 : vector<16xi32>
        %broadcast_in_dim3A_3044 = arith.constant 0 : i32
        %broadcast_in_dim3A_3045 = vector.broadcast %broadcast_in_dim3A_3044 : i32 to vector<16xi32>
        %ne3A_3046 = arith.cmpi ne, %and3A_3043, %broadcast_in_dim3A_3045 : vector<16xi32>
        %gt3A_3047 = arith.cmpf ogt, %gather3A_3040, %select_n3A_2985 : vector<16xf32>
        %and3A_3048 = arith.andi %ne3A_3046, %gt3A_3047 : vector<16xi1>
        %select_n3A_3049 = arith.select %and3A_3048, %gather3A_3040, %select_n3A_2985 : vector<16xi1>, vector<16xf32>
        %broadcast_in_dim3A_3050 = arith.constant 184 : i32
        %broadcast_in_dim3A_3051 = vector.broadcast %broadcast_in_dim3A_3050 : i32 to vector<16xi32>
        %select_n3A_3052 = arith.select %and3A_3048, %broadcast_in_dim3A_3051, %select_n3A_2988 : vector<16xi1>, vector<16xi32>
        %broadcast_in_dim3A_3053 = arith.constant 185 : i32
        %broadcast_in_dim3A_3054 = vector.broadcast %broadcast_in_dim3A_3053 : i32 to vector<16xi32>
        %add3A_3055 = arith.addi %mul3A_41, %broadcast_in_dim3A_3054 : vector<16xi32>
        %gather3A_3056 = tpu.vector_load_idx %arg9[%add3A_3055] : memref<16320xf32, #tpu.memory_space<vmem>>[vector<16xi32>], vector<16xf32>,
        %broadcast_in_dim3A_3057 = arith.constant 33554432 : i32
        %broadcast_in_dim3A_3058 = vector.broadcast %broadcast_in_dim3A_3057 : i32 to vector<16xi32>
        %and3A_3059 = arith.andi %gather3A_72, %broadcast_in_dim3A_3058 : vector<16xi32>
        %broadcast_in_dim3A_3060 = arith.constant 0 : i32
        %broadcast_in_dim3A_3061 = vector.broadcast %broadcast_in_dim3A_3060 : i32 to vector<16xi32>
        %ne3A_3062 = arith.cmpi ne, %and3A_3059, %broadcast_in_dim3A_3061 : vector<16xi32>
        %gt3A_3063 = arith.cmpf ogt, %gather3A_3056, %select_n3A_3001 : vector<16xf32>
        %and3A_3064 = arith.andi %ne3A_3062, %gt3A_3063 : vector<16xi1>
        %select_n3A_3065 = arith.select %and3A_3064, %gather3A_3056, %select_n3A_3001 : vector<16xi1>, vector<16xf32>
        %broadcast_in_dim3A_3066 = arith.constant 185 : i32
        %broadcast_in_dim3A_3067 = vector.broadcast %broadcast_in_dim3A_3066 : i32 to vector<16xi32>
        %select_n3A_3068 = arith.select %and3A_3064, %broadcast_in_dim3A_3067, %select_n3A_3004 : vector<16xi1>, vector<16xi32>
        %broadcast_in_dim3A_3069 = arith.constant 186 : i32
        %broadcast_in_dim3A_3070 = vector.broadcast %broadcast_in_dim3A_3069 : i32 to vector<16xi32>
        %add3A_3071 = arith.addi %mul3A_41, %broadcast_in_dim3A_3070 : vector<16xi32>
        %gather3A_3072 = tpu.vector_load_idx %arg9[%add3A_3071] : memref<16320xf32, #tpu.memory_space<vmem>>[vector<16xi32>], vector<16xf32>,
        %broadcast_in_dim3A_3073 = arith.constant 67108864 : i32
        %broadcast_in_dim3A_3074 = vector.broadcast %broadcast_in_dim3A_3073 : i32 to vector<16xi32>
        %and3A_3075 = arith.andi %gather3A_72, %broadcast_in_dim3A_3074 : vector<16xi32>
        %broadcast_in_dim3A_3076 = arith.constant 0 : i32
        %broadcast_in_dim3A_3077 = vector.broadcast %broadcast_in_dim3A_3076 : i32 to vector<16xi32>
        %ne3A_3078 = arith.cmpi ne, %and3A_3075, %broadcast_in_dim3A_3077 : vector<16xi32>
        %gt3A_3079 = arith.cmpf ogt, %gather3A_3072, %select_n3A_3017 : vector<16xf32>
        %and3A_3080 = arith.andi %ne3A_3078, %gt3A_3079 : vector<16xi1>
        %select_n3A_3081 = arith.select %and3A_3080, %gather3A_3072, %select_n3A_3017 : vector<16xi1>, vector<16xf32>
        %broadcast_in_dim3A_3082 = arith.constant 186 : i32
        %broadcast_in_dim3A_3083 = vector.broadcast %broadcast_in_dim3A_3082 : i32 to vector<16xi32>
        %select_n3A_3084 = arith.select %and3A_3080, %broadcast_in_dim3A_3083, %select_n3A_3020 : vector<16xi1>, vector<16xi32>
        %broadcast_in_dim3A_3085 = arith.constant 187 : i32
        %broadcast_in_dim3A_3086 = vector.broadcast %broadcast_in_dim3A_3085 : i32 to vector<16xi32>
        %add3A_3087 = arith.addi %mul3A_41, %broadcast_in_dim3A_3086 : vector<16xi32>
        %gather3A_3088 = tpu.vector_load_idx %arg9[%add3A_3087] : memref<16320xf32, #tpu.memory_space<vmem>>[vector<16xi32>], vector<16xf32>,
        %broadcast_in_dim3A_3089 = arith.constant 134217728 : i32
        %broadcast_in_dim3A_3090 = vector.broadcast %broadcast_in_dim3A_3089 : i32 to vector<16xi32>
        %and3A_3091 = arith.andi %gather3A_72, %broadcast_in_dim3A_3090 : vector<16xi32>
        %broadcast_in_dim3A_3092 = arith.constant 0 : i32
        %broadcast_in_dim3A_3093 = vector.broadcast %broadcast_in_dim3A_3092 : i32 to vector<16xi32>
        %ne3A_3094 = arith.cmpi ne, %and3A_3091, %broadcast_in_dim3A_3093 : vector<16xi32>
        %gt3A_3095 = arith.cmpf ogt, %gather3A_3088, %select_n3A_3033 : vector<16xf32>
        %and3A_3096 = arith.andi %ne3A_3094, %gt3A_3095 : vector<16xi1>
        %select_n3A_3097 = arith.select %and3A_3096, %gather3A_3088, %select_n3A_3033 : vector<16xi1>, vector<16xf32>
        %broadcast_in_dim3A_3098 = arith.constant 187 : i32
        %broadcast_in_dim3A_3099 = vector.broadcast %broadcast_in_dim3A_3098 : i32 to vector<16xi32>
        %select_n3A_3100 = arith.select %and3A_3096, %broadcast_in_dim3A_3099, %select_n3A_3036 : vector<16xi1>, vector<16xi32>
        %broadcast_in_dim3A_3101 = arith.constant 188 : i32
        %broadcast_in_dim3A_3102 = vector.broadcast %broadcast_in_dim3A_3101 : i32 to vector<16xi32>
        %add3A_3103 = arith.addi %mul3A_41, %broadcast_in_dim3A_3102 : vector<16xi32>
        %gather3A_3104 = tpu.vector_load_idx %arg9[%add3A_3103] : memref<16320xf32, #tpu.memory_space<vmem>>[vector<16xi32>], vector<16xf32>,
        %broadcast_in_dim3A_3105 = arith.constant 268435456 : i32
        %broadcast_in_dim3A_3106 = vector.broadcast %broadcast_in_dim3A_3105 : i32 to vector<16xi32>
        %and3A_3107 = arith.andi %gather3A_72, %broadcast_in_dim3A_3106 : vector<16xi32>
        %broadcast_in_dim3A_3108 = arith.constant 0 : i32
        %broadcast_in_dim3A_3109 = vector.broadcast %broadcast_in_dim3A_3108 : i32 to vector<16xi32>
        %ne3A_3110 = arith.cmpi ne, %and3A_3107, %broadcast_in_dim3A_3109 : vector<16xi32>
        %gt3A_3111 = arith.cmpf ogt, %gather3A_3104, %select_n3A_3049 : vector<16xf32>
        %and3A_3112 = arith.andi %ne3A_3110, %gt3A_3111 : vector<16xi1>
        %select_n3A_3113 = arith.select %and3A_3112, %gather3A_3104, %select_n3A_3049 : vector<16xi1>, vector<16xf32>
        %broadcast_in_dim3A_3114 = arith.constant 188 : i32
        %broadcast_in_dim3A_3115 = vector.broadcast %broadcast_in_dim3A_3114 : i32 to vector<16xi32>
        %select_n3A_3116 = arith.select %and3A_3112, %broadcast_in_dim3A_3115, %select_n3A_3052 : vector<16xi1>, vector<16xi32>
        %broadcast_in_dim3A_3117 = arith.constant 189 : i32
        %broadcast_in_dim3A_3118 = vector.broadcast %broadcast_in_dim3A_3117 : i32 to vector<16xi32>
        %add3A_3119 = arith.addi %mul3A_41, %broadcast_in_dim3A_3118 : vector<16xi32>
        %gather3A_3120 = tpu.vector_load_idx %arg9[%add3A_3119] : memref<16320xf32, #tpu.memory_space<vmem>>[vector<16xi32>], vector<16xf32>,
        %broadcast_in_dim3A_3121 = arith.constant 536870912 : i32
        %broadcast_in_dim3A_3122 = vector.broadcast %broadcast_in_dim3A_3121 : i32 to vector<16xi32>
        %and3A_3123 = arith.andi %gather3A_72, %broadcast_in_dim3A_3122 : vector<16xi32>
        %broadcast_in_dim3A_3124 = arith.constant 0 : i32
        %broadcast_in_dim3A_3125 = vector.broadcast %broadcast_in_dim3A_3124 : i32 to vector<16xi32>
        %ne3A_3126 = arith.cmpi ne, %and3A_3123, %broadcast_in_dim3A_3125 : vector<16xi32>
        %gt3A_3127 = arith.cmpf ogt, %gather3A_3120, %select_n3A_3065 : vector<16xf32>
        %and3A_3128 = arith.andi %ne3A_3126, %gt3A_3127 : vector<16xi1>
        %select_n3A_3129 = arith.select %and3A_3128, %gather3A_3120, %select_n3A_3065 : vector<16xi1>, vector<16xf32>
        %broadcast_in_dim3A_3130 = arith.constant 189 : i32
        %broadcast_in_dim3A_3131 = vector.broadcast %broadcast_in_dim3A_3130 : i32 to vector<16xi32>
        %select_n3A_3132 = arith.select %and3A_3128, %broadcast_in_dim3A_3131, %select_n3A_3068 : vector<16xi1>, vector<16xi32>
        %broadcast_in_dim3A_3133 = arith.constant 190 : i32
        %broadcast_in_dim3A_3134 = vector.broadcast %broadcast_in_dim3A_3133 : i32 to vector<16xi32>
        %add3A_3135 = arith.addi %mul3A_41, %broadcast_in_dim3A_3134 : vector<16xi32>
        %gather3A_3136 = tpu.vector_load_idx %arg9[%add3A_3135] : memref<16320xf32, #tpu.memory_space<vmem>>[vector<16xi32>], vector<16xf32>,
        %broadcast_in_dim3A_3137 = arith.constant 1073741824 : i32
        %broadcast_in_dim3A_3138 = vector.broadcast %broadcast_in_dim3A_3137 : i32 to vector<16xi32>
        %and3A_3139 = arith.andi %gather3A_72, %broadcast_in_dim3A_3138 : vector<16xi32>
        %broadcast_in_dim3A_3140 = arith.constant 0 : i32
        %broadcast_in_dim3A_3141 = vector.broadcast %broadcast_in_dim3A_3140 : i32 to vector<16xi32>
        %ne3A_3142 = arith.cmpi ne, %and3A_3139, %broadcast_in_dim3A_3141 : vector<16xi32>
        %gt3A_3143 = arith.cmpf ogt, %gather3A_3136, %select_n3A_3081 : vector<16xf32>
        %and3A_3144 = arith.andi %ne3A_3142, %gt3A_3143 : vector<16xi1>
        %select_n3A_3145 = arith.select %and3A_3144, %gather3A_3136, %select_n3A_3081 : vector<16xi1>, vector<16xf32>
        %broadcast_in_dim3A_3146 = arith.constant 190 : i32
        %broadcast_in_dim3A_3147 = vector.broadcast %broadcast_in_dim3A_3146 : i32 to vector<16xi32>
        %select_n3A_3148 = arith.select %and3A_3144, %broadcast_in_dim3A_3147, %select_n3A_3084 : vector<16xi1>, vector<16xi32>
        %broadcast_in_dim3A_3149 = arith.constant 191 : i32
        %broadcast_in_dim3A_3150 = vector.broadcast %broadcast_in_dim3A_3149 : i32 to vector<16xi32>
        %add3A_3151 = arith.addi %mul3A_41, %broadcast_in_dim3A_3150 : vector<16xi32>
        %gather3A_3152 = tpu.vector_load_idx %arg9[%add3A_3151] : memref<16320xf32, #tpu.memory_space<vmem>>[vector<16xi32>], vector<16xf32>,
        %broadcast_in_dim3A_3153 = arith.constant -2147483648 : i32
        %broadcast_in_dim3A_3154 = vector.broadcast %broadcast_in_dim3A_3153 : i32 to vector<16xi32>
        %and3A_3155 = arith.andi %gather3A_72, %broadcast_in_dim3A_3154 : vector<16xi32>
        %broadcast_in_dim3A_3156 = arith.constant 0 : i32
        %broadcast_in_dim3A_3157 = vector.broadcast %broadcast_in_dim3A_3156 : i32 to vector<16xi32>
        %ne3A_3158 = arith.cmpi ne, %and3A_3155, %broadcast_in_dim3A_3157 : vector<16xi32>
        %gt3A_3159 = arith.cmpf ogt, %gather3A_3152, %select_n3A_3097 : vector<16xf32>
        %and3A_3160 = arith.andi %ne3A_3158, %gt3A_3159 : vector<16xi1>
        %select_n3A_3161 = arith.select %and3A_3160, %gather3A_3152, %select_n3A_3097 : vector<16xi1>, vector<16xf32>
        %broadcast_in_dim3A_3162 = arith.constant 191 : i32
        %broadcast_in_dim3A_3163 = vector.broadcast %broadcast_in_dim3A_3162 : i32 to vector<16xi32>
        %select_n3A_3164 = arith.select %and3A_3160, %broadcast_in_dim3A_3163, %select_n3A_3100 : vector<16xi1>, vector<16xi32>
        %broadcast_in_dim3A_3165 = arith.constant 192 : i32
        %broadcast_in_dim3A_3166 = vector.broadcast %broadcast_in_dim3A_3165 : i32 to vector<16xi32>
        %add3A_3167 = arith.addi %mul3A_41, %broadcast_in_dim3A_3166 : vector<16xi32>
        %gather3A_3168 = tpu.vector_load_idx %arg9[%add3A_3167] : memref<16320xf32, #tpu.memory_space<vmem>>[vector<16xi32>], vector<16xf32>,
        %broadcast_in_dim3A_3169 = arith.constant 1 : i32
        %broadcast_in_dim3A_3170 = vector.broadcast %broadcast_in_dim3A_3169 : i32 to vector<16xi32>
        %and3A_3171 = arith.andi %gather3A_76, %broadcast_in_dim3A_3170 : vector<16xi32>
        %broadcast_in_dim3A_3172 = arith.constant 0 : i32
        %broadcast_in_dim3A_3173 = vector.broadcast %broadcast_in_dim3A_3172 : i32 to vector<16xi32>
        %ne3A_3174 = arith.cmpi ne, %and3A_3171, %broadcast_in_dim3A_3173 : vector<16xi32>
        %gt3A_3175 = arith.cmpf ogt, %gather3A_3168, %select_n3A_3113 : vector<16xf32>
        %and3A_3176 = arith.andi %ne3A_3174, %gt3A_3175 : vector<16xi1>
        %select_n3A_3177 = arith.select %and3A_3176, %gather3A_3168, %select_n3A_3113 : vector<16xi1>, vector<16xf32>
        %broadcast_in_dim3A_3178 = arith.constant 192 : i32
        %broadcast_in_dim3A_3179 = vector.broadcast %broadcast_in_dim3A_3178 : i32 to vector<16xi32>
        %select_n3A_3180 = arith.select %and3A_3176, %broadcast_in_dim3A_3179, %select_n3A_3116 : vector<16xi1>, vector<16xi32>
        %broadcast_in_dim3A_3181 = arith.constant 193 : i32
        %broadcast_in_dim3A_3182 = vector.broadcast %broadcast_in_dim3A_3181 : i32 to vector<16xi32>
        %add3A_3183 = arith.addi %mul3A_41, %broadcast_in_dim3A_3182 : vector<16xi32>
        %gather3A_3184 = tpu.vector_load_idx %arg9[%add3A_3183] : memref<16320xf32, #tpu.memory_space<vmem>>[vector<16xi32>], vector<16xf32>,
        %broadcast_in_dim3A_3185 = arith.constant 2 : i32
        %broadcast_in_dim3A_3186 = vector.broadcast %broadcast_in_dim3A_3185 : i32 to vector<16xi32>
        %and3A_3187 = arith.andi %gather3A_76, %broadcast_in_dim3A_3186 : vector<16xi32>
        %broadcast_in_dim3A_3188 = arith.constant 0 : i32
        %broadcast_in_dim3A_3189 = vector.broadcast %broadcast_in_dim3A_3188 : i32 to vector<16xi32>
        %ne3A_3190 = arith.cmpi ne, %and3A_3187, %broadcast_in_dim3A_3189 : vector<16xi32>
        %gt3A_3191 = arith.cmpf ogt, %gather3A_3184, %select_n3A_3129 : vector<16xf32>
        %and3A_3192 = arith.andi %ne3A_3190, %gt3A_3191 : vector<16xi1>
        %select_n3A_3193 = arith.select %and3A_3192, %gather3A_3184, %select_n3A_3129 : vector<16xi1>, vector<16xf32>
        %broadcast_in_dim3A_3194 = arith.constant 193 : i32
        %broadcast_in_dim3A_3195 = vector.broadcast %broadcast_in_dim3A_3194 : i32 to vector<16xi32>
        %select_n3A_3196 = arith.select %and3A_3192, %broadcast_in_dim3A_3195, %select_n3A_3132 : vector<16xi1>, vector<16xi32>
        %broadcast_in_dim3A_3197 = arith.constant 194 : i32
        %broadcast_in_dim3A_3198 = vector.broadcast %broadcast_in_dim3A_3197 : i32 to vector<16xi32>
        %add3A_3199 = arith.addi %mul3A_41, %broadcast_in_dim3A_3198 : vector<16xi32>
        %gather3A_3200 = tpu.vector_load_idx %arg9[%add3A_3199] : memref<16320xf32, #tpu.memory_space<vmem>>[vector<16xi32>], vector<16xf32>,
        %broadcast_in_dim3A_3201 = arith.constant 4 : i32
        %broadcast_in_dim3A_3202 = vector.broadcast %broadcast_in_dim3A_3201 : i32 to vector<16xi32>
        %and3A_3203 = arith.andi %gather3A_76, %broadcast_in_dim3A_3202 : vector<16xi32>
        %broadcast_in_dim3A_3204 = arith.constant 0 : i32
        %broadcast_in_dim3A_3205 = vector.broadcast %broadcast_in_dim3A_3204 : i32 to vector<16xi32>
        %ne3A_3206 = arith.cmpi ne, %and3A_3203, %broadcast_in_dim3A_3205 : vector<16xi32>
        %gt3A_3207 = arith.cmpf ogt, %gather3A_3200, %select_n3A_3145 : vector<16xf32>
        %and3A_3208 = arith.andi %ne3A_3206, %gt3A_3207 : vector<16xi1>
        %select_n3A_3209 = arith.select %and3A_3208, %gather3A_3200, %select_n3A_3145 : vector<16xi1>, vector<16xf32>
        %broadcast_in_dim3A_3210 = arith.constant 194 : i32
        %broadcast_in_dim3A_3211 = vector.broadcast %broadcast_in_dim3A_3210 : i32 to vector<16xi32>
        %select_n3A_3212 = arith.select %and3A_3208, %broadcast_in_dim3A_3211, %select_n3A_3148 : vector<16xi1>, vector<16xi32>
        %broadcast_in_dim3A_3213 = arith.constant 195 : i32
        %broadcast_in_dim3A_3214 = vector.broadcast %broadcast_in_dim3A_3213 : i32 to vector<16xi32>
        %add3A_3215 = arith.addi %mul3A_41, %broadcast_in_dim3A_3214 : vector<16xi32>
        %gather3A_3216 = tpu.vector_load_idx %arg9[%add3A_3215] : memref<16320xf32, #tpu.memory_space<vmem>>[vector<16xi32>], vector<16xf32>,
        %broadcast_in_dim3A_3217 = arith.constant 8 : i32
        %broadcast_in_dim3A_3218 = vector.broadcast %broadcast_in_dim3A_3217 : i32 to vector<16xi32>
        %and3A_3219 = arith.andi %gather3A_76, %broadcast_in_dim3A_3218 : vector<16xi32>
        %broadcast_in_dim3A_3220 = arith.constant 0 : i32
        %broadcast_in_dim3A_3221 = vector.broadcast %broadcast_in_dim3A_3220 : i32 to vector<16xi32>
        %ne3A_3222 = arith.cmpi ne, %and3A_3219, %broadcast_in_dim3A_3221 : vector<16xi32>
        %gt3A_3223 = arith.cmpf ogt, %gather3A_3216, %select_n3A_3161 : vector<16xf32>
        %and3A_3224 = arith.andi %ne3A_3222, %gt3A_3223 : vector<16xi1>
        %select_n3A_3225 = arith.select %and3A_3224, %gather3A_3216, %select_n3A_3161 : vector<16xi1>, vector<16xf32>
        %broadcast_in_dim3A_3226 = arith.constant 195 : i32
        %broadcast_in_dim3A_3227 = vector.broadcast %broadcast_in_dim3A_3226 : i32 to vector<16xi32>
        %select_n3A_3228 = arith.select %and3A_3224, %broadcast_in_dim3A_3227, %select_n3A_3164 : vector<16xi1>, vector<16xi32>
        %broadcast_in_dim3A_3229 = arith.constant 196 : i32
        %broadcast_in_dim3A_3230 = vector.broadcast %broadcast_in_dim3A_3229 : i32 to vector<16xi32>
        %add3A_3231 = arith.addi %mul3A_41, %broadcast_in_dim3A_3230 : vector<16xi32>
        %gather3A_3232 = tpu.vector_load_idx %arg9[%add3A_3231] : memref<16320xf32, #tpu.memory_space<vmem>>[vector<16xi32>], vector<16xf32>,
        %broadcast_in_dim3A_3233 = arith.constant 16 : i32
        %broadcast_in_dim3A_3234 = vector.broadcast %broadcast_in_dim3A_3233 : i32 to vector<16xi32>
        %and3A_3235 = arith.andi %gather3A_76, %broadcast_in_dim3A_3234 : vector<16xi32>
        %broadcast_in_dim3A_3236 = arith.constant 0 : i32
        %broadcast_in_dim3A_3237 = vector.broadcast %broadcast_in_dim3A_3236 : i32 to vector<16xi32>
        %ne3A_3238 = arith.cmpi ne, %and3A_3235, %broadcast_in_dim3A_3237 : vector<16xi32>
        %gt3A_3239 = arith.cmpf ogt, %gather3A_3232, %select_n3A_3177 : vector<16xf32>
        %and3A_3240 = arith.andi %ne3A_3238, %gt3A_3239 : vector<16xi1>
        %select_n3A_3241 = arith.select %and3A_3240, %gather3A_3232, %select_n3A_3177 : vector<16xi1>, vector<16xf32>
        %broadcast_in_dim3A_3242 = arith.constant 196 : i32
        %broadcast_in_dim3A_3243 = vector.broadcast %broadcast_in_dim3A_3242 : i32 to vector<16xi32>
        %select_n3A_3244 = arith.select %and3A_3240, %broadcast_in_dim3A_3243, %select_n3A_3180 : vector<16xi1>, vector<16xi32>
        %broadcast_in_dim3A_3245 = arith.constant 197 : i32
        %broadcast_in_dim3A_3246 = vector.broadcast %broadcast_in_dim3A_3245 : i32 to vector<16xi32>
        %add3A_3247 = arith.addi %mul3A_41, %broadcast_in_dim3A_3246 : vector<16xi32>
        %gather3A_3248 = tpu.vector_load_idx %arg9[%add3A_3247] : memref<16320xf32, #tpu.memory_space<vmem>>[vector<16xi32>], vector<16xf32>,
        %broadcast_in_dim3A_3249 = arith.constant 32 : i32
        %broadcast_in_dim3A_3250 = vector.broadcast %broadcast_in_dim3A_3249 : i32 to vector<16xi32>
        %and3A_3251 = arith.andi %gather3A_76, %broadcast_in_dim3A_3250 : vector<16xi32>
        %broadcast_in_dim3A_3252 = arith.constant 0 : i32
        %broadcast_in_dim3A_3253 = vector.broadcast %broadcast_in_dim3A_3252 : i32 to vector<16xi32>
        %ne3A_3254 = arith.cmpi ne, %and3A_3251, %broadcast_in_dim3A_3253 : vector<16xi32>
        %gt3A_3255 = arith.cmpf ogt, %gather3A_3248, %select_n3A_3193 : vector<16xf32>
        %and3A_3256 = arith.andi %ne3A_3254, %gt3A_3255 : vector<16xi1>
        %select_n3A_3257 = arith.select %and3A_3256, %gather3A_3248, %select_n3A_3193 : vector<16xi1>, vector<16xf32>
        %broadcast_in_dim3A_3258 = arith.constant 197 : i32
        %broadcast_in_dim3A_3259 = vector.broadcast %broadcast_in_dim3A_3258 : i32 to vector<16xi32>
        %select_n3A_3260 = arith.select %and3A_3256, %broadcast_in_dim3A_3259, %select_n3A_3196 : vector<16xi1>, vector<16xi32>
        %broadcast_in_dim3A_3261 = arith.constant 198 : i32
        %broadcast_in_dim3A_3262 = vector.broadcast %broadcast_in_dim3A_3261 : i32 to vector<16xi32>
        %add3A_3263 = arith.addi %mul3A_41, %broadcast_in_dim3A_3262 : vector<16xi32>
        %gather3A_3264 = tpu.vector_load_idx %arg9[%add3A_3263] : memref<16320xf32, #tpu.memory_space<vmem>>[vector<16xi32>], vector<16xf32>,
        %broadcast_in_dim3A_3265 = arith.constant 64 : i32
        %broadcast_in_dim3A_3266 = vector.broadcast %broadcast_in_dim3A_3265 : i32 to vector<16xi32>
        %and3A_3267 = arith.andi %gather3A_76, %broadcast_in_dim3A_3266 : vector<16xi32>
        %broadcast_in_dim3A_3268 = arith.constant 0 : i32
        %broadcast_in_dim3A_3269 = vector.broadcast %broadcast_in_dim3A_3268 : i32 to vector<16xi32>
        %ne3A_3270 = arith.cmpi ne, %and3A_3267, %broadcast_in_dim3A_3269 : vector<16xi32>
        %gt3A_3271 = arith.cmpf ogt, %gather3A_3264, %select_n3A_3209 : vector<16xf32>
        %and3A_3272 = arith.andi %ne3A_3270, %gt3A_3271 : vector<16xi1>
        %select_n3A_3273 = arith.select %and3A_3272, %gather3A_3264, %select_n3A_3209 : vector<16xi1>, vector<16xf32>
        %broadcast_in_dim3A_3274 = arith.constant 198 : i32
        %broadcast_in_dim3A_3275 = vector.broadcast %broadcast_in_dim3A_3274 : i32 to vector<16xi32>
        %select_n3A_3276 = arith.select %and3A_3272, %broadcast_in_dim3A_3275, %select_n3A_3212 : vector<16xi1>, vector<16xi32>
        %broadcast_in_dim3A_3277 = arith.constant 199 : i32
        %broadcast_in_dim3A_3278 = vector.broadcast %broadcast_in_dim3A_3277 : i32 to vector<16xi32>
        %add3A_3279 = arith.addi %mul3A_41, %broadcast_in_dim3A_3278 : vector<16xi32>
        %gather3A_3280 = tpu.vector_load_idx %arg9[%add3A_3279] : memref<16320xf32, #tpu.memory_space<vmem>>[vector<16xi32>], vector<16xf32>,
        %broadcast_in_dim3A_3281 = arith.constant 128 : i32
        %broadcast_in_dim3A_3282 = vector.broadcast %broadcast_in_dim3A_3281 : i32 to vector<16xi32>
        %and3A_3283 = arith.andi %gather3A_76, %broadcast_in_dim3A_3282 : vector<16xi32>
        %broadcast_in_dim3A_3284 = arith.constant 0 : i32
        %broadcast_in_dim3A_3285 = vector.broadcast %broadcast_in_dim3A_3284 : i32 to vector<16xi32>
        %ne3A_3286 = arith.cmpi ne, %and3A_3283, %broadcast_in_dim3A_3285 : vector<16xi32>
        %gt3A_3287 = arith.cmpf ogt, %gather3A_3280, %select_n3A_3225 : vector<16xf32>
        %and3A_3288 = arith.andi %ne3A_3286, %gt3A_3287 : vector<16xi1>
        %select_n3A_3289 = arith.select %and3A_3288, %gather3A_3280, %select_n3A_3225 : vector<16xi1>, vector<16xf32>
        %broadcast_in_dim3A_3290 = arith.constant 199 : i32
        %broadcast_in_dim3A_3291 = vector.broadcast %broadcast_in_dim3A_3290 : i32 to vector<16xi32>
        %select_n3A_3292 = arith.select %and3A_3288, %broadcast_in_dim3A_3291, %select_n3A_3228 : vector<16xi1>, vector<16xi32>
        %broadcast_in_dim3A_3293 = arith.constant 200 : i32
        %broadcast_in_dim3A_3294 = vector.broadcast %broadcast_in_dim3A_3293 : i32 to vector<16xi32>
        %add3A_3295 = arith.addi %mul3A_41, %broadcast_in_dim3A_3294 : vector<16xi32>
        %gather3A_3296 = tpu.vector_load_idx %arg9[%add3A_3295] : memref<16320xf32, #tpu.memory_space<vmem>>[vector<16xi32>], vector<16xf32>,
        %broadcast_in_dim3A_3297 = arith.constant 256 : i32
        %broadcast_in_dim3A_3298 = vector.broadcast %broadcast_in_dim3A_3297 : i32 to vector<16xi32>
        %and3A_3299 = arith.andi %gather3A_76, %broadcast_in_dim3A_3298 : vector<16xi32>
        %broadcast_in_dim3A_3300 = arith.constant 0 : i32
        %broadcast_in_dim3A_3301 = vector.broadcast %broadcast_in_dim3A_3300 : i32 to vector<16xi32>
        %ne3A_3302 = arith.cmpi ne, %and3A_3299, %broadcast_in_dim3A_3301 : vector<16xi32>
        %gt3A_3303 = arith.cmpf ogt, %gather3A_3296, %select_n3A_3241 : vector<16xf32>
        %and3A_3304 = arith.andi %ne3A_3302, %gt3A_3303 : vector<16xi1>
        %select_n3A_3305 = arith.select %and3A_3304, %gather3A_3296, %select_n3A_3241 : vector<16xi1>, vector<16xf32>
        %broadcast_in_dim3A_3306 = arith.constant 200 : i32
        %broadcast_in_dim3A_3307 = vector.broadcast %broadcast_in_dim3A_3306 : i32 to vector<16xi32>
        %select_n3A_3308 = arith.select %and3A_3304, %broadcast_in_dim3A_3307, %select_n3A_3244 : vector<16xi1>, vector<16xi32>
        %broadcast_in_dim3A_3309 = arith.constant 201 : i32
        %broadcast_in_dim3A_3310 = vector.broadcast %broadcast_in_dim3A_3309 : i32 to vector<16xi32>
        %add3A_3311 = arith.addi %mul3A_41, %broadcast_in_dim3A_3310 : vector<16xi32>
        %gather3A_3312 = tpu.vector_load_idx %arg9[%add3A_3311] : memref<16320xf32, #tpu.memory_space<vmem>>[vector<16xi32>], vector<16xf32>,
        %broadcast_in_dim3A_3313 = arith.constant 512 : i32
        %broadcast_in_dim3A_3314 = vector.broadcast %broadcast_in_dim3A_3313 : i32 to vector<16xi32>
        %and3A_3315 = arith.andi %gather3A_76, %broadcast_in_dim3A_3314 : vector<16xi32>
        %broadcast_in_dim3A_3316 = arith.constant 0 : i32
        %broadcast_in_dim3A_3317 = vector.broadcast %broadcast_in_dim3A_3316 : i32 to vector<16xi32>
        %ne3A_3318 = arith.cmpi ne, %and3A_3315, %broadcast_in_dim3A_3317 : vector<16xi32>
        %gt3A_3319 = arith.cmpf ogt, %gather3A_3312, %select_n3A_3257 : vector<16xf32>
        %and3A_3320 = arith.andi %ne3A_3318, %gt3A_3319 : vector<16xi1>
        %select_n3A_3321 = arith.select %and3A_3320, %gather3A_3312, %select_n3A_3257 : vector<16xi1>, vector<16xf32>
        %broadcast_in_dim3A_3322 = arith.constant 201 : i32
        %broadcast_in_dim3A_3323 = vector.broadcast %broadcast_in_dim3A_3322 : i32 to vector<16xi32>
        %select_n3A_3324 = arith.select %and3A_3320, %broadcast_in_dim3A_3323, %select_n3A_3260 : vector<16xi1>, vector<16xi32>
        %broadcast_in_dim3A_3325 = arith.constant 202 : i32
        %broadcast_in_dim3A_3326 = vector.broadcast %broadcast_in_dim3A_3325 : i32 to vector<16xi32>
        %add3A_3327 = arith.addi %mul3A_41, %broadcast_in_dim3A_3326 : vector<16xi32>
        %gather3A_3328 = tpu.vector_load_idx %arg9[%add3A_3327] : memref<16320xf32, #tpu.memory_space<vmem>>[vector<16xi32>], vector<16xf32>,
        %broadcast_in_dim3A_3329 = arith.constant 1024 : i32
        %broadcast_in_dim3A_3330 = vector.broadcast %broadcast_in_dim3A_3329 : i32 to vector<16xi32>
        %and3A_3331 = arith.andi %gather3A_76, %broadcast_in_dim3A_3330 : vector<16xi32>
        %broadcast_in_dim3A_3332 = arith.constant 0 : i32
        %broadcast_in_dim3A_3333 = vector.broadcast %broadcast_in_dim3A_3332 : i32 to vector<16xi32>
        %ne3A_3334 = arith.cmpi ne, %and3A_3331, %broadcast_in_dim3A_3333 : vector<16xi32>
        %gt3A_3335 = arith.cmpf ogt, %gather3A_3328, %select_n3A_3273 : vector<16xf32>
        %and3A_3336 = arith.andi %ne3A_3334, %gt3A_3335 : vector<16xi1>
        %select_n3A_3337 = arith.select %and3A_3336, %gather3A_3328, %select_n3A_3273 : vector<16xi1>, vector<16xf32>
        %broadcast_in_dim3A_3338 = arith.constant 202 : i32
        %broadcast_in_dim3A_3339 = vector.broadcast %broadcast_in_dim3A_3338 : i32 to vector<16xi32>
        %select_n3A_3340 = arith.select %and3A_3336, %broadcast_in_dim3A_3339, %select_n3A_3276 : vector<16xi1>, vector<16xi32>
        %broadcast_in_dim3A_3341 = arith.constant 203 : i32
        %broadcast_in_dim3A_3342 = vector.broadcast %broadcast_in_dim3A_3341 : i32 to vector<16xi32>
        %add3A_3343 = arith.addi %mul3A_41, %broadcast_in_dim3A_3342 : vector<16xi32>
        %gather3A_3344 = tpu.vector_load_idx %arg9[%add3A_3343] : memref<16320xf32, #tpu.memory_space<vmem>>[vector<16xi32>], vector<16xf32>,
        %broadcast_in_dim3A_3345 = arith.constant 2048 : i32
        %broadcast_in_dim3A_3346 = vector.broadcast %broadcast_in_dim3A_3345 : i32 to vector<16xi32>
        %and3A_3347 = arith.andi %gather3A_76, %broadcast_in_dim3A_3346 : vector<16xi32>
        %broadcast_in_dim3A_3348 = arith.constant 0 : i32
        %broadcast_in_dim3A_3349 = vector.broadcast %broadcast_in_dim3A_3348 : i32 to vector<16xi32>
        %ne3A_3350 = arith.cmpi ne, %and3A_3347, %broadcast_in_dim3A_3349 : vector<16xi32>
        %gt3A_3351 = arith.cmpf ogt, %gather3A_3344, %select_n3A_3289 : vector<16xf32>
        %and3A_3352 = arith.andi %ne3A_3350, %gt3A_3351 : vector<16xi1>
        %select_n3A_3353 = arith.select %and3A_3352, %gather3A_3344, %select_n3A_3289 : vector<16xi1>, vector<16xf32>
        %broadcast_in_dim3A_3354 = arith.constant 203 : i32
        %broadcast_in_dim3A_3355 = vector.broadcast %broadcast_in_dim3A_3354 : i32 to vector<16xi32>
        %select_n3A_3356 = arith.select %and3A_3352, %broadcast_in_dim3A_3355, %select_n3A_3292 : vector<16xi1>, vector<16xi32>
        %broadcast_in_dim3A_3357 = arith.constant 204 : i32
        %broadcast_in_dim3A_3358 = vector.broadcast %broadcast_in_dim3A_3357 : i32 to vector<16xi32>
        %add3A_3359 = arith.addi %mul3A_41, %broadcast_in_dim3A_3358 : vector<16xi32>
        %gather3A_3360 = tpu.vector_load_idx %arg9[%add3A_3359] : memref<16320xf32, #tpu.memory_space<vmem>>[vector<16xi32>], vector<16xf32>,
        %broadcast_in_dim3A_3361 = arith.constant 4096 : i32
        %broadcast_in_dim3A_3362 = vector.broadcast %broadcast_in_dim3A_3361 : i32 to vector<16xi32>
        %and3A_3363 = arith.andi %gather3A_76, %broadcast_in_dim3A_3362 : vector<16xi32>
        %broadcast_in_dim3A_3364 = arith.constant 0 : i32
        %broadcast_in_dim3A_3365 = vector.broadcast %broadcast_in_dim3A_3364 : i32 to vector<16xi32>
        %ne3A_3366 = arith.cmpi ne, %and3A_3363, %broadcast_in_dim3A_3365 : vector<16xi32>
        %gt3A_3367 = arith.cmpf ogt, %gather3A_3360, %select_n3A_3305 : vector<16xf32>
        %and3A_3368 = arith.andi %ne3A_3366, %gt3A_3367 : vector<16xi1>
        %select_n3A_3369 = arith.select %and3A_3368, %gather3A_3360, %select_n3A_3305 : vector<16xi1>, vector<16xf32>
        %broadcast_in_dim3A_3370 = arith.constant 204 : i32
        %broadcast_in_dim3A_3371 = vector.broadcast %broadcast_in_dim3A_3370 : i32 to vector<16xi32>
        %select_n3A_3372 = arith.select %and3A_3368, %broadcast_in_dim3A_3371, %select_n3A_3308 : vector<16xi1>, vector<16xi32>
        %broadcast_in_dim3A_3373 = arith.constant 205 : i32
        %broadcast_in_dim3A_3374 = vector.broadcast %broadcast_in_dim3A_3373 : i32 to vector<16xi32>
        %add3A_3375 = arith.addi %mul3A_41, %broadcast_in_dim3A_3374 : vector<16xi32>
        %gather3A_3376 = tpu.vector_load_idx %arg9[%add3A_3375] : memref<16320xf32, #tpu.memory_space<vmem>>[vector<16xi32>], vector<16xf32>,
        %broadcast_in_dim3A_3377 = arith.constant 8192 : i32
        %broadcast_in_dim3A_3378 = vector.broadcast %broadcast_in_dim3A_3377 : i32 to vector<16xi32>
        %and3A_3379 = arith.andi %gather3A_76, %broadcast_in_dim3A_3378 : vector<16xi32>
        %broadcast_in_dim3A_3380 = arith.constant 0 : i32
        %broadcast_in_dim3A_3381 = vector.broadcast %broadcast_in_dim3A_3380 : i32 to vector<16xi32>
        %ne3A_3382 = arith.cmpi ne, %and3A_3379, %broadcast_in_dim3A_3381 : vector<16xi32>
        %gt3A_3383 = arith.cmpf ogt, %gather3A_3376, %select_n3A_3321 : vector<16xf32>
        %and3A_3384 = arith.andi %ne3A_3382, %gt3A_3383 : vector<16xi1>
        %select_n3A_3385 = arith.select %and3A_3384, %gather3A_3376, %select_n3A_3321 : vector<16xi1>, vector<16xf32>
        %broadcast_in_dim3A_3386 = arith.constant 205 : i32
        %broadcast_in_dim3A_3387 = vector.broadcast %broadcast_in_dim3A_3386 : i32 to vector<16xi32>
        %select_n3A_3388 = arith.select %and3A_3384, %broadcast_in_dim3A_3387, %select_n3A_3324 : vector<16xi1>, vector<16xi32>
        %broadcast_in_dim3A_3389 = arith.constant 206 : i32
        %broadcast_in_dim3A_3390 = vector.broadcast %broadcast_in_dim3A_3389 : i32 to vector<16xi32>
        %add3A_3391 = arith.addi %mul3A_41, %broadcast_in_dim3A_3390 : vector<16xi32>
        %gather3A_3392 = tpu.vector_load_idx %arg9[%add3A_3391] : memref<16320xf32, #tpu.memory_space<vmem>>[vector<16xi32>], vector<16xf32>,
        %broadcast_in_dim3A_3393 = arith.constant 16384 : i32
        %broadcast_in_dim3A_3394 = vector.broadcast %broadcast_in_dim3A_3393 : i32 to vector<16xi32>
        %and3A_3395 = arith.andi %gather3A_76, %broadcast_in_dim3A_3394 : vector<16xi32>
        %broadcast_in_dim3A_3396 = arith.constant 0 : i32
        %broadcast_in_dim3A_3397 = vector.broadcast %broadcast_in_dim3A_3396 : i32 to vector<16xi32>
        %ne3A_3398 = arith.cmpi ne, %and3A_3395, %broadcast_in_dim3A_3397 : vector<16xi32>
        %gt3A_3399 = arith.cmpf ogt, %gather3A_3392, %select_n3A_3337 : vector<16xf32>
        %and3A_3400 = arith.andi %ne3A_3398, %gt3A_3399 : vector<16xi1>
        %select_n3A_3401 = arith.select %and3A_3400, %gather3A_3392, %select_n3A_3337 : vector<16xi1>, vector<16xf32>
        %broadcast_in_dim3A_3402 = arith.constant 206 : i32
        %broadcast_in_dim3A_3403 = vector.broadcast %broadcast_in_dim3A_3402 : i32 to vector<16xi32>
        %select_n3A_3404 = arith.select %and3A_3400, %broadcast_in_dim3A_3403, %select_n3A_3340 : vector<16xi1>, vector<16xi32>
        %broadcast_in_dim3A_3405 = arith.constant 207 : i32
        %broadcast_in_dim3A_3406 = vector.broadcast %broadcast_in_dim3A_3405 : i32 to vector<16xi32>
        %add3A_3407 = arith.addi %mul3A_41, %broadcast_in_dim3A_3406 : vector<16xi32>
        %gather3A_3408 = tpu.vector_load_idx %arg9[%add3A_3407] : memref<16320xf32, #tpu.memory_space<vmem>>[vector<16xi32>], vector<16xf32>,
        %broadcast_in_dim3A_3409 = arith.constant 32768 : i32
        %broadcast_in_dim3A_3410 = vector.broadcast %broadcast_in_dim3A_3409 : i32 to vector<16xi32>
        %and3A_3411 = arith.andi %gather3A_76, %broadcast_in_dim3A_3410 : vector<16xi32>
        %broadcast_in_dim3A_3412 = arith.constant 0 : i32
        %broadcast_in_dim3A_3413 = vector.broadcast %broadcast_in_dim3A_3412 : i32 to vector<16xi32>
        %ne3A_3414 = arith.cmpi ne, %and3A_3411, %broadcast_in_dim3A_3413 : vector<16xi32>
        %gt3A_3415 = arith.cmpf ogt, %gather3A_3408, %select_n3A_3353 : vector<16xf32>
        %and3A_3416 = arith.andi %ne3A_3414, %gt3A_3415 : vector<16xi1>
        %select_n3A_3417 = arith.select %and3A_3416, %gather3A_3408, %select_n3A_3353 : vector<16xi1>, vector<16xf32>
        %broadcast_in_dim3A_3418 = arith.constant 207 : i32
        %broadcast_in_dim3A_3419 = vector.broadcast %broadcast_in_dim3A_3418 : i32 to vector<16xi32>
        %select_n3A_3420 = arith.select %and3A_3416, %broadcast_in_dim3A_3419, %select_n3A_3356 : vector<16xi1>, vector<16xi32>
        %broadcast_in_dim3A_3421 = arith.constant 208 : i32
        %broadcast_in_dim3A_3422 = vector.broadcast %broadcast_in_dim3A_3421 : i32 to vector<16xi32>
        %add3A_3423 = arith.addi %mul3A_41, %broadcast_in_dim3A_3422 : vector<16xi32>
        %gather3A_3424 = tpu.vector_load_idx %arg9[%add3A_3423] : memref<16320xf32, #tpu.memory_space<vmem>>[vector<16xi32>], vector<16xf32>,
        %broadcast_in_dim3A_3425 = arith.constant 65536 : i32
        %broadcast_in_dim3A_3426 = vector.broadcast %broadcast_in_dim3A_3425 : i32 to vector<16xi32>
        %and3A_3427 = arith.andi %gather3A_76, %broadcast_in_dim3A_3426 : vector<16xi32>
        %broadcast_in_dim3A_3428 = arith.constant 0 : i32
        %broadcast_in_dim3A_3429 = vector.broadcast %broadcast_in_dim3A_3428 : i32 to vector<16xi32>
        %ne3A_3430 = arith.cmpi ne, %and3A_3427, %broadcast_in_dim3A_3429 : vector<16xi32>
        %gt3A_3431 = arith.cmpf ogt, %gather3A_3424, %select_n3A_3369 : vector<16xf32>
        %and3A_3432 = arith.andi %ne3A_3430, %gt3A_3431 : vector<16xi1>
        %select_n3A_3433 = arith.select %and3A_3432, %gather3A_3424, %select_n3A_3369 : vector<16xi1>, vector<16xf32>
        %broadcast_in_dim3A_3434 = arith.constant 208 : i32
        %broadcast_in_dim3A_3435 = vector.broadcast %broadcast_in_dim3A_3434 : i32 to vector<16xi32>
        %select_n3A_3436 = arith.select %and3A_3432, %broadcast_in_dim3A_3435, %select_n3A_3372 : vector<16xi1>, vector<16xi32>
        %broadcast_in_dim3A_3437 = arith.constant 209 : i32
        %broadcast_in_dim3A_3438 = vector.broadcast %broadcast_in_dim3A_3437 : i32 to vector<16xi32>
        %add3A_3439 = arith.addi %mul3A_41, %broadcast_in_dim3A_3438 : vector<16xi32>
        %gather3A_3440 = tpu.vector_load_idx %arg9[%add3A_3439] : memref<16320xf32, #tpu.memory_space<vmem>>[vector<16xi32>], vector<16xf32>,
        %broadcast_in_dim3A_3441 = arith.constant 131072 : i32
        %broadcast_in_dim3A_3442 = vector.broadcast %broadcast_in_dim3A_3441 : i32 to vector<16xi32>
        %and3A_3443 = arith.andi %gather3A_76, %broadcast_in_dim3A_3442 : vector<16xi32>
        %broadcast_in_dim3A_3444 = arith.constant 0 : i32
        %broadcast_in_dim3A_3445 = vector.broadcast %broadcast_in_dim3A_3444 : i32 to vector<16xi32>
        %ne3A_3446 = arith.cmpi ne, %and3A_3443, %broadcast_in_dim3A_3445 : vector<16xi32>
        %gt3A_3447 = arith.cmpf ogt, %gather3A_3440, %select_n3A_3385 : vector<16xf32>
        %and3A_3448 = arith.andi %ne3A_3446, %gt3A_3447 : vector<16xi1>
        %select_n3A_3449 = arith.select %and3A_3448, %gather3A_3440, %select_n3A_3385 : vector<16xi1>, vector<16xf32>
        %broadcast_in_dim3A_3450 = arith.constant 209 : i32
        %broadcast_in_dim3A_3451 = vector.broadcast %broadcast_in_dim3A_3450 : i32 to vector<16xi32>
        %select_n3A_3452 = arith.select %and3A_3448, %broadcast_in_dim3A_3451, %select_n3A_3388 : vector<16xi1>, vector<16xi32>
        %broadcast_in_dim3A_3453 = arith.constant 210 : i32
        %broadcast_in_dim3A_3454 = vector.broadcast %broadcast_in_dim3A_3453 : i32 to vector<16xi32>
        %add3A_3455 = arith.addi %mul3A_41, %broadcast_in_dim3A_3454 : vector<16xi32>
        %gather3A_3456 = tpu.vector_load_idx %arg9[%add3A_3455] : memref<16320xf32, #tpu.memory_space<vmem>>[vector<16xi32>], vector<16xf32>,
        %broadcast_in_dim3A_3457 = arith.constant 262144 : i32
        %broadcast_in_dim3A_3458 = vector.broadcast %broadcast_in_dim3A_3457 : i32 to vector<16xi32>
        %and3A_3459 = arith.andi %gather3A_76, %broadcast_in_dim3A_3458 : vector<16xi32>
        %broadcast_in_dim3A_3460 = arith.constant 0 : i32
        %broadcast_in_dim3A_3461 = vector.broadcast %broadcast_in_dim3A_3460 : i32 to vector<16xi32>
        %ne3A_3462 = arith.cmpi ne, %and3A_3459, %broadcast_in_dim3A_3461 : vector<16xi32>
        %gt3A_3463 = arith.cmpf ogt, %gather3A_3456, %select_n3A_3401 : vector<16xf32>
        %and3A_3464 = arith.andi %ne3A_3462, %gt3A_3463 : vector<16xi1>
        %select_n3A_3465 = arith.select %and3A_3464, %gather3A_3456, %select_n3A_3401 : vector<16xi1>, vector<16xf32>
        %broadcast_in_dim3A_3466 = arith.constant 210 : i32
        %broadcast_in_dim3A_3467 = vector.broadcast %broadcast_in_dim3A_3466 : i32 to vector<16xi32>
        %select_n3A_3468 = arith.select %and3A_3464, %broadcast_in_dim3A_3467, %select_n3A_3404 : vector<16xi1>, vector<16xi32>
        %broadcast_in_dim3A_3469 = arith.constant 211 : i32
        %broadcast_in_dim3A_3470 = vector.broadcast %broadcast_in_dim3A_3469 : i32 to vector<16xi32>
        %add3A_3471 = arith.addi %mul3A_41, %broadcast_in_dim3A_3470 : vector<16xi32>
        %gather3A_3472 = tpu.vector_load_idx %arg9[%add3A_3471] : memref<16320xf32, #tpu.memory_space<vmem>>[vector<16xi32>], vector<16xf32>,
        %broadcast_in_dim3A_3473 = arith.constant 524288 : i32
        %broadcast_in_dim3A_3474 = vector.broadcast %broadcast_in_dim3A_3473 : i32 to vector<16xi32>
        %and3A_3475 = arith.andi %gather3A_76, %broadcast_in_dim3A_3474 : vector<16xi32>
        %broadcast_in_dim3A_3476 = arith.constant 0 : i32
        %broadcast_in_dim3A_3477 = vector.broadcast %broadcast_in_dim3A_3476 : i32 to vector<16xi32>
        %ne3A_3478 = arith.cmpi ne, %and3A_3475, %broadcast_in_dim3A_3477 : vector<16xi32>
        %gt3A_3479 = arith.cmpf ogt, %gather3A_3472, %select_n3A_3417 : vector<16xf32>
        %and3A_3480 = arith.andi %ne3A_3478, %gt3A_3479 : vector<16xi1>
        %select_n3A_3481 = arith.select %and3A_3480, %gather3A_3472, %select_n3A_3417 : vector<16xi1>, vector<16xf32>
        %broadcast_in_dim3A_3482 = arith.constant 211 : i32
        %broadcast_in_dim3A_3483 = vector.broadcast %broadcast_in_dim3A_3482 : i32 to vector<16xi32>
        %select_n3A_3484 = arith.select %and3A_3480, %broadcast_in_dim3A_3483, %select_n3A_3420 : vector<16xi1>, vector<16xi32>
        %broadcast_in_dim3A_3485 = arith.constant 212 : i32
        %broadcast_in_dim3A_3486 = vector.broadcast %broadcast_in_dim3A_3485 : i32 to vector<16xi32>
        %add3A_3487 = arith.addi %mul3A_41, %broadcast_in_dim3A_3486 : vector<16xi32>
        %gather3A_3488 = tpu.vector_load_idx %arg9[%add3A_3487] : memref<16320xf32, #tpu.memory_space<vmem>>[vector<16xi32>], vector<16xf32>,
        %broadcast_in_dim3A_3489 = arith.constant 1048576 : i32
        %broadcast_in_dim3A_3490 = vector.broadcast %broadcast_in_dim3A_3489 : i32 to vector<16xi32>
        %and3A_3491 = arith.andi %gather3A_76, %broadcast_in_dim3A_3490 : vector<16xi32>
        %broadcast_in_dim3A_3492 = arith.constant 0 : i32
        %broadcast_in_dim3A_3493 = vector.broadcast %broadcast_in_dim3A_3492 : i32 to vector<16xi32>
        %ne3A_3494 = arith.cmpi ne, %and3A_3491, %broadcast_in_dim3A_3493 : vector<16xi32>
        %gt3A_3495 = arith.cmpf ogt, %gather3A_3488, %select_n3A_3433 : vector<16xf32>
        %and3A_3496 = arith.andi %ne3A_3494, %gt3A_3495 : vector<16xi1>
        %select_n3A_3497 = arith.select %and3A_3496, %gather3A_3488, %select_n3A_3433 : vector<16xi1>, vector<16xf32>
        %broadcast_in_dim3A_3498 = arith.constant 212 : i32
        %broadcast_in_dim3A_3499 = vector.broadcast %broadcast_in_dim3A_3498 : i32 to vector<16xi32>
        %select_n3A_3500 = arith.select %and3A_3496, %broadcast_in_dim3A_3499, %select_n3A_3436 : vector<16xi1>, vector<16xi32>
        %broadcast_in_dim3A_3501 = arith.constant 213 : i32
        %broadcast_in_dim3A_3502 = vector.broadcast %broadcast_in_dim3A_3501 : i32 to vector<16xi32>
        %add3A_3503 = arith.addi %mul3A_41, %broadcast_in_dim3A_3502 : vector<16xi32>
        %gather3A_3504 = tpu.vector_load_idx %arg9[%add3A_3503] : memref<16320xf32, #tpu.memory_space<vmem>>[vector<16xi32>], vector<16xf32>,
        %broadcast_in_dim3A_3505 = arith.constant 2097152 : i32
        %broadcast_in_dim3A_3506 = vector.broadcast %broadcast_in_dim3A_3505 : i32 to vector<16xi32>
        %and3A_3507 = arith.andi %gather3A_76, %broadcast_in_dim3A_3506 : vector<16xi32>
        %broadcast_in_dim3A_3508 = arith.constant 0 : i32
        %broadcast_in_dim3A_3509 = vector.broadcast %broadcast_in_dim3A_3508 : i32 to vector<16xi32>
        %ne3A_3510 = arith.cmpi ne, %and3A_3507, %broadcast_in_dim3A_3509 : vector<16xi32>
        %gt3A_3511 = arith.cmpf ogt, %gather3A_3504, %select_n3A_3449 : vector<16xf32>
        %and3A_3512 = arith.andi %ne3A_3510, %gt3A_3511 : vector<16xi1>
        %select_n3A_3513 = arith.select %and3A_3512, %gather3A_3504, %select_n3A_3449 : vector<16xi1>, vector<16xf32>
        %broadcast_in_dim3A_3514 = arith.constant 213 : i32
        %broadcast_in_dim3A_3515 = vector.broadcast %broadcast_in_dim3A_3514 : i32 to vector<16xi32>
        %select_n3A_3516 = arith.select %and3A_3512, %broadcast_in_dim3A_3515, %select_n3A_3452 : vector<16xi1>, vector<16xi32>
        %broadcast_in_dim3A_3517 = arith.constant 214 : i32
        %broadcast_in_dim3A_3518 = vector.broadcast %broadcast_in_dim3A_3517 : i32 to vector<16xi32>
        %add3A_3519 = arith.addi %mul3A_41, %broadcast_in_dim3A_3518 : vector<16xi32>
        %gather3A_3520 = tpu.vector_load_idx %arg9[%add3A_3519] : memref<16320xf32, #tpu.memory_space<vmem>>[vector<16xi32>], vector<16xf32>,
        %broadcast_in_dim3A_3521 = arith.constant 4194304 : i32
        %broadcast_in_dim3A_3522 = vector.broadcast %broadcast_in_dim3A_3521 : i32 to vector<16xi32>
        %and3A_3523 = arith.andi %gather3A_76, %broadcast_in_dim3A_3522 : vector<16xi32>
        %broadcast_in_dim3A_3524 = arith.constant 0 : i32
        %broadcast_in_dim3A_3525 = vector.broadcast %broadcast_in_dim3A_3524 : i32 to vector<16xi32>
        %ne3A_3526 = arith.cmpi ne, %and3A_3523, %broadcast_in_dim3A_3525 : vector<16xi32>
        %gt3A_3527 = arith.cmpf ogt, %gather3A_3520, %select_n3A_3465 : vector<16xf32>
        %and3A_3528 = arith.andi %ne3A_3526, %gt3A_3527 : vector<16xi1>
        %select_n3A_3529 = arith.select %and3A_3528, %gather3A_3520, %select_n3A_3465 : vector<16xi1>, vector<16xf32>
        %broadcast_in_dim3A_3530 = arith.constant 214 : i32
        %broadcast_in_dim3A_3531 = vector.broadcast %broadcast_in_dim3A_3530 : i32 to vector<16xi32>
        %select_n3A_3532 = arith.select %and3A_3528, %broadcast_in_dim3A_3531, %select_n3A_3468 : vector<16xi1>, vector<16xi32>
        %broadcast_in_dim3A_3533 = arith.constant 215 : i32
        %broadcast_in_dim3A_3534 = vector.broadcast %broadcast_in_dim3A_3533 : i32 to vector<16xi32>
        %add3A_3535 = arith.addi %mul3A_41, %broadcast_in_dim3A_3534 : vector<16xi32>
        %gather3A_3536 = tpu.vector_load_idx %arg9[%add3A_3535] : memref<16320xf32, #tpu.memory_space<vmem>>[vector<16xi32>], vector<16xf32>,
        %broadcast_in_dim3A_3537 = arith.constant 8388608 : i32
        %broadcast_in_dim3A_3538 = vector.broadcast %broadcast_in_dim3A_3537 : i32 to vector<16xi32>
        %and3A_3539 = arith.andi %gather3A_76, %broadcast_in_dim3A_3538 : vector<16xi32>
        %broadcast_in_dim3A_3540 = arith.constant 0 : i32
        %broadcast_in_dim3A_3541 = vector.broadcast %broadcast_in_dim3A_3540 : i32 to vector<16xi32>
        %ne3A_3542 = arith.cmpi ne, %and3A_3539, %broadcast_in_dim3A_3541 : vector<16xi32>
        %gt3A_3543 = arith.cmpf ogt, %gather3A_3536, %select_n3A_3481 : vector<16xf32>
        %and3A_3544 = arith.andi %ne3A_3542, %gt3A_3543 : vector<16xi1>
        %select_n3A_3545 = arith.select %and3A_3544, %gather3A_3536, %select_n3A_3481 : vector<16xi1>, vector<16xf32>
        %broadcast_in_dim3A_3546 = arith.constant 215 : i32
        %broadcast_in_dim3A_3547 = vector.broadcast %broadcast_in_dim3A_3546 : i32 to vector<16xi32>
        %select_n3A_3548 = arith.select %and3A_3544, %broadcast_in_dim3A_3547, %select_n3A_3484 : vector<16xi1>, vector<16xi32>
        %broadcast_in_dim3A_3549 = arith.constant 216 : i32
        %broadcast_in_dim3A_3550 = vector.broadcast %broadcast_in_dim3A_3549 : i32 to vector<16xi32>
        %add3A_3551 = arith.addi %mul3A_41, %broadcast_in_dim3A_3550 : vector<16xi32>
        %gather3A_3552 = tpu.vector_load_idx %arg9[%add3A_3551] : memref<16320xf32, #tpu.memory_space<vmem>>[vector<16xi32>], vector<16xf32>,
        %broadcast_in_dim3A_3553 = arith.constant 16777216 : i32
        %broadcast_in_dim3A_3554 = vector.broadcast %broadcast_in_dim3A_3553 : i32 to vector<16xi32>
        %and3A_3555 = arith.andi %gather3A_76, %broadcast_in_dim3A_3554 : vector<16xi32>
        %broadcast_in_dim3A_3556 = arith.constant 0 : i32
        %broadcast_in_dim3A_3557 = vector.broadcast %broadcast_in_dim3A_3556 : i32 to vector<16xi32>
        %ne3A_3558 = arith.cmpi ne, %and3A_3555, %broadcast_in_dim3A_3557 : vector<16xi32>
        %gt3A_3559 = arith.cmpf ogt, %gather3A_3552, %select_n3A_3497 : vector<16xf32>
        %and3A_3560 = arith.andi %ne3A_3558, %gt3A_3559 : vector<16xi1>
        %select_n3A_3561 = arith.select %and3A_3560, %gather3A_3552, %select_n3A_3497 : vector<16xi1>, vector<16xf32>
        %broadcast_in_dim3A_3562 = arith.constant 216 : i32
        %broadcast_in_dim3A_3563 = vector.broadcast %broadcast_in_dim3A_3562 : i32 to vector<16xi32>
        %select_n3A_3564 = arith.select %and3A_3560, %broadcast_in_dim3A_3563, %select_n3A_3500 : vector<16xi1>, vector<16xi32>
        %broadcast_in_dim3A_3565 = arith.constant 217 : i32
        %broadcast_in_dim3A_3566 = vector.broadcast %broadcast_in_dim3A_3565 : i32 to vector<16xi32>
        %add3A_3567 = arith.addi %mul3A_41, %broadcast_in_dim3A_3566 : vector<16xi32>
        %gather3A_3568 = tpu.vector_load_idx %arg9[%add3A_3567] : memref<16320xf32, #tpu.memory_space<vmem>>[vector<16xi32>], vector<16xf32>,
        %broadcast_in_dim3A_3569 = arith.constant 33554432 : i32
        %broadcast_in_dim3A_3570 = vector.broadcast %broadcast_in_dim3A_3569 : i32 to vector<16xi32>
        %and3A_3571 = arith.andi %gather3A_76, %broadcast_in_dim3A_3570 : vector<16xi32>
        %broadcast_in_dim3A_3572 = arith.constant 0 : i32
        %broadcast_in_dim3A_3573 = vector.broadcast %broadcast_in_dim3A_3572 : i32 to vector<16xi32>
        %ne3A_3574 = arith.cmpi ne, %and3A_3571, %broadcast_in_dim3A_3573 : vector<16xi32>
        %gt3A_3575 = arith.cmpf ogt, %gather3A_3568, %select_n3A_3513 : vector<16xf32>
        %and3A_3576 = arith.andi %ne3A_3574, %gt3A_3575 : vector<16xi1>
        %select_n3A_3577 = arith.select %and3A_3576, %gather3A_3568, %select_n3A_3513 : vector<16xi1>, vector<16xf32>
        %broadcast_in_dim3A_3578 = arith.constant 217 : i32
        %broadcast_in_dim3A_3579 = vector.broadcast %broadcast_in_dim3A_3578 : i32 to vector<16xi32>
        %select_n3A_3580 = arith.select %and3A_3576, %broadcast_in_dim3A_3579, %select_n3A_3516 : vector<16xi1>, vector<16xi32>
        %broadcast_in_dim3A_3581 = arith.constant 218 : i32
        %broadcast_in_dim3A_3582 = vector.broadcast %broadcast_in_dim3A_3581 : i32 to vector<16xi32>
        %add3A_3583 = arith.addi %mul3A_41, %broadcast_in_dim3A_3582 : vector<16xi32>
        %gather3A_3584 = tpu.vector_load_idx %arg9[%add3A_3583] : memref<16320xf32, #tpu.memory_space<vmem>>[vector<16xi32>], vector<16xf32>,
        %broadcast_in_dim3A_3585 = arith.constant 67108864 : i32
        %broadcast_in_dim3A_3586 = vector.broadcast %broadcast_in_dim3A_3585 : i32 to vector<16xi32>
        %and3A_3587 = arith.andi %gather3A_76, %broadcast_in_dim3A_3586 : vector<16xi32>
        %broadcast_in_dim3A_3588 = arith.constant 0 : i32
        %broadcast_in_dim3A_3589 = vector.broadcast %broadcast_in_dim3A_3588 : i32 to vector<16xi32>
        %ne3A_3590 = arith.cmpi ne, %and3A_3587, %broadcast_in_dim3A_3589 : vector<16xi32>
        %gt3A_3591 = arith.cmpf ogt, %gather3A_3584, %select_n3A_3529 : vector<16xf32>
        %and3A_3592 = arith.andi %ne3A_3590, %gt3A_3591 : vector<16xi1>
        %select_n3A_3593 = arith.select %and3A_3592, %gather3A_3584, %select_n3A_3529 : vector<16xi1>, vector<16xf32>
        %broadcast_in_dim3A_3594 = arith.constant 218 : i32
        %broadcast_in_dim3A_3595 = vector.broadcast %broadcast_in_dim3A_3594 : i32 to vector<16xi32>
        %select_n3A_3596 = arith.select %and3A_3592, %broadcast_in_dim3A_3595, %select_n3A_3532 : vector<16xi1>, vector<16xi32>
        %broadcast_in_dim3A_3597 = arith.constant 219 : i32
        %broadcast_in_dim3A_3598 = vector.broadcast %broadcast_in_dim3A_3597 : i32 to vector<16xi32>
        %add3A_3599 = arith.addi %mul3A_41, %broadcast_in_dim3A_3598 : vector<16xi32>
        %gather3A_3600 = tpu.vector_load_idx %arg9[%add3A_3599] : memref<16320xf32, #tpu.memory_space<vmem>>[vector<16xi32>], vector<16xf32>,
        %broadcast_in_dim3A_3601 = arith.constant 134217728 : i32
        %broadcast_in_dim3A_3602 = vector.broadcast %broadcast_in_dim3A_3601 : i32 to vector<16xi32>
        %and3A_3603 = arith.andi %gather3A_76, %broadcast_in_dim3A_3602 : vector<16xi32>
        %broadcast_in_dim3A_3604 = arith.constant 0 : i32
        %broadcast_in_dim3A_3605 = vector.broadcast %broadcast_in_dim3A_3604 : i32 to vector<16xi32>
        %ne3A_3606 = arith.cmpi ne, %and3A_3603, %broadcast_in_dim3A_3605 : vector<16xi32>
        %gt3A_3607 = arith.cmpf ogt, %gather3A_3600, %select_n3A_3545 : vector<16xf32>
        %and3A_3608 = arith.andi %ne3A_3606, %gt3A_3607 : vector<16xi1>
        %select_n3A_3609 = arith.select %and3A_3608, %gather3A_3600, %select_n3A_3545 : vector<16xi1>, vector<16xf32>
        %broadcast_in_dim3A_3610 = arith.constant 219 : i32
        %broadcast_in_dim3A_3611 = vector.broadcast %broadcast_in_dim3A_3610 : i32 to vector<16xi32>
        %select_n3A_3612 = arith.select %and3A_3608, %broadcast_in_dim3A_3611, %select_n3A_3548 : vector<16xi1>, vector<16xi32>
        %broadcast_in_dim3A_3613 = arith.constant 220 : i32
        %broadcast_in_dim3A_3614 = vector.broadcast %broadcast_in_dim3A_3613 : i32 to vector<16xi32>
        %add3A_3615 = arith.addi %mul3A_41, %broadcast_in_dim3A_3614 : vector<16xi32>
        %gather3A_3616 = tpu.vector_load_idx %arg9[%add3A_3615] : memref<16320xf32, #tpu.memory_space<vmem>>[vector<16xi32>], vector<16xf32>,
        %broadcast_in_dim3A_3617 = arith.constant 268435456 : i32
        %broadcast_in_dim3A_3618 = vector.broadcast %broadcast_in_dim3A_3617 : i32 to vector<16xi32>
        %and3A_3619 = arith.andi %gather3A_76, %broadcast_in_dim3A_3618 : vector<16xi32>
        %broadcast_in_dim3A_3620 = arith.constant 0 : i32
        %broadcast_in_dim3A_3621 = vector.broadcast %broadcast_in_dim3A_3620 : i32 to vector<16xi32>
        %ne3A_3622 = arith.cmpi ne, %and3A_3619, %broadcast_in_dim3A_3621 : vector<16xi32>
        %gt3A_3623 = arith.cmpf ogt, %gather3A_3616, %select_n3A_3561 : vector<16xf32>
        %and3A_3624 = arith.andi %ne3A_3622, %gt3A_3623 : vector<16xi1>
        %select_n3A_3625 = arith.select %and3A_3624, %gather3A_3616, %select_n3A_3561 : vector<16xi1>, vector<16xf32>
        %broadcast_in_dim3A_3626 = arith.constant 220 : i32
        %broadcast_in_dim3A_3627 = vector.broadcast %broadcast_in_dim3A_3626 : i32 to vector<16xi32>
        %select_n3A_3628 = arith.select %and3A_3624, %broadcast_in_dim3A_3627, %select_n3A_3564 : vector<16xi1>, vector<16xi32>
        %broadcast_in_dim3A_3629 = arith.constant 221 : i32
        %broadcast_in_dim3A_3630 = vector.broadcast %broadcast_in_dim3A_3629 : i32 to vector<16xi32>
        %add3A_3631 = arith.addi %mul3A_41, %broadcast_in_dim3A_3630 : vector<16xi32>
        %gather3A_3632 = tpu.vector_load_idx %arg9[%add3A_3631] : memref<16320xf32, #tpu.memory_space<vmem>>[vector<16xi32>], vector<16xf32>,
        %broadcast_in_dim3A_3633 = arith.constant 536870912 : i32
        %broadcast_in_dim3A_3634 = vector.broadcast %broadcast_in_dim3A_3633 : i32 to vector<16xi32>
        %and3A_3635 = arith.andi %gather3A_76, %broadcast_in_dim3A_3634 : vector<16xi32>
        %broadcast_in_dim3A_3636 = arith.constant 0 : i32
        %broadcast_in_dim3A_3637 = vector.broadcast %broadcast_in_dim3A_3636 : i32 to vector<16xi32>
        %ne3A_3638 = arith.cmpi ne, %and3A_3635, %broadcast_in_dim3A_3637 : vector<16xi32>
        %gt3A_3639 = arith.cmpf ogt, %gather3A_3632, %select_n3A_3577 : vector<16xf32>
        %and3A_3640 = arith.andi %ne3A_3638, %gt3A_3639 : vector<16xi1>
        %select_n3A_3641 = arith.select %and3A_3640, %gather3A_3632, %select_n3A_3577 : vector<16xi1>, vector<16xf32>
        %broadcast_in_dim3A_3642 = arith.constant 221 : i32
        %broadcast_in_dim3A_3643 = vector.broadcast %broadcast_in_dim3A_3642 : i32 to vector<16xi32>
        %select_n3A_3644 = arith.select %and3A_3640, %broadcast_in_dim3A_3643, %select_n3A_3580 : vector<16xi1>, vector<16xi32>
        %broadcast_in_dim3A_3645 = arith.constant 222 : i32
        %broadcast_in_dim3A_3646 = vector.broadcast %broadcast_in_dim3A_3645 : i32 to vector<16xi32>
        %add3A_3647 = arith.addi %mul3A_41, %broadcast_in_dim3A_3646 : vector<16xi32>
        %gather3A_3648 = tpu.vector_load_idx %arg9[%add3A_3647] : memref<16320xf32, #tpu.memory_space<vmem>>[vector<16xi32>], vector<16xf32>,
        %broadcast_in_dim3A_3649 = arith.constant 1073741824 : i32
        %broadcast_in_dim3A_3650 = vector.broadcast %broadcast_in_dim3A_3649 : i32 to vector<16xi32>
        %and3A_3651 = arith.andi %gather3A_76, %broadcast_in_dim3A_3650 : vector<16xi32>
        %broadcast_in_dim3A_3652 = arith.constant 0 : i32
        %broadcast_in_dim3A_3653 = vector.broadcast %broadcast_in_dim3A_3652 : i32 to vector<16xi32>
        %ne3A_3654 = arith.cmpi ne, %and3A_3651, %broadcast_in_dim3A_3653 : vector<16xi32>
        %gt3A_3655 = arith.cmpf ogt, %gather3A_3648, %select_n3A_3593 : vector<16xf32>
        %and3A_3656 = arith.andi %ne3A_3654, %gt3A_3655 : vector<16xi1>
        %select_n3A_3657 = arith.select %and3A_3656, %gather3A_3648, %select_n3A_3593 : vector<16xi1>, vector<16xf32>
        %broadcast_in_dim3A_3658 = arith.constant 222 : i32
        %broadcast_in_dim3A_3659 = vector.broadcast %broadcast_in_dim3A_3658 : i32 to vector<16xi32>
        %select_n3A_3660 = arith.select %and3A_3656, %broadcast_in_dim3A_3659, %select_n3A_3596 : vector<16xi1>, vector<16xi32>
        %broadcast_in_dim3A_3661 = arith.constant 223 : i32
        %broadcast_in_dim3A_3662 = vector.broadcast %broadcast_in_dim3A_3661 : i32 to vector<16xi32>
        %add3A_3663 = arith.addi %mul3A_41, %broadcast_in_dim3A_3662 : vector<16xi32>
        %gather3A_3664 = tpu.vector_load_idx %arg9[%add3A_3663] : memref<16320xf32, #tpu.memory_space<vmem>>[vector<16xi32>], vector<16xf32>,
        %broadcast_in_dim3A_3665 = arith.constant -2147483648 : i32
        %broadcast_in_dim3A_3666 = vector.broadcast %broadcast_in_dim3A_3665 : i32 to vector<16xi32>
        %and3A_3667 = arith.andi %gather3A_76, %broadcast_in_dim3A_3666 : vector<16xi32>
        %broadcast_in_dim3A_3668 = arith.constant 0 : i32
        %broadcast_in_dim3A_3669 = vector.broadcast %broadcast_in_dim3A_3668 : i32 to vector<16xi32>
        %ne3A_3670 = arith.cmpi ne, %and3A_3667, %broadcast_in_dim3A_3669 : vector<16xi32>
        %gt3A_3671 = arith.cmpf ogt, %gather3A_3664, %select_n3A_3609 : vector<16xf32>
        %and3A_3672 = arith.andi %ne3A_3670, %gt3A_3671 : vector<16xi1>
        %select_n3A_3673 = arith.select %and3A_3672, %gather3A_3664, %select_n3A_3609 : vector<16xi1>, vector<16xf32>
        %broadcast_in_dim3A_3674 = arith.constant 223 : i32
        %broadcast_in_dim3A_3675 = vector.broadcast %broadcast_in_dim3A_3674 : i32 to vector<16xi32>
        %select_n3A_3676 = arith.select %and3A_3672, %broadcast_in_dim3A_3675, %select_n3A_3612 : vector<16xi1>, vector<16xi32>
        %broadcast_in_dim3A_3677 = arith.constant 224 : i32
        %broadcast_in_dim3A_3678 = vector.broadcast %broadcast_in_dim3A_3677 : i32 to vector<16xi32>
        %add3A_3679 = arith.addi %mul3A_41, %broadcast_in_dim3A_3678 : vector<16xi32>
        %gather3A_3680 = tpu.vector_load_idx %arg9[%add3A_3679] : memref<16320xf32, #tpu.memory_space<vmem>>[vector<16xi32>], vector<16xf32>,
        %broadcast_in_dim3A_3681 = arith.constant 1 : i32
        %broadcast_in_dim3A_3682 = vector.broadcast %broadcast_in_dim3A_3681 : i32 to vector<16xi32>
        %and3A_3683 = arith.andi %gather3A_80, %broadcast_in_dim3A_3682 : vector<16xi32>
        %broadcast_in_dim3A_3684 = arith.constant 0 : i32
        %broadcast_in_dim3A_3685 = vector.broadcast %broadcast_in_dim3A_3684 : i32 to vector<16xi32>
        %ne3A_3686 = arith.cmpi ne, %and3A_3683, %broadcast_in_dim3A_3685 : vector<16xi32>
        %gt3A_3687 = arith.cmpf ogt, %gather3A_3680, %select_n3A_3625 : vector<16xf32>
        %and3A_3688 = arith.andi %ne3A_3686, %gt3A_3687 : vector<16xi1>
        %select_n3A_3689 = arith.select %and3A_3688, %gather3A_3680, %select_n3A_3625 : vector<16xi1>, vector<16xf32>
        %broadcast_in_dim3A_3690 = arith.constant 224 : i32
        %broadcast_in_dim3A_3691 = vector.broadcast %broadcast_in_dim3A_3690 : i32 to vector<16xi32>
        %select_n3A_3692 = arith.select %and3A_3688, %broadcast_in_dim3A_3691, %select_n3A_3628 : vector<16xi1>, vector<16xi32>
        %broadcast_in_dim3A_3693 = arith.constant 225 : i32
        %broadcast_in_dim3A_3694 = vector.broadcast %broadcast_in_dim3A_3693 : i32 to vector<16xi32>
        %add3A_3695 = arith.addi %mul3A_41, %broadcast_in_dim3A_3694 : vector<16xi32>
        %gather3A_3696 = tpu.vector_load_idx %arg9[%add3A_3695] : memref<16320xf32, #tpu.memory_space<vmem>>[vector<16xi32>], vector<16xf32>,
        %broadcast_in_dim3A_3697 = arith.constant 2 : i32
        %broadcast_in_dim3A_3698 = vector.broadcast %broadcast_in_dim3A_3697 : i32 to vector<16xi32>
        %and3A_3699 = arith.andi %gather3A_80, %broadcast_in_dim3A_3698 : vector<16xi32>
        %broadcast_in_dim3A_3700 = arith.constant 0 : i32
        %broadcast_in_dim3A_3701 = vector.broadcast %broadcast_in_dim3A_3700 : i32 to vector<16xi32>
        %ne3A_3702 = arith.cmpi ne, %and3A_3699, %broadcast_in_dim3A_3701 : vector<16xi32>
        %gt3A_3703 = arith.cmpf ogt, %gather3A_3696, %select_n3A_3641 : vector<16xf32>
        %and3A_3704 = arith.andi %ne3A_3702, %gt3A_3703 : vector<16xi1>
        %select_n3A_3705 = arith.select %and3A_3704, %gather3A_3696, %select_n3A_3641 : vector<16xi1>, vector<16xf32>
        %broadcast_in_dim3A_3706 = arith.constant 225 : i32
        %broadcast_in_dim3A_3707 = vector.broadcast %broadcast_in_dim3A_3706 : i32 to vector<16xi32>
        %select_n3A_3708 = arith.select %and3A_3704, %broadcast_in_dim3A_3707, %select_n3A_3644 : vector<16xi1>, vector<16xi32>
        %broadcast_in_dim3A_3709 = arith.constant 226 : i32
        %broadcast_in_dim3A_3710 = vector.broadcast %broadcast_in_dim3A_3709 : i32 to vector<16xi32>
        %add3A_3711 = arith.addi %mul3A_41, %broadcast_in_dim3A_3710 : vector<16xi32>
        %gather3A_3712 = tpu.vector_load_idx %arg9[%add3A_3711] : memref<16320xf32, #tpu.memory_space<vmem>>[vector<16xi32>], vector<16xf32>,
        %broadcast_in_dim3A_3713 = arith.constant 4 : i32
        %broadcast_in_dim3A_3714 = vector.broadcast %broadcast_in_dim3A_3713 : i32 to vector<16xi32>
        %and3A_3715 = arith.andi %gather3A_80, %broadcast_in_dim3A_3714 : vector<16xi32>
        %broadcast_in_dim3A_3716 = arith.constant 0 : i32
        %broadcast_in_dim3A_3717 = vector.broadcast %broadcast_in_dim3A_3716 : i32 to vector<16xi32>
        %ne3A_3718 = arith.cmpi ne, %and3A_3715, %broadcast_in_dim3A_3717 : vector<16xi32>
        %gt3A_3719 = arith.cmpf ogt, %gather3A_3712, %select_n3A_3657 : vector<16xf32>
        %and3A_3720 = arith.andi %ne3A_3718, %gt3A_3719 : vector<16xi1>
        %select_n3A_3721 = arith.select %and3A_3720, %gather3A_3712, %select_n3A_3657 : vector<16xi1>, vector<16xf32>
        %broadcast_in_dim3A_3722 = arith.constant 226 : i32
        %broadcast_in_dim3A_3723 = vector.broadcast %broadcast_in_dim3A_3722 : i32 to vector<16xi32>
        %select_n3A_3724 = arith.select %and3A_3720, %broadcast_in_dim3A_3723, %select_n3A_3660 : vector<16xi1>, vector<16xi32>
        %broadcast_in_dim3A_3725 = arith.constant 227 : i32
        %broadcast_in_dim3A_3726 = vector.broadcast %broadcast_in_dim3A_3725 : i32 to vector<16xi32>
        %add3A_3727 = arith.addi %mul3A_41, %broadcast_in_dim3A_3726 : vector<16xi32>
        %gather3A_3728 = tpu.vector_load_idx %arg9[%add3A_3727] : memref<16320xf32, #tpu.memory_space<vmem>>[vector<16xi32>], vector<16xf32>,
        %broadcast_in_dim3A_3729 = arith.constant 8 : i32
        %broadcast_in_dim3A_3730 = vector.broadcast %broadcast_in_dim3A_3729 : i32 to vector<16xi32>
        %and3A_3731 = arith.andi %gather3A_80, %broadcast_in_dim3A_3730 : vector<16xi32>
        %broadcast_in_dim3A_3732 = arith.constant 0 : i32
        %broadcast_in_dim3A_3733 = vector.broadcast %broadcast_in_dim3A_3732 : i32 to vector<16xi32>
        %ne3A_3734 = arith.cmpi ne, %and3A_3731, %broadcast_in_dim3A_3733 : vector<16xi32>
        %gt3A_3735 = arith.cmpf ogt, %gather3A_3728, %select_n3A_3673 : vector<16xf32>
        %and3A_3736 = arith.andi %ne3A_3734, %gt3A_3735 : vector<16xi1>
        %select_n3A_3737 = arith.select %and3A_3736, %gather3A_3728, %select_n3A_3673 : vector<16xi1>, vector<16xf32>
        %broadcast_in_dim3A_3738 = arith.constant 227 : i32
        %broadcast_in_dim3A_3739 = vector.broadcast %broadcast_in_dim3A_3738 : i32 to vector<16xi32>
        %select_n3A_3740 = arith.select %and3A_3736, %broadcast_in_dim3A_3739, %select_n3A_3676 : vector<16xi1>, vector<16xi32>
        %broadcast_in_dim3A_3741 = arith.constant 228 : i32
        %broadcast_in_dim3A_3742 = vector.broadcast %broadcast_in_dim3A_3741 : i32 to vector<16xi32>
        %add3A_3743 = arith.addi %mul3A_41, %broadcast_in_dim3A_3742 : vector<16xi32>
        %gather3A_3744 = tpu.vector_load_idx %arg9[%add3A_3743] : memref<16320xf32, #tpu.memory_space<vmem>>[vector<16xi32>], vector<16xf32>,
        %broadcast_in_dim3A_3745 = arith.constant 16 : i32
        %broadcast_in_dim3A_3746 = vector.broadcast %broadcast_in_dim3A_3745 : i32 to vector<16xi32>
        %and3A_3747 = arith.andi %gather3A_80, %broadcast_in_dim3A_3746 : vector<16xi32>
        %broadcast_in_dim3A_3748 = arith.constant 0 : i32
        %broadcast_in_dim3A_3749 = vector.broadcast %broadcast_in_dim3A_3748 : i32 to vector<16xi32>
        %ne3A_3750 = arith.cmpi ne, %and3A_3747, %broadcast_in_dim3A_3749 : vector<16xi32>
        %gt3A_3751 = arith.cmpf ogt, %gather3A_3744, %select_n3A_3689 : vector<16xf32>
        %and3A_3752 = arith.andi %ne3A_3750, %gt3A_3751 : vector<16xi1>
        %select_n3A_3753 = arith.select %and3A_3752, %gather3A_3744, %select_n3A_3689 : vector<16xi1>, vector<16xf32>
        %broadcast_in_dim3A_3754 = arith.constant 228 : i32
        %broadcast_in_dim3A_3755 = vector.broadcast %broadcast_in_dim3A_3754 : i32 to vector<16xi32>
        %select_n3A_3756 = arith.select %and3A_3752, %broadcast_in_dim3A_3755, %select_n3A_3692 : vector<16xi1>, vector<16xi32>
        %broadcast_in_dim3A_3757 = arith.constant 229 : i32
        %broadcast_in_dim3A_3758 = vector.broadcast %broadcast_in_dim3A_3757 : i32 to vector<16xi32>
        %add3A_3759 = arith.addi %mul3A_41, %broadcast_in_dim3A_3758 : vector<16xi32>
        %gather3A_3760 = tpu.vector_load_idx %arg9[%add3A_3759] : memref<16320xf32, #tpu.memory_space<vmem>>[vector<16xi32>], vector<16xf32>,
        %broadcast_in_dim3A_3761 = arith.constant 32 : i32
        %broadcast_in_dim3A_3762 = vector.broadcast %broadcast_in_dim3A_3761 : i32 to vector<16xi32>
        %and3A_3763 = arith.andi %gather3A_80, %broadcast_in_dim3A_3762 : vector<16xi32>
        %broadcast_in_dim3A_3764 = arith.constant 0 : i32
        %broadcast_in_dim3A_3765 = vector.broadcast %broadcast_in_dim3A_3764 : i32 to vector<16xi32>
        %ne3A_3766 = arith.cmpi ne, %and3A_3763, %broadcast_in_dim3A_3765 : vector<16xi32>
        %gt3A_3767 = arith.cmpf ogt, %gather3A_3760, %select_n3A_3705 : vector<16xf32>
        %and3A_3768 = arith.andi %ne3A_3766, %gt3A_3767 : vector<16xi1>
        %select_n3A_3769 = arith.select %and3A_3768, %gather3A_3760, %select_n3A_3705 : vector<16xi1>, vector<16xf32>
        %broadcast_in_dim3A_3770 = arith.constant 229 : i32
        %broadcast_in_dim3A_3771 = vector.broadcast %broadcast_in_dim3A_3770 : i32 to vector<16xi32>
        %select_n3A_3772 = arith.select %and3A_3768, %broadcast_in_dim3A_3771, %select_n3A_3708 : vector<16xi1>, vector<16xi32>
        %broadcast_in_dim3A_3773 = arith.constant 230 : i32
        %broadcast_in_dim3A_3774 = vector.broadcast %broadcast_in_dim3A_3773 : i32 to vector<16xi32>
        %add3A_3775 = arith.addi %mul3A_41, %broadcast_in_dim3A_3774 : vector<16xi32>
        %gather3A_3776 = tpu.vector_load_idx %arg9[%add3A_3775] : memref<16320xf32, #tpu.memory_space<vmem>>[vector<16xi32>], vector<16xf32>,
        %broadcast_in_dim3A_3777 = arith.constant 64 : i32
        %broadcast_in_dim3A_3778 = vector.broadcast %broadcast_in_dim3A_3777 : i32 to vector<16xi32>
        %and3A_3779 = arith.andi %gather3A_80, %broadcast_in_dim3A_3778 : vector<16xi32>
        %broadcast_in_dim3A_3780 = arith.constant 0 : i32
        %broadcast_in_dim3A_3781 = vector.broadcast %broadcast_in_dim3A_3780 : i32 to vector<16xi32>
        %ne3A_3782 = arith.cmpi ne, %and3A_3779, %broadcast_in_dim3A_3781 : vector<16xi32>
        %gt3A_3783 = arith.cmpf ogt, %gather3A_3776, %select_n3A_3721 : vector<16xf32>
        %and3A_3784 = arith.andi %ne3A_3782, %gt3A_3783 : vector<16xi1>
        %select_n3A_3785 = arith.select %and3A_3784, %gather3A_3776, %select_n3A_3721 : vector<16xi1>, vector<16xf32>
        %broadcast_in_dim3A_3786 = arith.constant 230 : i32
        %broadcast_in_dim3A_3787 = vector.broadcast %broadcast_in_dim3A_3786 : i32 to vector<16xi32>
        %select_n3A_3788 = arith.select %and3A_3784, %broadcast_in_dim3A_3787, %select_n3A_3724 : vector<16xi1>, vector<16xi32>
        %broadcast_in_dim3A_3789 = arith.constant 231 : i32
        %broadcast_in_dim3A_3790 = vector.broadcast %broadcast_in_dim3A_3789 : i32 to vector<16xi32>
        %add3A_3791 = arith.addi %mul3A_41, %broadcast_in_dim3A_3790 : vector<16xi32>
        %gather3A_3792 = tpu.vector_load_idx %arg9[%add3A_3791] : memref<16320xf32, #tpu.memory_space<vmem>>[vector<16xi32>], vector<16xf32>,
        %broadcast_in_dim3A_3793 = arith.constant 128 : i32
        %broadcast_in_dim3A_3794 = vector.broadcast %broadcast_in_dim3A_3793 : i32 to vector<16xi32>
        %and3A_3795 = arith.andi %gather3A_80, %broadcast_in_dim3A_3794 : vector<16xi32>
        %broadcast_in_dim3A_3796 = arith.constant 0 : i32
        %broadcast_in_dim3A_3797 = vector.broadcast %broadcast_in_dim3A_3796 : i32 to vector<16xi32>
        %ne3A_3798 = arith.cmpi ne, %and3A_3795, %broadcast_in_dim3A_3797 : vector<16xi32>
        %gt3A_3799 = arith.cmpf ogt, %gather3A_3792, %select_n3A_3737 : vector<16xf32>
        %and3A_3800 = arith.andi %ne3A_3798, %gt3A_3799 : vector<16xi1>
        %select_n3A_3801 = arith.select %and3A_3800, %gather3A_3792, %select_n3A_3737 : vector<16xi1>, vector<16xf32>
        %broadcast_in_dim3A_3802 = arith.constant 231 : i32
        %broadcast_in_dim3A_3803 = vector.broadcast %broadcast_in_dim3A_3802 : i32 to vector<16xi32>
        %select_n3A_3804 = arith.select %and3A_3800, %broadcast_in_dim3A_3803, %select_n3A_3740 : vector<16xi1>, vector<16xi32>
        %broadcast_in_dim3A_3805 = arith.constant 232 : i32
        %broadcast_in_dim3A_3806 = vector.broadcast %broadcast_in_dim3A_3805 : i32 to vector<16xi32>
        %add3A_3807 = arith.addi %mul3A_41, %broadcast_in_dim3A_3806 : vector<16xi32>
        %gather3A_3808 = tpu.vector_load_idx %arg9[%add3A_3807] : memref<16320xf32, #tpu.memory_space<vmem>>[vector<16xi32>], vector<16xf32>,
        %broadcast_in_dim3A_3809 = arith.constant 256 : i32
        %broadcast_in_dim3A_3810 = vector.broadcast %broadcast_in_dim3A_3809 : i32 to vector<16xi32>
        %and3A_3811 = arith.andi %gather3A_80, %broadcast_in_dim3A_3810 : vector<16xi32>
        %broadcast_in_dim3A_3812 = arith.constant 0 : i32
        %broadcast_in_dim3A_3813 = vector.broadcast %broadcast_in_dim3A_3812 : i32 to vector<16xi32>
        %ne3A_3814 = arith.cmpi ne, %and3A_3811, %broadcast_in_dim3A_3813 : vector<16xi32>
        %gt3A_3815 = arith.cmpf ogt, %gather3A_3808, %select_n3A_3753 : vector<16xf32>
        %and3A_3816 = arith.andi %ne3A_3814, %gt3A_3815 : vector<16xi1>
        %select_n3A_3817 = arith.select %and3A_3816, %gather3A_3808, %select_n3A_3753 : vector<16xi1>, vector<16xf32>
        %broadcast_in_dim3A_3818 = arith.constant 232 : i32
        %broadcast_in_dim3A_3819 = vector.broadcast %broadcast_in_dim3A_3818 : i32 to vector<16xi32>
        %select_n3A_3820 = arith.select %and3A_3816, %broadcast_in_dim3A_3819, %select_n3A_3756 : vector<16xi1>, vector<16xi32>
        %broadcast_in_dim3A_3821 = arith.constant 233 : i32
        %broadcast_in_dim3A_3822 = vector.broadcast %broadcast_in_dim3A_3821 : i32 to vector<16xi32>
        %add3A_3823 = arith.addi %mul3A_41, %broadcast_in_dim3A_3822 : vector<16xi32>
        %gather3A_3824 = tpu.vector_load_idx %arg9[%add3A_3823] : memref<16320xf32, #tpu.memory_space<vmem>>[vector<16xi32>], vector<16xf32>,
        %broadcast_in_dim3A_3825 = arith.constant 512 : i32
        %broadcast_in_dim3A_3826 = vector.broadcast %broadcast_in_dim3A_3825 : i32 to vector<16xi32>
        %and3A_3827 = arith.andi %gather3A_80, %broadcast_in_dim3A_3826 : vector<16xi32>
        %broadcast_in_dim3A_3828 = arith.constant 0 : i32
        %broadcast_in_dim3A_3829 = vector.broadcast %broadcast_in_dim3A_3828 : i32 to vector<16xi32>
        %ne3A_3830 = arith.cmpi ne, %and3A_3827, %broadcast_in_dim3A_3829 : vector<16xi32>
        %gt3A_3831 = arith.cmpf ogt, %gather3A_3824, %select_n3A_3769 : vector<16xf32>
        %and3A_3832 = arith.andi %ne3A_3830, %gt3A_3831 : vector<16xi1>
        %select_n3A_3833 = arith.select %and3A_3832, %gather3A_3824, %select_n3A_3769 : vector<16xi1>, vector<16xf32>
        %broadcast_in_dim3A_3834 = arith.constant 233 : i32
        %broadcast_in_dim3A_3835 = vector.broadcast %broadcast_in_dim3A_3834 : i32 to vector<16xi32>
        %select_n3A_3836 = arith.select %and3A_3832, %broadcast_in_dim3A_3835, %select_n3A_3772 : vector<16xi1>, vector<16xi32>
        %broadcast_in_dim3A_3837 = arith.constant 234 : i32
        %broadcast_in_dim3A_3838 = vector.broadcast %broadcast_in_dim3A_3837 : i32 to vector<16xi32>
        %add3A_3839 = arith.addi %mul3A_41, %broadcast_in_dim3A_3838 : vector<16xi32>
        %gather3A_3840 = tpu.vector_load_idx %arg9[%add3A_3839] : memref<16320xf32, #tpu.memory_space<vmem>>[vector<16xi32>], vector<16xf32>,
        %broadcast_in_dim3A_3841 = arith.constant 1024 : i32
        %broadcast_in_dim3A_3842 = vector.broadcast %broadcast_in_dim3A_3841 : i32 to vector<16xi32>
        %and3A_3843 = arith.andi %gather3A_80, %broadcast_in_dim3A_3842 : vector<16xi32>
        %broadcast_in_dim3A_3844 = arith.constant 0 : i32
        %broadcast_in_dim3A_3845 = vector.broadcast %broadcast_in_dim3A_3844 : i32 to vector<16xi32>
        %ne3A_3846 = arith.cmpi ne, %and3A_3843, %broadcast_in_dim3A_3845 : vector<16xi32>
        %gt3A_3847 = arith.cmpf ogt, %gather3A_3840, %select_n3A_3785 : vector<16xf32>
        %and3A_3848 = arith.andi %ne3A_3846, %gt3A_3847 : vector<16xi1>
        %select_n3A_3849 = arith.select %and3A_3848, %gather3A_3840, %select_n3A_3785 : vector<16xi1>, vector<16xf32>
        %broadcast_in_dim3A_3850 = arith.constant 234 : i32
        %broadcast_in_dim3A_3851 = vector.broadcast %broadcast_in_dim3A_3850 : i32 to vector<16xi32>
        %select_n3A_3852 = arith.select %and3A_3848, %broadcast_in_dim3A_3851, %select_n3A_3788 : vector<16xi1>, vector<16xi32>
        %broadcast_in_dim3A_3853 = arith.constant 235 : i32
        %broadcast_in_dim3A_3854 = vector.broadcast %broadcast_in_dim3A_3853 : i32 to vector<16xi32>
        %add3A_3855 = arith.addi %mul3A_41, %broadcast_in_dim3A_3854 : vector<16xi32>
        %gather3A_3856 = tpu.vector_load_idx %arg9[%add3A_3855] : memref<16320xf32, #tpu.memory_space<vmem>>[vector<16xi32>], vector<16xf32>,
        %broadcast_in_dim3A_3857 = arith.constant 2048 : i32
        %broadcast_in_dim3A_3858 = vector.broadcast %broadcast_in_dim3A_3857 : i32 to vector<16xi32>
        %and3A_3859 = arith.andi %gather3A_80, %broadcast_in_dim3A_3858 : vector<16xi32>
        %broadcast_in_dim3A_3860 = arith.constant 0 : i32
        %broadcast_in_dim3A_3861 = vector.broadcast %broadcast_in_dim3A_3860 : i32 to vector<16xi32>
        %ne3A_3862 = arith.cmpi ne, %and3A_3859, %broadcast_in_dim3A_3861 : vector<16xi32>
        %gt3A_3863 = arith.cmpf ogt, %gather3A_3856, %select_n3A_3801 : vector<16xf32>
        %and3A_3864 = arith.andi %ne3A_3862, %gt3A_3863 : vector<16xi1>
        %select_n3A_3865 = arith.select %and3A_3864, %gather3A_3856, %select_n3A_3801 : vector<16xi1>, vector<16xf32>
        %broadcast_in_dim3A_3866 = arith.constant 235 : i32
        %broadcast_in_dim3A_3867 = vector.broadcast %broadcast_in_dim3A_3866 : i32 to vector<16xi32>
        %select_n3A_3868 = arith.select %and3A_3864, %broadcast_in_dim3A_3867, %select_n3A_3804 : vector<16xi1>, vector<16xi32>
        %broadcast_in_dim3A_3869 = arith.constant 236 : i32
        %broadcast_in_dim3A_3870 = vector.broadcast %broadcast_in_dim3A_3869 : i32 to vector<16xi32>
        %add3A_3871 = arith.addi %mul3A_41, %broadcast_in_dim3A_3870 : vector<16xi32>
        %gather3A_3872 = tpu.vector_load_idx %arg9[%add3A_3871] : memref<16320xf32, #tpu.memory_space<vmem>>[vector<16xi32>], vector<16xf32>,
        %broadcast_in_dim3A_3873 = arith.constant 4096 : i32
        %broadcast_in_dim3A_3874 = vector.broadcast %broadcast_in_dim3A_3873 : i32 to vector<16xi32>
        %and3A_3875 = arith.andi %gather3A_80, %broadcast_in_dim3A_3874 : vector<16xi32>
        %broadcast_in_dim3A_3876 = arith.constant 0 : i32
        %broadcast_in_dim3A_3877 = vector.broadcast %broadcast_in_dim3A_3876 : i32 to vector<16xi32>
        %ne3A_3878 = arith.cmpi ne, %and3A_3875, %broadcast_in_dim3A_3877 : vector<16xi32>
        %gt3A_3879 = arith.cmpf ogt, %gather3A_3872, %select_n3A_3817 : vector<16xf32>
        %and3A_3880 = arith.andi %ne3A_3878, %gt3A_3879 : vector<16xi1>
        %select_n3A_3881 = arith.select %and3A_3880, %gather3A_3872, %select_n3A_3817 : vector<16xi1>, vector<16xf32>
        %broadcast_in_dim3A_3882 = arith.constant 236 : i32
        %broadcast_in_dim3A_3883 = vector.broadcast %broadcast_in_dim3A_3882 : i32 to vector<16xi32>
        %select_n3A_3884 = arith.select %and3A_3880, %broadcast_in_dim3A_3883, %select_n3A_3820 : vector<16xi1>, vector<16xi32>
        %broadcast_in_dim3A_3885 = arith.constant 237 : i32
        %broadcast_in_dim3A_3886 = vector.broadcast %broadcast_in_dim3A_3885 : i32 to vector<16xi32>
        %add3A_3887 = arith.addi %mul3A_41, %broadcast_in_dim3A_3886 : vector<16xi32>
        %gather3A_3888 = tpu.vector_load_idx %arg9[%add3A_3887] : memref<16320xf32, #tpu.memory_space<vmem>>[vector<16xi32>], vector<16xf32>,
        %broadcast_in_dim3A_3889 = arith.constant 8192 : i32
        %broadcast_in_dim3A_3890 = vector.broadcast %broadcast_in_dim3A_3889 : i32 to vector<16xi32>
        %and3A_3891 = arith.andi %gather3A_80, %broadcast_in_dim3A_3890 : vector<16xi32>
        %broadcast_in_dim3A_3892 = arith.constant 0 : i32
        %broadcast_in_dim3A_3893 = vector.broadcast %broadcast_in_dim3A_3892 : i32 to vector<16xi32>
        %ne3A_3894 = arith.cmpi ne, %and3A_3891, %broadcast_in_dim3A_3893 : vector<16xi32>
        %gt3A_3895 = arith.cmpf ogt, %gather3A_3888, %select_n3A_3833 : vector<16xf32>
        %and3A_3896 = arith.andi %ne3A_3894, %gt3A_3895 : vector<16xi1>
        %select_n3A_3897 = arith.select %and3A_3896, %gather3A_3888, %select_n3A_3833 : vector<16xi1>, vector<16xf32>
        %broadcast_in_dim3A_3898 = arith.constant 237 : i32
        %broadcast_in_dim3A_3899 = vector.broadcast %broadcast_in_dim3A_3898 : i32 to vector<16xi32>
        %select_n3A_3900 = arith.select %and3A_3896, %broadcast_in_dim3A_3899, %select_n3A_3836 : vector<16xi1>, vector<16xi32>
        %broadcast_in_dim3A_3901 = arith.constant 238 : i32
        %broadcast_in_dim3A_3902 = vector.broadcast %broadcast_in_dim3A_3901 : i32 to vector<16xi32>
        %add3A_3903 = arith.addi %mul3A_41, %broadcast_in_dim3A_3902 : vector<16xi32>
        %gather3A_3904 = tpu.vector_load_idx %arg9[%add3A_3903] : memref<16320xf32, #tpu.memory_space<vmem>>[vector<16xi32>], vector<16xf32>,
        %broadcast_in_dim3A_3905 = arith.constant 16384 : i32
        %broadcast_in_dim3A_3906 = vector.broadcast %broadcast_in_dim3A_3905 : i32 to vector<16xi32>
        %and3A_3907 = arith.andi %gather3A_80, %broadcast_in_dim3A_3906 : vector<16xi32>
        %broadcast_in_dim3A_3908 = arith.constant 0 : i32
        %broadcast_in_dim3A_3909 = vector.broadcast %broadcast_in_dim3A_3908 : i32 to vector<16xi32>
        %ne3A_3910 = arith.cmpi ne, %and3A_3907, %broadcast_in_dim3A_3909 : vector<16xi32>
        %gt3A_3911 = arith.cmpf ogt, %gather3A_3904, %select_n3A_3849 : vector<16xf32>
        %and3A_3912 = arith.andi %ne3A_3910, %gt3A_3911 : vector<16xi1>
        %select_n3A_3913 = arith.select %and3A_3912, %gather3A_3904, %select_n3A_3849 : vector<16xi1>, vector<16xf32>
        %broadcast_in_dim3A_3914 = arith.constant 238 : i32
        %broadcast_in_dim3A_3915 = vector.broadcast %broadcast_in_dim3A_3914 : i32 to vector<16xi32>
        %select_n3A_3916 = arith.select %and3A_3912, %broadcast_in_dim3A_3915, %select_n3A_3852 : vector<16xi1>, vector<16xi32>
        %broadcast_in_dim3A_3917 = arith.constant 239 : i32
        %broadcast_in_dim3A_3918 = vector.broadcast %broadcast_in_dim3A_3917 : i32 to vector<16xi32>
        %add3A_3919 = arith.addi %mul3A_41, %broadcast_in_dim3A_3918 : vector<16xi32>
        %gather3A_3920 = tpu.vector_load_idx %arg9[%add3A_3919] : memref<16320xf32, #tpu.memory_space<vmem>>[vector<16xi32>], vector<16xf32>,
        %broadcast_in_dim3A_3921 = arith.constant 32768 : i32
        %broadcast_in_dim3A_3922 = vector.broadcast %broadcast_in_dim3A_3921 : i32 to vector<16xi32>
        %and3A_3923 = arith.andi %gather3A_80, %broadcast_in_dim3A_3922 : vector<16xi32>
        %broadcast_in_dim3A_3924 = arith.constant 0 : i32
        %broadcast_in_dim3A_3925 = vector.broadcast %broadcast_in_dim3A_3924 : i32 to vector<16xi32>
        %ne3A_3926 = arith.cmpi ne, %and3A_3923, %broadcast_in_dim3A_3925 : vector<16xi32>
        %gt3A_3927 = arith.cmpf ogt, %gather3A_3920, %select_n3A_3865 : vector<16xf32>
        %and3A_3928 = arith.andi %ne3A_3926, %gt3A_3927 : vector<16xi1>
        %select_n3A_3929 = arith.select %and3A_3928, %gather3A_3920, %select_n3A_3865 : vector<16xi1>, vector<16xf32>
        %broadcast_in_dim3A_3930 = arith.constant 239 : i32
        %broadcast_in_dim3A_3931 = vector.broadcast %broadcast_in_dim3A_3930 : i32 to vector<16xi32>
        %select_n3A_3932 = arith.select %and3A_3928, %broadcast_in_dim3A_3931, %select_n3A_3868 : vector<16xi1>, vector<16xi32>
        %broadcast_in_dim3A_3933 = arith.constant 240 : i32
        %broadcast_in_dim3A_3934 = vector.broadcast %broadcast_in_dim3A_3933 : i32 to vector<16xi32>
        %add3A_3935 = arith.addi %mul3A_41, %broadcast_in_dim3A_3934 : vector<16xi32>
        %gather3A_3936 = tpu.vector_load_idx %arg9[%add3A_3935] : memref<16320xf32, #tpu.memory_space<vmem>>[vector<16xi32>], vector<16xf32>,
        %broadcast_in_dim3A_3937 = arith.constant 65536 : i32
        %broadcast_in_dim3A_3938 = vector.broadcast %broadcast_in_dim3A_3937 : i32 to vector<16xi32>
        %and3A_3939 = arith.andi %gather3A_80, %broadcast_in_dim3A_3938 : vector<16xi32>
        %broadcast_in_dim3A_3940 = arith.constant 0 : i32
        %broadcast_in_dim3A_3941 = vector.broadcast %broadcast_in_dim3A_3940 : i32 to vector<16xi32>
        %ne3A_3942 = arith.cmpi ne, %and3A_3939, %broadcast_in_dim3A_3941 : vector<16xi32>
        %gt3A_3943 = arith.cmpf ogt, %gather3A_3936, %select_n3A_3881 : vector<16xf32>
        %and3A_3944 = arith.andi %ne3A_3942, %gt3A_3943 : vector<16xi1>
        %select_n3A_3945 = arith.select %and3A_3944, %gather3A_3936, %select_n3A_3881 : vector<16xi1>, vector<16xf32>
        %broadcast_in_dim3A_3946 = arith.constant 240 : i32
        %broadcast_in_dim3A_3947 = vector.broadcast %broadcast_in_dim3A_3946 : i32 to vector<16xi32>
        %select_n3A_3948 = arith.select %and3A_3944, %broadcast_in_dim3A_3947, %select_n3A_3884 : vector<16xi1>, vector<16xi32>
        %broadcast_in_dim3A_3949 = arith.constant 241 : i32
        %broadcast_in_dim3A_3950 = vector.broadcast %broadcast_in_dim3A_3949 : i32 to vector<16xi32>
        %add3A_3951 = arith.addi %mul3A_41, %broadcast_in_dim3A_3950 : vector<16xi32>
        %gather3A_3952 = tpu.vector_load_idx %arg9[%add3A_3951] : memref<16320xf32, #tpu.memory_space<vmem>>[vector<16xi32>], vector<16xf32>,
        %broadcast_in_dim3A_3953 = arith.constant 131072 : i32
        %broadcast_in_dim3A_3954 = vector.broadcast %broadcast_in_dim3A_3953 : i32 to vector<16xi32>
        %and3A_3955 = arith.andi %gather3A_80, %broadcast_in_dim3A_3954 : vector<16xi32>
        %broadcast_in_dim3A_3956 = arith.constant 0 : i32
        %broadcast_in_dim3A_3957 = vector.broadcast %broadcast_in_dim3A_3956 : i32 to vector<16xi32>
        %ne3A_3958 = arith.cmpi ne, %and3A_3955, %broadcast_in_dim3A_3957 : vector<16xi32>
        %gt3A_3959 = arith.cmpf ogt, %gather3A_3952, %select_n3A_3897 : vector<16xf32>
        %and3A_3960 = arith.andi %ne3A_3958, %gt3A_3959 : vector<16xi1>
        %select_n3A_3961 = arith.select %and3A_3960, %gather3A_3952, %select_n3A_3897 : vector<16xi1>, vector<16xf32>
        %broadcast_in_dim3A_3962 = arith.constant 241 : i32
        %broadcast_in_dim3A_3963 = vector.broadcast %broadcast_in_dim3A_3962 : i32 to vector<16xi32>
        %select_n3A_3964 = arith.select %and3A_3960, %broadcast_in_dim3A_3963, %select_n3A_3900 : vector<16xi1>, vector<16xi32>
        %broadcast_in_dim3A_3965 = arith.constant 242 : i32
        %broadcast_in_dim3A_3966 = vector.broadcast %broadcast_in_dim3A_3965 : i32 to vector<16xi32>
        %add3A_3967 = arith.addi %mul3A_41, %broadcast_in_dim3A_3966 : vector<16xi32>
        %gather3A_3968 = tpu.vector_load_idx %arg9[%add3A_3967] : memref<16320xf32, #tpu.memory_space<vmem>>[vector<16xi32>], vector<16xf32>,
        %broadcast_in_dim3A_3969 = arith.constant 262144 : i32
        %broadcast_in_dim3A_3970 = vector.broadcast %broadcast_in_dim3A_3969 : i32 to vector<16xi32>
        %and3A_3971 = arith.andi %gather3A_80, %broadcast_in_dim3A_3970 : vector<16xi32>
        %broadcast_in_dim3A_3972 = arith.constant 0 : i32
        %broadcast_in_dim3A_3973 = vector.broadcast %broadcast_in_dim3A_3972 : i32 to vector<16xi32>
        %ne3A_3974 = arith.cmpi ne, %and3A_3971, %broadcast_in_dim3A_3973 : vector<16xi32>
        %gt3A_3975 = arith.cmpf ogt, %gather3A_3968, %select_n3A_3913 : vector<16xf32>
        %and3A_3976 = arith.andi %ne3A_3974, %gt3A_3975 : vector<16xi1>
        %select_n3A_3977 = arith.select %and3A_3976, %gather3A_3968, %select_n3A_3913 : vector<16xi1>, vector<16xf32>
        %broadcast_in_dim3A_3978 = arith.constant 242 : i32
        %broadcast_in_dim3A_3979 = vector.broadcast %broadcast_in_dim3A_3978 : i32 to vector<16xi32>
        %select_n3A_3980 = arith.select %and3A_3976, %broadcast_in_dim3A_3979, %select_n3A_3916 : vector<16xi1>, vector<16xi32>
        %broadcast_in_dim3A_3981 = arith.constant 243 : i32
        %broadcast_in_dim3A_3982 = vector.broadcast %broadcast_in_dim3A_3981 : i32 to vector<16xi32>
        %add3A_3983 = arith.addi %mul3A_41, %broadcast_in_dim3A_3982 : vector<16xi32>
        %gather3A_3984 = tpu.vector_load_idx %arg9[%add3A_3983] : memref<16320xf32, #tpu.memory_space<vmem>>[vector<16xi32>], vector<16xf32>,
        %broadcast_in_dim3A_3985 = arith.constant 524288 : i32
        %broadcast_in_dim3A_3986 = vector.broadcast %broadcast_in_dim3A_3985 : i32 to vector<16xi32>
        %and3A_3987 = arith.andi %gather3A_80, %broadcast_in_dim3A_3986 : vector<16xi32>
        %broadcast_in_dim3A_3988 = arith.constant 0 : i32
        %broadcast_in_dim3A_3989 = vector.broadcast %broadcast_in_dim3A_3988 : i32 to vector<16xi32>
        %ne3A_3990 = arith.cmpi ne, %and3A_3987, %broadcast_in_dim3A_3989 : vector<16xi32>
        %gt3A_3991 = arith.cmpf ogt, %gather3A_3984, %select_n3A_3929 : vector<16xf32>
        %and3A_3992 = arith.andi %ne3A_3990, %gt3A_3991 : vector<16xi1>
        %select_n3A_3993 = arith.select %and3A_3992, %gather3A_3984, %select_n3A_3929 : vector<16xi1>, vector<16xf32>
        %broadcast_in_dim3A_3994 = arith.constant 243 : i32
        %broadcast_in_dim3A_3995 = vector.broadcast %broadcast_in_dim3A_3994 : i32 to vector<16xi32>
        %select_n3A_3996 = arith.select %and3A_3992, %broadcast_in_dim3A_3995, %select_n3A_3932 : vector<16xi1>, vector<16xi32>
        %broadcast_in_dim3A_3997 = arith.constant 244 : i32
        %broadcast_in_dim3A_3998 = vector.broadcast %broadcast_in_dim3A_3997 : i32 to vector<16xi32>
        %add3A_3999 = arith.addi %mul3A_41, %broadcast_in_dim3A_3998 : vector<16xi32>
        %gather3A_4000 = tpu.vector_load_idx %arg9[%add3A_3999] : memref<16320xf32, #tpu.memory_space<vmem>>[vector<16xi32>], vector<16xf32>,
        %broadcast_in_dim3A_4001 = arith.constant 1048576 : i32
        %broadcast_in_dim3A_4002 = vector.broadcast %broadcast_in_dim3A_4001 : i32 to vector<16xi32>
        %and3A_4003 = arith.andi %gather3A_80, %broadcast_in_dim3A_4002 : vector<16xi32>
        %broadcast_in_dim3A_4004 = arith.constant 0 : i32
        %broadcast_in_dim3A_4005 = vector.broadcast %broadcast_in_dim3A_4004 : i32 to vector<16xi32>
        %ne3A_4006 = arith.cmpi ne, %and3A_4003, %broadcast_in_dim3A_4005 : vector<16xi32>
        %gt3A_4007 = arith.cmpf ogt, %gather3A_4000, %select_n3A_3945 : vector<16xf32>
        %and3A_4008 = arith.andi %ne3A_4006, %gt3A_4007 : vector<16xi1>
        %select_n3A_4009 = arith.select %and3A_4008, %gather3A_4000, %select_n3A_3945 : vector<16xi1>, vector<16xf32>
        %broadcast_in_dim3A_4010 = arith.constant 244 : i32
        %broadcast_in_dim3A_4011 = vector.broadcast %broadcast_in_dim3A_4010 : i32 to vector<16xi32>
        %select_n3A_4012 = arith.select %and3A_4008, %broadcast_in_dim3A_4011, %select_n3A_3948 : vector<16xi1>, vector<16xi32>
        %broadcast_in_dim3A_4013 = arith.constant 245 : i32
        %broadcast_in_dim3A_4014 = vector.broadcast %broadcast_in_dim3A_4013 : i32 to vector<16xi32>
        %add3A_4015 = arith.addi %mul3A_41, %broadcast_in_dim3A_4014 : vector<16xi32>
        %gather3A_4016 = tpu.vector_load_idx %arg9[%add3A_4015] : memref<16320xf32, #tpu.memory_space<vmem>>[vector<16xi32>], vector<16xf32>,
        %broadcast_in_dim3A_4017 = arith.constant 2097152 : i32
        %broadcast_in_dim3A_4018 = vector.broadcast %broadcast_in_dim3A_4017 : i32 to vector<16xi32>
        %and3A_4019 = arith.andi %gather3A_80, %broadcast_in_dim3A_4018 : vector<16xi32>
        %broadcast_in_dim3A_4020 = arith.constant 0 : i32
        %broadcast_in_dim3A_4021 = vector.broadcast %broadcast_in_dim3A_4020 : i32 to vector<16xi32>
        %ne3A_4022 = arith.cmpi ne, %and3A_4019, %broadcast_in_dim3A_4021 : vector<16xi32>
        %gt3A_4023 = arith.cmpf ogt, %gather3A_4016, %select_n3A_3961 : vector<16xf32>
        %and3A_4024 = arith.andi %ne3A_4022, %gt3A_4023 : vector<16xi1>
        %select_n3A_4025 = arith.select %and3A_4024, %gather3A_4016, %select_n3A_3961 : vector<16xi1>, vector<16xf32>
        %broadcast_in_dim3A_4026 = arith.constant 245 : i32
        %broadcast_in_dim3A_4027 = vector.broadcast %broadcast_in_dim3A_4026 : i32 to vector<16xi32>
        %select_n3A_4028 = arith.select %and3A_4024, %broadcast_in_dim3A_4027, %select_n3A_3964 : vector<16xi1>, vector<16xi32>
        %broadcast_in_dim3A_4029 = arith.constant 246 : i32
        %broadcast_in_dim3A_4030 = vector.broadcast %broadcast_in_dim3A_4029 : i32 to vector<16xi32>
        %add3A_4031 = arith.addi %mul3A_41, %broadcast_in_dim3A_4030 : vector<16xi32>
        %gather3A_4032 = tpu.vector_load_idx %arg9[%add3A_4031] : memref<16320xf32, #tpu.memory_space<vmem>>[vector<16xi32>], vector<16xf32>,
        %broadcast_in_dim3A_4033 = arith.constant 4194304 : i32
        %broadcast_in_dim3A_4034 = vector.broadcast %broadcast_in_dim3A_4033 : i32 to vector<16xi32>
        %and3A_4035 = arith.andi %gather3A_80, %broadcast_in_dim3A_4034 : vector<16xi32>
        %broadcast_in_dim3A_4036 = arith.constant 0 : i32
        %broadcast_in_dim3A_4037 = vector.broadcast %broadcast_in_dim3A_4036 : i32 to vector<16xi32>
        %ne3A_4038 = arith.cmpi ne, %and3A_4035, %broadcast_in_dim3A_4037 : vector<16xi32>
        %gt3A_4039 = arith.cmpf ogt, %gather3A_4032, %select_n3A_3977 : vector<16xf32>
        %and3A_4040 = arith.andi %ne3A_4038, %gt3A_4039 : vector<16xi1>
        %select_n3A_4041 = arith.select %and3A_4040, %gather3A_4032, %select_n3A_3977 : vector<16xi1>, vector<16xf32>
        %broadcast_in_dim3A_4042 = arith.constant 246 : i32
        %broadcast_in_dim3A_4043 = vector.broadcast %broadcast_in_dim3A_4042 : i32 to vector<16xi32>
        %select_n3A_4044 = arith.select %and3A_4040, %broadcast_in_dim3A_4043, %select_n3A_3980 : vector<16xi1>, vector<16xi32>
        %broadcast_in_dim3A_4045 = arith.constant 247 : i32
        %broadcast_in_dim3A_4046 = vector.broadcast %broadcast_in_dim3A_4045 : i32 to vector<16xi32>
        %add3A_4047 = arith.addi %mul3A_41, %broadcast_in_dim3A_4046 : vector<16xi32>
        %gather3A_4048 = tpu.vector_load_idx %arg9[%add3A_4047] : memref<16320xf32, #tpu.memory_space<vmem>>[vector<16xi32>], vector<16xf32>,
        %broadcast_in_dim3A_4049 = arith.constant 8388608 : i32
        %broadcast_in_dim3A_4050 = vector.broadcast %broadcast_in_dim3A_4049 : i32 to vector<16xi32>
        %and3A_4051 = arith.andi %gather3A_80, %broadcast_in_dim3A_4050 : vector<16xi32>
        %broadcast_in_dim3A_4052 = arith.constant 0 : i32
        %broadcast_in_dim3A_4053 = vector.broadcast %broadcast_in_dim3A_4052 : i32 to vector<16xi32>
        %ne3A_4054 = arith.cmpi ne, %and3A_4051, %broadcast_in_dim3A_4053 : vector<16xi32>
        %gt3A_4055 = arith.cmpf ogt, %gather3A_4048, %select_n3A_3993 : vector<16xf32>
        %and3A_4056 = arith.andi %ne3A_4054, %gt3A_4055 : vector<16xi1>
        %select_n3A_4057 = arith.select %and3A_4056, %gather3A_4048, %select_n3A_3993 : vector<16xi1>, vector<16xf32>
        %broadcast_in_dim3A_4058 = arith.constant 247 : i32
        %broadcast_in_dim3A_4059 = vector.broadcast %broadcast_in_dim3A_4058 : i32 to vector<16xi32>
        %select_n3A_4060 = arith.select %and3A_4056, %broadcast_in_dim3A_4059, %select_n3A_3996 : vector<16xi1>, vector<16xi32>
        %broadcast_in_dim3A_4061 = arith.constant 248 : i32
        %broadcast_in_dim3A_4062 = vector.broadcast %broadcast_in_dim3A_4061 : i32 to vector<16xi32>
        %add3A_4063 = arith.addi %mul3A_41, %broadcast_in_dim3A_4062 : vector<16xi32>
        %gather3A_4064 = tpu.vector_load_idx %arg9[%add3A_4063] : memref<16320xf32, #tpu.memory_space<vmem>>[vector<16xi32>], vector<16xf32>,
        %broadcast_in_dim3A_4065 = arith.constant 16777216 : i32
        %broadcast_in_dim3A_4066 = vector.broadcast %broadcast_in_dim3A_4065 : i32 to vector<16xi32>
        %and3A_4067 = arith.andi %gather3A_80, %broadcast_in_dim3A_4066 : vector<16xi32>
        %broadcast_in_dim3A_4068 = arith.constant 0 : i32
        %broadcast_in_dim3A_4069 = vector.broadcast %broadcast_in_dim3A_4068 : i32 to vector<16xi32>
        %ne3A_4070 = arith.cmpi ne, %and3A_4067, %broadcast_in_dim3A_4069 : vector<16xi32>
        %gt3A_4071 = arith.cmpf ogt, %gather3A_4064, %select_n3A_4009 : vector<16xf32>
        %and3A_4072 = arith.andi %ne3A_4070, %gt3A_4071 : vector<16xi1>
        %select_n3A_4073 = arith.select %and3A_4072, %gather3A_4064, %select_n3A_4009 : vector<16xi1>, vector<16xf32>
        %broadcast_in_dim3A_4074 = arith.constant 248 : i32
        %broadcast_in_dim3A_4075 = vector.broadcast %broadcast_in_dim3A_4074 : i32 to vector<16xi32>
        %select_n3A_4076 = arith.select %and3A_4072, %broadcast_in_dim3A_4075, %select_n3A_4012 : vector<16xi1>, vector<16xi32>
        %broadcast_in_dim3A_4077 = arith.constant 249 : i32
        %broadcast_in_dim3A_4078 = vector.broadcast %broadcast_in_dim3A_4077 : i32 to vector<16xi32>
        %add3A_4079 = arith.addi %mul3A_41, %broadcast_in_dim3A_4078 : vector<16xi32>
        %gather3A_4080 = tpu.vector_load_idx %arg9[%add3A_4079] : memref<16320xf32, #tpu.memory_space<vmem>>[vector<16xi32>], vector<16xf32>,
        %broadcast_in_dim3A_4081 = arith.constant 33554432 : i32
        %broadcast_in_dim3A_4082 = vector.broadcast %broadcast_in_dim3A_4081 : i32 to vector<16xi32>
        %and3A_4083 = arith.andi %gather3A_80, %broadcast_in_dim3A_4082 : vector<16xi32>
        %broadcast_in_dim3A_4084 = arith.constant 0 : i32
        %broadcast_in_dim3A_4085 = vector.broadcast %broadcast_in_dim3A_4084 : i32 to vector<16xi32>
        %ne3A_4086 = arith.cmpi ne, %and3A_4083, %broadcast_in_dim3A_4085 : vector<16xi32>
        %gt3A_4087 = arith.cmpf ogt, %gather3A_4080, %select_n3A_4025 : vector<16xf32>
        %and3A_4088 = arith.andi %ne3A_4086, %gt3A_4087 : vector<16xi1>
        %select_n3A_4089 = arith.select %and3A_4088, %gather3A_4080, %select_n3A_4025 : vector<16xi1>, vector<16xf32>
        %broadcast_in_dim3A_4090 = arith.constant 249 : i32
        %broadcast_in_dim3A_4091 = vector.broadcast %broadcast_in_dim3A_4090 : i32 to vector<16xi32>
        %select_n3A_4092 = arith.select %and3A_4088, %broadcast_in_dim3A_4091, %select_n3A_4028 : vector<16xi1>, vector<16xi32>
        %broadcast_in_dim3A_4093 = arith.constant 250 : i32
        %broadcast_in_dim3A_4094 = vector.broadcast %broadcast_in_dim3A_4093 : i32 to vector<16xi32>
        %add3A_4095 = arith.addi %mul3A_41, %broadcast_in_dim3A_4094 : vector<16xi32>
        %gather3A_4096 = tpu.vector_load_idx %arg9[%add3A_4095] : memref<16320xf32, #tpu.memory_space<vmem>>[vector<16xi32>], vector<16xf32>,
        %broadcast_in_dim3A_4097 = arith.constant 67108864 : i32
        %broadcast_in_dim3A_4098 = vector.broadcast %broadcast_in_dim3A_4097 : i32 to vector<16xi32>
        %and3A_4099 = arith.andi %gather3A_80, %broadcast_in_dim3A_4098 : vector<16xi32>
        %broadcast_in_dim3A_4100 = arith.constant 0 : i32
        %broadcast_in_dim3A_4101 = vector.broadcast %broadcast_in_dim3A_4100 : i32 to vector<16xi32>
        %ne3A_4102 = arith.cmpi ne, %and3A_4099, %broadcast_in_dim3A_4101 : vector<16xi32>
        %gt3A_4103 = arith.cmpf ogt, %gather3A_4096, %select_n3A_4041 : vector<16xf32>
        %and3A_4104 = arith.andi %ne3A_4102, %gt3A_4103 : vector<16xi1>
        %select_n3A_4105 = arith.select %and3A_4104, %gather3A_4096, %select_n3A_4041 : vector<16xi1>, vector<16xf32>
        %broadcast_in_dim3A_4106 = arith.constant 250 : i32
        %broadcast_in_dim3A_4107 = vector.broadcast %broadcast_in_dim3A_4106 : i32 to vector<16xi32>
        %select_n3A_4108 = arith.select %and3A_4104, %broadcast_in_dim3A_4107, %select_n3A_4044 : vector<16xi1>, vector<16xi32>
        %broadcast_in_dim3A_4109 = arith.constant 251 : i32
        %broadcast_in_dim3A_4110 = vector.broadcast %broadcast_in_dim3A_4109 : i32 to vector<16xi32>
        %add3A_4111 = arith.addi %mul3A_41, %broadcast_in_dim3A_4110 : vector<16xi32>
        %gather3A_4112 = tpu.vector_load_idx %arg9[%add3A_4111] : memref<16320xf32, #tpu.memory_space<vmem>>[vector<16xi32>], vector<16xf32>,
        %broadcast_in_dim3A_4113 = arith.constant 134217728 : i32
        %broadcast_in_dim3A_4114 = vector.broadcast %broadcast_in_dim3A_4113 : i32 to vector<16xi32>
        %and3A_4115 = arith.andi %gather3A_80, %broadcast_in_dim3A_4114 : vector<16xi32>
        %broadcast_in_dim3A_4116 = arith.constant 0 : i32
        %broadcast_in_dim3A_4117 = vector.broadcast %broadcast_in_dim3A_4116 : i32 to vector<16xi32>
        %ne3A_4118 = arith.cmpi ne, %and3A_4115, %broadcast_in_dim3A_4117 : vector<16xi32>
        %gt3A_4119 = arith.cmpf ogt, %gather3A_4112, %select_n3A_4057 : vector<16xf32>
        %and3A_4120 = arith.andi %ne3A_4118, %gt3A_4119 : vector<16xi1>
        %select_n3A_4121 = arith.select %and3A_4120, %gather3A_4112, %select_n3A_4057 : vector<16xi1>, vector<16xf32>
        %broadcast_in_dim3A_4122 = arith.constant 251 : i32
        %broadcast_in_dim3A_4123 = vector.broadcast %broadcast_in_dim3A_4122 : i32 to vector<16xi32>
        %select_n3A_4124 = arith.select %and3A_4120, %broadcast_in_dim3A_4123, %select_n3A_4060 : vector<16xi1>, vector<16xi32>
        %broadcast_in_dim3A_4125 = arith.constant 252 : i32
        %broadcast_in_dim3A_4126 = vector.broadcast %broadcast_in_dim3A_4125 : i32 to vector<16xi32>
        %add3A_4127 = arith.addi %mul3A_41, %broadcast_in_dim3A_4126 : vector<16xi32>
        %gather3A_4128 = tpu.vector_load_idx %arg9[%add3A_4127] : memref<16320xf32, #tpu.memory_space<vmem>>[vector<16xi32>], vector<16xf32>,
        %broadcast_in_dim3A_4129 = arith.constant 268435456 : i32
        %broadcast_in_dim3A_4130 = vector.broadcast %broadcast_in_dim3A_4129 : i32 to vector<16xi32>
        %and3A_4131 = arith.andi %gather3A_80, %broadcast_in_dim3A_4130 : vector<16xi32>
        %broadcast_in_dim3A_4132 = arith.constant 0 : i32
        %broadcast_in_dim3A_4133 = vector.broadcast %broadcast_in_dim3A_4132 : i32 to vector<16xi32>
        %ne3A_4134 = arith.cmpi ne, %and3A_4131, %broadcast_in_dim3A_4133 : vector<16xi32>
        %gt3A_4135 = arith.cmpf ogt, %gather3A_4128, %select_n3A_4073 : vector<16xf32>
        %and3A_4136 = arith.andi %ne3A_4134, %gt3A_4135 : vector<16xi1>
        %select_n3A_4137 = arith.select %and3A_4136, %gather3A_4128, %select_n3A_4073 : vector<16xi1>, vector<16xf32>
        %broadcast_in_dim3A_4138 = arith.constant 252 : i32
        %broadcast_in_dim3A_4139 = vector.broadcast %broadcast_in_dim3A_4138 : i32 to vector<16xi32>
        %select_n3A_4140 = arith.select %and3A_4136, %broadcast_in_dim3A_4139, %select_n3A_4076 : vector<16xi1>, vector<16xi32>
        %broadcast_in_dim3A_4141 = arith.constant 253 : i32
        %broadcast_in_dim3A_4142 = vector.broadcast %broadcast_in_dim3A_4141 : i32 to vector<16xi32>
        %add3A_4143 = arith.addi %mul3A_41, %broadcast_in_dim3A_4142 : vector<16xi32>
        %gather3A_4144 = tpu.vector_load_idx %arg9[%add3A_4143] : memref<16320xf32, #tpu.memory_space<vmem>>[vector<16xi32>], vector<16xf32>,
        %broadcast_in_dim3A_4145 = arith.constant 536870912 : i32
        %broadcast_in_dim3A_4146 = vector.broadcast %broadcast_in_dim3A_4145 : i32 to vector<16xi32>
        %and3A_4147 = arith.andi %gather3A_80, %broadcast_in_dim3A_4146 : vector<16xi32>
        %broadcast_in_dim3A_4148 = arith.constant 0 : i32
        %broadcast_in_dim3A_4149 = vector.broadcast %broadcast_in_dim3A_4148 : i32 to vector<16xi32>
        %ne3A_4150 = arith.cmpi ne, %and3A_4147, %broadcast_in_dim3A_4149 : vector<16xi32>
        %gt3A_4151 = arith.cmpf ogt, %gather3A_4144, %select_n3A_4089 : vector<16xf32>
        %and3A_4152 = arith.andi %ne3A_4150, %gt3A_4151 : vector<16xi1>
        %select_n3A_4153 = arith.select %and3A_4152, %gather3A_4144, %select_n3A_4089 : vector<16xi1>, vector<16xf32>
        %broadcast_in_dim3A_4154 = arith.constant 253 : i32
        %broadcast_in_dim3A_4155 = vector.broadcast %broadcast_in_dim3A_4154 : i32 to vector<16xi32>
        %select_n3A_4156 = arith.select %and3A_4152, %broadcast_in_dim3A_4155, %select_n3A_4092 : vector<16xi1>, vector<16xi32>
        %broadcast_in_dim3A_4157 = arith.constant 254 : i32
        %broadcast_in_dim3A_4158 = vector.broadcast %broadcast_in_dim3A_4157 : i32 to vector<16xi32>
        %add3A_4159 = arith.addi %mul3A_41, %broadcast_in_dim3A_4158 : vector<16xi32>
        %gather3A_4160 = tpu.vector_load_idx %arg9[%add3A_4159] : memref<16320xf32, #tpu.memory_space<vmem>>[vector<16xi32>], vector<16xf32>,
        %broadcast_in_dim3A_4161 = arith.constant 1073741824 : i32
        %broadcast_in_dim3A_4162 = vector.broadcast %broadcast_in_dim3A_4161 : i32 to vector<16xi32>
        %and3A_4163 = arith.andi %gather3A_80, %broadcast_in_dim3A_4162 : vector<16xi32>
        %broadcast_in_dim3A_4164 = arith.constant 0 : i32
        %broadcast_in_dim3A_4165 = vector.broadcast %broadcast_in_dim3A_4164 : i32 to vector<16xi32>
        %ne3A_4166 = arith.cmpi ne, %and3A_4163, %broadcast_in_dim3A_4165 : vector<16xi32>
        %gt3A_4167 = arith.cmpf ogt, %gather3A_4160, %select_n3A_4105 : vector<16xf32>
        %and3A_4168 = arith.andi %ne3A_4166, %gt3A_4167 : vector<16xi1>
        %select_n3A_4169 = arith.select %and3A_4168, %gather3A_4160, %select_n3A_4105 : vector<16xi1>, vector<16xf32>
        %broadcast_in_dim3A_4170 = arith.constant 254 : i32
        %broadcast_in_dim3A_4171 = vector.broadcast %broadcast_in_dim3A_4170 : i32 to vector<16xi32>
        %select_n3A_4172 = arith.select %and3A_4168, %broadcast_in_dim3A_4171, %select_n3A_4108 : vector<16xi1>, vector<16xi32>
        %gt3A_4173 = arith.cmpf ogt, %select_n3A_4153, %select_n3A_4137 : vector<16xf32>
        %eq3A = arith.cmpf oeq, %select_n3A_4153, %select_n3A_4137 : vector<16xf32>
        %lt3A = arith.cmpi slt, %select_n3A_4156, %select_n3A_4140 : vector<16xi32>
        %and3A_4174 = arith.andi %eq3A, %lt3A : vector<16xi1>
        %or3A = arith.ori %gt3A_4173, %and3A_4174 : vector<16xi1>
        %select_n3A_4175 = arith.select %or3A, %select_n3A_4153, %select_n3A_4137 : vector<16xi1>, vector<16xf32>
        %select_n3A_4176 = arith.select %or3A, %select_n3A_4156, %select_n3A_4140 : vector<16xi1>, vector<16xi32>
        %gt3A_4177 = arith.cmpf ogt, %select_n3A_4121, %select_n3A_4169 : vector<16xf32>
        %eq3A_4178 = arith.cmpf oeq, %select_n3A_4121, %select_n3A_4169 : vector<16xf32>
        %lt3A_4179 = arith.cmpi slt, %select_n3A_4124, %select_n3A_4172 : vector<16xi32>
        %and3A_4180 = arith.andi %eq3A_4178, %lt3A_4179 : vector<16xi1>
        %or3A_4181 = arith.ori %gt3A_4177, %and3A_4180 : vector<16xi1>
        %select_n3A_4182 = arith.select %or3A_4181, %select_n3A_4121, %select_n3A_4169 : vector<16xi1>, vector<16xf32>
        %select_n3A_4183 = arith.select %or3A_4181, %select_n3A_4124, %select_n3A_4172 : vector<16xi1>, vector<16xi32>
        %gt3A_4184 = arith.cmpf ogt, %select_n3A_4182, %select_n3A_4175 : vector<16xf32>
        %eq3A_4185 = arith.cmpf oeq, %select_n3A_4182, %select_n3A_4175 : vector<16xf32>
        %lt3A_4186 = arith.cmpi slt, %select_n3A_4183, %select_n3A_4176 : vector<16xi32>
        %and3A_4187 = arith.andi %eq3A_4185, %lt3A_4186 : vector<16xi1>
        %or3A_4188 = arith.ori %gt3A_4184, %and3A_4187 : vector<16xi1>
        %select_n3A_4189 = arith.select %or3A_4188, %select_n3A_4182, %select_n3A_4175 : vector<16xi1>, vector<16xf32>
        %select_n3A_4190 = arith.select %or3A_4188, %select_n3A_4183, %select_n3A_4176 : vector<16xi1>, vector<16xi32>
        %mul3A_4191 = arith.constant 64 : i32
        %mul3A_4192 = arith.muli %add3A_17, %mul3A_4191 : i32
        %add3A_4193 = arith.addi %mul3A_4192, %mul3A_36 : i32
        %add3A_4194 = vector.broadcast %add3A_4193 : i32 to vector<16xi32>
        %add3A_4195 = arith.addi %add3A_4194, %iota3A : vector<16xi32>
        %mul3A_4196 = arith.constant 8 : i32
        %mul3A_4197 = vector.broadcast %mul3A_4196 : i32 to vector<16xi32>
        %mul3A_4198 = arith.muli %add3A_4195, %mul3A_4197 : vector<16xi32>
        %broadcast_in_dim3A_4199 = arith.constant 0 : i32
        %broadcast_in_dim3A_4200 = vector.broadcast %broadcast_in_dim3A_4199 : i32 to vector<16xi32>
        %broadcast_in_dim3A_4201 = arith.constant 0 : i32
        %broadcast_in_dim3A_4202 = vector.broadcast %broadcast_in_dim3A_4201 : i32 to vector<16xi32>
        %add3A_4203 = arith.addi %mul3A_4198, %broadcast_in_dim3A_4202 : vector<16xi32>
        %gather3A_4204 = tpu.vector_load_idx %arg11[%add3A_4203] : memref<4096xi32, #tpu.memory_space<vmem>>[vector<16xi32>], vector<16xi32>,
        %broadcast_in_dim3A_4205 = arith.constant 0 : i32
        %broadcast_in_dim3A_4206 = vector.broadcast %broadcast_in_dim3A_4205 : i32 to vector<16xi32>
        %shift_left3A = arith.shli %gather3A_4204, %broadcast_in_dim3A_4206 : vector<16xi32>
        %or3A_4207 = arith.ori %broadcast_in_dim3A_4200, %shift_left3A : vector<16xi32>
        %broadcast_in_dim3A_4208 = arith.constant 1 : i32
        %broadcast_in_dim3A_4209 = vector.broadcast %broadcast_in_dim3A_4208 : i32 to vector<16xi32>
        %add3A_4210 = arith.addi %mul3A_4198, %broadcast_in_dim3A_4209 : vector<16xi32>
        %gather3A_4211 = tpu.vector_load_idx %arg11[%add3A_4210] : memref<4096xi32, #tpu.memory_space<vmem>>[vector<16xi32>], vector<16xi32>,
        %broadcast_in_dim3A_4212 = arith.constant 1 : i32
        %broadcast_in_dim3A_4213 = vector.broadcast %broadcast_in_dim3A_4212 : i32 to vector<16xi32>
        %shift_left3A_4214 = arith.shli %gather3A_4211, %broadcast_in_dim3A_4213 : vector<16xi32>
        %or3A_4215 = arith.ori %or3A_4207, %shift_left3A_4214 : vector<16xi32>
        %broadcast_in_dim3A_4216 = arith.constant 2 : i32
        %broadcast_in_dim3A_4217 = vector.broadcast %broadcast_in_dim3A_4216 : i32 to vector<16xi32>
        %add3A_4218 = arith.addi %mul3A_4198, %broadcast_in_dim3A_4217 : vector<16xi32>
        %gather3A_4219 = tpu.vector_load_idx %arg11[%add3A_4218] : memref<4096xi32, #tpu.memory_space<vmem>>[vector<16xi32>], vector<16xi32>,
        %broadcast_in_dim3A_4220 = arith.constant 2 : i32
        %broadcast_in_dim3A_4221 = vector.broadcast %broadcast_in_dim3A_4220 : i32 to vector<16xi32>
        %shift_left3A_4222 = arith.shli %gather3A_4219, %broadcast_in_dim3A_4221 : vector<16xi32>
        %or3A_4223 = arith.ori %or3A_4215, %shift_left3A_4222 : vector<16xi32>
        %broadcast_in_dim3A_4224 = arith.constant 3 : i32
        %broadcast_in_dim3A_4225 = vector.broadcast %broadcast_in_dim3A_4224 : i32 to vector<16xi32>
        %add3A_4226 = arith.addi %mul3A_4198, %broadcast_in_dim3A_4225 : vector<16xi32>
        %gather3A_4227 = tpu.vector_load_idx %arg11[%add3A_4226] : memref<4096xi32, #tpu.memory_space<vmem>>[vector<16xi32>], vector<16xi32>,
        %broadcast_in_dim3A_4228 = arith.constant 3 : i32
        %broadcast_in_dim3A_4229 = vector.broadcast %broadcast_in_dim3A_4228 : i32 to vector<16xi32>
        %shift_left3A_4230 = arith.shli %gather3A_4227, %broadcast_in_dim3A_4229 : vector<16xi32>
        %or3A_4231 = arith.ori %or3A_4223, %shift_left3A_4230 : vector<16xi32>
        %broadcast_in_dim3A_4232 = arith.constant 4 : i32
        %broadcast_in_dim3A_4233 = vector.broadcast %broadcast_in_dim3A_4232 : i32 to vector<16xi32>
        %add3A_4234 = arith.addi %mul3A_4198, %broadcast_in_dim3A_4233 : vector<16xi32>
        %gather3A_4235 = tpu.vector_load_idx %arg11[%add3A_4234] : memref<4096xi32, #tpu.memory_space<vmem>>[vector<16xi32>], vector<16xi32>,
        %broadcast_in_dim3A_4236 = arith.constant 4 : i32
        %broadcast_in_dim3A_4237 = vector.broadcast %broadcast_in_dim3A_4236 : i32 to vector<16xi32>
        %shift_left3A_4238 = arith.shli %gather3A_4235, %broadcast_in_dim3A_4237 : vector<16xi32>
        %or3A_4239 = arith.ori %or3A_4231, %shift_left3A_4238 : vector<16xi32>
        %broadcast_in_dim3A_4240 = arith.constant 5 : i32
        %broadcast_in_dim3A_4241 = vector.broadcast %broadcast_in_dim3A_4240 : i32 to vector<16xi32>
        %add3A_4242 = arith.addi %mul3A_4198, %broadcast_in_dim3A_4241 : vector<16xi32>
        %gather3A_4243 = tpu.vector_load_idx %arg11[%add3A_4242] : memref<4096xi32, #tpu.memory_space<vmem>>[vector<16xi32>], vector<16xi32>,
        %broadcast_in_dim3A_4244 = arith.constant 5 : i32
        %broadcast_in_dim3A_4245 = vector.broadcast %broadcast_in_dim3A_4244 : i32 to vector<16xi32>
        %shift_left3A_4246 = arith.shli %gather3A_4243, %broadcast_in_dim3A_4245 : vector<16xi32>
        %or3A_4247 = arith.ori %or3A_4239, %shift_left3A_4246 : vector<16xi32>
        %broadcast_in_dim3A_4248 = arith.constant 6 : i32
        %broadcast_in_dim3A_4249 = vector.broadcast %broadcast_in_dim3A_4248 : i32 to vector<16xi32>
        %add3A_4250 = arith.addi %mul3A_4198, %broadcast_in_dim3A_4249 : vector<16xi32>
        %gather3A_4251 = tpu.vector_load_idx %arg11[%add3A_4250] : memref<4096xi32, #tpu.memory_space<vmem>>[vector<16xi32>], vector<16xi32>,
        %broadcast_in_dim3A_4252 = arith.constant 6 : i32
        %broadcast_in_dim3A_4253 = vector.broadcast %broadcast_in_dim3A_4252 : i32 to vector<16xi32>
        %shift_left3A_4254 = arith.shli %gather3A_4251, %broadcast_in_dim3A_4253 : vector<16xi32>
        %or3A_4255 = arith.ori %or3A_4247, %shift_left3A_4254 : vector<16xi32>
        %broadcast_in_dim3A_4256 = arith.constant 7 : i32
        %broadcast_in_dim3A_4257 = vector.broadcast %broadcast_in_dim3A_4256 : i32 to vector<16xi32>
        %add3A_4258 = arith.addi %mul3A_4198, %broadcast_in_dim3A_4257 : vector<16xi32>
        %gather3A_4259 = tpu.vector_load_idx %arg11[%add3A_4258] : memref<4096xi32, #tpu.memory_space<vmem>>[vector<16xi32>], vector<16xi32>,
        %broadcast_in_dim3A_4260 = arith.constant 7 : i32
        %broadcast_in_dim3A_4261 = vector.broadcast %broadcast_in_dim3A_4260 : i32 to vector<16xi32>
        %shift_left3A_4262 = arith.shli %gather3A_4259, %broadcast_in_dim3A_4261 : vector<16xi32>
        %or3A_4263 = arith.ori %or3A_4255, %shift_left3A_4262 : vector<16xi32>
        %add3A_4264 = arith.addi %select_n3A_4190, %broadcast_in_dim3A_6 : vector<16xi32>
        %or3A_4265 = arith.ori %add3A_4264, %or3A_4263 : vector<16xi32>
        %sub3A = arith.subi %or3A_4265, %broadcast_in_dim3A_6 : vector<16xi32>
        %mul3A_4266 = arith.constant 64 : i32
        %mul3A_4267 = arith.muli %add3A_17, %mul3A_4266 : i32
        %add3A_4268 = arith.addi %mul3A_4267, %mul3A_36 : i32
        %swap3A = arith.index_cast %add3A_4268 : i32 to index
        %swap3A_4269 = tpu.vector_load %arg14[%swap3A] {strides = array<i32>} : memref<512xi32, #tpu.memory_space<vmem>>, vector<16xi32>,
        tpu.vector_store %arg14[%swap3A], %sub3A {strides = array<i32>} : memref<512xi32, #tpu.memory_space<vmem>>, vector<16xi32>,
        %broadcast_in_dim3A_4270 = arith.constant 0 : i32
        %broadcast_in_dim3A_4271 = vector.broadcast %broadcast_in_dim3A_4270 : i32 to vector<16xi32>
        %shift_right_arithmetic3A = arith.shrsi %or3A_4265, %broadcast_in_dim3A_4271 : vector<16xi32>
        %and3A_4272 = arith.andi %shift_right_arithmetic3A, %broadcast_in_dim3A_6 : vector<16xi32>
        %gt3A_4273 = arith.constant 0 : i32
        %gt3A_4274 = vector.broadcast %gt3A_4273 : i32 to vector<16xi32>
        %gt3A_4275 = arith.cmpi sgt, %get3A_5, %gt3A_4274 : vector<16xi32>
        %select_n3A_4276 = arith.select %gt3A_4275, %broadcast_in_dim3A_6, %and3A_4272 : vector<16xi1>, vector<16xi32>
        %broadcast_in_dim3A_4277 = arith.constant 0 : i32
        %broadcast_in_dim3A_4278 = vector.broadcast %broadcast_in_dim3A_4277 : i32 to vector<16xi32>
        %add3A_4279 = arith.addi %mul3A_4198, %broadcast_in_dim3A_4278 : vector<16xi32>
        tpu.vector_store_idx %arg15[%add3A_4279], %select_n3A_4276 : memref<4096xi32, #tpu.memory_space<vmem>>[vector<16xi32>], vector<16xi32>,
        %broadcast_in_dim3A_4280 = arith.constant 1 : i32
        %broadcast_in_dim3A_4281 = vector.broadcast %broadcast_in_dim3A_4280 : i32 to vector<16xi32>
        %shift_right_arithmetic3A_4282 = arith.shrsi %or3A_4265, %broadcast_in_dim3A_4281 : vector<16xi32>
        %and3A_4283 = arith.andi %shift_right_arithmetic3A_4282, %broadcast_in_dim3A_6 : vector<16xi32>
        %gt3A_4284 = arith.constant 0 : i32
        %gt3A_4285 = vector.broadcast %gt3A_4284 : i32 to vector<16xi32>
        %gt3A_4286 = arith.cmpi sgt, %get3A_5, %gt3A_4285 : vector<16xi32>
        %select_n3A_4287 = arith.select %gt3A_4286, %broadcast_in_dim3A_6, %and3A_4283 : vector<16xi1>, vector<16xi32>
        %broadcast_in_dim3A_4288 = arith.constant 1 : i32
        %broadcast_in_dim3A_4289 = vector.broadcast %broadcast_in_dim3A_4288 : i32 to vector<16xi32>
        %add3A_4290 = arith.addi %mul3A_4198, %broadcast_in_dim3A_4289 : vector<16xi32>
        tpu.vector_store_idx %arg15[%add3A_4290], %select_n3A_4287 : memref<4096xi32, #tpu.memory_space<vmem>>[vector<16xi32>], vector<16xi32>,
        %broadcast_in_dim3A_4291 = arith.constant 2 : i32
        %broadcast_in_dim3A_4292 = vector.broadcast %broadcast_in_dim3A_4291 : i32 to vector<16xi32>
        %shift_right_arithmetic3A_4293 = arith.shrsi %or3A_4265, %broadcast_in_dim3A_4292 : vector<16xi32>
        %and3A_4294 = arith.andi %shift_right_arithmetic3A_4293, %broadcast_in_dim3A_6 : vector<16xi32>
        %gt3A_4295 = arith.constant 0 : i32
        %gt3A_4296 = vector.broadcast %gt3A_4295 : i32 to vector<16xi32>
        %gt3A_4297 = arith.cmpi sgt, %get3A_5, %gt3A_4296 : vector<16xi32>
        %select_n3A_4298 = arith.select %gt3A_4297, %broadcast_in_dim3A_6, %and3A_4294 : vector<16xi1>, vector<16xi32>
        %broadcast_in_dim3A_4299 = arith.constant 2 : i32
        %broadcast_in_dim3A_4300 = vector.broadcast %broadcast_in_dim3A_4299 : i32 to vector<16xi32>
        %add3A_4301 = arith.addi %mul3A_4198, %broadcast_in_dim3A_4300 : vector<16xi32>
        tpu.vector_store_idx %arg15[%add3A_4301], %select_n3A_4298 : memref<4096xi32, #tpu.memory_space<vmem>>[vector<16xi32>], vector<16xi32>,
        %broadcast_in_dim3A_4302 = arith.constant 3 : i32
        %broadcast_in_dim3A_4303 = vector.broadcast %broadcast_in_dim3A_4302 : i32 to vector<16xi32>
        %shift_right_arithmetic3A_4304 = arith.shrsi %or3A_4265, %broadcast_in_dim3A_4303 : vector<16xi32>
        %and3A_4305 = arith.andi %shift_right_arithmetic3A_4304, %broadcast_in_dim3A_6 : vector<16xi32>
        %gt3A_4306 = arith.constant 0 : i32
        %gt3A_4307 = vector.broadcast %gt3A_4306 : i32 to vector<16xi32>
        %gt3A_4308 = arith.cmpi sgt, %get3A_5, %gt3A_4307 : vector<16xi32>
        %select_n3A_4309 = arith.select %gt3A_4308, %broadcast_in_dim3A_6, %and3A_4305 : vector<16xi1>, vector<16xi32>
        %broadcast_in_dim3A_4310 = arith.constant 3 : i32
        %broadcast_in_dim3A_4311 = vector.broadcast %broadcast_in_dim3A_4310 : i32 to vector<16xi32>
        %add3A_4312 = arith.addi %mul3A_4198, %broadcast_in_dim3A_4311 : vector<16xi32>
        tpu.vector_store_idx %arg15[%add3A_4312], %select_n3A_4309 : memref<4096xi32, #tpu.memory_space<vmem>>[vector<16xi32>], vector<16xi32>,
        %broadcast_in_dim3A_4313 = arith.constant 4 : i32
        %broadcast_in_dim3A_4314 = vector.broadcast %broadcast_in_dim3A_4313 : i32 to vector<16xi32>
        %shift_right_arithmetic3A_4315 = arith.shrsi %or3A_4265, %broadcast_in_dim3A_4314 : vector<16xi32>
        %and3A_4316 = arith.andi %shift_right_arithmetic3A_4315, %broadcast_in_dim3A_6 : vector<16xi32>
        %gt3A_4317 = arith.constant 0 : i32
        %gt3A_4318 = vector.broadcast %gt3A_4317 : i32 to vector<16xi32>
        %gt3A_4319 = arith.cmpi sgt, %get3A_5, %gt3A_4318 : vector<16xi32>
        %select_n3A_4320 = arith.select %gt3A_4319, %broadcast_in_dim3A_6, %and3A_4316 : vector<16xi1>, vector<16xi32>
        %broadcast_in_dim3A_4321 = arith.constant 4 : i32
        %broadcast_in_dim3A_4322 = vector.broadcast %broadcast_in_dim3A_4321 : i32 to vector<16xi32>
        %add3A_4323 = arith.addi %mul3A_4198, %broadcast_in_dim3A_4322 : vector<16xi32>
        tpu.vector_store_idx %arg15[%add3A_4323], %select_n3A_4320 : memref<4096xi32, #tpu.memory_space<vmem>>[vector<16xi32>], vector<16xi32>,
        %broadcast_in_dim3A_4324 = arith.constant 5 : i32
        %broadcast_in_dim3A_4325 = vector.broadcast %broadcast_in_dim3A_4324 : i32 to vector<16xi32>
        %shift_right_arithmetic3A_4326 = arith.shrsi %or3A_4265, %broadcast_in_dim3A_4325 : vector<16xi32>
        %and3A_4327 = arith.andi %shift_right_arithmetic3A_4326, %broadcast_in_dim3A_6 : vector<16xi32>
        %gt3A_4328 = arith.constant 0 : i32
        %gt3A_4329 = vector.broadcast %gt3A_4328 : i32 to vector<16xi32>
        %gt3A_4330 = arith.cmpi sgt, %get3A_5, %gt3A_4329 : vector<16xi32>
        %select_n3A_4331 = arith.select %gt3A_4330, %broadcast_in_dim3A_6, %and3A_4327 : vector<16xi1>, vector<16xi32>
        %broadcast_in_dim3A_4332 = arith.constant 5 : i32
        %broadcast_in_dim3A_4333 = vector.broadcast %broadcast_in_dim3A_4332 : i32 to vector<16xi32>
        %add3A_4334 = arith.addi %mul3A_4198, %broadcast_in_dim3A_4333 : vector<16xi32>
        tpu.vector_store_idx %arg15[%add3A_4334], %select_n3A_4331 : memref<4096xi32, #tpu.memory_space<vmem>>[vector<16xi32>], vector<16xi32>,
        %broadcast_in_dim3A_4335 = arith.constant 6 : i32
        %broadcast_in_dim3A_4336 = vector.broadcast %broadcast_in_dim3A_4335 : i32 to vector<16xi32>
        %shift_right_arithmetic3A_4337 = arith.shrsi %or3A_4265, %broadcast_in_dim3A_4336 : vector<16xi32>
        %and3A_4338 = arith.andi %shift_right_arithmetic3A_4337, %broadcast_in_dim3A_6 : vector<16xi32>
        %gt3A_4339 = arith.constant 0 : i32
        %gt3A_4340 = vector.broadcast %gt3A_4339 : i32 to vector<16xi32>
        %gt3A_4341 = arith.cmpi sgt, %get3A_5, %gt3A_4340 : vector<16xi32>
        %select_n3A_4342 = arith.select %gt3A_4341, %broadcast_in_dim3A_6, %and3A_4338 : vector<16xi1>, vector<16xi32>
        %broadcast_in_dim3A_4343 = arith.constant 6 : i32
        %broadcast_in_dim3A_4344 = vector.broadcast %broadcast_in_dim3A_4343 : i32 to vector<16xi32>
        %add3A_4345 = arith.addi %mul3A_4198, %broadcast_in_dim3A_4344 : vector<16xi32>
        tpu.vector_store_idx %arg15[%add3A_4345], %select_n3A_4342 : memref<4096xi32, #tpu.memory_space<vmem>>[vector<16xi32>], vector<16xi32>,
        %broadcast_in_dim3A_4346 = arith.constant 7 : i32
        %broadcast_in_dim3A_4347 = vector.broadcast %broadcast_in_dim3A_4346 : i32 to vector<16xi32>
        %shift_right_arithmetic3A_4348 = arith.shrsi %or3A_4265, %broadcast_in_dim3A_4347 : vector<16xi32>
        %and3A_4349 = arith.andi %shift_right_arithmetic3A_4348, %broadcast_in_dim3A_6 : vector<16xi32>
        %gt3A_4350 = arith.constant 0 : i32
        %gt3A_4351 = vector.broadcast %gt3A_4350 : i32 to vector<16xi32>
        %gt3A_4352 = arith.cmpi sgt, %get3A_5, %gt3A_4351 : vector<16xi32>
        %select_n3A_4353 = arith.select %gt3A_4352, %broadcast_in_dim3A_6, %and3A_4349 : vector<16xi1>, vector<16xi32>
        %broadcast_in_dim3A_4354 = arith.constant 7 : i32
        %broadcast_in_dim3A_4355 = vector.broadcast %broadcast_in_dim3A_4354 : i32 to vector<16xi32>
        %add3A_4356 = arith.addi %mul3A_4198, %broadcast_in_dim3A_4355 : vector<16xi32>
        tpu.vector_store_idx %arg15[%add3A_4356], %select_n3A_4353 : memref<4096xi32, #tpu.memory_space<vmem>>[vector<16xi32>], vector<16xi32>,
      }
      %scan3A_29 = arith.constant 4 : i32
    }
    %scan3A_10 = arith.constant 8 : i32
    "tpu.region"() ({
      %run_scoped3A = tpu.sem_alloc : memref<!tpu.dma_semaphore, #tpu.memory_space<semaphore_mem>>
      %dma_start3A = tpu.memref_slice %arg7[%mul3A_2] : memref<16384xi32, #tpu.memory_space<hbm>> -> memref<512xi32, #tpu.memory_space<hbm>>
      %dma_start3A_13 = tpu.memref_slice %arg7[%mul3A_2] : memref<16384xi32, #tpu.memory_space<hbm>> -> memref<512xi32, #tpu.memory_space<hbm>>
      tpu.enqueue_dma source(%arg14 : memref<512xi32, #tpu.memory_space<vmem>>) target(%dma_start3A_13 : memref<512xi32, #tpu.memory_space<hbm>>) target_semaphore(%run_scoped3A : memref<!tpu.dma_semaphore, #tpu.memory_space<semaphore_mem>>)
      %dma_wait3A = tpu.memref_slice %arg7[%mul3A_2] : memref<16384xi32, #tpu.memory_space<hbm>> -> memref<512xi32, #tpu.memory_space<hbm>>
      %dma_wait3A_14 = tpu.memref_slice %arg7[%mul3A_2] : memref<16384xi32, #tpu.memory_space<hbm>> -> memref<512xi32, #tpu.memory_space<hbm>>
      tpu.wait_dma2 semaphore(%run_scoped3A : memref<!tpu.dma_semaphore, #tpu.memory_space<semaphore_mem>>) src(%arg14 : memref<512xi32, #tpu.memory_space<vmem>>) dst(%dma_wait3A_14 : memref<512xi32, #tpu.memory_space<hbm>>)
      tpu.yield
    }) : () -> ()
    %mul3A_11 = arith.constant 8 : i32
    %mul3A_12 = arith.muli %mul3A_2, %mul3A_11 : i32
    "tpu.region"() ({
      %run_scoped3A = tpu.sem_alloc : memref<!tpu.dma_semaphore, #tpu.memory_space<semaphore_mem>>
      %dma_start3A = tpu.memref_slice %arg8[%mul3A_12] : memref<131072xi32, #tpu.memory_space<hbm>> -> memref<4096xi32, #tpu.memory_space<hbm>>
      %dma_start3A_13 = tpu.memref_slice %arg8[%mul3A_12] : memref<131072xi32, #tpu.memory_space<hbm>> -> memref<4096xi32, #tpu.memory_space<hbm>>
      tpu.enqueue_dma source(%arg15 : memref<4096xi32, #tpu.memory_space<vmem>>) target(%dma_start3A_13 : memref<4096xi32, #tpu.memory_space<hbm>>) target_semaphore(%run_scoped3A : memref<!tpu.dma_semaphore, #tpu.memory_space<semaphore_mem>>)
      %dma_wait3A = tpu.memref_slice %arg8[%mul3A_12] : memref<131072xi32, #tpu.memory_space<hbm>> -> memref<4096xi32, #tpu.memory_space<hbm>>
      %dma_wait3A_14 = tpu.memref_slice %arg8[%mul3A_12] : memref<131072xi32, #tpu.memory_space<hbm>> -> memref<4096xi32, #tpu.memory_space<hbm>>
      tpu.wait_dma2 semaphore(%run_scoped3A : memref<!tpu.dma_semaphore, #tpu.memory_space<semaphore_mem>>) src(%arg15 : memref<4096xi32, #tpu.memory_space<vmem>>) dst(%dma_wait3A_14 : memref<4096xi32, #tpu.memory_space<hbm>>)
      tpu.yield
    }) : () -> ()
    return
  }
}

module attributes {stable_mosaic.version = 14 : i64} {
  func.func @_pack_body(%arg0: memref<255x255xi32, #tpu.memory_space<vmem>>, %arg1: memref<255x17xi32, #tpu.memory_space<vmem>>) attributes {dimension_semantics = [], scalar_prefetch = 0 : i64, scratch_operands = 0 : i64, tpu.core_type = #tpu.core_type<tc>} {
    %get3A = arith.constant 0 : index
    %get3A_0 = arith.constant 0 : index
    %get3A_1 = vector.load %arg0[%get3A, %get3A_0] : memref<255x255xi32, #tpu.memory_space<vmem>>, vector<255x255xi32>
    %slice3A = vector.extract_strided_slice %get3A_1 {offsets = [0, 0], sizes = [255, 32], strides = [1, 1]} : vector<255x255xi32> to vector<255x32xi32>
    %iota3A = tpu.iota {dimensions = array<i32: 1>} : vector<255x32xi32>
    %shift_left3A = arith.shli %slice3A, %iota3A : vector<255x32xi32>
    %reduce_sum3A = arith.constant dense<0> : vector<255xi32>
    %reduce_sum3A_2 = vector.multi_reduction <add>, %shift_left3A, %reduce_sum3A [1] : vector<255x32xi32> to vector<255xi32>
    %broadcast_in_dim3A = vector.shape_cast %reduce_sum3A_2 : vector<255xi32> to vector<255x1xi32>
    %slice3A_3 = vector.extract_strided_slice %get3A_1 {offsets = [0, 32], sizes = [255, 32], strides = [1, 1]} : vector<255x255xi32> to vector<255x32xi32>
    %iota3A_4 = tpu.iota {dimensions = array<i32: 1>} : vector<255x32xi32>
    %shift_left3A_5 = arith.shli %slice3A_3, %iota3A_4 : vector<255x32xi32>
    %reduce_sum3A_6 = arith.constant dense<0> : vector<255xi32>
    %reduce_sum3A_7 = vector.multi_reduction <add>, %shift_left3A_5, %reduce_sum3A_6 [1] : vector<255x32xi32> to vector<255xi32>
    %broadcast_in_dim3A_8 = vector.shape_cast %reduce_sum3A_7 : vector<255xi32> to vector<255x1xi32>
    %slice3A_9 = vector.extract_strided_slice %get3A_1 {offsets = [0, 64], sizes = [255, 32], strides = [1, 1]} : vector<255x255xi32> to vector<255x32xi32>
    %iota3A_10 = tpu.iota {dimensions = array<i32: 1>} : vector<255x32xi32>
    %shift_left3A_11 = arith.shli %slice3A_9, %iota3A_10 : vector<255x32xi32>
    %reduce_sum3A_12 = arith.constant dense<0> : vector<255xi32>
    %reduce_sum3A_13 = vector.multi_reduction <add>, %shift_left3A_11, %reduce_sum3A_12 [1] : vector<255x32xi32> to vector<255xi32>
    %broadcast_in_dim3A_14 = vector.shape_cast %reduce_sum3A_13 : vector<255xi32> to vector<255x1xi32>
    %slice3A_15 = vector.extract_strided_slice %get3A_1 {offsets = [0, 96], sizes = [255, 32], strides = [1, 1]} : vector<255x255xi32> to vector<255x32xi32>
    %iota3A_16 = tpu.iota {dimensions = array<i32: 1>} : vector<255x32xi32>
    %shift_left3A_17 = arith.shli %slice3A_15, %iota3A_16 : vector<255x32xi32>
    %reduce_sum3A_18 = arith.constant dense<0> : vector<255xi32>
    %reduce_sum3A_19 = vector.multi_reduction <add>, %shift_left3A_17, %reduce_sum3A_18 [1] : vector<255x32xi32> to vector<255xi32>
    %broadcast_in_dim3A_20 = vector.shape_cast %reduce_sum3A_19 : vector<255xi32> to vector<255x1xi32>
    %slice3A_21 = vector.extract_strided_slice %get3A_1 {offsets = [0, 128], sizes = [255, 32], strides = [1, 1]} : vector<255x255xi32> to vector<255x32xi32>
    %iota3A_22 = tpu.iota {dimensions = array<i32: 1>} : vector<255x32xi32>
    %shift_left3A_23 = arith.shli %slice3A_21, %iota3A_22 : vector<255x32xi32>
    %reduce_sum3A_24 = arith.constant dense<0> : vector<255xi32>
    %reduce_sum3A_25 = vector.multi_reduction <add>, %shift_left3A_23, %reduce_sum3A_24 [1] : vector<255x32xi32> to vector<255xi32>
    %broadcast_in_dim3A_26 = vector.shape_cast %reduce_sum3A_25 : vector<255xi32> to vector<255x1xi32>
    %slice3A_27 = vector.extract_strided_slice %get3A_1 {offsets = [0, 160], sizes = [255, 32], strides = [1, 1]} : vector<255x255xi32> to vector<255x32xi32>
    %iota3A_28 = tpu.iota {dimensions = array<i32: 1>} : vector<255x32xi32>
    %shift_left3A_29 = arith.shli %slice3A_27, %iota3A_28 : vector<255x32xi32>
    %reduce_sum3A_30 = arith.constant dense<0> : vector<255xi32>
    %reduce_sum3A_31 = vector.multi_reduction <add>, %shift_left3A_29, %reduce_sum3A_30 [1] : vector<255x32xi32> to vector<255xi32>
    %broadcast_in_dim3A_32 = vector.shape_cast %reduce_sum3A_31 : vector<255xi32> to vector<255x1xi32>
    %slice3A_33 = vector.extract_strided_slice %get3A_1 {offsets = [0, 192], sizes = [255, 32], strides = [1, 1]} : vector<255x255xi32> to vector<255x32xi32>
    %iota3A_34 = tpu.iota {dimensions = array<i32: 1>} : vector<255x32xi32>
    %shift_left3A_35 = arith.shli %slice3A_33, %iota3A_34 : vector<255x32xi32>
    %reduce_sum3A_36 = arith.constant dense<0> : vector<255xi32>
    %reduce_sum3A_37 = vector.multi_reduction <add>, %shift_left3A_35, %reduce_sum3A_36 [1] : vector<255x32xi32> to vector<255xi32>
    %broadcast_in_dim3A_38 = vector.shape_cast %reduce_sum3A_37 : vector<255xi32> to vector<255x1xi32>
    %slice3A_39 = vector.extract_strided_slice %get3A_1 {offsets = [0, 224], sizes = [255, 31], strides = [1, 1]} : vector<255x255xi32> to vector<255x31xi32>
    %iota3A_40 = tpu.iota {dimensions = array<i32: 1>} : vector<255x31xi32>
    %shift_left3A_41 = arith.shli %slice3A_39, %iota3A_40 : vector<255x31xi32>
    %reduce_sum3A_42 = arith.constant dense<0> : vector<255xi32>
    %reduce_sum3A_43 = vector.multi_reduction <add>, %shift_left3A_41, %reduce_sum3A_42 [1] : vector<255x31xi32> to vector<255xi32>
    %broadcast_in_dim3A_44 = vector.shape_cast %reduce_sum3A_43 : vector<255xi32> to vector<255x1xi32>
    %concatenate3A = tpu.concatenate %broadcast_in_dim3A, %broadcast_in_dim3A_8, %broadcast_in_dim3A_14, %broadcast_in_dim3A_20, %broadcast_in_dim3A_26, %broadcast_in_dim3A_32, %broadcast_in_dim3A_38, %broadcast_in_dim3A_44 in 1 : vector<255x1xi32>, vector<255x1xi32>, vector<255x1xi32>, vector<255x1xi32>, vector<255x1xi32>, vector<255x1xi32>, vector<255x1xi32>, vector<255x1xi32> -> vector<255x8xi32>
    %swap3A = arith.constant 0 : index
    %swap3A_45 = arith.constant 0 : index
    %swap3A_46 = vector.load %arg1[%swap3A, %swap3A_45] : memref<255x17xi32, #tpu.memory_space<vmem>>, vector<255x8xi32>
    tpu.vector_store %arg1[%swap3A, %swap3A_45], %concatenate3A {strides = array<i32>} : memref<255x17xi32, #tpu.memory_space<vmem>>, vector<255x8xi32>,
    %broadcast_in_dim3A_47 = arith.constant 0 : i32
    %broadcast_in_dim3A_48 = vector.broadcast %broadcast_in_dim3A_47 : i32 to vector<255x9xi32>
    %swap3A_49 = arith.constant 0 : index
    %swap3A_50 = arith.constant 8 : index
    %swap3A_51 = vector.load %arg1[%swap3A_49, %swap3A_50] : memref<255x17xi32, #tpu.memory_space<vmem>>, vector<255x9xi32>
    tpu.vector_store %arg1[%swap3A_49, %swap3A_50], %broadcast_in_dim3A_48 {strides = array<i32>} : memref<255x17xi32, #tpu.memory_space<vmem>>, vector<255x9xi32>,
    return
  }
}

</mosaic_0001>

<sc_bundles>
// kernel: kernel.4.cloned.1.call-start
scs
__scs_entry_jumppad:
0x0: {  	(pc) =	sbr.rel $0x88, $3  }
0x1: {  	(tag) =	ssettag $0x0;
	lr =	simm.s32 $0x1  }
0x2: {  	[smem:$0x3F9C] =	sst lr;
	_ =	strace $0xD0000000  }
0x3: {  	_ = 	snop  }
0x4: {  	_ = 	snop  }
0x5: {  	_ = 	snop  }
0x6: {  	_ = 	snop  }
0x7: {  	_ = 	snop  }
__scs_overlays_trampoline_lowered:
0x8: {  	[smem:$0x3FAB] =	sst s0  }
0x9: {  	[smem:$0x3FAC] =	sst s1  }
0xa: {  	[smem:$0x3FAD] =	sst s2  }
0xb: {  	[smem:$0x3FAE] =	sst s3  }
0xc: {  	[smem:$0x3FAF] =	sst s4  }
0xd: {  	[smem:$0x3FB0] =	sst s5  }
0xe: {  	[smem:$0x3FB1] =	sst s6  }
0xf: {  	[smem:$0x3FB2] =	sst s7  }
0x10: {  	[smem:$0x3FB3] =	sst s8  }
0x11: {  	[smem:$0x3FB4] =	sst s9;
	s0 =	simm.s32 @!p0 $0x0  }
0x12: {  	s1 =	sld [smem:$0x3F9A];
	s0 =	simm.s32 @p0 $0x1  }
0x13: {  	[smem:$0x3FB5] =	sst s0;
	s0 =	simm.s32 @!p1 $0x0  }
0x14: {  	s2 =	sld [smem:$0x3F99];
	s0 =	simm.s32 @p1 $0x1  }
0x15: {  	[smem:$0x3FB6] =	sst s0;
	s0 =	simm.s32 @!p2 $0x0  }
0x16: {  	s3 =	sld [smem:$0x3FDB];
	s0 =	simm.s32 @p2 $0x1  }
0x17: {  	s4 =	simm.s32 $0x1BF5;
	[smem:$0x3FB8] =	sst s0  }
0x18: {  	s0 =	sld [smem:$0x3F9B];
	_ =	swait.ge [sflag:s4], $0x0  }
0x19: {  	s7 =	sld [smem:$0x3F9C]  }
0x1a: {  	s8 =	sadd.s32 $0xFFFFE003, lr  }
0x1b: {  	s9 =	sadd.s32 $0xFFFFFEF7, lr;
	s5 =	simm.s32 $0xFFFFFFFF;
	p2 =	slt.u32 s8, $0xFFFFF086  }
0x1c: {  	p1 =	slt.u32 s9, $0xF7A;
	s5 =	simm.s32 @!p2 $0x0  }
0x1d: {  	s5 =	simm.s32 @p1 $0x1;
	p0 =	seq.s32 s7, s2  }
0x1e: {  	s7 =	smul.u32 @!p0 $0xF7A, s2;
	p2 =	seq.s32 @!p0 s5, $0x0  }
0x1f: {  	s9 =	smul.u32 $0xF7A, s1;
	s8 =	simm.s32 @!p0 $0x1BF5;
	p2 =	por !p2, p0  }
0x20: {  	[sflag:s8] =	ssyncset.s32 @!p0 $0xFFFFF086;
	s6 =	sadd.s32 @!p0 s3, s7;
	s7 =	simm.s32 @!p0 $0x108  }
0x21: {  	s3 =	sadd.s32 s3, s9;
	s6 =	sadd.s32 @!p0 $0x88, s6;
	s7 =	simm.s32 @p2 $0x1082  }
0x22: {  	[simem:s7], [sflag:s8] =	dma.local @!p0 [hbm:s6], $0xF7A  }
0x23: {  	s9 =	sor.u32 $0xD0000000, s2;
	s6 =	simm.s32 $0x108;
	_ =	swait.ge @!p0 [sflag:s8], $0x0  }
0x24: {  	s3 =	sadd.s32 $0x88, s3;
	s6 =	simm.s32 @!p1 $0x1082;
	[sflag:s4] =	ssyncset.s32 $0xFFFFF086  }
0x25: {  	[simem:s6], [sflag:s4] =	dma.local [hbm:s3], $0xF7A  }
0x26: {  	[smem:$0x3F9C] =	sst s1;
	(tag) =	ssettag s2;
	_ =	strace s9  }
0x27: {  	s1 =	sld [smem:$0x3FAC]  }
0x28: {  	s2 =	sld [smem:$0x3FAD]  }
0x29: {  	s4 =	sld [smem:$0x3FAF]  }
0x2a: {  	p0 =	seq.s32 s5, $0x0;
	s5 =	sld [smem:$0x3FB0]  }
0x2b: {  	s6 =	sld [smem:$0x3FB1]  }
0x2c: {  	s7 =	sld [smem:$0x3FB2]  }
0x2d: {  	s3 =	simm.s32 $0x108;
	s8 =	sld [smem:$0x3FB3]  }
0x2e: {  	s3 =	simm.s32 @!p0 $0x1082;
	s9 =	sld [smem:$0x3FB4]  }
0x2f: {  	lr =	sadd.s32 s0, s3;
	s0 =	sld [smem:$0x3FAB]  }
0x30: {  	s3 =	sld [smem:$0x3FAE]  }
0x31: {  	[smem:$0x3FB7] =	sst s10  }
0x32: {  	s10 =	sld [smem:$0x3FB5];
	_ =	sdelay $0x3  }
0x33: {  	p0 =	seq.s32 s10, $0x1;
	s10 =	sld [smem:$0x3FB7];
	_ =	sdelay $0x3  }
0x34: {  	[smem:$0x3FB7] =	sst s10  }
0x35: {  	s10 =	sld [smem:$0x3FB6];
	_ =	sdelay $0x3  }
0x36: {  	p1 =	seq.s32 s10, $0x1;
	s10 =	sld [smem:$0x3FB7];
	_ =	sdelay $0x3  }
0x37: {  	[smem:$0x3FB7] =	sst s10  }
0x38: {  	s10 =	sld [smem:$0x3FB8]  }
0x39: {  	_ = 	snop;
	(pc) =	sbr.ind lr, $3  }
0x3a: {  	_ = 	snop  }
0x3b: {  	_ = 	snop  }
0x3c: {  	p2 =	seq.s32 s10, $0x1;
	s10 =	sld [smem:$0x3FB7]  }
0x3d: {  	_ =	shalt  }
0x3e: {  	_ =	shalt  }
0x3f: {  	_ =	shalt  }
0x40: {  	_ =	shalt  }
0x41: {  	_ =	shalt  }
0x42: {  	_ =	shalt  }
0x43: {  	_ =	shalt  }
0x44: {  	_ =	shalt  }
0x45: {  	_ =	shalt  }
0x46: {  	_ =	shalt  }
0x47: {  	_ =	shalt  }
0x48: {  	_ =	shalt  }
0x49: {  	_ =	shalt  }
0x4a: {  	_ =	shalt  }
0x4b: {  	_ =	shalt  }
0x4c: {  	_ =	shalt  }
0x4d: {  	_ =	shalt  }
0x4e: {  	_ =	shalt  }
0x4f: {  	_ =	shalt  }
0x50: {  	_ =	shalt  }
0x51: {  	_ =	shalt  }
0x52: {  	_ =	shalt  }
0x53: {  	_ =	shalt  }
0x54: {  	_ =	shalt  }
0x55: {  	_ =	shalt  }
0x56: {  	_ =	shalt  }
0x57: {  	_ =	shalt  }
0x58: {  	_ =	shalt  }
0x59: {  	_ =	shalt  }
0x5a: {  	_ =	shalt  }
0x5b: {  	_ =	shalt  }
0x5c: {  	_ =	shalt  }
0x5d: {  	_ =	shalt  }
0x5e: {  	_ =	shalt  }
0x5f: {  	_ =	shalt  }
0x60: {  	_ =	shalt  }
0x61: {  	_ =	shalt  }
0x62: {  	_ =	shalt  }
0x63: {  	_ =	shalt  }
0x64: {  	_ =	shalt  }
0x65: {  	_ =	shalt  }
0x66: {  	_ =	shalt  }
0x67: {  	_ =	shalt  }
0x68: {  	_ =	shalt  }
0x69: {  	_ =	shalt  }
0x6a: {  	_ =	shalt  }
0x6b: {  	_ =	shalt  }
0x6c: {  	_ =	shalt  }
0x6d: {  	_ =	shalt  }
0x6e: {  	_ =	shalt  }
0x6f: {  	_ =	shalt  }
0x70: {  	_ =	shalt  }
0x71: {  	_ =	shalt  }
0x72: {  	_ =	shalt  }
0x73: {  	_ =	shalt  }
0x74: {  	_ =	shalt  }
0x75: {  	_ =	shalt  }
0x76: {  	_ =	shalt  }
0x77: {  	_ =	shalt  }
0x78: {  	_ =	shalt  }
0x79: {  	_ =	shalt  }
0x7a: {  	_ =	shalt  }
0x7b: {  	_ =	shalt  }
0x7c: {  	_ =	shalt  }
0x7d: {  	_ =	shalt  }
0x7e: {  	_ =	shalt  }
0x7f: {  	_ =	shalt  }
0x80: {  	_ =	shalt  }
0x81: {  	_ =	shalt  }
0x82: {  	_ =	shalt  }
0x83: {  	_ =	shalt  }
0x84: {  	_ =	shalt  }
0x85: {  	_ =	shalt  }
0x86: {  	_ =	shalt  }
0x87: {  	_ =	shalt  }
.Lfunc_end0:
.L_simem_size_0:
called_computation_lowered:
.L_overlay_start_0:
0x88: {  	s2 =	sld [smem:$0x3FD9]  }
0x89: {  	s3 =	sld [smem:$0x3FFE];
	_ =	sdelay $0x1  }
0x8a: {  	s1 =	srdreg.scid  }
0x8b: {  	s0 =	sand.u32 $0x1, s1  }
0x8c: {  	s14 =	sshll.u32 s0, $0xA;
	s2 =	sadd.s32 s3, s2  }
0x8d: {  	s2 =	sadd.s32 s2, s14  }
0x8e: {  	[smem:$0x3FC3] =	sst s2  }
0x8f: {  	_ = 	snop  }
0x90: {  	s2 =	sld [smem:$0x3FD0];
	_ =	sdelay $0x2  }
0x91: {  	s4 =	simm.s32 $0xA;
	s5 =	simm.s32 $0x10;
	s15 =	sld [smem:$0x3FC6]  }
0x92: {  	[smem:s5], [sflag:s4] =	dma.local [hbm:s2], $0x1  }
0x93: {  	_ =	swait.eq [sflag:s4], $0x1  }
0x94: {  	[sflag:s4] =	ssyncset.done $0x0  }
0x95: {  	s16 =	sld [smem:$0x10];
	[sflag:s4] =	ssyncadd.s32 $0xFFFFFFFF  }
0x96: {  	s17 =	sld [smem:$0x11];
	(tm) =	ssettm $0x1  }
0x97: {  	s18 =	sld [smem:$0x3FFB];
	_ =	sdelay $0x3  }
0x98: {  	_ =	strace s18  }
0x99: {  	s5 =	sld [smem:$0x3FFC];
	_ =	sdelay $0x3  }
0x9a: {  	_ =	strace s5  }
0x9b: {  	s5 =	sld [smem:$0x3FFD];
	_ =	sdelay $0x3  }
0x9c: {  	_ =	strace s5  }
0x9d: {  	_ =	strace $0x8FFFFFFF  }
0x9e: {  	s19 =	sld [smem:$0x3FDB];
	_ =	sdelay $0x1  }
0x9f: {  	s6 =	simm.s32 $_scs_section_size  }
0xa0: {  	s7 =	simm.s32 $_size__tile_overlayer_lowered;
	s8 =	simm.s32 $_tile_overlayer_lowered  }
0xa1: {  	s22 =	simm.s32 $0x1BFF;
	s21 =	sshll.u32 s8, $0x1;
	s5 =	sadd.s32 s6, s19  }
0xa2: {  	s9 =	simm.s32 $0x0;
	s20 =	sshll.u32 s7, $0x1;
	s7 =	sadd.s32 s21, s5  }
0xa3: {  	[timem:s9], [sflag:s22] =	dma.local [hbm:s7], s20  }
0xa4: {  	_ =	swait.ge [sflag:s22], s20  }
0xa5: {  	s6 =	ssub.s32 $0x0, s20;
	[sflag:s22] =	ssyncset.done $0x0  }
0xa6: {  	[sflag:s22] =	ssyncadd.s32 s6;
	_ =	sdelay $0x1  }
0xa7: {  	s23 =	simm.s32 $0x1B8B  }
0xa8: {  	_ =	swait.ge [sflag:s23], $0x1  }
0xa9: {  	[sflag:s23] =	ssyncset.done $0x0  }
0xaa: {  	s25 =	simm.s32 $0x1B8E;
	s24 =	sld [smem:$0x3FFE];
	[sflag:s23] =	ssyncadd.s32 $0xFFFFFFFF  }
0xab: {  	s26 =	simm.s32 $execute0_lowered;
	[smem:$0x3FD2] =	sst s25  }
0xac: {  	s7 =	sshll.u32 s26, $0x1;
	_ =	strace $0x80000046;
	[dreg:$0x1] =	wrdreg $0xFFFFFFFF  }
0xad: {  	s28 =	simm.s32 $_size_execute0_lowered;
	s5 =	sadd.s32 s5, s7;
	[dreg:$0x0] =	wrdreg $0x0  }
0xae: {  	s7 =	sshll.u32 s28, $0x1;
	[dreg:$0x2] =	wrdreg s5  }
0xaf: {  	[dreg:$0x3] =	wrdreg s7  }
0xb0: {  	[dreg:$0x4] =	wrdreg $0xC0  }
0xb1: {  	_ =	task [dreg:s9], $0x5FFFF  }
0xb2: {  	[dreg:$0x1] =	wrdreg $0xFFFFFFFF  }
0xb3: {  	[dreg:$0x0] =	wrdreg $0x60  }
0xb4: {  	[dreg:$0x2] =	wrdreg s24  }
0xb5: {  	[dreg:$0x3] =	wrdreg s17  }
0xb6: {  	[dreg:$0x4] =	wrdreg s15  }
0xb7: {  	[dreg:$0x5] =	wrdreg s16  }
0xb8: {  	[dreg:$0x6] =	wrdreg $0x9  }
0xb9: {  	_ =	task.clear_ibuf [dreg:s9], $0x7FFFF;
	_ =	strace $0x90000046  }
0xba: {  	s29 =	simm.s32 $0x9;
	_ =	strace $0x80000048  }
0xbb: {  	_ =	swait.ge [sflag:s29], $0x1  }
0xbc: {  	[sflag:s29] =	ssyncadd.s32 $0xFFFFFFFF  }
0xbd: {  	_ =	strace $0x90000048  }
0xbe: {  	_ =	sfence  }
0xbf: {  	s30 =	sld [smem:$0x0];
	_ =	sdelay $0x2  }
0xc0: {  	s31 =	sshll.u32 s1, $0xD;
	s1 =	sshrl.u32 s1, $0x2  }
0xc1: {  	s3 =	sand.u32 $0x4000, s31;
	s1 =	sadd.s32 s1, s30  }
0xc2: {  	s0 =	sor.u32 s3, s0;
	s1 =	sshll.u32 s1, $0x11  }
0xc3: {  	s0 =	sor.u32 s1, s0  }
0xc4: {  	s0 =	sadd.s32 $0x8F2B, s0  }
0xc5: {  	[sflag:s0] =	ssyncadd.remote.s32 $0x1  }
0xc6: {  	_ =	sfence.sel $0xFFFF  }
0xc7: {  	[dreg:$0x0] =	wrdreg $0xFFFFFFFF;
	(pc) =	sbr.abs _section_cstart, $3  }
0xc8: {  	[dreg:$0x1] =	wrdreg $0xFFFFFFFF  }
0xc9: {  	_ =	task.clear_ibuf [dreg:s9], $0x2FFFF;
	_ =	strace $0x9FFFFFFF  }
0xca: {  	(tm) =	ssettm $0x7FFFFFFF  }
0xcb: {  	_ =	shalt  }
tec
execute0_lowered:
.L_overlay_start_1:
0x0: {  	(tag) =	ssettag $0x1  }
0x1: {  	v0 =	vimm.s32 $0x0;
	v2 =	vlaneseq.u32  }
0x2: {  	v4 =	vimm.s32 $0x23456701;
	v5 =	vimm.s32 $0x34567012;
	v1 =	vmul.u32 $0xFF, v2  }
0x3: {  	v3 =	vmul.u32 $0x8, v2;
	v6 =	vunpack.c.l.s4.s8 v5;
	v5 =	vimm.s32 $0x45670123  }
0x4: {  	s7 =	rddreg [dreg:$0x0];
	v4 =	vunpack.c.l.s4.s8 v4;
	v2 =	vand.u32 $0x7, v2;
	v8 =	vunpack.c.l.s4.s8 v5  }
0x5: {  	s8 =	rddreg [dreg:$0x1];
	v2 =	vmul.u32 $0xFFFFFFFF, v2;
	[tilespmem:$0x1FEC0] =	vst v3;
	v3 =	vimm.s32 $0x12345670;
	v31 =	vadd.s32 $0x1, v1  }
0x6: {  	s9 =	rddreg [dreg:$0x2];
	v5 =	vunpack.c.0.s8.s32 v4;
	v32 =	vadd.s32 $0x2, v1;
	v7 =	vunpack.c.0.s8.s32 v6  }
0x7: {  	s10 =	rddreg [dreg:$0x3];
	s1 =	simm.s32 $0x0;
	v33 =	vadd.s32 $0x3, v1;
	v4 =	vimm.s32 $0x56701234;
	v34 =	vadd.s32 $0x4, v1  }
0x8: {  	[smem:$0x7FF] =	sst s1;
	v6 =	vimm.s32 $0x67012345;
	v17 =	vadd.s32 $0x7, v2;
	v2 =	vadd.s32 $0x22, v1  }
0x9: {  	s0 =	rddreg [dreg:$0x4];
	v35 =	vadd.s32 $0x5, v1;
	v36 =	vadd.s32 $0x6, v1;
	_ =	strace $0x80000047;
	[tilespmem:$0x1FED0] =	vst v2;
	v2 =	vadd.s32 $0x23, v1  }
0xa: {  	v37 =	vadd.s32 $0x7, v1;
	v38 =	vadd.s32 $0x8, v1;
	[tilespmem:$0x1FEE0] =	vst v2;
	v2 =	vadd.s32 $0x24, v1  }
0xb: {  	v39 =	vadd.s32 $0x9, v1;
	v40 =	vadd.s32 $0xA, v1;
	[tilespmem:$0x1FEF0] =	vst v2;
	v2 =	vadd.s32 $0x25, v1  }
0xc: {  	v41 =	vadd.s32 $0xB, v1;
	v42 =	vadd.s32 $0xC, v1;
	[tilespmem:$0x1FF00] =	vst v2;
	v2 =	vadd.s32 $0x26, v1  }
0xd: {  	v43 =	vadd.s32 $0xD, v1;
	v44 =	vadd.s32 $0xE, v1;
	[tilespmem:$0x1FF10] =	vst v2;
	v2 =	vadd.s32 $0x27, v1  }
0xe: {  	v45 =	vadd.s32 $0xF, v1;
	v46 =	vadd.s32 $0x10, v1;
	[tilespmem:$0x1FF20] =	vst v2;
	v2 =	vadd.s32 $0x28, v1  }
0xf: {  	v47 =	vadd.s32 $0x11, v1;
	v48 =	vadd.s32 $0x12, v1;
	[tilespmem:$0x1FF30] =	vst v2;
	v2 =	vadd.s32 $0x29, v1  }
0x10: {  	v49 =	vadd.s32 $0x13, v1;
	v50 =	vadd.s32 $0x14, v1;
	[tilespmem:$0x1FF40] =	vst v2;
	v2 =	vadd.s32 $0x2A, v1  }
0x11: {  	v51 =	vadd.s32 $0x15, v1;
	v52 =	vadd.s32 $0x16, v1;
	[tilespmem:$0x1FF50] =	vst v2;
	v2 =	vadd.s32 $0x2B, v1  }
0x12: {  	v53 =	vadd.s32 $0x17, v1;
	v54 =	vadd.s32 $0x18, v1;
	[tilespmem:$0x1FF60] =	vst v2;
	v2 =	vadd.s32 $0x2C, v1  }
0x13: {  	s5 =	srdreg.scid;
	s2 =	stileid.u32;
	s15 =	simm.s32 $0x51D0;
	v55 =	vadd.s32 $0x19, v1;
	v56 =	vadd.s32 $0x1A, v1;
	[tilespmem:$0x1FF70] =	vst v2;
	v2 =	vadd.s32 $0x2D, v1  }
0x14: {  	s16 =	simm.s32 $0x1;
	s17 =	simm.s32 $0x64C0;
	s18 =	simm.s32 $0x62C0;
	v57 =	vadd.s32 $0x1B, v1;
	v58 =	vadd.s32 $0x1C, v1;
	[tilespmem:$0x1FF80] =	vst v2;
	v2 =	vadd.s32 $0x2E, v1  }
0x15: {  	s19 =	simm.s32 $0x0;
	s6 =	sand.u32 $0x1, s5;
	s11 =	sshll.u32 s2, $0x1;
	v59 =	vadd.s32 $0x1D, v1;
	v60 =	vadd.s32 $0x1E, v1;
	[tilespmem:$0x1FF90] =	vst v2;
	v2 =	vadd.s32 $0x2F, v1  }
0x16: {  	s3 =	sadd.s32 $0x1000, s7;
	s4 =	sadd.s32 $0x80800, s7;
	s11 =	sor.u32 s6, s11;
	v61 =	vadd.s32 $0x1F, v1;
	v3 =	vunpack.c.l.s4.s8 v3;
	[tilespmem:$0x1FFA0] =	vst v2;
	v2 =	vadd.s32 $0x30, v1  }
0x17: {  	s5 =	sadd.s32 $0xC00, s7;
	s12 =	ssub.s32 $0x2, s6;
	s6 =	sshll.u32 s11, $0x9;
	v9 =	vunpack.c.0.s8.s32 v8;
	v4 =	vunpack.c.l.s4.s8 v4;
	[tilespmem:$0x1FFB0] =	vst v2;
	v2 =	vadd.s32 $0x31, v1  }
0x18: {  	s13 =	sshrl.u32 s12, $0x1;
	s11 =	sshll.u32 s11, $0x6;
	v6 =	vunpack.c.l.s4.s8 v6;
	v8 =	vimm.s32 $0x70123456;
	s14 =	sadd.s32 s6, s7;
	[tilespmem:$0x1FFC0] =	vst v2;
	v2 =	vadd.s32 $0x32, v1  }
0x19: {  	s12 =	ssub.s32 s12, s13;
	s7 =	sadd.s32 s9, s11;
	s8 =	sadd.s32 s8, s6;
	v11 =	vunpack.c.0.s8.s32 v4;
	v4 =	vunpack.c.l.s4.s8 v8;
	[tilespmem:$0x1FFD0] =	vst v2;
	v2 =	vadd.s32 $0x33, v1  }
0x1a: {  	v62 =	vadd.s32 $0x20, v1;
	v30 =	vadd.s32 $0x21, v1;
	s9 =	sadd.s32 s10, s11;
	s13 =	simm.s32 $0x41C0;
	s10 =	sadd.s32 $0x80A00, s14;
	[tilespmem:$0x1FFE0] =	vst v2;
	v2 =	vadd.s32 $0x34, v1  }
0x1b: {  	s11 =	smax.u32 s12, $0x1;
	s12 =	simm.s32 $0x2;
	s14 =	simm.s32 $0x51C0;
	v3 =	vunpack.c.0.s8.s32 v3;
	v13 =	vunpack.c.0.s8.s32 v6;
	v15 =	vunpack.c.0.s8.s32 v4;
	[tilespmem:$0x1FFF0] =	vst v2  }
.LBB2_1:
0x1c: {  	s20 =	simm.s32 $0x3FC0  }
0x1d: {  	[tilespmem:s20], [sflag:$0x2] =	stream.linear.gather [hbm4b:s7+s1], $0x200, $0x38;
	[tilespmem:$0x74C0] =	vst v63  }
0x1e: {  	_ =	swait.ge [sflag:s12], $0x200  }
0x1f: {  	[sflag:s12] =	ssyncset.done $0x0  }
0x20: {  	[sflag:s12] =	ssyncadd.s32 $0xFFFFFE00  }
0x21: {  	[tilespmem:s13], [sflag:$0x2] =	stream.linear.gather [hbm4b:s8+s1], $0x1000, $0x38;
	[tilespmem:$0x74C0] =	vst v63  }
0x22: {  	_ =	swait.ge [sflag:s12], $0x1000  }
0x23: {  	[sflag:s12] =	ssyncset.done $0x0  }
0x24: {  	[sflag:s12] =	ssyncadd.s32 $0xFFFFF000  }
0x25: {  	[tilespmem:s14], [sflag:$0x2] =	stream.linear.gather [hbm4b:s4+s1], $0x10, $0x38;
	[tilespmem:$0x74C0] =	vst v63  }
0x26: {  	_ =	swait.ge [sflag:s12], $0x10  }
0x27: {  	[sflag:s12] =	ssyncset.done $0x0  }
0x28: {  	[sflag:s12] =	ssyncadd.s32 $0xFFFFFFF0  }
0x29: {  	[tilespmem:s15], [sflag:$0x2] =	stream.linear.gather [hbm4b:s5+s1], $0x10F0, $0x38;
	[tilespmem:$0x74C0] =	vst v63  }
0x2a: {  	_ =	swait.ge [sflag:s12], $0x10F0  }
0x2b: {  	[sflag:s12] =	ssyncset.done $0x0  }
0x2c: {  	[sflag:s12] =	ssyncadd.s32 $0xFFFFEF10  }
0x2d: {  	v2 =	vld [tilespmem:$0x51C0];
	_ =	sdelay $0x4  }
0x2e: {  	s21 =	simm.s32 $0x62C0;
	s22 =	simm.s32 $0x0;
	s23 =	simm.s32 $0x0;
	vm0 =	vgt.s32 v2, $0x0  }
.LBB2_2:
0x2f: {  	s24 =	sshll.u32 s23, $0x6  }
0x30: {  	s24 =	sadd.s32 s6, s24  }
0x31: {  	s24 =	smul.u32 $0xFF, s24;
	_ =	sdelay $0x1  }
0x32: {  	s24 =	sshrl.u32 s24, $0x3  }
0x33: {  	s25 =	sadd.s32 s3, s24;
	s24 =	simm.s32 $0x0  }
0x34: {  	[tilespmem:s24], [sflag:$0x1] =	stream.linear.gather [hbm4b:s25+s24], $0x3FC0, $0x38;
	[tilespmem:$0x74C0] =	vst v63  }
0x35: {  	_ =	swait.ge [sflag:s16], $0x3FC0  }
0x36: {  	[sflag:s16] =	ssyncset.done $0x0  }
0x37: {  	s26 =	smov.u32 s21;
	s25 =	smov.u32 s20;
	[sflag:s16] =	ssyncadd.s32 $0xFFFFC040  }
.LBB2_3:
0x38: {  	v2 =	vmov s24;
	v4 =	vld [tilespmem:s25+$0x0]  }
0x39: {  	v2 =	vmul.u32 $0xFF, v2;
	_ =	sdelay $0x1  }
0x3a: {  	v63 =	vbroadcast v2, $0x0;
	_ =	sdelay $0x1  }
0x3b: {  	v6 =	vadd.s32 v1, v63;
	v2 =	vmul.u32 $0x11, v4  }
0x3c: {  	v4 =	vand.u32 $0xFFFFFFF8, v6  }
0x3d: {  	v6 =	vor.u32 v3, v4;
	v4 =	vadd.s32 v31, v63  }
0x3e: {  	v4 =	vand.u32 $0xFFFFFFF8, v4  }
0x3f: {  	v8 =	vor.u32 v5, v4  }
0x40: {  	v10 =	vadd.s32 v32, v63  }
0x41: {  	v10 =	vand.u32 $0xFFFFFFF8, v10;
	v4 =	vld.idx.msk [tilespmem:v2+s15+$0x0], $0xffff  }
0x42: {  	v16 =	vor.u32 v7, v10  }
0x43: {  	v10 =	vadd.s32 v33, v63;
	v14 =	vld.idx.msk [tilespmem:v6+s1+$0x0], $0xffff  }
0x44: {  	v18 =	vld.idx.msk [tilespmem:v8+s1+$0x0], $0xffff;
	v8 =	vand.u32 $0xFFFFFFF8, v10  }
0x45: {  	v21 =	vadd.s32 v34, v63;
	v24 =	vadd.s32 v35, v63;
	v19 =	vor.u32 v9, v8  }
0x46: {  	v25 =	vadd.s32 v36, v63;
	v26 =	vand.u32 $0xFFFFFFF8, v21;
	v20 =	vand.u32 $0x1, v4  }
0x47: {  	v21 =	vand.u32 $0xFFFFFFF8, v24;
	v16 =	vld.idx.msk [tilespmem:v16+s1+$0x0], $0xffff;
	vm1 =	veq.s32 v20, $0x1;
	v20 =	vor.u32 v11, v26  }
0x48: {  	v21 =	vor.u32 v13, v21;
	v27 =	vand.u32 $0x2, v4;
	v22 =	vand.u32 $0x4, v4  }
0x49: {  	v24 =	vand.u32 $0x8, v4;
	vm2 =	vgt.f32 v14, $-3.000000010e+38;
	v26 =	vand.u32 $0x10, v4  }
0x4a: {  	vm1 =	vmand vm2, vm1;
	vm2 =	vne.s32 v27, $0x0;
	vm3 =	vgt.f32 v18, $-3.000000010e+38;
	v19 =	vld.idx.msk [tilespmem:v19+s1+$0x0], $0xffff  }
0x4b: {  	v14 =	vnsel vm1, $0xFF61B1E6, v14;
	vm1 =	vmand vm2, vm3;
	vm2 =	vne.s32 v22, $0x0  }
0x4c: {  	vm3 =	vgt.f32 v16, $-3.000000010e+38;
	v22 =	vand.u32 $0xFFFFFFF8, v25;
	v18 =	vnsel vm1, $0xFF61B1E6, v18;
	v20 =	vld.idx.msk [tilespmem:v20+s1+$0x0], $0xffff  }
0x4d: {  	v23 =	vsel vm1, $0x1, v0;
	vm1 =	vmand vm2, vm3;
	v22 =	vor.u32 v15, v22  }
0x4e: {  	vm2 =	vne.s32 v24, $0x0;
	v24 =	vadd.s32 v37, v63;
	v16 =	vnsel vm1, $0xFF61B1E6, v16  }
0x4f: {  	v21 =	vld.idx.msk [tilespmem:v21+s1+$0x0], $0xffff;
	v25 =	vsel vm1, $0x2, v0;
	v24 =	vand.u32 $0xFFFFFFF8, v24;
	vm3 =	vgt.f32 v19, $-3.000000010e+38  }
0x50: {  	v24 =	vor.u32 v17, v24;
	vm1 =	vmand vm2, vm3;
	vm2 =	vne.s32 v26, $0x0  }
0x51: {  	v26 =	vadd.s32 v38, v63;
	v19 =	vnsel vm1, $0xFF61B1E6, v19;
	vm3 =	vgt.f32 v20, v14  }
0x52: {  	v22 =	vld.idx.msk [tilespmem:v22+s1+$0x0], $0xffff;
	v27 =	vsel vm1, $0x3, v0;
	v26 =	vand.u32 $0xFFFFFFF8, v26;
	vm1 =	vmand vm2, vm3  }
0x53: {  	v26 =	vor.u32 v3, v26;
	v14 =	vsel vm1, v20, v14;
	v20 =	vand.u32 $0x20, v4  }
0x54: {  	vm3 =	vgt.f32 v21, v18;
	vm2 =	vne.s32 v20, $0x0;
	v20 =	vadd.s32 v39, v63  }
0x55: {  	v24 =	vld.idx.msk [tilespmem:v24+s1+$0x0], $0xffff;
	v28 =	vsel vm1, $0x4, v0;
	vm1 =	vmand vm2, vm3;
	v20 =	vand.u32 $0xFFFFFFF8, v20  }
0x56: {  	v18 =	vsel vm1, v21, v18;
	v21 =	vand.u32 $0x40, v4;
	v20 =	vor.u32 v5, v20  }
0x57: {  	vm3 =	vgt.f32 v22, v16;
	vm2 =	vne.s32 v21, $0x0;
	v21 =	vadd.s32 v40, v63  }
0x58: {  	v23 =	vsel vm1, $0x5, v23;
	v26 =	vld.idx.msk [tilespmem:v26+s1+$0x0], $0xffff;
	vm1 =	vmand vm2, vm3;
	v21 =	vand.u32 $0xFFFFFFF8, v21  }
0x59: {  	v16 =	vsel vm1, v22, v16;
	v22 =	vand.u32 $0x80, v4;
	v21 =	vor.u32 v7, v21  }
0x5a: {  	vm3 =	vgt.f32 v24, v19;
	vm2 =	vne.s32 v22, $0x0;
	v22 =	vadd.s32 v41, v63  }
0x5b: {  	v25 =	vsel vm1, $0x6, v25;
	vm1 =	vmand vm2, vm3;
	v20 =	vld.idx.msk [tilespmem:v20+s1+$0x0], $0xffff;
	v22 =	vand.u32 $0xFFFFFFF8, v22  }
0x5c: {  	v19 =	vsel vm1, v24, v19;
	v24 =	vand.u32 $0x100, v4;
	v22 =	vor.u32 v9, v22  }
0x5d: {  	vm3 =	vgt.f32 v26, v14;
	vm2 =	vne.s32 v24, $0x0;
	v24 =	vadd.s32 v42, v63  }
0x5e: {  	v27 =	vsel vm1, $0x7, v27;
	vm1 =	vmand vm2, vm3;
	v21 =	vld.idx.msk [tilespmem:v21+s1+$0x0], $0xffff;
	v24 =	vand.u32 $0xFFFFFFF8, v24  }
0x5f: {  	v14 =	vsel vm1, v26, v14;
	v26 =	vand.u32 $0x200, v4;
	v24 =	vor.u32 v11, v24  }
0x60: {  	vm2 =	vne.s32 v26, $0x0;
	vm3 =	vgt.f32 v20, v18;
	v26 =	vadd.s32 v43, v63  }
0x61: {  	v28 =	vsel vm1, $0x8, v28;
	vm1 =	vmand vm2, vm3;
	v22 =	vld.idx.msk [tilespmem:v22+s1+$0x0], $0xffff;
	v26 =	vand.u32 $0xFFFFFFF8, v26  }
0x62: {  	v18 =	vsel vm1, v20, v18;
	v20 =	vand.u32 $0x400, v4;
	v26 =	vor.u32 v13, v26  }
0x63: {  	vm2 =	vne.s32 v20, $0x0;
	vm3 =	vgt.f32 v21, v16;
	v20 =	vadd.s32 v44, v63  }
0x64: {  	v23 =	vsel vm1, $0x9, v23;
	vm1 =	vmand vm2, vm3;
	v24 =	vld.idx.msk [tilespmem:v24+s1+$0x0], $0xffff;
	v20 =	vand.u32 $0xFFFFFFF8, v20  }
0x65: {  	v16 =	vsel vm1, v21, v16;
	v21 =	vand.u32 $0x800, v4;
	v20 =	vor.u32 v15, v20  }
0x66: {  	vm2 =	vne.s32 v21, $0x0;
	vm3 =	vgt.f32 v22, v19;
	v21 =	vadd.s32 v45, v63  }
0x67: {  	v25 =	vsel vm1, $0xA, v25;
	vm1 =	vmand vm2, vm3;
	v26 =	vld.idx.msk [tilespmem:v26+s1+$0x0], $0xffff;
	v21 =	vand.u32 $0xFFFFFFF8, v21  }
0x68: {  	v19 =	vsel vm1, v22, v19;
	v22 =	vand.u32 $0x1000, v4;
	v21 =	vor.u32 v17, v21  }
0x69: {  	vm2 =	vne.s32 v22, $0x0;
	vm3 =	vgt.f32 v24, v14;
	v22 =	vadd.s32 v46, v63  }
0x6a: {  	v27 =	vsel vm1, $0xB, v27;
	vm1 =	vmand vm2, vm3;
	v20 =	vld.idx.msk [tilespmem:v20+s1+$0x0], $0xffff;
	v22 =	vand.u32 $0xFFFFFFF8, v22  }
0x6b: {  	v14 =	vsel vm1, v24, v14;
	v24 =	vand.u32 $0x2000, v4;
	v22 =	vor.u32 v3, v22  }
0x6c: {  	vm2 =	vne.s32 v24, $0x0;
	vm3 =	vgt.f32 v26, v18;
	v24 =	vadd.s32 v47, v63  }
0x6d: {  	v28 =	vsel vm1, $0xC, v28;
	vm1 =	vmand vm2, vm3;
	v21 =	vld.idx.msk [tilespmem:v21+s1+$0x0], $0xffff;
	v24 =	vand.u32 $0xFFFFFFF8, v24  }
0x6e: {  	v18 =	vsel vm1, v26, v18;
	v26 =	vand.u32 $0x4000, v4;
	v24 =	vor.u32 v5, v24  }
0x6f: {  	vm2 =	vne.s32 v26, $0x0;
	vm3 =	vgt.f32 v20, v16;
	v26 =	vadd.s32 v48, v63  }
0x70: {  	v23 =	vsel vm1, $0xD, v23;
	vm1 =	vmand vm2, vm3;
	v22 =	vld.idx.msk [tilespmem:v22+s1+$0x0], $0xffff;
	v26 =	vand.u32 $0xFFFFFFF8, v26  }
0x71: {  	v16 =	vsel vm1, v20, v16;
	v20 =	vand.u32 $0x8000, v4;
	v26 =	vor.u32 v7, v26  }
0x72: {  	vm2 =	vne.s32 v20, $0x0;
	vm3 =	vgt.f32 v21, v19;
	v20 =	vadd.s32 v49, v63  }
0x73: {  	v25 =	vsel vm1, $0xE, v25;
	vm1 =	vmand vm2, vm3;
	v24 =	vld.idx.msk [tilespmem:v24+s1+$0x0], $0xffff;
	v20 =	vand.u32 $0xFFFFFFF8, v20  }
0x74: {  	v19 =	vsel vm1, v21, v19;
	v21 =	vand.u32 $0x10000, v4;
	v20 =	vor.u32 v9, v20  }
0x75: {  	vm2 =	vne.s32 v21, $0x0;
	vm3 =	vgt.f32 v22, v14;
	v21 =	vadd.s32 v50, v63  }
0x76: {  	v27 =	vsel vm1, $0xF, v27;
	vm1 =	vmand vm2, vm3;
	v26 =	vld.idx.msk [tilespmem:v26+s1+$0x0], $0xffff;
	v21 =	vand.u32 $0xFFFFFFF8, v21  }
0x77: {  	v14 =	vsel vm1, v22, v14;
	v22 =	vand.u32 $0x20000, v4;
	v21 =	vor.u32 v11, v21  }
0x78: {  	vm2 =	vne.s32 v22, $0x0;
	vm3 =	vgt.f32 v24, v18;
	v22 =	vadd.s32 v51, v63  }
0x79: {  	v28 =	vsel vm1, $0x10, v28;
	vm1 =	vmand vm2, vm3;
	v20 =	vld.idx.msk [tilespmem:v20+s1+$0x0], $0xffff;
	v22 =	vand.u32 $0xFFFFFFF8, v22  }
0x7a: {  	v18 =	vsel vm1, v24, v18;
	v24 =	vand.u32 $0x40000, v4;
	v22 =	vor.u32 v13, v22  }
0x7b: {  	vm2 =	vne.s32 v24, $0x0;
	vm3 =	vgt.f32 v26, v16;
	v24 =	vadd.s32 v52, v63  }
0x7c: {  	v23 =	vsel vm1, $0x11, v23;
	vm1 =	vmand vm2, vm3;
	v21 =	vld.idx.msk [tilespmem:v21+s1+$0x0], $0xffff;
	v24 =	vand.u32 $0xFFFFFFF8, v24  }
0x7d: {  	v16 =	vsel vm1, v26, v16;
	v26 =	vand.u32 $0x80000, v4;
	v24 =	vor.u32 v15, v24  }
0x7e: {  	vm2 =	vne.s32 v26, $0x0;
	vm3 =	vgt.f32 v20, v19;
	v26 =	vadd.s32 v53, v63  }
0x7f: {  	v25 =	vsel vm1, $0x12, v25;
	vm1 =	vmand vm2, vm3;
	v22 =	vld.idx.msk [tilespmem:v22+s1+$0x0], $0xffff;
	v26 =	vand.u32 $0xFFFFFFF8, v26  }
0x80: {  	v19 =	vsel vm1, v20, v19;
	v20 =	vand.u32 $0x100000, v4;
	v26 =	vor.u32 v17, v26  }
0x81: {  	vm2 =	vne.s32 v20, $0x0;
	vm3 =	vgt.f32 v21, v14;
	v20 =	vadd.s32 v54, v63  }
0x82: {  	v27 =	vsel vm1, $0x13, v27;
	vm1 =	vmand vm2, vm3;
	v24 =	vld.idx.msk [tilespmem:v24+s1+$0x0], $0xffff;
	v20 =	vand.u32 $0xFFFFFFF8, v20  }
0x83: {  	v14 =	vsel vm1, v21, v14;
	v21 =	vand.u32 $0x200000, v4;
	v20 =	vor.u32 v3, v20  }
0x84: {  	vm2 =	vne.s32 v21, $0x0;
	vm3 =	vgt.f32 v22, v18;
	v21 =	vadd.s32 v55, v63  }
0x85: {  	v28 =	vsel vm1, $0x14, v28;
	vm1 =	vmand vm2, vm3;
	v26 =	vld.idx.msk [tilespmem:v26+s1+$0x0], $0xffff;
	v21 =	vand.u32 $0xFFFFFFF8, v21  }
0x86: {  	v18 =	vsel vm1, v22, v18;
	v22 =	vand.u32 $0x400000, v4;
	v21 =	vor.u32 v5, v21  }
0x87: {  	vm2 =	vne.s32 v22, $0x0;
	vm3 =	vgt.f32 v24, v16;
	v22 =	vadd.s32 v56, v63  }
0x88: {  	v23 =	vsel vm1, $0x15, v23;
	vm1 =	vmand vm2, vm3;
	v20 =	vld.idx.msk [tilespmem:v20+s1+$0x0], $0xffff;
	v22 =	vand.u32 $0xFFFFFFF8, v22  }
0x89: {  	v16 =	vsel vm1, v24, v16;
	v24 =	vand.u32 $0x800000, v4;
	v22 =	vor.u32 v7, v22  }
0x8a: {  	vm2 =	vne.s32 v24, $0x0;
	vm3 =	vgt.f32 v26, v19;
	v24 =	vadd.s32 v57, v63  }
0x8b: {  	v25 =	vsel vm1, $0x16, v25;
	vm1 =	vmand vm2, vm3;
	v21 =	vld.idx.msk [tilespmem:v21+s1+$0x0], $0xffff;
	v24 =	vand.u32 $0xFFFFFFF8, v24  }
0x8c: {  	v19 =	vsel vm1, v26, v19;
	v26 =	vand.u32 $0x1000000, v4;
	v24 =	vor.u32 v9, v24  }
0x8d: {  	vm2 =	vne.s32 v26, $0x0;
	vm3 =	vgt.f32 v20, v14;
	v26 =	vadd.s32 v58, v63  }
0x8e: {  	v27 =	vsel vm1, $0x17, v27;
	vm1 =	vmand vm2, vm3;
	v22 =	vld.idx.msk [tilespmem:v22+s1+$0x0], $0xffff;
	v26 =	vand.u32 $0xFFFFFFF8, v26  }
0x8f: {  	v14 =	vsel vm1, v20, v14;
	v20 =	vand.u32 $0x2000000, v4;
	v26 =	vor.u32 v11, v26  }
0x90: {  	vm2 =	vne.s32 v20, $0x0;
	vm3 =	vgt.f32 v21, v18;
	v20 =	vadd.s32 v59, v63  }
0x91: {  	v28 =	vsel vm1, $0x18, v28;
	vm1 =	vmand vm2, vm3;
	v24 =	vld.idx.msk [tilespmem:v24+s1+$0x0], $0xffff;
	v20 =	vand.u32 $0xFFFFFFF8, v20  }
0x92: {  	v18 =	vsel vm1, v21, v18;
	v21 =	vand.u32 $0x4000000, v4;
	v20 =	vor.u32 v13, v20  }
0x93: {  	vm2 =	vne.s32 v21, $0x0;
	vm3 =	vgt.f32 v22, v16;
	v21 =	vadd.s32 v60, v63  }
0x94: {  	v23 =	vsel vm1, $0x19, v23;
	vm1 =	vmand vm2, vm3;
	v26 =	vld.idx.msk [tilespmem:v26+s1+$0x0], $0xffff;
	v21 =	vand.u32 $0xFFFFFFF8, v21  }
0x95: {  	v16 =	vsel vm1, v22, v16;
	v22 =	vand.u32 $0x8000000, v4;
	v21 =	vor.u32 v15, v21  }
0x96: {  	vm2 =	vne.s32 v22, $0x0;
	vm3 =	vgt.f32 v24, v19;
	v22 =	vadd.s32 v61, v63  }
0x97: {  	v25 =	vsel vm1, $0x1A, v25;
	vm1 =	vmand vm2, vm3;
	v22 =	vand.u32 $0xFFFFFFF8, v22  }
0x98: {  	v19 =	vsel vm1, v24, v19;
	v24 =	vand.u32 $0x10000000, v4;
	v22 =	vor.u32 v17, v22  }
0x99: {  	v6 =	vadd.s32 $0x1, v2;
	v20 =	vld.idx.msk [tilespmem:v20+s1+$0x0], $0xffff;
	vm2 =	vne.s32 v24, $0x0;
	vm3 =	vgt.f32 v26, v14  }
0x9a: {  	v27 =	vsel vm1, $0x1B, v27;
	vm1 =	vmand vm2, vm3  }
0x9b: {  	v24 =	vadd.s32 v62, v63;
	v26 =	vsel vm1, v26, v14;
	v14 =	vand.u32 $0x20000000, v4  }
0x9c: {  	v21 =	vld.idx.msk [tilespmem:v21+s1+$0x0], $0xffff;
	v24 =	vand.u32 $0xFFFFFFF8, v24;
	vm2 =	vne.s32 v14, $0x0;
	v14 =	vadd.s32 v30, v63  }
0x9d: {  	v24 =	vor.u32 v3, v24;
	v22 =	vld.idx.msk [tilespmem:v22+s1+$0x0], $0xffff;
	v14 =	vand.u32 $0xFFFFFFF8, v14  }
0x9e: {  	vm3 =	vgt.f32 v20, v18;
	v29 =	vor.u32 v5, v14;
	v14 =	vld.idx.msk [tilespmem:v6+s15+$0x0], $0xffff  }
0x9f: {  	v28 =	vsel vm1, $0x1C, v28;
	vm1 =	vmand vm2, vm3;
	v6 =	vld [tilespmem:$0x1FED0]  }
0xa0: {  	v18 =	vsel vm1, v20, v18  }
0xa1: {  	v20 =	vand.u32 $0x40000000, v4;
	v23 =	vsel vm1, $0x1D, v23;
	vm1 =	vlt.s32 v4, $0x0;
	v4 =	vld [tilespmem:$0x1FEE0]  }
0xa2: {  	vm2 =	vne.s32 v20, $0x0;
	vm3 =	vgt.f32 v21, v16;
	v24 =	vld.idx.msk [tilespmem:v24+s1+$0x0], $0xffff  }
0xa3: {  	vm2 =	vmand vm2, vm3;
	vm3 =	vgt.f32 v22, v19  }
0xa4: {  	v16 =	vsel vm2, v21, v16;
	v20 =	vadd.s32 v6, v63;
	vm1 =	vmand vm1, vm3  }
0xa5: {  	v20 =	vand.u32 $0xFFFFFFF8, v20;
	v19 =	vsel vm1, v22, v19;
	v22 =	vand.u32 $0x1, v14  }
0xa6: {  	v21 =	vsel vm2, $0x1E, v25;
	v20 =	vor.u32 v7, v20;
	vm2 =	veq.s32 v22, $0x1;
	v22 =	vld [tilespmem:$0x1FEF0]  }
0xa7: {  	v4 =	vadd.s32 v4, v63;
	v25 =	vld.idx.msk [tilespmem:v29+s1+$0x0], $0xffff;
	vm3 =	vgt.f32 v24, v26  }
0xa8: {  	v4 =	vand.u32 $0xFFFFFFF8, v4;
	v27 =	vsel vm1, $0x1F, v27;
	vm1 =	vmand vm3, vm2  }
0xa9: {  	v4 =	vor.u32 v9, v4;
	v24 =	vsel vm1, v24, v26;
	v26 =	vand.u32 $0x2, v14  }
0xaa: {  	vm2 =	vne.s32 v26, $0x0;
	v26 =	vld [tilespmem:$0x1FF00]  }
0xab: {  	v22 =	vadd.s32 v22, v63;
	v20 =	vld.idx.msk [tilespmem:v20+s1+$0x0], $0xffff  }
0xac: {  	vm3 =	vgt.f32 v25, v18;
	v22 =	vand.u32 $0xFFFFFFF8, v22  }
0xad: {  	v28 =	vsel vm1, $0x20, v28;
	vm1 =	vmand vm2, vm3;
	v22 =	vor.u32 v11, v22  }
0xae: {  	v4 =	vld.idx.msk [tilespmem:v4+s1+$0x0], $0xffff;
	v18 =	vsel vm1, v25, v18;
	v25 =	vand.u32 $0x4, v14  }
0xaf: {  	vm2 =	vne.s32 v25, $0x0;
	v25 =	vld [tilespmem:$0x1FF10];
	v26 =	vadd.s32 v26, v63  }
0xb0: {  	v26 =	vand.u32 $0xFFFFFFF8, v26;
	vm3 =	vgt.f32 v20, v16  }
0xb1: {  	v23 =	vsel vm1, $0x21, v23;
	v26 =	vor.u32 v13, v26;
	vm1 =	vmand vm2, vm3  }
0xb2: {  	v22 =	vld.idx.msk [tilespmem:v22+s1+$0x0], $0xffff;
	v16 =	vsel vm1, v20, v16;
	v20 =	vand.u32 $0x8, v14  }
0xb3: {  	vm2 =	vne.s32 v20, $0x0;
	v20 =	vld [tilespmem:$0x1FF20]  }
0xb4: {  	v25 =	vadd.s32 v25, v63;
	vm3 =	vgt.f32 v4, v19  }
0xb5: {  	v25 =	vand.u32 $0xFFFFFFF8, v25;
	v21 =	vsel vm1, $0x22, v21;
	vm1 =	vmand vm2, vm3  }
0xb6: {  	v25 =	vor.u32 v15, v25;
	v26 =	vld.idx.msk [tilespmem:v26+s1+$0x0], $0xffff;
	v4 =	vsel vm1, v4, v19;
	v19 =	vand.u32 $0x10, v14  }
0xb7: {  	vm2 =	vne.s32 v19, $0x0;
	vm3 =	vgt.f32 v22, v24  }
0xb8: {  	v27 =	vsel vm1, $0x23, v27;
	v19 =	vld [tilespmem:$0x1FF30];
	v20 =	vadd.s32 v20, v63;
	vm1 =	vmand vm2, vm3  }
0xb9: {  	v20 =	vand.u32 $0xFFFFFFF8, v20;
	v22 =	vsel vm1, v22, v24;
	v24 =	vand.u32 $0x20, v14  }
0xba: {  	v20 =	vor.u32 v17, v20;
	vm2 =	vne.s32 v24, $0x0;
	v24 =	vld [tilespmem:$0x1FF40]  }
0xbb: {  	v25 =	vld.idx.msk [tilespmem:v25+s1+$0x0], $0xffff;
	vm3 =	vgt.f32 v26, v18  }
0xbc: {  	v28 =	vsel vm1, $0x24, v28;
	vm1 =	vmand vm2, vm3  }
0xbd: {  	v19 =	vadd.s32 v19, v63;
	v18 =	vsel vm1, v26, v18;
	v26 =	vand.u32 $0x40, v14  }
0xbe: {  	v19 =	vand.u32 $0xFFFFFFF8, v19;
	vm2 =	vne.s32 v26, $0x0;
	v26 =	vld [tilespmem:$0x1FF50]  }
0xbf: {  	v19 =	vor.u32 v3, v19;
	v24 =	vadd.s32 v24, v63;
	v20 =	vld.idx.msk [tilespmem:v20+s1+$0x0], $0xffff  }
0xc0: {  	vm3 =	vgt.f32 v25, v16;
	v24 =	vand.u32 $0xFFFFFFF8, v24  }
0xc1: {  	v23 =	vsel vm1, $0x25, v23;
	vm1 =	vmand vm2, vm3;
	v24 =	vor.u32 v5, v24  }
0xc2: {  	v16 =	vsel vm1, v25, v16;
	v25 =	vand.u32 $0x80, v14  }
0xc3: {  	vm2 =	vne.s32 v25, $0x0;
	v25 =	vld [tilespmem:$0x1FF60];
	v26 =	vadd.s32 v26, v63  }
0xc4: {  	v19 =	vld.idx.msk [tilespmem:v19+s1+$0x0], $0xffff;
	v26 =	vand.u32 $0xFFFFFFF8, v26;
	vm3 =	vgt.f32 v20, v4  }
0xc5: {  	v21 =	vsel vm1, $0x26, v21;
	v26 =	vor.u32 v7, v26;
	vm1 =	vmand vm2, vm3  }
0xc6: {  	v24 =	vld.idx.msk [tilespmem:v24+s1+$0x0], $0xffff;
	v4 =	vsel vm1, v20, v4;
	v20 =	vand.u32 $0x100, v14  }
0xc7: {  	vm2 =	vne.s32 v20, $0x0;
	v20 =	vld [tilespmem:$0x1FF70]  }
0xc8: {  	v25 =	vadd.s32 v25, v63  }
0xc9: {  	v25 =	vand.u32 $0xFFFFFFF8, v25;
	vm3 =	vgt.f32 v19, v22  }
0xca: {  	v27 =	vsel vm1, $0x27, v27;
	v25 =	vor.u32 v9, v25;
	vm1 =	vmand vm2, vm3;
	v26 =	vld.idx.msk [tilespmem:v26+s1+$0x0], $0xffff  }
0xcb: {  	v19 =	vsel vm1, v19, v22;
	v22 =	vand.u32 $0x200, v14  }
0xcc: {  	vm2 =	vne.s32 v22, $0x0;
	v22 =	vld [tilespmem:$0x1FF80];
	vm3 =	vgt.f32 v24, v18;
	v20 =	vadd.s32 v20, v63  }
0xcd: {  	v28 =	vsel vm1, $0x28, v28;
	vm1 =	vmand vm2, vm3;
	v20 =	vand.u32 $0xFFFFFFF8, v20  }
0xce: {  	v29 =	vld [tilespmem:$0x1FF90];
	v18 =	vsel vm1, v24, v18;
	v24 =	vand.u32 $0x400, v14;
	v23 =	vsel vm1, $0x29, v23  }
0xcf: {  	v25 =	vld.idx.msk [tilespmem:v25+s1+$0x0], $0xffff;
	v20 =	vor.u32 v11, v20;
	vm1 =	vne.s32 v24, $0x0;
	vm2 =	vgt.f32 v26, v16  }
0xd0: {  	vm1 =	vmand vm1, vm2  }
0xd1: {  	v22 =	vadd.s32 v22, v63;
	v16 =	vsel vm1, v26, v16;
	v26 =	vld [tilespmem:$0x1FFA0]  }
0xd2: {  	v22 =	vand.u32 $0xFFFFFFF8, v22  }
0xd3: {  	v29 =	vadd.s32 v29, v63;
	v24 =	vand.u32 $0x800, v14;
	v22 =	vor.u32 v13, v22  }
0xd4: {  	vm2 =	vne.s32 v24, $0x0;
	v24 =	vand.u32 $0xFFFFFFF8, v29;
	vm3 =	vgt.f32 v25, v4;
	v20 =	vld.idx.msk [tilespmem:v20+s1+$0x0], $0xffff  }
0xd5: {  	v24 =	vor.u32 v15, v24;
	v21 =	vsel vm1, $0x2A, v21;
	vm1 =	vmand vm2, vm3  }
0xd6: {  	v4 =	vsel vm1, v25, v4;
	v25 =	vand.u32 $0x1000, v14;
	v26 =	vadd.s32 v26, v63  }
0xd7: {  	vm2 =	vne.s32 v25, $0x0;
	v25 =	vld [tilespmem:$0x1FFB0];
	v26 =	vand.u32 $0xFFFFFFF8, v26  }
0xd8: {  	v22 =	vld.idx.msk [tilespmem:v22+s1+$0x0], $0xffff;
	v26 =	vor.u32 v17, v26  }
0xd9: {  	vm3 =	vgt.f32 v20, v19  }
0xda: {  	v27 =	vsel vm1, $0x2B, v27;
	vm1 =	vmand vm2, vm3  }
0xdb: {  	v24 =	vld.idx.msk [tilespmem:v24+s1+$0x0], $0xffff;
	v19 =	vsel vm1, v20, v19;
	v20 =	vand.u32 $0x2000, v14  }
0xdc: {  	vm2 =	vne.s32 v20, $0x0;
	v20 =	vld [tilespmem:$0x1FFC0]  }
0xdd: {  	v25 =	vadd.s32 v25, v63;
	vm3 =	vgt.f32 v22, v18;
	v26 =	vld.idx.msk [tilespmem:v26+s1+$0x0], $0xffff  }
0xde: {  	v25 =	vand.u32 $0xFFFFFFF8, v25;
	v28 =	vsel vm1, $0x2C, v28;
	vm1 =	vmand vm2, vm3  }
0xdf: {  	v25 =	vor.u32 v3, v25;
	v18 =	vsel vm1, v22, v18;
	v22 =	vand.u32 $0x4000, v14  }
0xe0: {  	v29 =	vand.u32 $0x8000, v14;
	v23 =	vsel vm1, $0x2D, v23;
	vm1 =	vne.s32 v22, $0x0;
	v22 =	vld [tilespmem:$0x1FFD0]  }
0xe1: {  	vm2 =	vgt.f32 v24, v16;
	vm3 =	vne.s32 v29, $0x0;
	v29 =	vld [tilespmem:$0x1FFE0];
	v20 =	vadd.s32 v20, v63  }
0xe2: {  	vm1 =	vmand vm1, vm2;
	v20 =	vand.u32 $0xFFFFFFF8, v20;
	vm2 =	vgt.f32 v26, v4  }
0xe3: {  	v20 =	vor.u32 v5, v20;
	vm2 =	vmand vm3, vm2  }
0xe4: {  	v25 =	vld.idx.msk [tilespmem:v25+s1+$0x0], $0xffff;
	v16 =	vsel vm1, v24, v16;
	v4 =	vsel vm2, v26, v4;
	v26 =	vand.u32 $0x10000, v14  }
0xe5: {  	v21 =	vsel vm1, $0x2E, v21;
	v22 =	vadd.s32 v22, v63;
	vm1 =	vne.s32 v26, $0x0;
	v26 =	vld [tilespmem:$0x1FFF0]  }
0xe6: {  	v29 =	vadd.s32 v29, v63;
	v22 =	vand.u32 $0xFFFFFFF8, v22  }
0xe7: {  	v29 =	vand.u32 $0xFFFFFFF8, v29;
	v22 =	vor.u32 v7, v22  }
0xe8: {  	v24 =	vor.u32 v9, v29;
	v20 =	vld.idx.msk [tilespmem:v20+s1+$0x0], $0xffff;
	_ =	sdelay $0x1  }
0xe9: {  	vm3 =	vgt.f32 v25, v19;
	v26 =	vadd.s32 v26, v63  }
0xea: {  	v27 =	vsel vm2, $0x2F, v27;
	vm1 =	vmand vm1, vm3;
	v26 =	vand.u32 $0xFFFFFFF8, v26  }
0xeb: {  	v19 =	vsel vm1, v25, v19;
	v25 =	vand.u32 $0x20000, v14;
	v22 =	vld.idx.msk [tilespmem:v22+s1+$0x0], $0xffff;
	v26 =	vor.u32 v11, v26  }
0xec: {  	vm2 =	vne.s32 v25, $0x0;
	v24 =	vld.idx.msk [tilespmem:v24+s1+$0x0], $0xffff;
	v25 =	vadd.s32 $0x35, v1;
	vm3 =	vgt.f32 v20, v18  }
0xed: {  	v28 =	vsel vm1, $0x30, v28;
	v25 =	vadd.s32 v25, v63;
	vm1 =	vmand vm2, vm3  }
0xee: {  	v25 =	vand.u32 $0xFFFFFFF8, v25;
	v18 =	vsel vm1, v20, v18;
	v20 =	vand.u32 $0x40000, v14  }
0xef: {  	v29 =	vadd.s32 $0x37, v1;
	vm2 =	vne.s32 v20, $0x0;
	v20 =	vor.u32 v13, v25  }
0xf0: {  	v23 =	vsel vm1, $0x31, v23;
	vm3 =	vgt.f32 v22, v16;
	v25 =	vand.u32 $0x80000, v14;
	v26 =	vld.idx.msk [tilespmem:v26+s1+$0x0], $0xffff  }
0xf1: {  	vm1 =	vmand vm2, vm3;
	vm2 =	vne.s32 v25, $0x0;
	vm3 =	vgt.f32 v24, v4  }
0xf2: {  	v25 =	vand.u32 $0x100000, v14;
	v16 =	vsel vm1, v22, v16;
	v22 =	vadd.s32 $0x36, v1  }
0xf3: {  	v21 =	vsel vm1, $0x32, v21;
	vm1 =	vmand vm2, vm3;
	v22 =	vadd.s32 v22, v63  }
0xf4: {  	vm2 =	vne.s32 v25, $0x0;
	v25 =	vadd.s32 v29, v63;
	v22 =	vand.u32 $0xFFFFFFF8, v22;
	v20 =	vld.idx.msk [tilespmem:v20+s1+$0x0], $0xffff  }
0xf5: {  	v25 =	vand.u32 $0xFFFFFFF8, v25;
	v22 =	vor.u32 v15, v22;
	vm3 =	vgt.f32 v26, v19  }
0xf6: {  	v24 =	vsel vm1, v24, v4;
	v4 =	vor.u32 v17, v25;
	vm2 =	vmand vm2, vm3  }
0xf7: {  	v25 =	vsel vm1, $0x33, v27;
	v19 =	vsel vm2, v26, v19;
	v26 =	vadd.s32 $0x38, v1  }
0xf8: {  	v27 =	vsel vm2, $0x34, v28;
	v28 =	vand.u32 $0x200000, v14;
	v26 =	vadd.s32 v26, v63  }
0xf9: {  	vm1 =	vne.s32 v28, $0x0;
	vm2 =	vgt.f32 v20, v18;
	v26 =	vand.u32 $0xFFFFFFF8, v26  }
0xfa: {  	v28 =	vadd.s32 $0x39, v1;
	v22 =	vld.idx.msk [tilespmem:v22+s1+$0x0], $0xffff;
	vm1 =	vmand vm1, vm2;
	v26 =	vor.u32 v3, v26  }
0xfb: {  	v29 =	vld.idx.msk [tilespmem:v4+s1+$0x0], $0xffff;
	v4 =	vadd.s32 v28, v63;
	v18 =	vsel vm1, v20, v18;
	v20 =	vand.u32 $0x400000, v14  }
0xfc: {  	v4 =	vand.u32 $0xFFFFFFF8, v4;
	vm2 =	vne.s32 v20, $0x0;
	v20 =	vand.u32 $0x800000, v14  }
0xfd: {  	v28 =	vadd.s32 $0x3A, v1;
	vm3 =	vne.s32 v20, $0x0;
	v20 =	vor.u32 v5, v4  }
0xfe: {  	v28 =	vadd.s32 v28, v63  }
0xff: {  	v23 =	vsel vm1, $0x35, v23;
	v28 =	vand.u32 $0xFFFFFFF8, v28;
	vm1 =	vgt.f32 v22, v16;
	v26 =	vld.idx.msk [tilespmem:v26+s1+$0x0], $0xffff  }
0x100: {  	v28 =	vor.u32 v7, v28;
	vm1 =	vmand vm2, vm1;
	vm2 =	vgt.f32 v29, v24  }
0x101: {  	v16 =	vsel vm1, v22, v16;
	vm2 =	vmand vm3, vm2;
	v22 =	vadd.s32 $0x3B, v1  }
0x102: {  	v24 =	vsel vm2, v29, v24;
	v29 =	vand.u32 $0x1000000, v14;
	v22 =	vadd.s32 v22, v63;
	v20 =	vld.idx.msk [tilespmem:v20+s1+$0x0], $0xffff  }
0x103: {  	v21 =	vsel vm1, $0x36, v21;
	vm1 =	vne.s32 v29, $0x0;
	v22 =	vand.u32 $0xFFFFFFF8, v22  }
0x104: {  	v29 =	vadd.s32 $0x3C, v1;
	v22 =	vor.u32 v9, v22;
	vm3 =	vgt.f32 v26, v19  }
0x105: {  	v25 =	vsel vm2, $0x37, v25;
	v28 =	vld.idx.msk [tilespmem:v28+s1+$0x0], $0xffff;
	v29 =	vadd.s32 v29, v63;
	vm1 =	vmand vm1, vm3  }
0x106: {  	v29 =	vand.u32 $0xFFFFFFF8, v29;
	v19 =	vsel vm1, v26, v19;
	v26 =	vand.u32 $0x2000000, v14  }
0x107: {  	vm2 =	vne.s32 v26, $0x0;
	vm3 =	vgt.f32 v20, v18;
	v26 =	vor.u32 v11, v29  }
0x108: {  	v27 =	vsel vm1, $0x38, v27;
	v29 =	vadd.s32 $0x3D, v1;
	vm1 =	vmand vm2, vm3  }
0x109: {  	v22 =	vld.idx.msk [tilespmem:v22+s1+$0x0], $0xffff;
	v29 =	vadd.s32 v29, v63;
	v18 =	vsel vm1, v20, v18;
	v20 =	vand.u32 $0x4000000, v14  }
0x10a: {  	vm3 =	vgt.f32 v28, v16;
	vm2 =	vne.s32 v20, $0x0;
	v20 =	vand.u32 $0xFFFFFFF8, v29  }
0x10b: {  	v29 =	vadd.s32 $0x3E, v1;
	vm2 =	vmand vm2, vm3;
	v20 =	vor.u32 v13, v20  }
0x10c: {  	v29 =	vadd.s32 v29, v63;
	v16 =	vsel vm2, v28, v16;
	v28 =	vand.u32 $0x8000000, v14;
	v26 =	vld.idx.msk [tilespmem:v26+s1+$0x0], $0xffff  }
0x10d: {  	v23 =	vsel vm1, $0x39, v23;
	vm1 =	vne.s32 v28, $0x0;
	v28 =	vand.u32 $0xFFFFFFF8, v29  }
0x10e: {  	vm3 =	vgt.f32 v22, v24;
	v29 =	vadd.s32 $0x3F, v1;
	v28 =	vor.u32 v15, v28  }
0x10f: {  	v21 =	vsel vm2, $0x3A, v21;
	vm1 =	vmand vm1, vm3;
	v29 =	vadd.s32 v29, v63  }
0x110: {  	v22 =	vsel vm1, v22, v24;
	v24 =	vand.u32 $0x10000000, v14;
	v29 =	vand.u32 $0xFFFFFFF8, v29;
	v20 =	vld.idx.msk [tilespmem:v20+s1+$0x0], $0xffff  }
0x111: {  	vm2 =	vne.s32 v24, $0x0;
	v24 =	vor.u32 v17, v29;
	vm3 =	vgt.f32 v26, v19  }
0x112: {  	v12 =	vadd.s32 $0x2, v2;
	v25 =	vsel vm1, $0x3B, v25;
	vm1 =	vmand vm2, vm3  }
0x113: {  	v29 =	vadd.s32 $0x40, v1;
	v19 =	vsel vm1, v26, v19;
	v26 =	vand.u32 $0x20000000, v14;
	v28 =	vld.idx.msk [tilespmem:v28+s1+$0x0], $0xffff  }
0x114: {  	v29 =	vadd.s32 v29, v63;
	v27 =	vsel vm1, $0x3C, v27;
	vm2 =	vne.s32 v26, $0x0  }
0x115: {  	v26 =	vand.u32 $0xFFFFFFF8, v29;
	v29 =	vadd.s32 $0x41, v1;
	vm3 =	vgt.f32 v20, v18  }
0x116: {  	v26 =	vor.u32 v3, v26;
	v29 =	vadd.s32 v29, v63;
	v24 =	vld.idx.msk [tilespmem:v24+s1+$0x0], $0xffff;
	vm1 =	vmand vm2, vm3  }
0x117: {  	v29 =	vand.u32 $0xFFFFFFF8, v29;
	v18 =	vsel vm1, v20, v18;
	v20 =	vand.u32 $0x40000000, v14  }
0x118: {  	v29 =	vor.u32 v5, v29;
	vm2 =	vne.s32 v20, $0x0;
	vm3 =	vgt.f32 v28, v16  }
0x119: {  	v12 =	vld.idx.msk [tilespmem:v12+s15+$0x0], $0xffff;
	v23 =	vsel vm1, $0x3D, v23;
	v20 =	vadd.s32 $0x42, v1;
	vm1 =	vmand vm2, vm3  }
0x11a: {  	v20 =	vadd.s32 v20, v63;
	vm2 =	vlt.s32 v14, $0x0;
	v16 =	vsel vm1, v28, v16  }
0x11b: {  	v14 =	vld.idx.msk [tilespmem:v26+s1+$0x0], $0xffff;
	v20 =	vand.u32 $0xFFFFFFF8, v20;
	vm3 =	vgt.f32 v24, v22;
	v26 =	vadd.s32 $0x43, v1  }
0x11c: {  	v21 =	vsel vm1, $0x3E, v21;
	v20 =	vor.u32 v7, v20;
	vm1 =	vmand vm2, vm3  }
0x11d: {  	v26 =	vadd.s32 v26, v63;
	v28 =	vld.idx.msk [tilespmem:v29+s1+$0x0], $0xffff;
	v22 =	vsel vm1, v24, v22;
	v24 =	vsel vm1, $0x3F, v25  }
0x11e: {  	v25 =	vand.u32 $0xFFFFFFF8, v26;
	v26 =	vand.u32 $0x1, v12;
	v29 =	vadd.s32 $0x44, v1  }
0x11f: {  	v25 =	vor.u32 v9, v25;
	vm1 =	veq.s32 v26, $0x1;
	v26 =	vadd.s32 v29, v63  }
0x120: {  	v10 =	vadd.s32 $0x3, v2;
	v8 =	vadd.s32 $0x4, v2;
	v26 =	vand.u32 $0xFFFFFFF8, v26  }
0x121: {  	v29 =	vand.u32 $0x2, v12;
	vm2 =	vgt.f32 v14, v19;
	v26 =	vor.u32 v11, v26;
	v20 =	vld.idx.msk [tilespmem:v20+s1+$0x0], $0xffff  }
0x122: {  	vm1 =	vmand vm2, vm1;
	vm2 =	vne.s32 v29, $0x0;
	vm3 =	vgt.f32 v28, v18  }
0x123: {  	v14 =	vsel vm1, v14, v19;
	v19 =	vsel vm1, $0x40, v27;
	vm1 =	vmand vm2, vm3  }
0x124: {  	v27 =	vand.u32 $0x4, v12;
	v25 =	vld.idx.msk [tilespmem:v25+s1+$0x0], $0xffff;
	v18 =	vsel vm1, v28, v18;
	v28 =	vadd.s32 $0x45, v1  }
0x125: {  	v23 =	vsel vm1, $0x41, v23;
	vm1 =	vne.s32 v27, $0x0;
	v27 =	vadd.s32 v28, v63  }
0x126: {  	v28 =	vadd.s32 $0x46, v1;
	vm2 =	vgt.f32 v20, v16;
	v27 =	vand.u32 $0xFFFFFFF8, v27  }
0x127: {  	v26 =	vld.idx.msk [tilespmem:v26+s1+$0x0], $0xffff;
	v28 =	vadd.s32 v28, v63;
	vm1 =	vmand vm1, vm2;
	v27 =	vor.u32 v13, v27  }
0x128: {  	v28 =	vand.u32 $0xFFFFFFF8, v28;
	v16 =	vsel vm1, v20, v16;
	v20 =	vand.u32 $0x8, v12  }
0x129: {  	vm3 =	vgt.f32 v25, v22;
	vm2 =	vne.s32 v20, $0x0;
	v20 =	vor.u32 v15, v28  }
0x12a: {  	v21 =	vsel vm1, $0x42, v21;
	v28 =	vadd.s32 $0x47, v1;
	vm1 =	vmand vm2, vm3  }
0x12b: {  	v28 =	vadd.s32 v28, v63;
	v22 =	vsel vm1, v25, v22;
	v25 =	vand.u32 $0x10, v12  }
0x12c: {  	vm3 =	vgt.f32 v26, v14;
	vm2 =	vne.s32 v25, $0x0;
	v25 =	vld.idx.msk [tilespmem:v27+s1+$0x0], $0xffff;
	v27 =	vand.u32 $0xFFFFFFF8, v28  }
0x12d: {  	v28 =	vadd.s32 $0x48, v1;
	vm2 =	vmand vm2, vm3;
	v27 =	vor.u32 v17, v27  }
0x12e: {  	v29 =	vand.u32 $0x40, v12;
	v14 =	vsel vm2, v26, v14;
	v20 =	vld.idx.msk [tilespmem:v20+s1+$0x0], $0xffff;
	v26 =	vadd.s32 v28, v63  }
0x12f: {  	v24 =	vsel vm1, $0x43, v24;
	v28 =	vand.u32 $0x20, v12;
	v26 =	vand.u32 $0xFFFFFFF8, v26  }
0x130: {  	vm1 =	vne.s32 v28, $0x0;
	v28 =	vadd.s32 $0x49, v1;
	v26 =	vor.u32 v3, v26  }
0x131: {  	v19 =	vsel vm2, $0x44, v19;
	v28 =	vadd.s32 v28, v63;
	vm2 =	vgt.f32 v25, v18  }
0x132: {  	v28 =	vand.u32 $0xFFFFFFF8, v28;
	vm1 =	vmand vm1, vm2;
	vm2 =	vne.s32 v29, $0x0;
	v27 =	vld.idx.msk [tilespmem:v27+s1+$0x0], $0xffff  }
0x133: {  	v28 =	vor.u32 v5, v28;
	v29 =	vadd.s32 $0x4A, v1;
	vm3 =	vgt.f32 v20, v16  }
0x134: {  	v18 =	vsel vm1, v25, v18;
	v25 =	vadd.s32 v29, v63;
	vm2 =	vmand vm2, vm3  }
0x135: {  	v23 =	vsel vm1, $0x45, v23;
	v25 =	vand.u32 $0xFFFFFFF8, v25;
	v16 =	vsel vm2, v20, v16;
	v20 =	vld.idx.msk [tilespmem:v26+s1+$0x0], $0xffff  }
0x136: {  	v21 =	vsel vm2, $0x46, v21;
	v26 =	vand.u32 $0x80, v12;
	v25 =	vor.u32 v7, v25  }
0x137: {  	vm1 =	vne.s32 v26, $0x0;
	v26 =	vadd.s32 $0x4B, v1;
	vm2 =	vgt.f32 v27, v22  }
0x138: {  	v29 =	vand.u32 $0x100, v12;
	v28 =	vld.idx.msk [tilespmem:v28+s1+$0x0], $0xffff;
	v26 =	vadd.s32 v26, v63;
	vm1 =	vmand vm1, vm2  }
0x139: {  	vm2 =	vne.s32 v29, $0x0;
	v26 =	vand.u32 $0xFFFFFFF8, v26;
	v22 =	vsel vm1, v27, v22  }
0x13a: {  	v26 =	vor.u32 v9, v26;
	v27 =	vadd.s32 $0x4C, v1;
	vm3 =	vgt.f32 v20, v14  }
0x13b: {  	v24 =	vsel vm1, $0x47, v24;
	v25 =	vld.idx.msk [tilespmem:v25+s1+$0x0], $0xffff;
	v27 =	vadd.s32 v27, v63;
	vm1 =	vmand vm2, vm3  }
0x13c: {  	v27 =	vand.u32 $0xFFFFFFF8, v27;
	v14 =	vsel vm1, v20, v14;
	v20 =	vand.u32 $0x200, v12  }
0x13d: {  	vm3 =	vgt.f32 v28, v18;
	vm2 =	vne.s32 v20, $0x0;
	v20 =	vor.u32 v11, v27  }
0x13e: {  	v19 =	vsel vm1, $0x48, v19;
	v27 =	vadd.s32 $0x4D, v1;
	vm1 =	vmand vm2, vm3  }
0x13f: {  	v26 =	vld.idx.msk [tilespmem:v26+s1+$0x0], $0xffff;
	v27 =	vadd.s32 v27, v63;
	v18 =	vsel vm1, v28, v18;
	v28 =	vand.u32 $0x400, v12  }
0x140: {  	vm3 =	vgt.f32 v25, v16;
	v27 =	vand.u32 $0xFFFFFFF8, v27;
	vm2 =	vne.s32 v28, $0x0  }
0x141: {  	v27 =	vor.u32 v13, v27;
	v28 =	vadd.s32 $0x4E, v1;
	vm2 =	vmand vm2, vm3  }
0x142: {  	v23 =	vsel vm1, $0x49, v23;
	v16 =	vsel vm2, v25, v16;
	v20 =	vld.idx.msk [tilespmem:v20+s1+$0x0], $0xffff;
	v25 =	vadd.s32 v28, v63  }
0x143: {  	v21 =	vsel vm2, $0x4A, v21;
	v28 =	vand.u32 $0x800, v12;
	v25 =	vand.u32 $0xFFFFFFF8, v25  }
0x144: {  	vm1 =	vne.s32 v28, $0x0;
	vm2 =	vgt.f32 v26, v22;
	v25 =	vor.u32 v15, v25  }
0x145: {  	v29 =	vadd.s32 $0x4F, v1;
	v28 =	vand.u32 $0x1000, v12;
	vm1 =	vmand vm1, vm2  }
0x146: {  	vm2 =	vne.s32 v28, $0x0;
	v22 =	vsel vm1, v26, v22;
	v26 =	vld.idx.msk [tilespmem:v27+s1+$0x0], $0xffff;
	v27 =	vadd.s32 v29, v63  }
0x147: {  	v28 =	vadd.s32 $0x50, v1;
	v27 =	vand.u32 $0xFFFFFFF8, v27;
	vm3 =	vgt.f32 v20, v14  }
0x148: {  	v28 =	vadd.s32 v28, v63;
	v27 =	vor.u32 v17, v27;
	vm2 =	vmand vm2, vm3  }
0x149: {  	v24 =	vsel vm1, $0x4B, v24;
	v14 =	vsel vm2, v20, v14;
	v20 =	vld.idx.msk [tilespmem:v25+s1+$0x0], $0xffff;
	v25 =	vand.u32 $0xFFFFFFF8, v28  }
0x14a: {  	v19 =	vsel vm2, $0x4C, v19;
	v28 =	vand.u32 $0x2000, v12;
	v25 =	vor.u32 v3, v25  }
0x14b: {  	vm1 =	vne.s32 v28, $0x0;
	vm2 =	vgt.f32 v26, v18;
	v28 =	vadd.s32 $0x51, v1  }
0x14c: {  	v29 =	vand.u32 $0x4000, v12;
	vm1 =	vmand vm1, vm2;
	v28 =	vadd.s32 v28, v63  }
0x14d: {  	vm2 =	vne.s32 v29, $0x0;
	v18 =	vsel vm1, v26, v18;
	v26 =	vld.idx.msk [tilespmem:v27+s1+$0x0], $0xffff;
	v27 =	vand.u32 $0xFFFFFFF8, v28  }
0x14e: {  	v28 =	vadd.s32 $0x52, v1;
	v27 =	vor.u32 v5, v27;
	vm3 =	vgt.f32 v20, v16  }
0x14f: {  	v23 =	vsel vm1, $0x4D, v23;
	v28 =	vadd.s32 v28, v63;
	vm1 =	vmand vm2, vm3;
	v25 =	vld.idx.msk [tilespmem:v25+s1+$0x0], $0xffff  }
0x150: {  	v16 =	vsel vm1, v20, v16;
	v20 =	vsel vm1, $0x4E, v21;
	v21 =	vand.u32 $0xFFFFFFF8, v28  }
0x151: {  	v29 =	vadd.s32 $0x53, v1;
	v28 =	vand.u32 $0x8000, v12;
	v21 =	vor.u32 v7, v21  }
0x152: {  	vm1 =	vne.s32 v28, $0x0;
	vm2 =	vgt.f32 v26, v22;
	v28 =	vadd.s32 v29, v63  }
0x153: {  	v29 =	vand.u32 $0x10000, v12;
	vm1 =	vmand vm1, vm2;
	v27 =	vld.idx.msk [tilespmem:v27+s1+$0x0], $0xffff;
	v28 =	vand.u32 $0xFFFFFFF8, v28  }
0x154: {  	vm2 =	vne.s32 v29, $0x0;
	v28 =	vor.u32 v9, v28;
	vm3 =	vgt.f32 v25, v14  }
0x155: {  	v22 =	vsel vm1, v26, v22;
	v24 =	vsel vm1, $0x4F, v24;
	vm1 =	vmand vm2, vm3  }
0x156: {  	v26 =	vadd.s32 $0x54, v1;
	v14 =	vsel vm1, v25, v14;
	v25 =	vand.u32 $0x20000, v12;
	v21 =	vld.idx.msk [tilespmem:v21+s1+$0x0], $0xffff  }
0x157: {  	v19 =	vsel vm1, $0x50, v19;
	vm1 =	vne.s32 v25, $0x0;
	v25 =	vadd.s32 v26, v63  }
0x158: {  	vm2 =	vgt.f32 v27, v18;
	v26 =	vadd.s32 $0x55, v1;
	v25 =	vand.u32 $0xFFFFFFF8, v25  }
0x159: {  	vm1 =	vmand vm1, vm2;
	v26 =	vadd.s32 v26, v63;
	v25 =	vor.u32 v11, v25  }
0x15a: {  	v28 =	vld.idx.msk [tilespmem:v28+s1+$0x0], $0xffff;
	v18 =	vsel vm1, v27, v18;
	v27 =	vand.u32 $0x40000, v12;
	v26 =	vand.u32 $0xFFFFFFF8, v26  }
0x15b: {  	vm2 =	vne.s32 v27, $0x0;
	v26 =	vor.u32 v13, v26;
	vm3 =	vgt.f32 v21, v16  }
0x15c: {  	v23 =	vsel vm1, $0x51, v23;
	v27 =	vadd.s32 $0x56, v1;
	vm1 =	vmand vm2, vm3  }
0x15d: {  	v27 =	vadd.s32 v27, v63;
	v16 =	vsel vm1, v21, v16;
	v21 =	vand.u32 $0x80000, v12  }
0x15e: {  	v29 =	vand.u32 $0x200000, v12;
	vm2 =	vne.s32 v21, $0x0;
	v21 =	vld.idx.msk [tilespmem:v25+s1+$0x0], $0xffff;
	v25 =	vand.u32 $0xFFFFFFF8, v27  }
0x15f: {  	vm3 =	vgt.f32 v28, v22;
	v27 =	vadd.s32 $0x57, v1;
	v25 =	vor.u32 v15, v25  }
0x160: {  	v20 =	vsel vm1, $0x52, v20;
	vm2 =	vmand vm2, vm3;
	v26 =	vld.idx.msk [tilespmem:v26+s1+$0x0], $0xffff;
	v27 =	vadd.s32 v27, v63  }
0x161: {  	v22 =	vsel vm2, v28, v22;
	v28 =	vand.u32 $0x100000, v12;
	v27 =	vand.u32 $0xFFFFFFF8, v27  }
0x162: {  	vm1 =	vne.s32 v28, $0x0;
	v27 =	vor.u32 v17, v27;
	v28 =	vadd.s32 $0x58, v1  }
0x163: {  	v24 =	vsel vm2, $0x53, v24;
	v28 =	vadd.s32 v28, v63;
	vm2 =	vgt.f32 v21, v14  }
0x164: {  	v28 =	vand.u32 $0xFFFFFFF8, v28;
	vm1 =	vmand vm1, vm2;
	vm2 =	vne.s32 v29, $0x0;
	v25 =	vld.idx.msk [tilespmem:v25+s1+$0x0], $0xffff  }
0x165: {  	vm3 =	vgt.f32 v26, v18;
	v28 =	vor.u32 v3, v28;
	v29 =	vadd.s32 $0x59, v1  }
0x166: {  	v14 =	vsel vm1, v21, v14;
	vm2 =	vmand vm2, vm3;
	v21 =	vadd.s32 v29, v63  }
0x167: {  	v19 =	vsel vm1, $0x54, v19;
	v18 =	vsel vm2, v26, v18;
	v26 =	vld.idx.msk [tilespmem:v27+s1+$0x0], $0xffff;
	v21 =	vand.u32 $0xFFFFFFF8, v21  }
0x168: {  	v23 =	vsel vm2, $0x55, v23;
	v27 =	vand.u32 $0x400000, v12;
	v21 =	vor.u32 v5, v21  }
0x169: {  	vm1 =	vne.s32 v27, $0x0;
	v27 =	vadd.s32 $0x5A, v1;
	vm2 =	vgt.f32 v25, v16  }
0x16a: {  	v29 =	vand.u32 $0x800000, v12;
	v27 =	vadd.s32 v27, v63;
	v28 =	vld.idx.msk [tilespmem:v28+s1+$0x0], $0xffff;
	vm1 =	vmand vm1, vm2  }
0x16b: {  	vm2 =	vne.s32 v29, $0x0;
	v16 =	vsel vm1, v25, v16;
	v25 =	vand.u32 $0xFFFFFFF8, v27  }
0x16c: {  	vm3 =	vgt.f32 v26, v22;
	v27 =	vadd.s32 $0x5B, v1;
	v25 =	vor.u32 v7, v25  }
0x16d: {  	v20 =	vsel vm1, $0x56, v20;
	vm1 =	vmand vm2, vm3;
	v21 =	vld.idx.msk [tilespmem:v21+s1+$0x0], $0xffff;
	v27 =	vadd.s32 v27, v63  }
0x16e: {  	v22 =	vsel vm1, v26, v22;
	v26 =	vand.u32 $0x1000000, v12;
	v27 =	vand.u32 $0xFFFFFFF8, v27  }
0x16f: {  	vm2 =	vne.s32 v26, $0x0;
	vm3 =	vgt.f32 v28, v14;
	v26 =	vor.u32 v9, v27  }
0x170: {  	v24 =	vsel vm1, $0x57, v24;
	v27 =	vadd.s32 $0x5C, v1;
	vm1 =	vmand vm2, vm3  }
0x171: {  	v27 =	vadd.s32 v27, v63;
	v14 =	vsel vm1, v28, v14;
	v28 =	vand.u32 $0x2000000, v12;
	v25 =	vld.idx.msk [tilespmem:v25+s1+$0x0], $0xffff  }
0x172: {  	v27 =	vand.u32 $0xFFFFFFF8, v27;
	vm2 =	vne.s32 v28, $0x0;
	vm3 =	vgt.f32 v21, v18  }
0x173: {  	v19 =	vsel vm1, $0x58, v19;
	v27 =	vor.u32 v11, v27;
	vm1 =	vmand vm2, vm3  }
0x174: {  	v28 =	vadd.s32 $0x5D, v1;
	v18 =	vsel vm1, v21, v18;
	v21 =	vand.u32 $0x4000000, v12;
	v26 =	vld.idx.msk [tilespmem:v26+s1+$0x0], $0xffff  }
0x175: {  	v23 =	vsel vm1, $0x59, v23;
	vm1 =	vne.s32 v21, $0x0;
	v21 =	vadd.s32 v28, v63  }
0x176: {  	v28 =	vadd.s32 $0x5E, v1;
	v21 =	vand.u32 $0xFFFFFFF8, v21;
	vm2 =	vgt.f32 v25, v16  }
0x177: {  	v28 =	vadd.s32 v28, v63;
	v21 =	vor.u32 v13, v21;
	vm1 =	vmand vm1, vm2  }
0x178: {  	v27 =	vld.idx.msk [tilespmem:v27+s1+$0x0], $0xffff;
	v28 =	vand.u32 $0xFFFFFFF8, v28;
	v16 =	vsel vm1, v25, v16;
	v25 =	vand.u32 $0x8000000, v12  }
0x179: {  	vm3 =	vgt.f32 v26, v22;
	vm2 =	vne.s32 v25, $0x0;
	v25 =	vor.u32 v15, v28  }
0x17a: {  	v20 =	vsel vm1, $0x5A, v20;
	v28 =	vadd.s32 $0x5F, v1;
	vm1 =	vmand vm2, vm3  }
0x17b: {  	v28 =	vadd.s32 v28, v63;
	v22 =	vsel vm1, v26, v22;
	v26 =	vand.u32 $0x10000000, v12  }
0x17c: {  	v21 =	vld.idx.msk [tilespmem:v21+s1+$0x0], $0xffff;
	vm2 =	vne.s32 v26, $0x0;
	v26 =	vand.u32 $0xFFFFFFF8, v28;
	v28 =	vadd.s32 $0x60, v1  }
0x17d: {  	vm3 =	vgt.f32 v27, v14;
	v26 =	vor.u32 v17, v26;
	v28 =	vadd.s32 v28, v63  }
0x17e: {  	v24 =	vsel vm1, $0x5B, v24;
	vm1 =	vmand vm2, vm3;
	v25 =	vld.idx.msk [tilespmem:v25+s1+$0x0], $0xffff;
	v28 =	vand.u32 $0xFFFFFFF8, v28  }
0x17f: {  	v14 =	vsel vm1, v27, v14;
	v27 =	vand.u32 $0x20000000, v12;
	v28 =	vor.u32 v3, v28  }
0x180: {  	v19 =	vsel vm1, $0x5C, v19;
	vm1 =	vne.s32 v27, $0x0;
	v27 =	vadd.s32 $0x61, v1  }
0x181: {  	v29 =	vand.u32 $0x40000000, v12;
	vm2 =	vgt.f32 v21, v18;
	v27 =	vadd.s32 v27, v63  }
0x182: {  	vm1 =	vmand vm1, vm2;
	vm2 =	vne.s32 v29, $0x0;
	v27 =	vand.u32 $0xFFFFFFF8, v27;
	v26 =	vld.idx.msk [tilespmem:v26+s1+$0x0], $0xffff  }
0x183: {  	v10 =	vld.idx.msk [tilespmem:v10+s15+$0x0], $0xffff;
	v29 =	vadd.s32 $0x62, v1;
	v27 =	vor.u32 v5, v27;
	vm3 =	vgt.f32 v25, v16  }
0x184: {  	v18 =	vsel vm1, v21, v18;
	vm2 =	vmand vm2, vm3;
	v21 =	vld.idx.msk [tilespmem:v28+s1+$0x0], $0xffff;
	v28 =	vadd.s32 v29, v63  }
0x185: {  	v23 =	vsel vm1, $0x5D, v23;
	v16 =	vsel vm2, v25, v16;
	v25 =	vand.u32 $0xFFFFFFF8, v28  }
0x186: {  	vm1 =	vlt.s32 v12, $0x0;
	v28 =	vadd.s32 $0x63, v1;
	v25 =	vor.u32 v7, v25  }
0x187: {  	v20 =	vsel vm2, $0x5E, v20;
	v12 =	vadd.s32 v28, v63;
	vm2 =	vgt.f32 v26, v22  }
0x188: {  	v28 =	vand.u32 $0x1, v10;
	v27 =	vld.idx.msk [tilespmem:v27+s1+$0x0], $0xffff;
	v12 =	vand.u32 $0xFFFFFFF8, v12;
	vm1 =	vmand vm1, vm2  }
0x189: {  	vm2 =	veq.s32 v28, $0x1;
	v12 =	vor.u32 v9, v12;
	vm3 =	vgt.f32 v21, v14  }
0x18a: {  	v22 =	vsel vm1, v26, v22;
	v24 =	vsel vm1, $0x5F, v24;
	vm1 =	vmand vm3, vm2  }
0x18b: {  	v26 =	vadd.s32 $0x64, v1;
	v14 =	vsel vm1, v21, v14;
	v21 =	vand.u32 $0x2, v10;
	v25 =	vld.idx.msk [tilespmem:v25+s1+$0x0], $0xffff  }
0x18c: {  	v26 =	vadd.s32 v26, v63;
	v19 =	vsel vm1, $0x60, v19;
	vm1 =	vne.s32 v21, $0x0  }
0x18d: {  	vm2 =	vgt.f32 v27, v18;
	v21 =	vand.u32 $0xFFFFFFF8, v26;
	v26 =	vadd.s32 $0x65, v1  }
0x18e: {  	vm1 =	vmand vm1, vm2;
	v12 =	vld.idx.msk [tilespmem:v12+s1+$0x0], $0xffff;
	v21 =	vor.u32 v11, v21;
	v26 =	vadd.s32 v26, v63  }
0x18f: {  	v18 =	vsel vm1, v27, v18;
	v27 =	vand.u32 $0x4, v10;
	v26 =	vand.u32 $0xFFFFFFF8, v26  }
0x190: {  	vm2 =	vne.s32 v27, $0x0;
	v26 =	vor.u32 v13, v26;
	vm3 =	vgt.f32 v25, v16  }
0x191: {  	v23 =	vsel vm1, $0x61, v23;
	v27 =	vadd.s32 $0x66, v1;
	vm1 =	vmand vm2, vm3  }
0x192: {  	v27 =	vadd.s32 v27, v63;
	v16 =	vsel vm1, v25, v16;
	v25 =	vand.u32 $0x8, v10  }
0x193: {  	vm3 =	vgt.f32 v12, v22;
	v21 =	vld.idx.msk [tilespmem:v21+s1+$0x0], $0xffff;
	vm2 =	vne.s32 v25, $0x0;
	v25 =	vand.u32 $0xFFFFFFF8, v27  }
0x194: {  	v27 =	vadd.s32 $0x67, v1;
	vm2 =	vmand vm2, vm3;
	v25 =	vor.u32 v15, v25  }
0x195: {  	v28 =	vand.u32 $0x20, v10;
	v12 =	vsel vm2, v12, v22;
	v22 =	vld.idx.msk [tilespmem:v26+s1+$0x0], $0xffff;
	v26 =	vadd.s32 v27, v63  }
0x196: {  	v20 =	vsel vm1, $0x62, v20;
	v27 =	vand.u32 $0x10, v10;
	v26 =	vand.u32 $0xFFFFFFF8, v26  }
0x197: {  	vm1 =	vne.s32 v27, $0x0;
	v27 =	vadd.s32 $0x68, v1;
	v26 =	vor.u32 v17, v26  }
0x198: {  	v24 =	vsel vm2, $0x63, v24;
	vm2 =	vgt.f32 v21, v14;
	v27 =	vadd.s32 v27, v63  }
0x199: {  	vm1 =	vmand vm1, vm2;
	vm2 =	vne.s32 v28, $0x0;
	v27 =	vand.u32 $0xFFFFFFF8, v27;
	v25 =	vld.idx.msk [tilespmem:v25+s1+$0x0], $0xffff  }
0x19a: {  	v28 =	vadd.s32 $0x69, v1;
	v27 =	vor.u32 v3, v27;
	vm3 =	vgt.f32 v22, v18  }
0x19b: {  	v14 =	vsel vm1, v21, v14;
	v21 =	vadd.s32 v28, v63;
	vm2 =	vmand vm2, vm3  }
0x19c: {  	v19 =	vsel vm1, $0x64, v19;
	v21 =	vand.u32 $0xFFFFFFF8, v21;
	v18 =	vsel vm2, v22, v18;
	v22 =	vld.idx.msk [tilespmem:v26+s1+$0x0], $0xffff  }
0x19d: {  	v21 =	vor.u32 v5, v21;
	v23 =	vsel vm2, $0x65, v23;
	v26 =	vand.u32 $0x40, v10  }
0x19e: {  	vm1 =	vne.s32 v26, $0x0;
	v26 =	vadd.s32 $0x6A, v1;
	vm2 =	vgt.f32 v25, v16  }
0x19f: {  	v28 =	vand.u32 $0x80, v10;
	v27 =	vld.idx.msk [tilespmem:v27+s1+$0x0], $0xffff;
	v26 =	vadd.s32 v26, v63;
	vm1 =	vmand vm1, vm2  }
0x1a0: {  	vm2 =	vne.s32 v28, $0x0;
	v16 =	vsel vm1, v25, v16;
	v25 =	vand.u32 $0xFFFFFFF8, v26  }
0x1a1: {  	v26 =	vadd.s32 $0x6B, v1;
	vm3 =	vgt.f32 v22, v12;
	v25 =	vor.u32 v7, v25  }
0x1a2: {  	v20 =	vsel vm1, $0x66, v20;
	v21 =	vld.idx.msk [tilespmem:v21+s1+$0x0], $0xffff;
	v26 =	vadd.s32 v26, v63;
	vm1 =	vmand vm2, vm3  }
0x1a3: {  	v26 =	vand.u32 $0xFFFFFFF8, v26;
	v12 =	vsel vm1, v22, v12;
	v22 =	vand.u32 $0x100, v10  }
0x1a4: {  	vm3 =	vgt.f32 v27, v14;
	vm2 =	vne.s32 v22, $0x0;
	v22 =	vor.u32 v9, v26  }
0x1a5: {  	v24 =	vsel vm1, $0x67, v24;
	v26 =	vadd.s32 $0x6C, v1;
	vm1 =	vmand vm2, vm3  }
0x1a6: {  	v26 =	vadd.s32 v26, v63;
	v14 =	vsel vm1, v27, v14;
	v27 =	vand.u32 $0x200, v10;
	v25 =	vld.idx.msk [tilespmem:v25+s1+$0x0], $0xffff  }
0x1a7: {  	vm3 =	vgt.f32 v21, v18;
	v26 =	vand.u32 $0xFFFFFFF8, v26;
	vm2 =	vne.s32 v27, $0x0  }
0x1a8: {  	v26 =	vor.u32 v11, v26;
	v27 =	vadd.s32 $0x6D, v1;
	vm2 =	vmand vm2, vm3  }
0x1a9: {  	v19 =	vsel vm1, $0x68, v19;
	v18 =	vsel vm2, v21, v18;
	v21 =	vld.idx.msk [tilespmem:v22+s1+$0x0], $0xffff;
	v22 =	vadd.s32 v27, v63  }
0x1aa: {  	v23 =	vsel vm2, $0x69, v23;
	v27 =	vand.u32 $0x400, v10;
	v22 =	vand.u32 $0xFFFFFFF8, v22  }
0x1ab: {  	vm1 =	vne.s32 v27, $0x0;
	vm2 =	vgt.f32 v25, v16;
	v22 =	vor.u32 v13, v22  }
0x1ac: {  	v28 =	vadd.s32 $0x6E, v1;
	v27 =	vand.u32 $0x800, v10;
	vm1 =	vmand vm1, vm2  }
0x1ad: {  	vm2 =	vne.s32 v27, $0x0;
	v16 =	vsel vm1, v25, v16;
	v25 =	vld.idx.msk [tilespmem:v26+s1+$0x0], $0xffff;
	v26 =	vadd.s32 v28, v63  }
0x1ae: {  	v27 =	vadd.s32 $0x6F, v1;
	vm3 =	vgt.f32 v21, v12;
	v26 =	vand.u32 $0xFFFFFFF8, v26  }
0x1af: {  	v27 =	vadd.s32 v27, v63;
	vm2 =	vmand vm2, vm3;
	v26 =	vor.u32 v15, v26  }
0x1b0: {  	v20 =	vsel vm1, $0x6A, v20;
	v12 =	vsel vm2, v21, v12;
	v21 =	vld.idx.msk [tilespmem:v22+s1+$0x0], $0xffff;
	v22 =	vand.u32 $0xFFFFFFF8, v27  }
0x1b1: {  	v24 =	vsel vm2, $0x6B, v24;
	v27 =	vand.u32 $0x1000, v10;
	v22 =	vor.u32 v17, v22  }
0x1b2: {  	vm1 =	vne.s32 v27, $0x0;
	v27 =	vadd.s32 $0x70, v1;
	vm2 =	vgt.f32 v25, v14  }
0x1b3: {  	v28 =	vand.u32 $0x2000, v10;
	v27 =	vadd.s32 v27, v63;
	vm1 =	vmand vm1, vm2  }
0x1b4: {  	vm2 =	vne.s32 v28, $0x0;
	v14 =	vsel vm1, v25, v14;
	v25 =	vld.idx.msk [tilespmem:v26+s1+$0x0], $0xffff;
	v26 =	vand.u32 $0xFFFFFFF8, v27  }
0x1b5: {  	v27 =	vadd.s32 $0x71, v1;
	vm3 =	vgt.f32 v21, v18;
	v26 =	vor.u32 v3, v26  }
0x1b6: {  	v19 =	vsel vm1, $0x6C, v19;
	v27 =	vadd.s32 v27, v63;
	vm1 =	vmand vm2, vm3;
	v22 =	vld.idx.msk [tilespmem:v22+s1+$0x0], $0xffff  }
0x1b7: {  	v18 =	vsel vm1, v21, v18;
	v21 =	vsel vm1, $0x6D, v23;
	v23 =	vand.u32 $0xFFFFFFF8, v27  }
0x1b8: {  	v28 =	vadd.s32 $0x72, v1;
	v27 =	vand.u32 $0x4000, v10;
	v23 =	vor.u32 v5, v23  }
0x1b9: {  	vm1 =	vne.s32 v27, $0x0;
	v27 =	vadd.s32 v28, v63;
	vm2 =	vgt.f32 v25, v16  }
0x1ba: {  	v28 =	vand.u32 $0x8000, v10;
	v27 =	vand.u32 $0xFFFFFFF8, v27;
	vm1 =	vmand vm1, vm2;
	v26 =	vld.idx.msk [tilespmem:v26+s1+$0x0], $0xffff  }
0x1bb: {  	vm2 =	vne.s32 v28, $0x0;
	v27 =	vor.u32 v7, v27;
	vm3 =	vgt.f32 v22, v12  }
0x1bc: {  	v16 =	vsel vm1, v25, v16;
	v20 =	vsel vm1, $0x6E, v20;
	vm1 =	vmand vm2, vm3  }
0x1bd: {  	v25 =	vadd.s32 $0x73, v1;
	v12 =	vsel vm1, v22, v12;
	v22 =	vand.u32 $0x10000, v10;
	v23 =	vld.idx.msk [tilespmem:v23+s1+$0x0], $0xffff  }
0x1be: {  	v25 =	vadd.s32 v25, v63;
	v24 =	vsel vm1, $0x6F, v24;
	vm1 =	vne.s32 v22, $0x0  }
0x1bf: {  	v22 =	vand.u32 $0xFFFFFFF8, v25;
	v25 =	vadd.s32 $0x74, v1;
	vm2 =	vgt.f32 v26, v14  }
0x1c0: {  	v27 =	vld.idx.msk [tilespmem:v27+s1+$0x0], $0xffff;
	v22 =	vor.u32 v9, v22;
	v25 =	vadd.s32 v25, v63;
	vm1 =	vmand vm1, vm2  }
0x1c1: {  	v25 =	vand.u32 $0xFFFFFFF8, v25;
	v14 =	vsel vm1, v26, v14;
	v26 =	vand.u32 $0x20000, v10  }
0x1c2: {  	v25 =	vor.u32 v11, v25;
	vm2 =	vne.s32 v26, $0x0;
	vm3 =	vgt.f32 v23, v18  }
0x1c3: {  	v19 =	vsel vm1, $0x70, v19;
	v26 =	vadd.s32 $0x75, v1;
	vm1 =	vmand vm2, vm3  }
0x1c4: {  	v28 =	vand.u32 $0x100000, v10;
	v26 =	vadd.s32 v26, v63;
	v18 =	vsel vm1, v23, v18  }
0x1c5: {  	v23 =	vand.u32 $0x40000, v10;
	vm3 =	vgt.f32 v27, v16;
	v22 =	vld.idx.msk [tilespmem:v22+s1+$0x0], $0xffff;
	v26 =	vand.u32 $0xFFFFFFF8, v26  }
0x1c6: {  	vm2 =	vne.s32 v23, $0x0;
	v23 =	vor.u32 v13, v26;
	v26 =	vadd.s32 $0x76, v1  }
0x1c7: {  	v21 =	vsel vm1, $0x71, v21;
	vm2 =	vmand vm2, vm3;
	v25 =	vld.idx.msk [tilespmem:v25+s1+$0x0], $0xffff;
	v26 =	vadd.s32 v26, v63  }
0x1c8: {  	v16 =	vsel vm2, v27, v16;
	v27 =	vand.u32 $0x80000, v10;
	v26 =	vand.u32 $0xFFFFFFF8, v26  }
0x1c9: {  	vm1 =	vne.s32 v27, $0x0;
	v26 =	vor.u32 v15, v26;
	v27 =	vadd.s32 $0x77, v1  }
0x1ca: {  	v20 =	vsel vm2, $0x72, v20;
	vm2 =	vgt.f32 v22, v12;
	v27 =	vadd.s32 v27, v63  }
0x1cb: {  	vm1 =	vmand vm1, vm2;
	vm2 =	vne.s32 v28, $0x0;
	v23 =	vld.idx.msk [tilespmem:v23+s1+$0x0], $0xffff;
	v27 =	vand.u32 $0xFFFFFFF8, v27  }
0x1cc: {  	v28 =	vadd.s32 $0x78, v1;
	vm3 =	vgt.f32 v25, v14;
	v27 =	vor.u32 v17, v27  }
0x1cd: {  	v12 =	vsel vm1, v22, v12;
	v22 =	vadd.s32 v28, v63;
	vm2 =	vmand vm2, vm3  }
0x1ce: {  	v24 =	vsel vm1, $0x73, v24;
	v22 =	vand.u32 $0xFFFFFFF8, v22;
	v14 =	vsel vm2, v25, v14;
	v25 =	vld.idx.msk [tilespmem:v26+s1+$0x0], $0xffff  }
0x1cf: {  	v19 =	vsel vm2, $0x74, v19;
	v26 =	vand.u32 $0x200000, v10;
	v22 =	vor.u32 v3, v22  }
0x1d0: {  	vm1 =	vne.s32 v26, $0x0;
	v26 =	vadd.s32 $0x79, v1;
	vm2 =	vgt.f32 v23, v18  }
0x1d1: {  	v28 =	vand.u32 $0x400000, v10;
	v26 =	vadd.s32 v26, v63;
	vm1 =	vmand vm1, vm2;
	v27 =	vld.idx.msk [tilespmem:v27+s1+$0x0], $0xffff  }
0x1d2: {  	vm2 =	vne.s32 v28, $0x0;
	v26 =	vand.u32 $0xFFFFFFF8, v26;
	v18 =	vsel vm1, v23, v18  }
0x1d3: {  	v23 =	vor.u32 v5, v26;
	v26 =	vadd.s32 $0x7A, v1;
	vm3 =	vgt.f32 v25, v16  }
0x1d4: {  	v21 =	vsel vm1, $0x75, v21;
	v22 =	vld.idx.msk [tilespmem:v22+s1+$0x0], $0xffff;
	v26 =	vadd.s32 v26, v63;
	vm1 =	vmand vm2, vm3  }
0x1d5: {  	v26 =	vand.u32 $0xFFFFFFF8, v26;
	v16 =	vsel vm1, v25, v16;
	v25 =	vand.u32 $0x800000, v10  }
0x1d6: {  	vm2 =	vne.s32 v25, $0x0;
	vm3 =	vgt.f32 v27, v12;
	v25 =	vor.u32 v7, v26  }
0x1d7: {  	v20 =	vsel vm1, $0x76, v20;
	v26 =	vadd.s32 $0x7B, v1;
	vm1 =	vmand vm2, vm3  }
0x1d8: {  	v23 =	vld.idx.msk [tilespmem:v23+s1+$0x0], $0xffff;
	v26 =	vadd.s32 v26, v63;
	v12 =	vsel vm1, v27, v12;
	v27 =	vand.u32 $0x1000000, v10  }
0x1d9: {  	vm3 =	vgt.f32 v22, v14;
	v26 =	vand.u32 $0xFFFFFFF8, v26;
	vm2 =	vne.s32 v27, $0x0  }
0x1da: {  	v26 =	vor.u32 v9, v26;
	v27 =	vadd.s32 $0x7C, v1;
	vm2 =	vmand vm2, vm3  }
0x1db: {  	v24 =	vsel vm1, $0x77, v24;
	v14 =	vsel vm2, v22, v14;
	v22 =	vld.idx.msk [tilespmem:v25+s1+$0x0], $0xffff;
	v25 =	vadd.s32 v27, v63  }
0x1dc: {  	v19 =	vsel vm2, $0x78, v19;
	v27 =	vand.u32 $0x2000000, v10;
	v25 =	vand.u32 $0xFFFFFFF8, v25  }
0x1dd: {  	vm1 =	vne.s32 v27, $0x0;
	vm2 =	vgt.f32 v23, v18;
	v25 =	vor.u32 v11, v25  }
0x1de: {  	v28 =	vadd.s32 $0x7D, v1;
	v27 =	vand.u32 $0x4000000, v10;
	vm1 =	vmand vm1, vm2  }
0x1df: {  	vm2 =	vne.s32 v27, $0x0;
	v18 =	vsel vm1, v23, v18;
	v23 =	vld.idx.msk [tilespmem:v26+s1+$0x0], $0xffff;
	v26 =	vadd.s32 v28, v63  }
0x1e0: {  	v27 =	vadd.s32 $0x7E, v1;
	v26 =	vand.u32 $0xFFFFFFF8, v26;
	vm3 =	vgt.f32 v22, v16  }
0x1e1: {  	v27 =	vadd.s32 v27, v63;
	v26 =	vor.u32 v13, v26;
	vm2 =	vmand vm2, vm3  }
0x1e2: {  	v21 =	vsel vm1, $0x79, v21;
	v16 =	vsel vm2, v22, v16;
	v22 =	vld.idx.msk [tilespmem:v25+s1+$0x0], $0xffff;
	v25 =	vand.u32 $0xFFFFFFF8, v27  }
0x1e3: {  	v20 =	vsel vm2, $0x7A, v20;
	v27 =	vand.u32 $0x8000000, v10;
	v25 =	vor.u32 v15, v25  }
0x1e4: {  	vm1 =	vne.s32 v27, $0x0;
	vm2 =	vgt.f32 v23, v12;
	v27 =	vadd.s32 $0x7F, v1  }
0x1e5: {  	v28 =	vand.u32 $0x10000000, v10;
	vm1 =	vmand vm1, vm2;
	v27 =	vadd.s32 v27, v63  }
0x1e6: {  	vm2 =	vne.s32 v28, $0x0;
	v12 =	vsel vm1, v23, v12;
	v23 =	vld.idx.msk [tilespmem:v26+s1+$0x0], $0xffff;
	v26 =	vand.u32 $0xFFFFFFF8, v27  }
0x1e7: {  	v27 =	vadd.s32 $0x80, v1;
	v24 =	vsel vm1, $0x7B, v24;
	vm3 =	vgt.f32 v22, v14  }
0x1e8: {  	v26 =	vor.u32 v17, v26;
	v27 =	vadd.s32 v27, v63;
	vm1 =	vmand vm2, vm3  }
0x1e9: {  	v28 =	vadd.s32 $0x81, v1;
	v25 =	vld.idx.msk [tilespmem:v25+s1+$0x0], $0xffff;
	v14 =	vsel vm1, v22, v14;
	v22 =	vand.u32 $0xFFFFFFF8, v27  }
0x1ea: {  	v19 =	vsel vm1, $0x7C, v19;
	v27 =	vand.u32 $0x20000000, v10;
	v22 =	vor.u32 v3, v22  }
0x1eb: {  	vm1 =	vne.s32 v27, $0x0;
	vm2 =	vgt.f32 v23, v18;
	v27 =	vadd.s32 v28, v63  }
0x1ec: {  	v8 =	vld.idx.msk [tilespmem:v8+s15+$0x0], $0xffff;
	v28 =	vand.u32 $0x40000000, v10;
	vm1 =	vmand vm1, vm2;
	v27 =	vand.u32 $0xFFFFFFF8, v27  }
0x1ed: {  	v26 =	vld.idx.msk [tilespmem:v26+s1+$0x0], $0xffff;
	vm2 =	vne.s32 v28, $0x0;
	v27 =	vor.u32 v5, v27;
	v18 =	vsel vm1, v23, v18  }
0x1ee: {  	v23 =	vadd.s32 $0x82, v1;
	v21 =	vsel vm1, $0x7D, v21;
	vm3 =	vgt.f32 v25, v16  }
0x1ef: {  	vm1 =	vlt.s32 v10, $0x0;
	v23 =	vadd.s32 v23, v63;
	vm2 =	vmand vm2, vm3;
	v22 =	vld.idx.msk [tilespmem:v22+s1+$0x0], $0xffff  }
0x1f0: {  	v10 =	vand.u32 $0xFFFFFFF8, v23;
	v23 =	vadd.s32 $0x83, v1;
	v16 =	vsel vm2, v25, v16  }
0x1f1: {  	v20 =	vsel vm2, $0x7E, v20;
	v10 =	vor.u32 v7, v10;
	v23 =	vadd.s32 v23, v63  }
0x1f2: {  	v25 =	vand.u32 $0x1, v8;
	vm2 =	vgt.f32 v26, v12;
	v23 =	vand.u32 $0xFFFFFFF8, v23;
	v27 =	vld.idx.msk [tilespmem:v27+s1+$0x0], $0xffff  }
0x1f3: {  	vm1 =	vmand vm1, vm2;
	vm2 =	veq.s32 v25, $0x1;
	v23 =	vor.u32 v9, v23  }
0x1f4: {  	v25 =	vadd.s32 $0x84, v1;
	v12 =	vsel vm1, v26, v12;
	vm3 =	vgt.f32 v22, v14  }
0x1f5: {  	v24 =	vsel vm1, $0x7F, v24;
	v25 =	vadd.s32 v25, v63;
	vm1 =	vmand vm3, vm2  }
0x1f6: {  	v25 =	vand.u32 $0xFFFFFFF8, v25;
	v10 =	vld.idx.msk [tilespmem:v10+s1+$0x0], $0xffff;
	v14 =	vsel vm1, v22, v14;
	v22 =	vand.u32 $0x2, v8  }
0x1f7: {  	vm3 =	vgt.f32 v27, v18;
	v19 =	vsel vm1, $0x80, v19;
	vm2 =	vne.s32 v22, $0x0  }
0x1f8: {  	v22 =	vor.u32 v11, v25;
	v25 =	vadd.s32 $0x85, v1;
	vm1 =	vmand vm2, vm3  }
0x1f9: {  	v26 =	vand.u32 $0x4, v8;
	v23 =	vld.idx.msk [tilespmem:v23+s1+$0x0], $0xffff;
	v25 =	vadd.s32 v25, v63;
	v18 =	vsel vm1, v27, v18  }
0x1fa: {  	v21 =	vsel vm1, $0x81, v21;
	vm1 =	vne.s32 v26, $0x0;
	v25 =	vand.u32 $0xFFFFFFF8, v25  }
0x1fb: {  	vm2 =	vgt.f32 v10, v16;
	v26 =	vadd.s32 $0x86, v1;
	v25 =	vor.u32 v13, v25  }
0x1fc: {  	v27 =	vand.u32 $0x8, v8;
	vm1 =	vmand vm1, vm2;
	v26 =	vadd.s32 v26, v63  }
0x1fd: {  	vm2 =	vne.s32 v27, $0x0;
	v10 =	vsel vm1, v10, v16;
	v16 =	vand.u32 $0xFFFFFFF8, v26;
	v22 =	vld.idx.msk [tilespmem:v22+s1+$0x0], $0xffff  }
0x1fe: {  	vm3 =	vgt.f32 v23, v12;
	v26 =	vadd.s32 $0x87, v1;
	v16 =	vor.u32 v15, v16  }
0x1ff: {  	v20 =	vsel vm1, $0x82, v20;
	vm1 =	vmand vm2, vm3;
	v26 =	vadd.s32 v26, v63  }
0x200: {  	v12 =	vsel vm1, v23, v12;
	v23 =	vand.u32 $0x10, v8;
	v26 =	vand.u32 $0xFFFFFFF8, v26;
	v25 =	vld.idx.msk [tilespmem:v25+s1+$0x0], $0xffff  }
0x201: {  	vm2 =	vne.s32 v23, $0x0;
	v23 =	vor.u32 v17, v26;
	v26 =	vadd.s32 $0x88, v1  }
0x202: {  	v24 =	vsel vm1, $0x83, v24;
	v26 =	vadd.s32 v26, v63;
	vm3 =	vgt.f32 v22, v14  }
0x203: {  	v27 =	vand.u32 $0xFFFFFFF8, v26;
	v26 =	vadd.s32 $0x89, v1;
	v16 =	vld.idx.msk [tilespmem:v16+s1+$0x0], $0xffff;
	vm1 =	vmand vm2, vm3  }
0x204: {  	v14 =	vsel vm1, v22, v14;
	v22 =	vand.u32 $0x20, v8;
	v19 =	vsel vm1, $0x84, v19  }
0x205: {  	vm1 =	vne.s32 v22, $0x0;
	vm2 =	vgt.f32 v25, v18;
	v22 =	vor.u32 v3, v27  }
0x206: {  	v26 =	vadd.s32 v26, v63;
	v23 =	vld.idx.msk [tilespmem:v23+s1+$0x0], $0xffff;
	v27 =	vand.u32 $0x40, v8;
	vm1 =	vmand vm1, vm2  }
0x207: {  	vm2 =	vne.s32 v27, $0x0;
	v18 =	vsel vm1, v25, v18;
	v25 =	vand.u32 $0xFFFFFFF8, v26  }
0x208: {  	vm3 =	vgt.f32 v16, v10;
	v26 =	vadd.s32 $0x8A, v1;
	v25 =	vor.u32 v5, v25  }
0x209: {  	v21 =	vsel vm1, $0x85, v21;
	vm1 =	vmand vm2, vm3;
	v26 =	vadd.s32 v26, v63  }
0x20a: {  	v10 =	vsel vm1, v16, v10;
	v16 =	vand.u32 $0x80, v8;
	v26 =	vand.u32 $0xFFFFFFF8, v26;
	v22 =	vld.idx.msk [tilespmem:v22+s1+$0x0], $0xffff  }
0x20b: {  	vm3 =	vgt.f32 v23, v12;
	vm2 =	vne.s32 v16, $0x0;
	v16 =	vor.u32 v7, v26  }
0x20c: {  	v20 =	vsel vm1, $0x86, v20;
	v26 =	vadd.s32 $0x8B, v1;
	vm1 =	vmand vm2, vm3  }
0x20d: {  	v26 =	vadd.s32 v26, v63;
	v12 =	vsel vm1, v23, v12;
	v23 =	vand.u32 $0x100, v8;
	v25 =	vld.idx.msk [tilespmem:v25+s1+$0x0], $0xffff  }
0x20e: {  	v24 =	vsel vm1, $0x87, v24;
	v26 =	vand.u32 $0xFFFFFFF8, v26;
	vm1 =	vne.s32 v23, $0x0  }
0x20f: {  	v23 =	vor.u32 v9, v26;
	v26 =	vadd.s32 $0x8C, v1;
	vm2 =	vgt.f32 v22, v14  }
0x210: {  	v27 =	vand.u32 $0x200, v8;
	v26 =	vadd.s32 v26, v63;
	v16 =	vld.idx.msk [tilespmem:v16+s1+$0x0], $0xffff;
	vm1 =	vmand vm1, vm2  }
0x211: {  	vm2 =	vne.s32 v27, $0x0;
	v27 =	vand.u32 $0xFFFFFFF8, v26;
	v26 =	vadd.s32 $0x8D, v1  }
0x212: {  	v14 =	vsel vm1, v22, v14;
	v22 =	vor.u32 v11, v27;
	vm3 =	vgt.f32 v25, v18  }
0x213: {  	v19 =	vsel vm1, $0x88, v19;
	v26 =	vadd.s32 v26, v63;
	vm1 =	vmand vm2, vm3  }
0x214: {  	v26 =	vand.u32 $0xFFFFFFF8, v26;
	v18 =	vsel vm1, v25, v18;
	v25 =	vand.u32 $0x400, v8  }
0x215: {  	v23 =	vld.idx.msk [tilespmem:v23+s1+$0x0], $0xffff;
	vm3 =	vgt.f32 v16, v10;
	v21 =	vsel vm1, $0x89, v21;
	vm2 =	vne.s32 v25, $0x0  }
0x216: {  	v25 =	vor.u32 v13, v26;
	v26 =	vadd.s32 $0x8E, v1;
	vm1 =	vmand vm2, vm3  }
0x217: {  	v22 =	vld.idx.msk [tilespmem:v22+s1+$0x0], $0xffff;
	v26 =	vadd.s32 v26, v63;
	v10 =	vsel vm1, v16, v10;
	v16 =	vand.u32 $0x800, v8  }
0x218: {  	v20 =	vsel vm1, $0x8A, v20;
	vm1 =	vne.s32 v16, $0x0;
	v16 =	vand.u32 $0xFFFFFFF8, v26  }
0x219: {  	v26 =	vadd.s32 $0x8F, v1;
	v16 =	vor.u32 v15, v16  }
0x21a: {  	v27 =	vand.u32 $0x1000, v8;
	vm2 =	vgt.f32 v23, v12;
	v26 =	vadd.s32 v26, v63  }
0x21b: {  	vm1 =	vmand vm1, vm2;
	vm2 =	vne.s32 v27, $0x0;
	v25 =	vld.idx.msk [tilespmem:v25+s1+$0x0], $0xffff;
	v26 =	vand.u32 $0xFFFFFFF8, v26  }
0x21c: {  	v12 =	vsel vm1, v23, v12;
	vm3 =	vgt.f32 v22, v14;
	v23 =	vor.u32 v17, v26  }
0x21d: {  	v24 =	vsel vm1, $0x8B, v24;
	v26 =	vadd.s32 $0x90, v1;
	vm1 =	vmand vm2, vm3  }
0x21e: {  	v26 =	vadd.s32 v26, v63;
	v14 =	vsel vm1, v22, v14;
	v22 =	vand.u32 $0x2000, v8;
	v16 =	vld.idx.msk [tilespmem:v16+s1+$0x0], $0xffff  }
0x21f: {  	v27 =	vand.u32 $0x8000, v8;
	v26 =	vand.u32 $0xFFFFFFF8, v26;
	vm2 =	vne.s32 v22, $0x0  }
0x220: {  	v22 =	vor.u32 v3, v26;
	v26 =	vadd.s32 $0x91, v1;
	vm3 =	vgt.f32 v25, v18  }
0x221: {  	v19 =	vsel vm1, $0x8C, v19;
	v26 =	vadd.s32 v26, v63;
	vm1 =	vmand vm2, vm3;
	v23 =	vld.idx.msk [tilespmem:v23+s1+$0x0], $0xffff  }
0x222: {  	v18 =	vsel vm1, v25, v18;
	v25 =	vand.u32 $0x4000, v8;
	v21 =	vsel vm1, $0x8D, v21  }
0x223: {  	vm1 =	vne.s32 v25, $0x0;
	v25 =	vand.u32 $0xFFFFFFF8, v26;
	vm2 =	vgt.f32 v16, v10  }
0x224: {  	v26 =	vadd.s32 $0x92, v1;
	v25 =	vor.u32 v5, v25;
	vm1 =	vmand vm1, vm2  }
0x225: {  	v22 =	vld.idx.msk [tilespmem:v22+s1+$0x0], $0xffff;
	v26 =	vadd.s32 v26, v63;
	vm2 =	vne.s32 v27, $0x0;
	v10 =	vsel vm1, v16, v10  }
0x226: {  	v16 =	vand.u32 $0xFFFFFFF8, v26;
	vm3 =	vgt.f32 v23, v12;
	v26 =	vadd.s32 $0x93, v1  }
0x227: {  	v20 =	vsel vm1, $0x8E, v20;
	v16 =	vor.u32 v7, v16;
	vm1 =	vmand vm2, vm3  }
0x228: {  	v26 =	vadd.s32 v26, v63;
	v12 =	vsel vm1, v23, v12;
	v23 =	vand.u32 $0x10000, v8  }
0x229: {  	v26 =	vand.u32 $0xFFFFFFF8, v26;
	v25 =	vld.idx.msk [tilespmem:v25+s1+$0x0], $0xffff;
	vm2 =	vne.s32 v23, $0x0  }
0x22a: {  	vm3 =	vgt.f32 v22, v14;
	v23 =	vor.u32 v9, v26;
	v26 =	vadd.s32 $0x94, v1  }
0x22b: {  	v24 =	vsel vm1, $0x8F, v24;
	vm1 =	vmand vm2, vm3;
	v26 =	vadd.s32 v26, v63  }
0x22c: {  	v14 =	vsel vm1, v22, v14;
	v22 =	vand.u32 $0x20000, v8;
	v27 =	vand.u32 $0xFFFFFFF8, v26;
	v16 =	vld.idx.msk [tilespmem:v16+s1+$0x0], $0xffff  }
0x22d: {  	v19 =	vsel vm1, $0x90, v19;
	vm1 =	vne.s32 v22, $0x0;
	v22 =	vor.u32 v11, v27  }
0x22e: {  	v6 =	vadd.s32 $0x5, v2;
	v26 =	vadd.s32 $0x95, v1;
	vm2 =	vgt.f32 v25, v18  }
0x22f: {  	v27 =	vand.u32 $0x40000, v8;
	v26 =	vadd.s32 v26, v63;
	v23 =	vld.idx.msk [tilespmem:v23+s1+$0x0], $0xffff;
	vm1 =	vmand vm1, vm2  }
0x230: {  	vm2 =	vne.s32 v27, $0x0;
	v18 =	vsel vm1, v25, v18;
	v25 =	vand.u32 $0xFFFFFFF8, v26  }
0x231: {  	v26 =	vadd.s32 $0x96, v1;
	vm3 =	vgt.f32 v16, v10;
	v25 =	vor.u32 v13, v25  }
0x232: {  	v21 =	vsel vm1, $0x91, v21;
	v26 =	vadd.s32 v26, v63;
	v22 =	vld.idx.msk [tilespmem:v22+s1+$0x0], $0xffff;
	vm1 =	vmand vm2, vm3  }
0x233: {  	v26 =	vand.u32 $0xFFFFFFF8, v26;
	v10 =	vsel vm1, v16, v10;
	v16 =	vand.u32 $0x80000, v8  }
0x234: {  	vm3 =	vgt.f32 v23, v12;
	vm2 =	vne.s32 v16, $0x0;
	v16 =	vor.u32 v15, v26  }
0x235: {  	v20 =	vsel vm1, $0x92, v20;
	v26 =	vadd.s32 $0x97, v1;
	vm1 =	vmand vm2, vm3  }
0x236: {  	v26 =	vadd.s32 v26, v63;
	v12 =	vsel vm1, v23, v12;
	v23 =	vand.u32 $0x100000, v8;
	v25 =	vld.idx.msk [tilespmem:v25+s1+$0x0], $0xffff  }
0x237: {  	v24 =	vsel vm1, $0x93, v24;
	v26 =	vand.u32 $0xFFFFFFF8, v26;
	vm2 =	vgt.f32 v22, v14  }
0x238: {  	vm1 =	vne.s32 v23, $0x0;
	v23 =	vor.u32 v17, v26;
	v26 =	vadd.s32 $0x98, v1  }
0x239: {  	v27 =	vand.u32 $0x200000, v8;
	vm1 =	vmand vm1, vm2;
	v26 =	vadd.s32 v26, v63;
	v16 =	vld.idx.msk [tilespmem:v16+s1+$0x0], $0xffff  }
0x23a: {  	vm2 =	vne.s32 v27, $0x0;
	v14 =	vsel vm1, v22, v14;
	v27 =	vand.u32 $0xFFFFFFF8, v26  }
0x23b: {  	v26 =	vadd.s32 $0x99, v1;
	v22 =	vor.u32 v3, v27;
	vm3 =	vgt.f32 v25, v18  }
0x23c: {  	v19 =	vsel vm1, $0x94, v19;
	v26 =	vadd.s32 v26, v63;
	vm1 =	vmand vm2, vm3  }
0x23d: {  	v26 =	vand.u32 $0xFFFFFFF8, v26;
	v23 =	vld.idx.msk [tilespmem:v23+s1+$0x0], $0xffff;
	v18 =	vsel vm1, v25, v18;
	v25 =	vand.u32 $0x400000, v8  }
0x23e: {  	vm2 =	vne.s32 v25, $0x0;
	vm3 =	vgt.f32 v16, v10;
	v25 =	vor.u32 v5, v26  }
0x23f: {  	v21 =	vsel vm1, $0x95, v21;
	v26 =	vadd.s32 $0x9A, v1;
	vm1 =	vmand vm2, vm3  }
0x240: {  	v22 =	vld.idx.msk [tilespmem:v22+s1+$0x0], $0xffff;
	v26 =	vadd.s32 v26, v63;
	v10 =	vsel vm1, v16, v10;
	v16 =	vand.u32 $0x800000, v8  }
0x241: {  	v20 =	vsel vm1, $0x96, v20;
	vm1 =	vne.s32 v16, $0x0;
	v16 =	vand.u32 $0xFFFFFFF8, v26  }
0x242: {  	vm2 =	vgt.f32 v23, v12;
	v26 =	vadd.s32 $0x9B, v1;
	v16 =	vor.u32 v7, v16  }
0x243: {  	v27 =	vand.u32 $0x1000000, v8;
	vm1 =	vmand vm1, vm2;
	v26 =	vadd.s32 v26, v63;
	v25 =	vld.idx.msk [tilespmem:v25+s1+$0x0], $0xffff  }
0x244: {  	vm2 =	vne.s32 v27, $0x0;
	v12 =	vsel vm1, v23, v12;
	v26 =	vand.u32 $0xFFFFFFF8, v26  }
0x245: {  	vm3 =	vgt.f32 v22, v14;
	v23 =	vor.u32 v9, v26;
	v26 =	vadd.s32 $0x9C, v1  }
0x246: {  	v24 =	vsel vm1, $0x97, v24;
	vm1 =	vmand vm2, vm3;
	v26 =	vadd.s32 v26, v63  }
0x247: {  	v14 =	vsel vm1, v22, v14;
	v22 =	vand.u32 $0x2000000, v8;
	v26 =	vand.u32 $0xFFFFFFF8, v26;
	v16 =	vld.idx.msk [tilespmem:v16+s1+$0x0], $0xffff  }
0x248: {  	vm2 =	vne.s32 v22, $0x0;
	v22 =	vor.u32 v11, v26;
	vm3 =	vgt.f32 v25, v18  }
0x249: {  	v19 =	vsel vm1, $0x98, v19;
	v26 =	vadd.s32 $0x9D, v1;
	vm1 =	vmand vm2, vm3  }
0x24a: {  	v26 =	vadd.s32 v26, v63;
	v23 =	vld.idx.msk [tilespmem:v23+s1+$0x0], $0xffff;
	v18 =	vsel vm1, v25, v18;
	v25 =	vand.u32 $0x4000000, v8  }
0x24b: {  	v21 =	vsel vm1, $0x99, v21;
	vm1 =	vne.s32 v25, $0x0;
	v25 =	vand.u32 $0xFFFFFFF8, v26  }
0x24c: {  	v26 =	vadd.s32 $0x9E, v1;
	vm2 =	vgt.f32 v16, v10;
	v25 =	vor.u32 v13, v25  }
0x24d: {  	v27 =	vand.u32 $0x8000000, v8;
	v22 =	vld.idx.msk [tilespmem:v22+s1+$0x0], $0xffff;
	v26 =	vadd.s32 v26, v63;
	vm1 =	vmand vm1, vm2  }
0x24e: {  	vm2 =	vne.s32 v27, $0x0;
	v10 =	vsel vm1, v16, v10;
	v16 =	vand.u32 $0xFFFFFFF8, v26  }
0x24f: {  	vm3 =	vgt.f32 v23, v12;
	v26 =	vadd.s32 $0x9F, v1;
	v16 =	vor.u32 v15, v16  }
0x250: {  	v20 =	vsel vm1, $0x9A, v20;
	vm1 =	vmand vm2, vm3;
	v26 =	vadd.s32 v26, v63  }
0x251: {  	v12 =	vsel vm1, v23, v12;
	v23 =	vand.u32 $0x10000000, v8;
	v26 =	vand.u32 $0xFFFFFFF8, v26;
	v25 =	vld.idx.msk [tilespmem:v25+s1+$0x0], $0xffff  }
0x252: {  	vm2 =	vne.s32 v23, $0x0;
	vm3 =	vgt.f32 v22, v14;
	v23 =	vor.u32 v17, v26  }
0x253: {  	v24 =	vsel vm1, $0x9B, v24;
	v26 =	vadd.s32 $0xA0, v1;
	vm1 =	vmand vm2, vm3  }
0x254: {  	v26 =	vadd.s32 v26, v63;
	v14 =	vsel vm1, v22, v14;
	v22 =	vand.u32 $0x20000000, v8;
	v16 =	vld.idx.msk [tilespmem:v16+s1+$0x0], $0xffff  }
0x255: {  	vm2 =	vne.s32 v22, $0x0;
	v22 =	vand.u32 $0xFFFFFFF8, v26;
	v26 =	vadd.s32 $0xA1, v1  }
0x256: {  	v22 =	vor.u32 v3, v22;
	v26 =	vadd.s32 v26, v63;
	vm3 =	vgt.f32 v25, v18  }
0x257: {  	v19 =	vsel vm1, $0x9C, v19;
	v23 =	vld.idx.msk [tilespmem:v23+s1+$0x0], $0xffff;
	v26 =	vand.u32 $0xFFFFFFF8, v26;
	vm1 =	vmand vm2, vm3  }
0x258: {  	v26 =	vor.u32 v5, v26;
	v18 =	vsel vm1, v25, v18;
	v25 =	vand.u32 $0x40000000, v8  }
0x259: {  	vm2 =	vne.s32 v25, $0x0;
	vm3 =	vgt.f32 v16, v10;
	v25 =	vadd.s32 $0xA2, v1  }
0x25a: {  	v6 =	vld.idx.msk [tilespmem:v6+s15+$0x0], $0xffff;
	v21 =	vsel vm1, $0x9D, v21;
	vm1 =	vmand vm2, vm3;
	v25 =	vadd.s32 v25, v63  }
0x25b: {  	vm2 =	vlt.s32 v8, $0x0;
	v8 =	vld.idx.msk [tilespmem:v22+s1+$0x0], $0xffff;
	v10 =	vsel vm1, v16, v10;
	v16 =	vand.u32 $0xFFFFFFF8, v25  }
0x25c: {  	v22 =	vadd.s32 $0xA3, v1;
	vm3 =	vgt.f32 v23, v12;
	v16 =	vor.u32 v7, v16  }
0x25d: {  	v20 =	vsel vm1, $0x9E, v20;
	v22 =	vadd.s32 v22, v63;
	vm1 =	vmand vm2, vm3;
	v25 =	vld.idx.msk [tilespmem:v26+s1+$0x0], $0xffff  }
0x25e: {  	v22 =	vand.u32 $0xFFFFFFF8, v22;
	v26 =	vadd.s32 $0xA4, v1;
	v12 =	vsel vm1, v23, v12  }
0x25f: {  	v23 =	vsel vm1, $0x9F, v24;
	v24 =	vand.u32 $0x1, v6;
	v22 =	vor.u32 v9, v22  }
0x260: {  	vm1 =	veq.s32 v24, $0x1;
	v24 =	vadd.s32 v26, v63;
	vm2 =	vgt.f32 v8, v14  }
0x261: {  	v26 =	vand.u32 $0x2, v6;
	v24 =	vand.u32 $0xFFFFFFF8, v24;
	vm1 =	vmand vm2, vm1;
	v16 =	vld.idx.msk [tilespmem:v16+s1+$0x0], $0xffff  }
0x262: {  	vm2 =	vne.s32 v26, $0x0;
	v24 =	vor.u32 v11, v24;
	vm3 =	vgt.f32 v25, v18  }
0x263: {  	v8 =	vsel vm1, v8, v14;
	v14 =	vsel vm1, $0xA0, v19;
	vm1 =	vmand vm2, vm3  }
0x264: {  	v19 =	vand.u32 $0x4, v6;
	v22 =	vld.idx.msk [tilespmem:v22+s1+$0x0], $0xffff;
	v18 =	vsel vm1, v25, v18;
	v25 =	vadd.s32 $0xA5, v1  }
0x265: {  	v21 =	vsel vm1, $0xA1, v21;
	vm1 =	vne.s32 v19, $0x0;
	v19 =	vadd.s32 v25, v63  }
0x266: {  	v25 =	vadd.s32 $0xA6, v1;
	v19 =	vand.u32 $0xFFFFFFF8, v19;
	vm2 =	vgt.f32 v16, v10  }
0x267: {  	v24 =	vld.idx.msk [tilespmem:v24+s1+$0x0], $0xffff;
	v25 =	vadd.s32 v25, v63;
	v19 =	vor.u32 v13, v19;
	vm1 =	vmand vm1, vm2  }
0x268: {  	v25 =	vand.u32 $0xFFFFFFF8, v25;
	v10 =	vsel vm1, v16, v10;
	v16 =	vand.u32 $0x8, v6  }
0x269: {  	vm3 =	vgt.f32 v22, v12;
	vm2 =	vne.s32 v16, $0x0;
	v16 =	vor.u32 v15, v25  }
0x26a: {  	v20 =	vsel vm1, $0xA2, v20;
	v25 =	vadd.s32 $0xA7, v1;
	vm1 =	vmand vm2, vm3  }
0x26b: {  	v25 =	vadd.s32 v25, v63;
	v12 =	vsel vm1, v22, v12;
	v22 =	vand.u32 $0x10, v6  }
0x26c: {  	vm3 =	vgt.f32 v24, v8;
	v19 =	vld.idx.msk [tilespmem:v19+s1+$0x0], $0xffff;
	v27 =	vand.u32 $0xFFFFFFF8, v25;
	vm2 =	vne.s32 v22, $0x0  }
0x26d: {  	v25 =	vadd.s32 $0xA8, v1;
	v22 =	vor.u32 v17, v27;
	vm2 =	vmand vm2, vm3  }
0x26e: {  	v26 =	vand.u32 $0x40, v6;
	v8 =	vsel vm2, v24, v8;
	v16 =	vld.idx.msk [tilespmem:v16+s1+$0x0], $0xffff;
	v24 =	vadd.s32 v25, v63  }
0x26f: {  	v23 =	vsel vm1, $0xA3, v23;
	v25 =	vand.u32 $0x20, v6;
	v24 =	vand.u32 $0xFFFFFFF8, v24  }
0x270: {  	vm1 =	vne.s32 v25, $0x0;
	v25 =	vadd.s32 $0xA9, v1;
	v24 =	vor.u32 v3, v24  }
0x271: {  	v14 =	vsel vm2, $0xA4, v14;
	vm2 =	vgt.f32 v19, v18;
	v25 =	vadd.s32 v25, v63  }
0x272: {  	vm1 =	vmand vm1, vm2;
	vm2 =	vne.s32 v26, $0x0;
	v22 =	vld.idx.msk [tilespmem:v22+s1+$0x0], $0xffff;
	v25 =	vand.u32 $0xFFFFFFF8, v25  }
0x273: {  	v26 =	vadd.s32 $0xAA, v1;
	v25 =	vor.u32 v5, v25;
	vm3 =	vgt.f32 v16, v10  }
0x274: {  	v18 =	vsel vm1, v19, v18;
	v19 =	vadd.s32 v26, v63;
	vm2 =	vmand vm2, vm3  }
0x275: {  	v21 =	vsel vm1, $0xA5, v21;
	v19 =	vand.u32 $0xFFFFFFF8, v19;
	v10 =	vsel vm2, v16, v10;
	v16 =	vld.idx.msk [tilespmem:v24+s1+$0x0], $0xffff  }
0x276: {  	v19 =	vor.u32 v7, v19;
	v20 =	vsel vm2, $0xA6, v20;
	v24 =	vand.u32 $0x80, v6  }
0x277: {  	vm1 =	vne.s32 v24, $0x0;
	vm2 =	vgt.f32 v22, v12;
	v24 =	vadd.s32 $0xAB, v1  }
0x278: {  	v26 =	vand.u32 $0x100, v6;
	vm1 =	vmand vm1, vm2;
	v25 =	vld.idx.msk [tilespmem:v25+s1+$0x0], $0xffff;
	v24 =	vadd.s32 v24, v63  }
0x279: {  	vm2 =	vne.s32 v26, $0x0;
	v12 =	vsel vm1, v22, v12;
	v24 =	vand.u32 $0xFFFFFFF8, v24  }
0x27a: {  	v22 =	vor.u32 v9, v24;
	v24 =	vadd.s32 $0xAC, v1;
	vm3 =	vgt.f32 v16, v8  }
0x27b: {  	v23 =	vsel vm1, $0xA7, v23;
	v19 =	vld.idx.msk [tilespmem:v19+s1+$0x0], $0xffff;
	v24 =	vadd.s32 v24, v63;
	vm1 =	vmand vm2, vm3  }
0x27c: {  	v24 =	vand.u32 $0xFFFFFFF8, v24;
	v8 =	vsel vm1, v16, v8;
	v16 =	vand.u32 $0x200, v6  }
0x27d: {  	vm3 =	vgt.f32 v25, v18;
	vm2 =	vne.s32 v16, $0x0;
	v16 =	vor.u32 v11, v24  }
0x27e: {  	v14 =	vsel vm1, $0xA8, v14;
	v24 =	vadd.s32 $0xAD, v1;
	vm1 =	vmand vm2, vm3  }
0x27f: {  	v22 =	vld.idx.msk [tilespmem:v22+s1+$0x0], $0xffff;
	v24 =	vadd.s32 v24, v63;
	v18 =	vsel vm1, v25, v18;
	v25 =	vand.u32 $0x400, v6  }
0x280: {  	vm3 =	vgt.f32 v19, v10;
	v24 =	vand.u32 $0xFFFFFFF8, v24;
	vm2 =	vne.s32 v25, $0x0  }
0x281: {  	v24 =	vor.u32 v13, v24;
	v25 =	vadd.s32 $0xAE, v1;
	vm2 =	vmand vm2, vm3  }
0x282: {  	v21 =	vsel vm1, $0xA9, v21;
	v10 =	vsel vm2, v19, v10;
	v16 =	vld.idx.msk [tilespmem:v16+s1+$0x0], $0xffff;
	v19 =	vadd.s32 v25, v63  }
0x283: {  	v20 =	vsel vm2, $0xAA, v20;
	v25 =	vand.u32 $0x800, v6;
	v19 =	vand.u32 $0xFFFFFFF8, v19  }
0x284: {  	vm1 =	vne.s32 v25, $0x0;
	vm2 =	vgt.f32 v22, v12;
	v19 =	vor.u32 v15, v19  }
0x285: {  	v25 =	vand.u32 $0x1000, v6;
	vm1 =	vmand vm1, vm2  }
0x286: {  	v26 =	vadd.s32 $0xAF, v1;
	vm2 =	vne.s32 v25, $0x0;
	v12 =	vsel vm1, v22, v12;
	v22 =	vld.idx.msk [tilespmem:v24+s1+$0x0], $0xffff  }
0x287: {  	v25 =	vadd.s32 $0xB0, v1;
	v24 =	vadd.s32 v26, v63;
	vm3 =	vgt.f32 v16, v8  }
0x288: {  	v25 =	vadd.s32 v25, v63;
	v24 =	vand.u32 $0xFFFFFFF8, v24;
	vm2 =	vmand vm2, vm3  }
0x289: {  	v23 =	vsel vm1, $0xAB, v23;
	v24 =	vor.u32 v17, v24;
	v8 =	vsel vm2, v16, v8;
	v16 =	vld.idx.msk [tilespmem:v19+s1+$0x0], $0xffff  }
0x28a: {  	v19 =	vand.u32 $0xFFFFFFF8, v25;
	v14 =	vsel vm2, $0xAC, v14;
	v25 =	vand.u32 $0x2000, v6  }
0x28b: {  	v19 =	vor.u32 v3, v19;
	vm1 =	vne.s32 v25, $0x0;
	vm2 =	vgt.f32 v22, v18  }
0x28c: {  	v26 =	vand.u32 $0x4000, v6;
	v25 =	vadd.s32 $0xB1, v1;
	vm1 =	vmand vm1, vm2  }
0x28d: {  	v25 =	vadd.s32 v25, v63;
	vm2 =	vne.s32 v26, $0x0;
	v18 =	vsel vm1, v22, v18  }
0x28e: {  	v22 =	vld.idx.msk [tilespmem:v24+s1+$0x0], $0xffff;
	v24 =	vand.u32 $0xFFFFFFF8, v25;
	v25 =	vadd.s32 $0xB2, v1;
	vm3 =	vgt.f32 v16, v10  }
0x28f: {  	v21 =	vsel vm1, $0xAD, v21;
	v24 =	vor.u32 v5, v24;
	vm1 =	vmand vm2, vm3  }
0x290: {  	v4 =	vadd.s32 $0x6, v2;
	v25 =	vadd.s32 v25, v63;
	v19 =	vld.idx.msk [tilespmem:v19+s1+$0x0], $0xffff;
	v10 =	vsel vm1, v16, v10  }
0x291: {  	v16 =	vsel vm1, $0xAE, v20;
	v20 =	vand.u32 $0xFFFFFFF8, v25;
	v25 =	vand.u32 $0x8000, v6  }
0x292: {  	v26 =	vadd.s32 $0xB3, v1;
	v20 =	vor.u32 v7, v20;
	vm1 =	vne.s32 v25, $0x0  }
0x293: {  	vm2 =	vgt.f32 v22, v12;
	v25 =	vadd.s32 v26, v63;
	v26 =	vand.u32 $0x10000, v6  }
0x294: {  	vm1 =	vmand vm1, vm2;
	v24 =	vld.idx.msk [tilespmem:v24+s1+$0x0], $0xffff;
	v25 =	vand.u32 $0xFFFFFFF8, v25;
	vm2 =	vne.s32 v26, $0x0  }
0x295: {  	v26 =	vadd.s32 $0xB4, v1;
	v25 =	vor.u32 v9, v25;
	vm3 =	vgt.f32 v19, v8  }
0x296: {  	v12 =	vsel vm1, v22, v12;
	v22 =	vsel vm1, $0xAF, v23;
	vm1 =	vmand vm2, vm3  }
0x297: {  	v23 =	vadd.s32 $0xB5, v1;
	v8 =	vsel vm1, v19, v8;
	v19 =	vand.u32 $0x20000, v6  }
0x298: {  	v20 =	vld.idx.msk [tilespmem:v20+s1+$0x0], $0xffff;
	v14 =	vsel vm1, $0xB0, v14;
	vm1 =	vne.s32 v19, $0x0;
	v19 =	vadd.s32 v26, v63  }
0x299: {  	v23 =	vadd.s32 v23, v63;
	vm2 =	vgt.f32 v24, v18;
	v19 =	vand.u32 $0xFFFFFFF8, v19  }
0x29a: {  	v23 =	vand.u32 $0xFFFFFFF8, v23;
	vm1 =	vmand vm1, vm2;
	v19 =	vor.u32 v11, v19  }
0x29b: {  	v23 =	vor.u32 v13, v23;
	v25 =	vld.idx.msk [tilespmem:v25+s1+$0x0], $0xffff;
	v18 =	vsel vm1, v24, v18;
	v24 =	vand.u32 $0x40000, v6  }
0x29c: {  	v2 =	vadd.s32 $0x7, v2;
	vm2 =	vne.s32 v24, $0x0;
	v24 =	vadd.s32 $0xB6, v1  }
0x29d: {  	v26 =	vand.u32 $0x200000, v6;
	vm3 =	vgt.f32 v20, v10;
	v24 =	vadd.s32 v24, v63  }
0x29e: {  	v21 =	vsel vm1, $0xB1, v21;
	vm1 =	vmand vm2, vm3;
	v27 =	vand.u32 $0xFFFFFFF8, v24  }
0x29f: {  	v24 =	vadd.s32 $0xB7, v1;
	v10 =	vsel vm1, v20, v10;
	v20 =	vand.u32 $0x80000, v6;
	v19 =	vld.idx.msk [tilespmem:v19+s1+$0x0], $0xffff  }
0x2a0: {  	v23 =	vld.idx.msk [tilespmem:v23+s1+$0x0], $0xffff;
	vm3 =	vgt.f32 v25, v12;
	vm2 =	vne.s32 v20, $0x0;
	v20 =	vor.u32 v15, v27  }
0x2a1: {  	v16 =	vsel vm1, $0xB2, v16;
	v24 =	vadd.s32 v24, v63;
	vm2 =	vmand vm2, vm3  }
0x2a2: {  	v24 =	vand.u32 $0xFFFFFFF8, v24;
	v12 =	vsel vm2, v25, v12;
	v25 =	vand.u32 $0x100000, v6  }
0x2a3: {  	v24 =	vor.u32 v17, v24;
	vm1 =	vne.s32 v25, $0x0;
	v25 =	vadd.s32 $0xB8, v1  }
0x2a4: {  	v22 =	vsel vm2, $0xB3, v22;
	v25 =	vadd.s32 v25, v63;
	vm2 =	vgt.f32 v19, v8  }
0x2a5: {  	vm3 =	vgt.f32 v23, v18;
	v20 =	vld.idx.msk [tilespmem:v20+s1+$0x0], $0xffff;
	v25 =	vand.u32 $0xFFFFFFF8, v25;
	vm1 =	vmand vm1, vm2  }
0x2a6: {  	vm2 =	vne.s32 v26, $0x0;
	v25 =	vor.u32 v3, v25;
	v26 =	vadd.s32 $0xB9, v1  }
0x2a7: {  	v8 =	vsel vm1, v19, v8;
	vm2 =	vmand vm2, vm3;
	v19 =	vadd.s32 v26, v63  }
0x2a8: {  	v14 =	vsel vm1, $0xB4, v14;
	v18 =	vsel vm2, v23, v18;
	v23 =	vld.idx.msk [tilespmem:v24+s1+$0x0], $0xffff;
	v19 =	vand.u32 $0xFFFFFFF8, v19  }
0x2a9: {  	v21 =	vsel vm2, $0xB5, v21;
	v24 =	vand.u32 $0x400000, v6;
	v19 =	vor.u32 v5, v19  }
0x2aa: {  	vm1 =	vne.s32 v24, $0x0;
	v24 =	vadd.s32 $0xBA, v1;
	vm2 =	vgt.f32 v20, v10  }
0x2ab: {  	v26 =	vand.u32 $0x800000, v6;
	v24 =	vadd.s32 v24, v63;
	vm1 =	vmand vm1, vm2;
	v25 =	vld.idx.msk [tilespmem:v25+s1+$0x0], $0xffff  }
0x2ac: {  	vm2 =	vne.s32 v26, $0x0;
	v24 =	vand.u32 $0xFFFFFFF8, v24;
	v10 =	vsel vm1, v20, v10  }
0x2ad: {  	v20 =	vor.u32 v7, v24;
	v24 =	vadd.s32 $0xBB, v1;
	vm3 =	vgt.f32 v23, v12  }
0x2ae: {  	v16 =	vsel vm1, $0xB6, v16;
	v24 =	vadd.s32 v24, v63;
	vm1 =	vmand vm2, vm3;
	v19 =	vld.idx.msk [tilespmem:v19+s1+$0x0], $0xffff  }
0x2af: {  	v24 =	vand.u32 $0xFFFFFFF8, v24;
	v12 =	vsel vm1, v23, v12;
	v23 =	vand.u32 $0x1000000, v6  }
0x2b0: {  	vm2 =	vne.s32 v23, $0x0;
	vm3 =	vgt.f32 v25, v8;
	v23 =	vor.u32 v9, v24  }
0x2b1: {  	v22 =	vsel vm1, $0xB7, v22;
	v24 =	vadd.s32 $0xBC, v1;
	vm1 =	vmand vm2, vm3  }
0x2b2: {  	v20 =	vld.idx.msk [tilespmem:v20+s1+$0x0], $0xffff;
	v24 =	vadd.s32 v24, v63;
	v8 =	vsel vm1, v25, v8;
	v25 =	vand.u32 $0x2000000, v6  }
0x2b3: {  	v24 =	vand.u32 $0xFFFFFFF8, v24;
	vm2 =	vne.s32 v25, $0x0;
	vm3 =	vgt.f32 v19, v18  }
0x2b4: {  	v14 =	vsel vm1, $0xB8, v14;
	v24 =	vor.u32 v11, v24;
	vm1 =	vmand vm2, vm3  }
0x2b5: {  	v25 =	vadd.s32 $0xBD, v1;
	v18 =	vsel vm1, v19, v18;
	v19 =	vand.u32 $0x4000000, v6;
	v23 =	vld.idx.msk [tilespmem:v23+s1+$0x0], $0xffff  }
0x2b6: {  	v21 =	vsel vm1, $0xB9, v21;
	vm1 =	vne.s32 v19, $0x0;
	v19 =	vadd.s32 v25, v63  }
0x2b7: {  	vm2 =	vgt.f32 v20, v10;
	v25 =	vadd.s32 $0xBE, v1;
	v19 =	vand.u32 $0xFFFFFFF8, v19  }
0x2b8: {  	vm1 =	vmand vm1, vm2;
	v25 =	vadd.s32 v25, v63;
	v19 =	vor.u32 v13, v19  }
0x2b9: {  	v10 =	vsel vm1, v20, v10;
	v20 =	vand.u32 $0x8000000, v6;
	v24 =	vld.idx.msk [tilespmem:v24+s1+$0x0], $0xffff;
	v25 =	vand.u32 $0xFFFFFFF8, v25  }
0x2ba: {  	vm2 =	vne.s32 v20, $0x0;
	v20 =	vor.u32 v15, v25;
	vm3 =	vgt.f32 v23, v12  }
0x2bb: {  	v16 =	vsel vm1, $0xBA, v16;
	v25 =	vadd.s32 $0xBF, v1;
	vm1 =	vmand vm2, vm3  }
0x2bc: {  	v25 =	vadd.s32 v25, v63;
	v12 =	vsel vm1, v23, v12;
	v23 =	vand.u32 $0x10000000, v6  }
0x2bd: {  	vm2 =	vne.s32 v23, $0x0;
	v19 =	vld.idx.msk [tilespmem:v19+s1+$0x0], $0xffff;
	v23 =	vand.u32 $0xFFFFFFF8, v25;
	v25 =	vadd.s32 $0xC0, v1  }
0x2be: {  	vm3 =	vgt.f32 v24, v8;
	v23 =	vor.u32 v17, v23;
	v25 =	vadd.s32 v25, v63  }
0x2bf: {  	v22 =	vsel vm1, $0xBB, v22;
	vm1 =	vmand vm2, vm3;
	v20 =	vld.idx.msk [tilespmem:v20+s1+$0x0], $0xffff;
	v25 =	vand.u32 $0xFFFFFFF8, v25  }
0x2c0: {  	v8 =	vsel vm1, v24, v8;
	v24 =	vand.u32 $0x20000000, v6;
	v25 =	vor.u32 v3, v25  }
0x2c1: {  	v14 =	vsel vm1, $0xBC, v14;
	vm1 =	vne.s32 v24, $0x0;
	v24 =	vadd.s32 $0xC1, v1  }
0x2c2: {  	v26 =	vand.u32 $0x40000000, v6;
	v24 =	vadd.s32 v24, v63;
	vm2 =	vgt.f32 v19, v18  }
0x2c3: {  	v24 =	vand.u32 $0xFFFFFFF8, v24;
	vm1 =	vmand vm1, vm2;
	vm2 =	vne.s32 v26, $0x0;
	v23 =	vld.idx.msk [tilespmem:v23+s1+$0x0], $0xffff  }
0x2c4: {  	v4 =	vld.idx.msk [tilespmem:v4+s15+$0x0], $0xffff;
	vm3 =	vgt.f32 v20, v10;
	v24 =	vor.u32 v5, v24;
	v26 =	vadd.s32 $0xC2, v1  }
0x2c5: {  	v18 =	vsel vm1, v19, v18;
	vm2 =	vmand vm2, vm3;
	v19 =	vld.idx.msk [tilespmem:v25+s1+$0x0], $0xffff;
	v25 =	vadd.s32 v26, v63  }
0x2c6: {  	v21 =	vsel vm1, $0xBD, v21;
	vm1 =	vlt.s32 v6, $0x0;
	v25 =	vand.u32 $0xFFFFFFF8, v25  }
0x2c7: {  	v10 =	vsel vm2, v20, v10;
	v20 =	vor.u32 v7, v25;
	v25 =	vadd.s32 $0xC3, v1  }
0x2c8: {  	v16 =	vsel vm2, $0xBE, v16;
	vm2 =	vgt.f32 v23, v12;
	v6 =	vadd.s32 v25, v63  }
0x2c9: {  	v25 =	vand.u32 $0x1, v4;
	v24 =	vld.idx.msk [tilespmem:v24+s1+$0x0], $0xffff;
	vm1 =	vmand vm1, vm2;
	v6 =	vand.u32 $0xFFFFFFF8, v6  }
0x2ca: {  	vm2 =	veq.s32 v25, $0x1;
	vm3 =	vgt.f32 v19, v8;
	v6 =	vor.u32 v9, v6  }
0x2cb: {  	v12 =	vsel vm1, v23, v12;
	v22 =	vsel vm1, $0xBF, v22;
	vm1 =	vmand vm3, vm2  }
0x2cc: {  	v26 =	vadd.s32 $0xC4, v1;
	v8 =	vsel vm1, v19, v8;
	v19 =	vand.u32 $0x2, v4;
	v20 =	vld.idx.msk [tilespmem:v20+s1+$0x0], $0xffff  }
0x2cd: {  	v14 =	vsel vm1, $0xC0, v14;
	vm1 =	vne.s32 v19, $0x0;
	v19 =	vadd.s32 v26, v63  }
0x2ce: {  	v27 =	vadd.s32 $0xC5, v1;
	vm2 =	vgt.f32 v24, v18;
	v19 =	vand.u32 $0xFFFFFFF8, v19  }
0x2cf: {  	v23 =	vadd.s32 v27, v63;
	vm1 =	vmand vm1, vm2;
	v6 =	vld.idx.msk [tilespmem:v6+s1+$0x0], $0xffff;
	v19 =	vor.u32 v11, v19  }
0x2d0: {  	v23 =	vand.u32 $0xFFFFFFF8, v23;
	v18 =	vsel vm1, v24, v18;
	v24 =	vand.u32 $0x4, v4  }
0x2d1: {  	v23 =	vor.u32 v13, v23;
	vm2 =	vne.s32 v24, $0x0;
	vm3 =	vgt.f32 v20, v10  }
0x2d2: {  	v21 =	vsel vm1, $0xC1, v21;
	v24 =	vadd.s32 $0xC6, v1;
	vm1 =	vmand vm2, vm3  }
0x2d3: {  	v24 =	vadd.s32 v24, v63;
	v10 =	vsel vm1, v20, v10;
	v20 =	vand.u32 $0x8, v4  }
0x2d4: {  	v24 =	vand.u32 $0xFFFFFFF8, v24;
	vm2 =	vne.s32 v20, $0x0;
	vm3 =	vgt.f32 v6, v12;
	v19 =	vld.idx.msk [tilespmem:v19+s1+$0x0], $0xffff  }
0x2d5: {  	v20 =	vor.u32 v15, v24;
	v24 =	vadd.s32 $0xC7, v1;
	vm2 =	vmand vm2, vm3  }
0x2d6: {  	v25 =	vand.u32 $0x20, v4;
	v6 =	vsel vm2, v6, v12;
	v12 =	vld.idx.msk [tilespmem:v23+s1+$0x0], $0xffff;
	v23 =	vadd.s32 v24, v63  }
0x2d7: {  	v16 =	vsel vm1, $0xC2, v16;
	v24 =	vand.u32 $0x10, v4;
	v23 =	vand.u32 $0xFFFFFFF8, v23  }
0x2d8: {  	vm1 =	vne.s32 v24, $0x0;
	v24 =	vadd.s32 $0xC8, v1;
	v23 =	vor.u32 v17, v23  }
0x2d9: {  	v22 =	vsel vm2, $0xC3, v22;
	v24 =	vadd.s32 v24, v63;
	vm2 =	vgt.f32 v19, v8  }
0x2da: {  	v24 =	vand.u32 $0xFFFFFFF8, v24;
	vm1 =	vmand vm1, vm2;
	vm2 =	vne.s32 v25, $0x0  }
0x2db: {  	v20 =	vld.idx.msk [tilespmem:v20+s1+$0x0], $0xffff;
	v24 =	vor.u32 v3, v24;
	v25 =	vadd.s32 $0xC9, v1;
	vm3 =	vgt.f32 v12, v18  }
0x2dc: {  	v8 =	vsel vm1, v19, v8;
	v19 =	vadd.s32 v25, v63;
	vm2 =	vmand vm2, vm3  }
0x2dd: {  	v27 =	vadd.s32 $0xCB, v1;
	v19 =	vand.u32 $0xFFFFFFF8, v19;
	v12 =	vsel vm2, v12, v18;
	v18 =	vld.idx.msk [tilespmem:v23+s1+$0x0], $0xffff  }
0x2de: {  	v14 =	vsel vm1, $0xC4, v14;
	v25 =	vand.u32 $0x40, v4;
	v19 =	vor.u32 v5, v19  }
0x2df: {  	vm1 =	vne.s32 v25, $0x0;
	v25 =	vand.u32 $0x80, v4;
	v23 =	vadd.s32 $0xCA, v1  }
0x2e0: {  	v21 =	vsel vm2, $0xC5, v21;
	vm2 =	vgt.f32 v20, v10;
	v23 =	vadd.s32 v23, v63;
	v24 =	vld.idx.msk [tilespmem:v24+s1+$0x0], $0xffff  }
0x2e1: {  	vm1 =	vmand vm1, vm2;
	vm2 =	vne.s32 v25, $0x0;
	v26 =	vand.u32 $0xFFFFFFF8, v23  }
0x2e2: {  	v10 =	vsel vm1, v20, v10;
	v20 =	vor.u32 v7, v26;
	vm3 =	vgt.f32 v18, v6  }
0x2e3: {  	v23 =	vadd.s32 v27, v63;
	v16 =	vsel vm1, $0xC6, v16;
	v19 =	vld.idx.msk [tilespmem:v19+s1+$0x0], $0xffff;
	vm1 =	vmand vm2, vm3  }
0x2e4: {  	v23 =	vand.u32 $0xFFFFFFF8, v23;
	v6 =	vsel vm1, v18, v6;
	v18 =	vand.u32 $0x100, v4  }
0x2e5: {  	vm3 =	vgt.f32 v24, v8;
	vm2 =	vne.s32 v18, $0x0;
	v18 =	vor.u32 v9, v23  }
0x2e6: {  	v22 =	vsel vm1, $0xC7, v22;
	v23 =	vadd.s32 $0xCC, v1;
	vm1 =	vmand vm2, vm3  }
0x2e7: {  	v20 =	vld.idx.msk [tilespmem:v20+s1+$0x0], $0xffff;
	v23 =	vadd.s32 v23, v63;
	v8 =	vsel vm1, v24, v8;
	v24 =	vand.u32 $0x200, v4  }
0x2e8: {  	vm3 =	vgt.f32 v19, v12;
	v23 =	vand.u32 $0xFFFFFFF8, v23;
	vm2 =	vne.s32 v24, $0x0  }
0x2e9: {  	v23 =	vor.u32 v11, v23;
	v24 =	vadd.s32 $0xCD, v1;
	vm2 =	vmand vm2, vm3  }
0x2ea: {  	v14 =	vsel vm1, $0xC8, v14;
	v12 =	vsel vm2, v19, v12;
	v18 =	vld.idx.msk [tilespmem:v18+s1+$0x0], $0xffff;
	v19 =	vadd.s32 v24, v63  }
0x2eb: {  	v21 =	vsel vm2, $0xC9, v21;
	v24 =	vand.u32 $0x400, v4;
	v19 =	vand.u32 $0xFFFFFFF8, v19  }
0x2ec: {  	vm2 =	vgt.f32 v20, v10;
	vm1 =	vne.s32 v24, $0x0;
	v19 =	vor.u32 v13, v19  }
0x2ed: {  	v25 =	vadd.s32 $0xCE, v1;
	v27 =	vadd.s32 $0xD3, v1;
	vm1 =	vmand vm1, vm2  }
0x2ee: {  	v25 =	vadd.s32 v25, v63;
	v24 =	vand.u32 $0x800, v4;
	v10 =	vsel vm1, v20, v10;
	v20 =	vld.idx.msk [tilespmem:v23+s1+$0x0], $0xffff  }
0x2ef: {  	vm2 =	vne.s32 v24, $0x0;
	v24 =	vadd.s32 $0xCF, v1;
	vm3 =	vgt.f32 v18, v6  }
0x2f0: {  	v23 =	vand.u32 $0xFFFFFFF8, v25;
	v24 =	vadd.s32 v24, v63;
	vm2 =	vmand vm2, vm3  }
0x2f1: {  	v16 =	vsel vm1, $0xCA, v16;
	v23 =	vor.u32 v15, v23;
	v6 =	vsel vm2, v18, v6;
	v18 =	vld.idx.msk [tilespmem:v19+s1+$0x0], $0xffff  }
0x2f2: {  	v19 =	vand.u32 $0xFFFFFFF8, v24;
	v22 =	vsel vm2, $0xCB, v22;
	v24 =	vand.u32 $0x1000, v4  }
0x2f3: {  	v19 =	vor.u32 v17, v19;
	vm1 =	vne.s32 v24, $0x0;
	vm2 =	vgt.f32 v20, v8  }
0x2f4: {  	v25 =	vand.u32 $0x2000, v4;
	v24 =	vadd.s32 $0xD0, v1;
	vm1 =	vmand vm1, vm2  }
0x2f5: {  	v24 =	vadd.s32 v24, v63;
	vm2 =	vne.s32 v25, $0x0;
	v8 =	vsel vm1, v20, v8  }
0x2f6: {  	v20 =	vld.idx.msk [tilespmem:v23+s1+$0x0], $0xffff;
	v26 =	vand.u32 $0xFFFFFFF8, v24;
	v24 =	vadd.s32 $0xD1, v1;
	vm3 =	vgt.f32 v18, v12  }
0x2f7: {  	v14 =	vsel vm1, $0xCC, v14;
	v23 =	vor.u32 v3, v26;
	vm1 =	vmand vm2, vm3  }
0x2f8: {  	v25 =	vadd.s32 $0xD2, v1;
	v24 =	vadd.s32 v24, v63;
	v19 =	vld.idx.msk [tilespmem:v19+s1+$0x0], $0xffff;
	v12 =	vsel vm1, v18, v12  }
0x2f9: {  	v18 =	vsel vm1, $0xCD, v21;
	v21 =	vand.u32 $0xFFFFFFF8, v24;
	v24 =	vand.u32 $0x4000, v4  }
0x2fa: {  	v26 =	vadd.s32 $0xD5, v1;
	vm1 =	vne.s32 v24, $0x0;
	v24 =	vadd.s32 v25, v63  }
0x2fb: {  	v21 =	vor.u32 v5, v21;
	vm2 =	vgt.f32 v20, v10;
	v24 =	vand.u32 $0xFFFFFFF8, v24  }
0x2fc: {  	v25 =	vand.u32 $0x8000, v4;
	vm1 =	vmand vm1, vm2;
	v23 =	vld.idx.msk [tilespmem:v23+s1+$0x0], $0xffff;
	v24 =	vor.u32 v7, v24  }
0x2fd: {  	vm2 =	vne.s32 v25, $0x0;
	v25 =	vand.u32 $0x20000, v4;
	vm3 =	vgt.f32 v19, v6  }
0x2fe: {  	v10 =	vsel vm1, v20, v10;
	v16 =	vsel vm1, $0xCE, v16;
	vm1 =	vmand vm2, vm3  }
0x2ff: {  	v6 =	vsel vm1, v19, v6;
	v19 =	vand.u32 $0x10000, v4;
	v22 =	vsel vm1, $0xCF, v22  }
0x300: {  	v20 =	vld.idx.msk [tilespmem:v21+s1+$0x0], $0xffff;
	v21 =	vadd.s32 $0xD4, v1;
	vm1 =	vne.s32 v19, $0x0;
	v19 =	vadd.s32 v27, v63  }
0x301: {  	vm2 =	vgt.f32 v23, v8;
	v21 =	vadd.s32 v21, v63;
	v19 =	vand.u32 $0xFFFFFFF8, v19;
	v24 =	vld.idx.msk [tilespmem:v24+s1+$0x0], $0xffff  }
0x302: {  	v27 =	vand.u32 $0x40000, v4;
	vm1 =	vmand vm1, vm2;
	v19 =	vor.u32 v9, v19  }
0x303: {  	v21 =	vand.u32 $0xFFFFFFF8, v21;
	vm2 =	vne.s32 v25, $0x0;
	v8 =	vsel vm1, v23, v8  }
0x304: {  	v21 =	vor.u32 v11, v21;
	v14 =	vsel vm1, $0xD0, v14;
	v23 =	vadd.s32 v26, v63  }
0x305: {  	v26 =	vadd.s32 $0xD6, v1;
	v25 =	vand.u32 $0xFFFFFFF8, v23;
	vm3 =	vgt.f32 v20, v12  }
0x306: {  	vm1 =	vmand vm2, vm3;
	vm2 =	vne.s32 v27, $0x0;
	vm3 =	vgt.f32 v24, v10  }
0x307: {  	v23 =	vadd.s32 v26, v63;
	v12 =	vsel vm1, v20, v12;
	v19 =	vld.idx.msk [tilespmem:v19+s1+$0x0], $0xffff;
	vm2 =	vmand vm2, vm3  }
0x308: {  	v20 =	vor.u32 v13, v25;
	v10 =	vsel vm2, v24, v10;
	v24 =	vand.u32 $0x80000, v4  }
0x309: {  	v18 =	vsel vm1, $0xD1, v18;
	v21 =	vld.idx.msk [tilespmem:v21+s1+$0x0], $0xffff;
	vm1 =	vne.s32 v24, $0x0;
	v24 =	vadd.s32 $0xD7, v1  }
0x30a: {  	v26 =	vadd.s32 $0xDA, v1;
	v23 =	vand.u32 $0xFFFFFFF8, v23;
	v24 =	vadd.s32 v24, v63  }
0x30b: {  	v23 =	vor.u32 v15, v23;
	v25 =	vand.u32 $0x100000, v4;
	v24 =	vand.u32 $0xFFFFFFF8, v24  }
0x30c: {  	v16 =	vsel vm2, $0xD2, v16;
	vm2 =	vgt.f32 v19, v6;
	v24 =	vor.u32 v17, v24  }
0x30d: {  	v20 =	vld.idx.msk [tilespmem:v20+s1+$0x0], $0xffff;
	vm1 =	vmand vm1, vm2;
	vm2 =	vne.s32 v25, $0x0;
	v25 =	vadd.s32 $0xD8, v1  }
0x30e: {  	vm3 =	vgt.f32 v21, v8;
	v6 =	vsel vm1, v19, v6;
	v19 =	vadd.s32 v25, v63  }
0x30f: {  	v27 =	vand.u32 $0x200000, v4;
	vm2 =	vmand vm2, vm3;
	v19 =	vand.u32 $0xFFFFFFF8, v19  }
0x310: {  	v22 =	vsel vm1, $0xD3, v22;
	v8 =	vsel vm2, v21, v8;
	v21 =	vld.idx.msk [tilespmem:v23+s1+$0x0], $0xffff;
	v19 =	vor.u32 v3, v19  }
0x311: {  	vm1 =	vne.s32 v27, $0x0;
	v25 =	vand.u32 $0x400000, v4;
	v23 =	vadd.s32 $0xD9, v1  }
0x312: {  	v14 =	vsel vm2, $0xD4, v14;
	vm2 =	vgt.f32 v20, v12;
	v23 =	vadd.s32 v23, v63;
	v24 =	vld.idx.msk [tilespmem:v24+s1+$0x0], $0xffff  }
0x313: {  	vm1 =	vmand vm1, vm2;
	vm2 =	vne.s32 v25, $0x0;
	v25 =	vand.u32 $0xFFFFFFF8, v23  }
0x314: {  	v27 =	vand.u32 $0x800000, v4;
	v12 =	vsel vm1, v20, v12;
	v20 =	vor.u32 v5, v25  }
0x315: {  	v23 =	vadd.s32 v26, v63;
	v18 =	vsel vm1, $0xD5, v18;
	vm3 =	vgt.f32 v21, v10;
	v19 =	vld.idx.msk [tilespmem:v19+s1+$0x0], $0xffff  }
0x316: {  	v23 =	vand.u32 $0xFFFFFFF8, v23;
	vm1 =	vmand vm2, vm3;
	vm2 =	vne.s32 v27, $0x0  }
0x317: {  	v10 =	vsel vm1, v21, v10;
	vm3 =	vgt.f32 v24, v6;
	v21 =	vor.u32 v7, v23  }
0x318: {  	v16 =	vsel vm1, $0xD6, v16;
	v23 =	vadd.s32 $0xDB, v1;
	vm1 =	vmand vm2, vm3  }
0x319: {  	v20 =	vld.idx.msk [tilespmem:v20+s1+$0x0], $0xffff;
	v23 =	vadd.s32 v23, v63;
	v6 =	vsel vm1, v24, v6;
	v24 =	vand.u32 $0x1000000, v4  }
0x31a: {  	v23 =	vand.u32 $0xFFFFFFF8, v23;
	vm2 =	vne.s32 v24, $0x0;
	vm3 =	vgt.f32 v19, v8  }
0x31b: {  	v23 =	vor.u32 v9, v23;
	v24 =	vadd.s32 $0xDC, v1;
	vm2 =	vmand vm2, vm3  }
0x31c: {  	v22 =	vsel vm1, $0xD7, v22;
	v8 =	vsel vm2, v19, v8;
	v19 =	vld.idx.msk [tilespmem:v21+s1+$0x0], $0xffff;
	v21 =	vadd.s32 v24, v63  }
0x31d: {  	v14 =	vsel vm2, $0xD8, v14;
	v24 =	vand.u32 $0x2000000, v4;
	v21 =	vand.u32 $0xFFFFFFF8, v21  }
0x31e: {  	vm2 =	vgt.f32 v20, v12;
	vm1 =	vne.s32 v24, $0x0;
	v21 =	vor.u32 v11, v21  }
0x31f: {  	v26 =	vadd.s32 $0xE0, v1;
	v25 =	vadd.s32 $0xDD, v1;
	vm1 =	vmand vm1, vm2  }
0x320: {  	v25 =	vadd.s32 v25, v63;
	v24 =	vand.u32 $0x4000000, v4;
	v12 =	vsel vm1, v20, v12;
	v20 =	vld.idx.msk [tilespmem:v23+s1+$0x0], $0xffff  }
0x321: {  	vm2 =	vne.s32 v24, $0x0;
	v24 =	vadd.s32 $0xDE, v1;
	vm3 =	vgt.f32 v19, v10  }
0x322: {  	v23 =	vand.u32 $0xFFFFFFF8, v25;
	v24 =	vadd.s32 v24, v63;
	vm2 =	vmand vm2, vm3  }
0x323: {  	v18 =	vsel vm1, $0xD9, v18;
	v23 =	vor.u32 v13, v23;
	v10 =	vsel vm2, v19, v10;
	v19 =	vld.idx.msk [tilespmem:v21+s1+$0x0], $0xffff  }
0x324: {  	v25 =	vadd.s32 $0xDF, v1;
	v21 =	vand.u32 $0xFFFFFFF8, v24;
	v24 =	vand.u32 $0x8000000, v4  }
0x325: {  	vm1 =	vne.s32 v24, $0x0;
	vm3 =	vgt.f32 v20, v6;
	v24 =	vadd.s32 v25, v63  }
0x326: {  	v21 =	vor.u32 v15, v21;
	vm1 =	vmand vm1, vm3;
	v24 =	vand.u32 $0xFFFFFFF8, v24  }
0x327: {  	v6 =	vsel vm1, v20, v6;
	v20 =	vand.u32 $0x10000000, v4;
	v24 =	vor.u32 v17, v24  }
0x328: {  	v16 =	vsel vm2, $0xDA, v16;
	v23 =	vld.idx.msk [tilespmem:v23+s1+$0x0], $0xffff;
	vm2 =	vne.s32 v20, $0x0;
	vm3 =	vgt.f32 v19, v8  }
0x329: {  	v27 =	vadd.s32 $0xE2, v1;
	v22 =	vsel vm1, $0xDB, v22;
	vm1 =	vmand vm2, vm3  }
0x32a: {  	v25 =	vadd.s32 $0xE1, v1;
	v20 =	vadd.s32 v26, v63;
	v8 =	vsel vm1, v19, v8  }
0x32b: {  	v21 =	vld.idx.msk [tilespmem:v21+s1+$0x0], $0xffff;
	v14 =	vsel vm1, $0xDC, v14;
	v19 =	vand.u32 $0xFFFFFFF8, v20;
	v20 =	vand.u32 $0x20000000, v4  }
0x32c: {  	v19 =	vor.u32 v3, v19;
	vm1 =	vne.s32 v20, $0x0;
	v20 =	vld.idx.msk [tilespmem:v24+s1+$0x0], $0xffff;
	v24 =	vadd.s32 v25, v63  }
0x32d: {  	v2 =	vld.idx.msk [tilespmem:v2+s15+$0x0], $0xffff;
	v26 =	vadd.s32 $0xE3, v1;
	vm2 =	vgt.f32 v23, v12;
	v24 =	vand.u32 $0xFFFFFFF8, v24  }
0x32e: {  	v25 =	vand.u32 $0x40000000, v4;
	vm1 =	vmand vm1, vm2;
	v24 =	vor.u32 v5, v24  }
0x32f: {  	vm2 =	vne.s32 v25, $0x0;
	v25 =	vadd.s32 v27, v63;
	v12 =	vsel vm1, v23, v12  }
0x330: {  	v18 =	vsel vm1, $0xDD, v18;
	vm1 =	vlt.s32 v4, $0x0;
	vm3 =	vgt.f32 v21, v10  }
0x331: {  	v4 =	vand.u32 $0xFFFFFFF8, v25;
	vm2 =	vmand vm2, vm3;
	v19 =	vld.idx.msk [tilespmem:v19+s1+$0x0], $0xffff;
	vm3 =	vgt.f32 v20, v6  }
0x332: {  	v27 =	vand.u32 $0x1, v2;
	v4 =	vor.u32 v7, v4;
	vm1 =	vmand vm1, vm3  }
0x333: {  	v10 =	vsel vm2, v21, v10;
	v21 =	vadd.s32 v26, v63;
	v6 =	vsel vm1, v20, v6;
	v20 =	vld.idx.msk [tilespmem:v24+s1+$0x0], $0xffff  }
0x334: {  	v23 =	vand.u32 $0x2, v2;
	v16 =	vsel vm2, $0xDE, v16;
	v21 =	vand.u32 $0xFFFFFFF8, v21  }
0x335: {  	v26 =	vand.u32 $0x4, v2;
	v22 =	vsel vm1, $0xDF, v22;
	v21 =	vor.u32 v9, v21  }
0x336: {  	vm1 =	veq.s32 v27, $0x1;
	v24 =	vadd.s32 $0xE4, v1;
	vm2 =	vgt.f32 v19, v8  }
0x337: {  	v27 =	vadd.s32 $0xE7, v1;
	v4 =	vld.idx.msk [tilespmem:v4+s1+$0x0], $0xffff;
	vm1 =	vmand vm2, vm1;
	vm2 =	vne.s32 v23, $0x0  }
0x338: {  	v8 =	vsel vm1, v19, v8;
	v19 =	vadd.s32 v24, v63;
	vm3 =	vgt.f32 v20, v12  }
0x339: {  	v24 =	vadd.s32 $0xE5, v1;
	v19 =	vand.u32 $0xFFFFFFF8, v19;
	vm2 =	vmand vm2, vm3  }
0x33a: {  	v23 =	vadd.s32 v24, v63;
	v19 =	vor.u32 v11, v19;
	v12 =	vsel vm2, v20, v12;
	v20 =	vld.idx.msk [tilespmem:v21+s1+$0x0], $0xffff  }
0x33b: {  	v14 =	vsel vm1, $0xE0, v14;
	vm1 =	vne.s32 v26, $0x0;
	v25 =	vand.u32 $0xFFFFFFF8, v23  }
0x33c: {  	v18 =	vsel vm2, $0xE1, v18;
	vm2 =	vgt.f32 v4, v10;
	v21 =	vor.u32 v13, v25  }
0x33d: {  	v24 =	vand.u32 $0x8, v2;
	v23 =	vadd.s32 $0xE6, v1;
	vm1 =	vmand vm1, vm2  }
0x33e: {  	v23 =	vadd.s32 v23, v63;
	vm2 =	vne.s32 v24, $0x0;
	v4 =	vsel vm1, v4, v10  }
0x33f: {  	v16 =	vsel vm1, $0xE2, v16;
	v10 =	vld.idx.msk [tilespmem:v19+s1+$0x0], $0xffff;
	v19 =	vand.u32 $0xFFFFFFF8, v23;
	vm3 =	vgt.f32 v20, v6  }
0x340: {  	v23 =	vadd.s32 v27, v63;
	v19 =	vor.u32 v15, v19;
	vm1 =	vmand vm2, vm3  }
0x341: {  	v21 =	vld.idx.msk [tilespmem:v21+s1+$0x0], $0xffff;
	v24 =	vand.u32 $0xFFFFFFF8, v23;
	v23 =	vand.u32 $0x10, v2;
	v6 =	vsel vm1, v20, v6  }
0x342: {  	v20 =	vsel vm1, $0xE3, v22;
	v22 =	vor.u32 v17, v24;
	v24 =	vadd.s32 $0xE8, v1  }
0x343: {  	vm1 =	vne.s32 v23, $0x0;
	v23 =	vadd.s32 v24, v63  }
0x344: {  	v23 =	vand.u32 $0xFFFFFFF8, v23  }
0x345: {  	v24 =	vand.u32 $0x20, v2;
	vm2 =	vgt.f32 v10, v8;
	v23 =	vor.u32 v3, v23;
	v19 =	vld.idx.msk [tilespmem:v19+s1+$0x0], $0xffff  }
0x346: {  	vm1 =	vmand vm1, vm2;
	vm2 =	vne.s32 v24, $0x0;
	vm3 =	vgt.f32 v21, v12  }
0x347: {  	v8 =	vsel vm1, v10, v8;
	v10 =	vsel vm1, $0xE4, v14;
	vm1 =	vmand vm2, vm3  }
0x348: {  	v26 =	vadd.s32 $0xE9, v1;
	v14 =	vand.u32 $0x40, v2;
	v12 =	vsel vm1, v21, v12  }
0x349: {  	v25 =	vld.idx.msk [tilespmem:v22+s1+$0x0], $0xffff;
	v18 =	vsel vm1, $0xE5, v18;
	vm1 =	vne.s32 v14, $0x0;
	v14 =	vadd.s32 v26, v63  }
0x34a: {  	v27 =	vadd.s32 $0xEA, v1;
	v14 =	vand.u32 $0xFFFFFFF8, v14;
	vm2 =	vgt.f32 v19, v4  }
0x34b: {  	v22 =	vadd.s32 v27, v63;
	v23 =	vld.idx.msk [tilespmem:v23+s1+$0x0], $0xffff;
	v14 =	vor.u32 v5, v14;
	vm1 =	vmand vm1, vm2  }
0x34c: {  	v22 =	vand.u32 $0xFFFFFFF8, v22;
	v4 =	vsel vm1, v19, v4;
	v19 =	vand.u32 $0x80, v2  }
0x34d: {  	v24 =	vadd.s32 $0xEB, v1;
	vm2 =	vne.s32 v19, $0x0;
	v19 =	vor.u32 v7, v22  }
0x34e: {  	v27 =	vadd.s32 $0xEC, v1;
	vm3 =	vgt.f32 v25, v6;
	v16 =	vsel vm1, $0xE6, v16  }
0x34f: {  	v22 =	vadd.s32 v24, v63;
	v24 =	vand.u32 $0x200, v2;
	vm1 =	vmand vm2, vm3  }
0x350: {  	vm3 =	vgt.f32 v23, v8;
	v14 =	vld.idx.msk [tilespmem:v14+s1+$0x0], $0xffff;
	v26 =	vand.u32 $0xFFFFFFF8, v22;
	v22 =	vadd.s32 v27, v63  }
0x351: {  	v6 =	vsel vm1, v25, v6;
	v25 =	vand.u32 $0x100, v2;
	v21 =	vor.u32 v9, v26  }
0x352: {  	v20 =	vsel vm1, $0xE7, v20;
	v22 =	vand.u32 $0xFFFFFFF8, v22;
	vm2 =	vne.s32 v25, $0x0;
	v19 =	vld.idx.msk [tilespmem:v19+s1+$0x0], $0xffff  }
0x353: {  	vm1 =	vne.s32 v24, $0x0;
	v24 =	vand.u32 $0x400, v2;
	vm2 =	vmand vm2, vm3  }
0x354: {  	v22 =	vor.u32 v11, v22;
	v8 =	vsel vm2, v23, v8;
	v23 =	vadd.s32 $0xED, v1  }
0x355: {  	v10 =	vsel vm2, $0xE8, v10;
	vm2 =	vgt.f32 v14, v12;
	v23 =	vadd.s32 v23, v63  }
0x356: {  	vm1 =	vmand vm1, vm2;
	vm2 =	vne.s32 v24, $0x0;
	v21 =	vld.idx.msk [tilespmem:v21+s1+$0x0], $0xffff;
	v23 =	vand.u32 $0xFFFFFFF8, v23  }
0x357: {  	v24 =	vadd.s32 $0xEE, v1;
	v23 =	vor.u32 v13, v23;
	vm3 =	vgt.f32 v19, v4  }
0x358: {  	v12 =	vsel vm1, v14, v12;
	v14 =	vadd.s32 v24, v63;
	vm2 =	vmand vm2, vm3  }
0x359: {  	v27 =	vadd.s32 $0xF0, v1;
	v14 =	vand.u32 $0xFFFFFFF8, v14;
	v4 =	vsel vm2, v19, v4;
	v19 =	vld.idx.msk [tilespmem:v22+s1+$0x0], $0xffff  }
0x35a: {  	v25 =	vand.u32 $0x800, v2;
	v18 =	vsel vm1, $0xE9, v18;
	v14 =	vor.u32 v15, v14  }
0x35b: {  	vm1 =	vne.s32 v25, $0x0;
	v16 =	vsel vm2, $0xEA, v16;
	vm2 =	vgt.f32 v21, v6  }
0x35c: {  	v24 =	vand.u32 $0x1000, v2;
	v22 =	vadd.s32 $0xEF, v1;
	vm1 =	vmand vm1, vm2  }
0x35d: {  	v23 =	vld.idx.msk [tilespmem:v23+s1+$0x0], $0xffff;
	v22 =	vadd.s32 v22, v63;
	vm2 =	vne.s32 v24, $0x0;
	v6 =	vsel vm1, v21, v6  }
0x35e: {  	v26 =	vand.u32 $0xFFFFFFF8, v22;
	v20 =	vsel vm1, $0xEB, v20;
	vm3 =	vgt.f32 v19, v8  }
0x35f: {  	v22 =	vadd.s32 v27, v63;
	v21 =	vor.u32 v17, v26;
	v14 =	vld.idx.msk [tilespmem:v14+s1+$0x0], $0xffff;
	vm1 =	vmand vm2, vm3  }
0x360: {  	v22 =	vand.u32 $0xFFFFFFF8, v22;
	v8 =	vsel vm1, v19, v8;
	v19 =	vand.u32 $0x2000, v2  }
0x361: {  	v25 =	vand.u32 $0x4000, v2;
	vm2 =	vne.s32 v19, $0x0;
	v19 =	vor.u32 v3, v22  }
0x362: {  	v24 =	vadd.s32 $0xF1, v1;
	v26 =	vadd.s32 $0xF2, v1;
	vm3 =	vgt.f32 v23, v12  }
0x363: {  	v10 =	vsel vm1, $0xEC, v10;
	v22 =	vadd.s32 v24, v63;
	v24 =	vand.u32 $0x10000, v2  }
0x364: {  	v21 =	vld.idx.msk [tilespmem:v21+s1+$0x0], $0xffff;
	vm1 =	vmand vm2, vm3;
	vm2 =	vne.s32 v25, $0x0;
	vm3 =	vgt.f32 v14, v4  }
0x365: {  	v22 =	vand.u32 $0xFFFFFFF8, v22;
	v12 =	vsel vm1, v23, v12;
	v18 =	vsel vm1, $0xED, v18  }
0x366: {  	vm1 =	vmand vm2, vm3;
	v22 =	vor.u32 v5, v22;
	v23 =	vadd.s32 $0xF3, v1;
	v19 =	vld.idx.msk [tilespmem:v19+s1+$0x0], $0xffff  }
0x367: {  	v4 =	vsel vm1, v14, v4;
	v14 =	vand.u32 $0x8000, v2;
	v16 =	vsel vm1, $0xEE, v16  }
0x368: {  	v23 =	vadd.s32 v23, v63;
	vm1 =	vne.s32 v14, $0x0;
	v14 =	vadd.s32 v26, v63  }
0x369: {  	v23 =	vand.u32 $0xFFFFFFF8, v23;
	vm2 =	vgt.f32 v21, v6;
	v14 =	vand.u32 $0xFFFFFFF8, v14  }
0x36a: {  	v23 =	vor.u32 v9, v23;
	v14 =	vor.u32 v7, v14;
	vm1 =	vmand vm1, vm2  }
0x36b: {  	vm2 =	vne.s32 v24, $0x0;
	v24 =	vadd.s32 $0xF4, v1;
	v22 =	vld.idx.msk [tilespmem:v22+s1+$0x0], $0xffff;
	vm3 =	vgt.f32 v19, v8  }
0x36c: {  	v25 =	vadd.s32 $0xF7, v1;
	v27 =	vadd.s32 v24, v63;
	vm2 =	vmand vm2, vm3  }
0x36d: {  	v26 =	vand.u32 $0x100000, v2;
	v8 =	vsel vm2, v19, v8;
	v19 =	vand.u32 $0xFFFFFFF8, v27  }
0x36e: {  	v6 =	vsel vm1, v21, v6;
	v24 =	vadd.s32 $0xF5, v1;
	v19 =	vor.u32 v11, v19  }
0x36f: {  	v20 =	vsel vm1, $0xEF, v20;
	v21 =	vand.u32 $0x20000, v2;
	v24 =	vadd.s32 v24, v63;
	v14 =	vld.idx.msk [tilespmem:v14+s1+$0x0], $0xffff  }
0x370: {  	vm1 =	vne.s32 v21, $0x0;
	v21 =	vand.u32 $0xFFFFFFF8, v24;
	v23 =	vld.idx.msk [tilespmem:v23+s1+$0x0], $0xffff;
	vm3 =	vgt.f32 v22, v12  }
0x371: {  	v24 =	vand.u32 $0x40000, v2;
	v21 =	vor.u32 v13, v21;
	vm1 =	vmand vm1, vm3  }
0x372: {  	v10 =	vsel vm2, $0xF0, v10;
	v12 =	vsel vm1, v22, v12;
	v22 =	vadd.s32 $0xF6, v1  }
0x373: {  	v18 =	vsel vm1, $0xF1, v18;
	vm1 =	vne.s32 v24, $0x0;
	v22 =	vadd.s32 v22, v63;
	v19 =	vld.idx.msk [tilespmem:v19+s1+$0x0], $0xffff  }
0x374: {  	v24 =	vand.u32 $0x80000, v2;
	vm2 =	vgt.f32 v14, v4;
	v22 =	vand.u32 $0xFFFFFFF8, v22  }
0x375: {  	vm3 =	vgt.f32 v23, v6;
	vm1 =	vmand vm1, vm2;
	v22 =	vor.u32 v15, v22  }
0x376: {  	vm2 =	vne.s32 v24, $0x0;
	v4 =	vsel vm1, v14, v4;
	v14 =	vsel vm1, $0xF2, v16;
	v16 =	vld.idx.msk [tilespmem:v21+s1+$0x0], $0xffff  }
0x377: {  	vm1 =	vmand vm2, vm3;
	v21 =	vadd.s32 v25, v63;
	vm2 =	vne.s32 v26, $0x0  }
0x378: {  	v6 =	vsel vm1, v23, v6;
	v21 =	vand.u32 $0xFFFFFFF8, v21;
	vm3 =	vgt.f32 v19, v8  }
0x379: {  	v20 =	vsel vm1, $0xF3, v20;
	v21 =	vor.u32 v17, v21;
	vm1 =	vmand vm2, vm3  }
0x37a: {  	v27 =	vadd.s32 $0xF8, v1;
	v22 =	vld.idx.msk [tilespmem:v22+s1+$0x0], $0xffff;
	v8 =	vsel vm1, v19, v8;
	v19 =	vand.u32 $0x200000, v2  }
0x37b: {  	vm3 =	vgt.f32 v16, v12;
	vm2 =	vne.s32 v19, $0x0;
	v19 =	vadd.s32 v27, v63  }
0x37c: {  	v10 =	vsel vm1, $0xF4, v10;
	vm1 =	vmand vm2, vm3;
	v19 =	vand.u32 $0xFFFFFFF8, v19  }
0x37d: {  	v12 =	vsel vm1, v16, v12;
	v16 =	vand.u32 $0x400000, v2;
	v19 =	vor.u32 v3, v19  }
0x37e: {  	v24 =	vadd.s32 $0xF9, v1;
	v25 =	vadd.s32 $0xFA, v1;
	vm2 =	vne.s32 v16, $0x0;
	v16 =	vld.idx.msk [tilespmem:v21+s1+$0x0], $0xffff  }
0x37f: {  	v26 =	vand.u32 $0x800000, v2;
	v27 =	vadd.s32 $0xFB, v1;
	vm3 =	vgt.f32 v22, v4  }
0x380: {  	v18 =	vsel vm1, $0xF5, v18;
	v21 =	vadd.s32 v24, v63;
	vm1 =	vmand vm2, vm3  }
0x381: {  	v23 =	vadd.s32 v27, v63;
	v21 =	vand.u32 $0xFFFFFFF8, v21;
	v4 =	vsel vm1, v22, v4  }
0x382: {  	v21 =	vor.u32 v5, v21;
	v22 =	vadd.s32 v25, v63;
	v14 =	vsel vm1, $0xF6, v14;
	v19 =	vld.idx.msk [tilespmem:v19+s1+$0x0], $0xffff  }
0x383: {  	vm1 =	vne.s32 v26, $0x0;
	v22 =	vand.u32 $0xFFFFFFF8, v22;
	vm2 =	vgt.f32 v16, v6  }
0x384: {  	v24 =	vadd.s32 $0xFC, v1;
	v22 =	vor.u32 v7, v22;
	vm1 =	vmand vm1, vm2  }
0x385: {  	v6 =	vsel vm1, v16, v6;
	v16 =	vand.u32 $0xFFFFFFF8, v23;
	v23 =	vadd.s32 v24, v63  }
0x386: {  	v24 =	vand.u32 $0x1000000, v2;
	v20 =	vsel vm1, $0xF7, v20;
	v16 =	vor.u32 v9, v16  }
0x387: {  	v21 =	vld.idx.msk [tilespmem:v21+s1+$0x0], $0xffff;
	v23 =	vand.u32 $0xFFFFFFF8, v23;
	vm2 =	vne.s32 v24, $0x0;
	vm3 =	vgt.f32 v19, v8  }
0x388: {  	v24 =	vadd.s32 $0xFD, v1;
	v23 =	vor.u32 v11, v23;
	vm1 =	vmand vm2, vm3  }
0x389: {  	v22 =	vld.idx.msk [tilespmem:v22+s1+$0x0], $0xffff;
	v24 =	vadd.s32 v24, v63;
	v8 =	vsel vm1, v19, v8;
	v19 =	vand.u32 $0x2000000, v2  }
0x38a: {  	vm2 =	vne.s32 v19, $0x0;
	v19 =	vand.u32 $0xFFFFFFF8, v24;
	v24 =	vadd.s32 $0xFE, v1  }
0x38b: {  	s28 =	sadd.s32 s24, s22;
	v27 =	vand.u32 $0x20000000, v2;
	v16 =	vld.idx.msk [tilespmem:v16+s1+$0x0], $0xffff;
	v19 =	vor.u32 v13, v19;
	v24 =	vadd.s32 v24, v63  }
0x38c: {  	v26 =	vmov s28;
	vm3 =	vgt.f32 v21, v12;
	v24 =	vand.u32 $0xFFFFFFF8, v24  }
0x38d: {  	vm2 =	vmand vm2, vm3;
	v63 =	vand.u32 $0x4000000, v2;
	v23 =	vld.idx.msk [tilespmem:v23+s1+$0x0], $0xffff;
	v24 =	vor.u32 v15, v24  }
0x38e: {  	vm3 =	vne.s32 v63, $0x0;
	vm4 =	vgt.f32 v22, v4;
	v63 =	vand.u32 $0x8000000, v2  }
0x38f: {  	v12 =	vsel vm2, v21, v12;
	v18 =	vsel vm2, $0xF9, v18;
	vm2 =	vne.s32 v63, $0x0;
	v63 =	vld [tilespmem:$0x1FEC0]  }
0x390: {  	v10 =	vsel vm1, $0xF8, v10;
	vm1 =	vmand vm3, vm4;
	vm3 =	vgt.f32 v16, v6;
	v19 =	vld.idx.msk [tilespmem:v19+s1+$0x0], $0xffff  }
0x391: {  	v25 =	vand.u32 $0x10000000, v2;
	v21 =	vshll.u32 v26, $0x3;
	vm2 =	vmand vm2, vm3  }
0x392: {  	vm3 =	vne.s32 v25, $0x0;
	vm13 =	vgt.f32 v23, v8;
	v6 =	vsel vm2, v16, v6;
	v16 =	vld.idx.msk [tilespmem:v24+s1+$0x0], $0xffff  }
0x393: {  	v4 =	vsel vm1, v22, v4;
	v14 =	vsel vm1, $0xFA, v14;
	vm1 =	vmand vm3, vm13  }
0x394: {  	v20 =	vsel vm2, $0xFB, v20;
	v21 =	vor.u32 v63, v21;
	v8 =	vsel vm1, v23, v8  }
0x395: {  	v10 =	vsel vm1, $0xFC, v10;
	vm1 =	vne.s32 v27, $0x0;
	vm2 =	vgt.f32 v19, v12  }
0x396: {  	v2 =	vand.u32 $0x40000000, v2;
	v22 =	vor.u32 $0x1, v21;
	vm1 =	vmand vm1, vm2  }
0x397: {  	vm2 =	vne.s32 v2, $0x0;
	v2 =	vor.u32 $0x2, v21;
	vm3 =	vgt.f32 v16, v4  }
0x398: {  	v12 =	vsel vm1, v19, v12;
	v19 =	vor.u32 $0x3, v21;
	vm2 =	vmand vm2, vm3  }
0x399: {  	v24 =	vor.u32 $0x5, v21;
	v4 =	vsel vm2, v16, v4;
	v16 =	vor.u32 $0x4, v21  }
0x39a: {  	v26 =	vor.u32 $0x6, v21;
	v28 =	vor.u32 $0x7, v21;
	v18 =	vsel vm1, $0xFD, v18;
	v23 =	vld.idx.msk [tilespmem:v21+s13+$0x0], $0xffff  }
0x39b: {  	vm1 =	veq.f32 v12, v8;
	vm3 =	vlt.u32 v18, v10;
	v25 =	vld.idx.msk [tilespmem:v22+s13+$0x0], $0xffff;
	v14 =	vsel vm2, $0xFE, v14  }
0x39c: {  	vm1 =	vmand vm1, vm3;
	vm2 =	veq.f32 v6, v4;
	vm3 =	vlt.u32 v20, v14;
	v27 =	vld.idx.msk [tilespmem:v2+s13+$0x0], $0xffff  }
0x39d: {  	vm14 =	vgt.f32 v12, v8;
	vm2 =	vmand vm2, vm3;
	vm3 =	vgt.f32 v6, v4;
	v29 =	vld.idx.msk [tilespmem:v19+s13+$0x0], $0xffff  }
0x39e: {  	vm1 =	vmor vm14, vm1;
	vm2 =	vmor vm3, vm2;
	v63 =	vld.idx.msk [tilespmem:v16+s13+$0x0], $0xffff  }
0x39f: {  	v8 =	vsel vm1, v12, v8;
	v4 =	vsel vm2, v6, v4;
	v6 =	vld.idx.msk [tilespmem:v24+s13+$0x0], $0xffff  }
0x3a0: {  	vm3 =	vgt.f32 v4, v8;
	vm15 =	veq.f32 v4, v8;
	v4 =	vshll.u32 v25, $0x1;
	v8 =	vld.idx.msk [tilespmem:v26+s13+$0x0], $0xffff  }
0x3a1: {  	v10 =	vsel vm1, v18, v10;
	v18 =	vld.idx.msk [tilespmem:v28+s13+$0x0], $0xffff;
	v4 =	vor.u32 v23, v4;
	v12 =	vshll.u32 v27, $0x2  }
0x3a2: {  	v14 =	vsel vm2, v20, v14;
	v4 =	vor.u32 v12, v4;
	v12 =	vshll.u32 v29, $0x3  }
0x3a3: {  	vm1 =	vlt.u32 v14, v10;
	v4 =	vor.u32 v12, v4;
	v12 =	vshll.u32 v63, $0x4  }
0x3a4: {  	vm1 =	vmand vm15, vm1;
	v6 =	vshll.u32 v6, $0x5;
	v4 =	vor.u32 v12, v4  }
0x3a5: {  	vm1 =	vmor vm3, vm1;
	v4 =	vor.u32 v6, v4;
	v6 =	vshll.u32 v8, $0x6  }
0x3a6: {  	v8 =	vsel vm1, v14, v10;
	v4 =	vor.u32 v6, v4;
	v6 =	vshll.u32 v18, $0x7  }
0x3a7: {  	v4 =	vor.u32 v6, v4;
	v6 =	vadd.s32 $0x1, v8  }
0x3a8: {  	v4 =	vor.u32 v6, v4  }
0x3a9: {  	v6 =	vadd.s32 $0xFFFFFFFF, v4;
	v8 =	vand.u32 $0x1, v4;
	v10 =	vshrl.u32 v4, $0x1  }
0x3aa: {  	[tilespmem:s26+$0x0] =	vst v6;
	v6 =	vsel vm0, $0x1, v8;
	v8 =	vand.u32 $0x1, v10;
	v10 =	vshrl.u32 v4, $0x2  }
0x3ab: {  	[tilespmem:v21+s17+$0x0] =	vst.idx.msk $0xffff, v6;
	v6 =	vsel vm0, $0x1, v8;
	v8 =	vand.u32 $0x1, v10;
	v10 =	vshrl.u32 v4, $0x3  }
0x3ac: {  	[tilespmem:v22+s17+$0x0] =	vst.idx.msk $0xffff, v6;
	v6 =	vsel vm0, $0x1, v8;
	v8 =	vand.u32 $0x1, v10;
	v10 =	vshrl.u32 v4, $0x4  }
0x3ad: {  	p0 =	sne.s32 s24, $0x30;
	[tilespmem:v2+s17+$0x0] =	vst.idx.msk $0xffff, v6;
	v2 =	vsel vm0, $0x1, v8;
	v6 =	vand.u32 $0x1, v10;
	v8 =	vshrl.u32 v4, $0x5  }
.Ltmp0:
0x3ae: {  	[tilespmem:v19+s17+$0x0] =	vst.idx.msk $0xffff, v2;
	v2 =	vsel vm0, $0x1, v6;
	v6 =	vand.u32 $0x1, v8;
	v8 =	vshrl.u32 v4, $0x6;
	(pc) =	sbr.rel @p0 .LBB2_3-.Ltmp0, $4  }
0x3af: {  	v4 =	vshrl.u32 v4, $0x7;
	[tilespmem:v16+s17+$0x0] =	vst.idx.msk $0xffff, v2;
	v2 =	vsel vm0, $0x1, v6;
	v6 =	vand.u32 $0x1, v8  }
0x3b0: {  	v4 =	vand.u32 $0x1, v4;
	[tilespmem:v24+s17+$0x0] =	vst.idx.msk $0xffff, v2;
	v2 =	vsel vm0, $0x1, v6  }
0x3b1: {  	[tilespmem:v26+s17+$0x0] =	vst.idx.msk $0xffff, v2;
	v2 =	vsel vm0, $0x1, v4  }
0x3b2: {  	s25 =	sadd.s32 $0x10, s25;
	s24 =	sadd.s32 $0x10, s24;
	s26 =	sadd.s32 $0x10, s26;
	[tilespmem:v28+s17+$0x0] =	vst.idx.msk $0xffff, v2  }
0x3b3: {  	s23 =	sadd.s32 $0x1, s23  }
0x3b4: {  	p0 =	sne.s32 s23, $0x8  }
.Ltmp1:
0x3b5: {  	_ = 	snop;
	(pc) =	sbr.rel @p0 .LBB2_2-.Ltmp1, $2  }
0x3b6: {  	_ =	sdelay $0x2  }
0x3b7: {  	s22 =	sadd.s32 $0x40, s22;
	s21 =	sadd.s32 $0x40, s21;
	s20 =	sadd.s32 $0x40, s20  }
0x3b8: {  	[hbm4b:s9+s1] =	stream.linear.scatter [tilespmem:s18], [sflag:$0x2], $0x200, $0x38;
	[tilespmem:$0x74C0] =	vst v63  }
0x3b9: {  	s19 =	sadd.s32 $0x1, s19;
	_ =	swait.ge [sflag:s12], $0x200  }
0x3ba: {  	p0 =	sne.s32 s19, s11;
	[sflag:s12] =	ssyncset.done $0x0  }
.Ltmp2:
0x3bb: {  	[sflag:s12] =	ssyncadd.s32 $0xFFFFFE00;
	(pc) =	sbr.rel @p0 .LBB2_1-.Ltmp2, $4  }
0x3bc: {  	[hbm4b:s10+s1] =	stream.linear.scatter [tilespmem:s17], [sflag:$0x2], $0x1000, $0x38;
	[tilespmem:$0x74C0] =	vst v63  }
0x3bd: {  	_ =	swait.ge [sflag:s12], $0x1000  }
0x3be: {  	[sflag:s12] =	ssyncset.done $0x0  }
0x3bf: {  	[sflag:s12] =	ssyncadd.s32 $0xFFFFF000  }
0x3c0: {  	_ =	sfence.sel $0x180000  }
0x3c1: {  	[bflag:$0x0] =	sbarrier.arrive $0xFFFF  }
0x3c2: {  	p0 =	sne.s32 s2, $0x0;
	_ =	strace $0x90000047  }
0x3c3: {  	s0 =	sadd.s32 @!p0 $0x100000, s0;
	[bflag:$0x2] =	sbarrier.arrive $0xFFFF  }
0x3c4: {  	[sflag:s0] =	ssyncadd.tile.s32 @!p0 $0x1;
	_ =	shalt  }
.Lfunc_end2:
_tile_overlayer_lowered:
.L_overlay_start_2:
0x3c5: {  	(tag) =	ssettag $0x2  }
0x3c6: {  	s0 =	rddreg [dreg:$0x0];
	s2 =	stileid.u32  }
0x3c7: {  	s1 =	rddreg [dreg:$0x1];
	p0 =	sne.s32 s2, $0x0  }
0x3c8: {  	s3 =	rddreg [dreg:$0x2];
	[bflag:$0x3] =	sbarrier.arrive $0xFFFF;
	s2 =	simm.s32 @!p0 $0x1C02  }
0x3c9: {  	[timem:s3], [sflag:s2] =	dma.local @!p0 [hbm:s0], s1  }
0x3ca: {  	s0 =	simm.s32 @!p0 $0x2  }
0x3cb: {  	_ =	swait.ge @!p0 [sflag:s0], s1  }
0x3cc: {  	s1 =	ssub.s32 @!p0 $0x0, s1;
	[sflag:s0] =	ssyncset.done @!p0 $0x0  }
0x3cd: {  	[sflag:s0] =	ssyncadd.s32 @!p0 s1  }
0x3ce: {  	[bflag:$0x3] =	sbarrier.arrive $0xFFFF  }
0x3cf: {  	_ =	shalt  }

</sc_bundles>
